<compile_context>
chip_gen: v7x
topology: tpu7x:2x2x1
jax: 0.10.2.dev20260603
libtpu: 0.0.44.dev20260713+nightly
codegen_flags: <defaults>
</compile_context>

<pallas_src>
import functools

import jax
import jax.numpy as jnp
from jax import lax
from jax.experimental import pallas as pl
from jax.experimental.pallas import tpu as pltpu
from jax.experimental.pallas import tpu_sc as plsc

DIST_THRESH = 0.01

_NC = 2
_NS = 16
_NW = _NC * _NS
_L = 16

_CH = 4096


def _sc_body(grid, n_chunks, pos_hbm, dist_hbm, w_hbm, out_hbm,
             posv0, posv1, idxv0, idxv1, valv0, valv1, outv0, outv1, wv,
             semp0, semp1, semg0, semg1, semo0, semo1):
    posv = (posv0, posv1)
    idxv = (idxv0, idxv1)
    valv = (valv0, valv1)
    outv = (outv0, outv1)
    semp = (semp0, semp1)
    semg = (semg0, semg1)
    semo = (semo0, semo1)

    wid = lax.axis_index("s") * _NC + lax.axis_index("c")
    pltpu.sync_copy(w_hbm, wv.at[pl.ds(0, 1)])
    wvec = jnp.full((_L,), wv[...][0], jnp.float32)
    zero = jnp.zeros((_L,), jnp.float32)
    gridf = jnp.float32(grid)

    def start_pos(t, b):
        for hl in range(8):
            src = pl.ds(((8 * t + hl) * 128 + 4 * wid) * 256, 1024)
            pltpu.async_copy(pos_hbm.at[src], posv[b].at[pl.ds(hl * 1024, 1024)],
                             semp[b])

    def wait_pos(t, b):
        for hl in range(8):
            src = pl.ds(((8 * t + hl) * 128 + 4 * wid) * 256, 1024)
            pltpu.make_async_copy(pos_hbm.at[src],
                                  posv[b].at[pl.ds(hl * 1024, 1024)],
                                  semp[b]).wait()

    def start_gather(b):
        pltpu.async_copy(dist_hbm.at[idxv[b]], valv[b], semg[b])

    def wait_gather(b):
        pltpu.make_async_copy(dist_hbm.at[idxv[b]], valv[b], semg[b]).wait()

    def start_out(t, b):
        pltpu.async_copy(outv[b],
                         out_hbm.at[pl.ds((t * 128 + 4 * wid) * 1024, _CH)],
                         semo[b])

    def wait_out(t, b):
        pltpu.make_async_copy(outv[b],
                              out_hbm.at[pl.ds((t * 128 + 4 * wid) * 1024, _CH)],
                              semo[b]).wait()

    def idx_compute(b):
        def body(jo, c):
            in_base = ((jo >> 3) & 7) * 1024 + (jo >> 6) * 256 + (jo & 7) * 16
            xs = posv[b][pl.ds(in_base, _L)]
            ys = posv[b][pl.ds(in_base + 128, _L)]
            px = (xs * gridf).astype(jnp.int32)
            py = (ys * gridf).astype(jnp.int32)
            idx = (py * 128 + (py >> 3) * 31744) + (px + (px >> 7) * 896)
            idxv[b][pl.ds(jo * _L, _L)] = idx
            return c
        lax.fori_loop(0, _CH // _L, body, 0, unroll=8)

    def out_compute(b):
        def body(j, c):
            v = valv[b][pl.ds(j * _L, _L)]
            outv[b][pl.ds(j * _L, _L)] = jnp.where(v + DIST_THRESH > 0.0,
                                                   wvec, zero)
            return c
        lax.fori_loop(0, _CH // _L, body, 0, unroll=8)

    start_pos(0, 0)
    start_pos(1, 1)
    wait_pos(0, 0)
    idx_compute(0)
    start_gather(0)

    def step(i, sub):
        t = 2 * i + 1 + sub
        b = 1 - sub
        q = sub
        wait_pos(t, b)
        idx_compute(b)
        start_gather(b)
        if sub == 0:
            start_pos(t + 1, q)
        else:
            @pl.when(i < (n_chunks - 3) // 2)
            def _():
                start_pos(t + 1, q)

        @pl.when(i >= 1)
        def _():
            wait_out(t - 3, q)
        wait_gather(q)
        out_compute(q)
        start_out(t - 1, q)

    def loop_body(i, c):
        step(i, 0)
        step(i, 1)
        return c

    lax.fori_loop(0, (n_chunks - 1) // 2, loop_body, 0)

    tl = n_chunks - 1
    wait_out(tl - 2, 0)
    wait_gather(0)
    out_compute(0)
    start_out(tl, 0)
    wait_out(tl - 1, 1)
    wait_out(tl, 0)


@functools.partial(jax.jit, static_argnames=("grid", "n"))
def _run(pos_lin, dist_lin, weight, *, grid, n):
    n_chunks = n // (_NW * _CH)
    mesh = plsc.VectorSubcoreMesh(core_axis_name="c", subcore_axis_name="s")
    body = functools.partial(_sc_body, grid, n_chunks)
    return pl.kernel(
        body,
        out_type=jax.ShapeDtypeStruct((n,), jnp.float32),
        mesh=mesh,
        compiler_params=pltpu.CompilerParams(needs_layout_passes=False),
        scratch_types=[
            pltpu.VMEM((2 * _CH,), jnp.float32),
            pltpu.VMEM((2 * _CH,), jnp.float32),
            pltpu.VMEM((_CH,), jnp.int32),
            pltpu.VMEM((_CH,), jnp.int32),
            pltpu.VMEM((_CH,), jnp.float32),
            pltpu.VMEM((_CH,), jnp.float32),
            pltpu.VMEM((_CH,), jnp.float32),
            pltpu.VMEM((_CH,), jnp.float32),
            pltpu.VMEM((_L,), jnp.float32),
            pltpu.SemaphoreType.DMA,
            pltpu.SemaphoreType.DMA,
            pltpu.SemaphoreType.DMA,
            pltpu.SemaphoreType.DMA,
            pltpu.SemaphoreType.DMA,
            pltpu.SemaphoreType.DMA,
        ],
    )(pos_lin, dist_lin, weight)


def kernel(pos_seq, dist_map, weight):
    batch, horizon, _ = pos_seq.shape
    grid = dist_map.shape[0]
    n = batch * horizon
    pos_lin = (pos_seq.reshape(batch // 128, 128, horizon, 2)
               .transpose(2, 0, 3, 1).reshape(-1))
    dist_lin = (dist_map.reshape(grid // 8, 8, grid // 128, 128)
                .transpose(0, 2, 1, 3).reshape(-1))
    out_lin = _run(pos_lin, dist_lin, weight, grid=grid, n=n)
    out = (out_lin.reshape(horizon // 8, batch // 128, 8, 128)
           .transpose(1, 3, 0, 2).reshape(batch, horizon))
    return out

# --- scband reference (transcript-rebuilt; emitter-appended) ---
"""Pipeline reference for scband-image-collision-cost-19533511262455 (READ-ONLY COPY).

The authoritative reference and input builder live on the scoring server;
editing this copy changes nothing except your own understanding.
"""

import jax, jax.numpy as jnp
import numpy as np

DIST_THRESH = 0.01
GRID = 4096
BATCH = 16384
HORIZON = 200


def setup_inputs(seed: int = 0) -> dict:
    key = jax.random.key(seed)
    k1, k2 = jax.random.split(key)
    # trajectory positions in [0,1)^2 (within world bounds)
    pos_seq = jax.random.uniform(k1, (BATCH, HORIZON, 2), dtype=jnp.float32)
    # precomputed signed-distance-field image built by WorldImageCollision.update_world
    dist_map = jax.random.normal(k2, (GRID, GRID), dtype=jnp.float32) * 0.1
    weight = jnp.ones((1,), dtype=jnp.float32)
    return {"pos_seq": pos_seq, "dist_map": dist_map, "weight": weight}


def reference(pos_seq, dist_map, weight):
    # ImageCollisionCost.forward
    batch_size = pos_seq.shape[0]
    horizon = pos_seq.shape[1]
    pos_batch = pos_seq.reshape(batch_size * horizon, 2)
    # WorldImageCollision.get_pt_value: map world coords -> pixel indices, gather SDF value
    grid = dist_map.shape[0]
    pix = jnp.clip((pos_batch * grid).astype(jnp.int32), 0, grid - 1)
    flat_idx = pix[:, 1] * grid + pix[:, 0]
    dist = jnp.take(dist_map.reshape(-1), flat_idx, axis=0)
    dist = dist.reshape(batch_size, horizon, 1)
    dist = dist + DIST_THRESH
    dist = jnp.where(dist < 0.0, 0.0, dist)
    dist = jnp.where(dist > 0.0, 1.0, dist)
    res = weight * dist
    # t_mat is constructed in the torch module but never applied to res
    res = jnp.squeeze(res, axis=-1)
    return res

if __name__ == "__main__":
    import jax
    _d = setup_inputs()
    print(jax.jit(kernel)(*tuple(_d.values())))

</pallas_src>

<mosaic_0001>
#map = affine_map<(d0, d1) -> (0)>
module attributes {stable_mosaic.version = 14 : i64} {
  func.func @_sc_body(%arg0: i32, %arg1: i32, %arg2: memref<6553600xf32, #tpu.memory_space<hbm>>, %arg3: memref<16777216xf32, #tpu.memory_space<hbm>>, %arg4: memref<1xf32, #tpu.memory_space<hbm>>, %arg5: memref<3276800xf32, #tpu.memory_space<hbm>>, %arg6: memref<8192xf32, #tpu.memory_space<vmem>>, %arg7: memref<8192xf32, #tpu.memory_space<vmem>>, %arg8: memref<4096xi32, #tpu.memory_space<vmem>>, %arg9: memref<4096xi32, #tpu.memory_space<vmem>>, %arg10: memref<4096xf32, #tpu.memory_space<vmem>>, %arg11: memref<4096xf32, #tpu.memory_space<vmem>>, %arg12: memref<4096xf32, #tpu.memory_space<vmem>>, %arg13: memref<4096xf32, #tpu.memory_space<vmem>>, %arg14: memref<16xf32, #tpu.memory_space<vmem>>, %arg15: memref<!tpu.dma_semaphore, #tpu.memory_space<semaphore_mem>>, %arg16: memref<!tpu.dma_semaphore, #tpu.memory_space<semaphore_mem>>, %arg17: memref<!tpu.dma_semaphore, #tpu.memory_space<semaphore_mem>>, %arg18: memref<!tpu.dma_semaphore, #tpu.memory_space<semaphore_mem>>, %arg19: memref<!tpu.dma_semaphore, #tpu.memory_space<semaphore_mem>>, %arg20: memref<!tpu.dma_semaphore, #tpu.memory_space<semaphore_mem>>) attributes {dimension_semantics = [#tpu.dimension_semantics<core_parallel>, #tpu.dimension_semantics<subcore_parallel>], iteration_bounds = array<i64: 2, 16>, scalar_prefetch = 0 : i64, scratch_operands = 15 : i64, tpu.core_type = #tpu.core_type<sc_vector_subcore>, window_params = [{transform_indices = #map}, {transform_indices = #map}, {transform_indices = #map}, {transform_indices = #map}]} {
    %mul3A = arith.constant 2 : i32
    %mul3A_0 = arith.muli %arg1, %mul3A : i32
    %add3A = arith.addi %mul3A_0, %arg0 : i32
    "tpu.region"() ({
      %run_scoped3A = tpu.sem_alloc : memref<!tpu.dma_semaphore, #tpu.memory_space<semaphore_mem>>
      %dma_start3A_345 = arith.constant 0 : i32
      %dma_start3A_346 = tpu.memref_slice %arg14[%dma_start3A_345] : memref<16xf32, #tpu.memory_space<vmem>> -> memref<1xf32, #tpu.memory_space<vmem>>
      %dma_start3A_347 = arith.constant 0 : i32
      %dma_start3A_348 = tpu.memref_slice %arg14[%dma_start3A_347] : memref<16xf32, #tpu.memory_space<vmem>> -> memref<1xf32, #tpu.memory_space<vmem>>
      tpu.enqueue_dma source(%arg4 : memref<1xf32, #tpu.memory_space<hbm>>) target(%dma_start3A_348 : memref<1xf32, #tpu.memory_space<vmem>>) target_semaphore(%run_scoped3A : memref<!tpu.dma_semaphore, #tpu.memory_space<semaphore_mem>>)
      %dma_wait3A_349 = arith.constant 0 : i32
      %dma_wait3A_350 = tpu.memref_slice %arg14[%dma_wait3A_349] : memref<16xf32, #tpu.memory_space<vmem>> -> memref<1xf32, #tpu.memory_space<vmem>>
      %dma_wait3A_351 = arith.constant 0 : i32
      %dma_wait3A_352 = tpu.memref_slice %arg14[%dma_wait3A_351] : memref<16xf32, #tpu.memory_space<vmem>> -> memref<1xf32, #tpu.memory_space<vmem>>
      tpu.wait_dma2 semaphore(%run_scoped3A : memref<!tpu.dma_semaphore, #tpu.memory_space<semaphore_mem>>) src(%arg4 : memref<1xf32, #tpu.memory_space<hbm>>) dst(%dma_wait3A_352 : memref<1xf32, #tpu.memory_space<vmem>>)
      tpu.yield
    }) : () -> ()
    %get3A = arith.constant 0 : index
    %get3A_1 = tpu.vector_load %arg14[%get3A] {strides = array<i32>} : memref<16xf32, #tpu.memory_space<vmem>>, vector<16xf32>,
    %slice3A = vector.extract_strided_slice %get3A_1 {offsets = [0], sizes = [1], strides = [1]} : vector<16xf32> to vector<1xf32>
    %squeeze3A = vector.extract %slice3A[0] : f32 from vector<1xf32>
    %broadcast_in_dim3A = vector.broadcast %squeeze3A : f32 to vector<16xf32>
    %broadcast_in_dim3A_2 = arith.constant 0.000000e+00 : f32
    %broadcast_in_dim3A_3 = vector.broadcast %broadcast_in_dim3A_2 : f32 to vector<16xf32>
    %mul3A_4 = arith.constant 4 : i32
    %mul3A_5 = arith.muli %mul3A_4, %add3A : i32
    %add3A_6 = arith.constant 0 : i32
    %add3A_7 = arith.addi %add3A_6, %mul3A_5 : i32
    %mul3A_8 = arith.constant 256 : i32
    %mul3A_9 = arith.muli %add3A_7, %mul3A_8 : i32
    %dma_start3A = arith.constant 0 : i32
    %dma_start3A_10 = tpu.memref_slice %arg6[%dma_start3A] : memref<8192xf32, #tpu.memory_space<vmem>> -> memref<1024xf32, #tpu.memory_space<vmem>>
    %dma_start3A_11 = tpu.memref_slice %arg2[%mul3A_9] : memref<6553600xf32, #tpu.memory_space<hbm>> -> memref<1024xf32, #tpu.memory_space<hbm>>
    %dma_start3A_12 = arith.constant 0 : i32
    %dma_start3A_13 = tpu.memref_slice %arg6[%dma_start3A_12] : memref<8192xf32, #tpu.memory_space<vmem>> -> memref<1024xf32, #tpu.memory_space<vmem>>
    %dma_start3A_14 = tpu.memref_slice %arg2[%mul3A_9] : memref<6553600xf32, #tpu.memory_space<hbm>> -> memref<1024xf32, #tpu.memory_space<hbm>>
    tpu.enqueue_dma source(%dma_start3A_14 : memref<1024xf32, #tpu.memory_space<hbm>>) target(%dma_start3A_13 : memref<1024xf32, #tpu.memory_space<vmem>>) target_semaphore(%arg15 : memref<!tpu.dma_semaphore, #tpu.memory_space<semaphore_mem>>)
    %mul3A_15 = arith.constant 4 : i32
    %mul3A_16 = arith.muli %mul3A_15, %add3A : i32
    %add3A_17 = arith.constant 128 : i32
    %add3A_18 = arith.addi %add3A_17, %mul3A_16 : i32
    %mul3A_19 = arith.constant 256 : i32
    %mul3A_20 = arith.muli %add3A_18, %mul3A_19 : i32
    %dma_start3A_21 = arith.constant 1024 : i32
    %dma_start3A_22 = tpu.memref_slice %arg6[%dma_start3A_21] : memref<8192xf32, #tpu.memory_space<vmem>> -> memref<1024xf32, #tpu.memory_space<vmem>>
    %dma_start3A_23 = tpu.memref_slice %arg2[%mul3A_20] : memref<6553600xf32, #tpu.memory_space<hbm>> -> memref<1024xf32, #tpu.memory_space<hbm>>
    %dma_start3A_24 = arith.constant 1024 : i32
    %dma_start3A_25 = tpu.memref_slice %arg6[%dma_start3A_24] : memref<8192xf32, #tpu.memory_space<vmem>> -> memref<1024xf32, #tpu.memory_space<vmem>>
    %dma_start3A_26 = tpu.memref_slice %arg2[%mul3A_20] : memref<6553600xf32, #tpu.memory_space<hbm>> -> memref<1024xf32, #tpu.memory_space<hbm>>
    tpu.enqueue_dma source(%dma_start3A_26 : memref<1024xf32, #tpu.memory_space<hbm>>) target(%dma_start3A_25 : memref<1024xf32, #tpu.memory_space<vmem>>) target_semaphore(%arg15 : memref<!tpu.dma_semaphore, #tpu.memory_space<semaphore_mem>>)
    %mul3A_27 = arith.constant 4 : i32
    %mul3A_28 = arith.muli %mul3A_27, %add3A : i32
    %add3A_29 = arith.constant 256 : i32
    %add3A_30 = arith.addi %add3A_29, %mul3A_28 : i32
    %mul3A_31 = arith.constant 256 : i32
    %mul3A_32 = arith.muli %add3A_30, %mul3A_31 : i32
    %dma_start3A_33 = arith.constant 2048 : i32
    %dma_start3A_34 = tpu.memref_slice %arg6[%dma_start3A_33] : memref<8192xf32, #tpu.memory_space<vmem>> -> memref<1024xf32, #tpu.memory_space<vmem>>
    %dma_start3A_35 = tpu.memref_slice %arg2[%mul3A_32] : memref<6553600xf32, #tpu.memory_space<hbm>> -> memref<1024xf32, #tpu.memory_space<hbm>>
    %dma_start3A_36 = arith.constant 2048 : i32
    %dma_start3A_37 = tpu.memref_slice %arg6[%dma_start3A_36] : memref<8192xf32, #tpu.memory_space<vmem>> -> memref<1024xf32, #tpu.memory_space<vmem>>
    %dma_start3A_38 = tpu.memref_slice %arg2[%mul3A_32] : memref<6553600xf32, #tpu.memory_space<hbm>> -> memref<1024xf32, #tpu.memory_space<hbm>>
    tpu.enqueue_dma source(%dma_start3A_38 : memref<1024xf32, #tpu.memory_space<hbm>>) target(%dma_start3A_37 : memref<1024xf32, #tpu.memory_space<vmem>>) target_semaphore(%arg15 : memref<!tpu.dma_semaphore, #tpu.memory_space<semaphore_mem>>)
    %mul3A_39 = arith.constant 4 : i32
    %mul3A_40 = arith.muli %mul3A_39, %add3A : i32
    %add3A_41 = arith.constant 384 : i32
    %add3A_42 = arith.addi %add3A_41, %mul3A_40 : i32
    %mul3A_43 = arith.constant 256 : i32
    %mul3A_44 = arith.muli %add3A_42, %mul3A_43 : i32
    %dma_start3A_45 = arith.constant 3072 : i32
    %dma_start3A_46 = tpu.memref_slice %arg6[%dma_start3A_45] : memref<8192xf32, #tpu.memory_space<vmem>> -> memref<1024xf32, #tpu.memory_space<vmem>>
    %dma_start3A_47 = tpu.memref_slice %arg2[%mul3A_44] : memref<6553600xf32, #tpu.memory_space<hbm>> -> memref<1024xf32, #tpu.memory_space<hbm>>
    %dma_start3A_48 = arith.constant 3072 : i32
    %dma_start3A_49 = tpu.memref_slice %arg6[%dma_start3A_48] : memref<8192xf32, #tpu.memory_space<vmem>> -> memref<1024xf32, #tpu.memory_space<vmem>>
    %dma_start3A_50 = tpu.memref_slice %arg2[%mul3A_44] : memref<6553600xf32, #tpu.memory_space<hbm>> -> memref<1024xf32, #tpu.memory_space<hbm>>
    tpu.enqueue_dma source(%dma_start3A_50 : memref<1024xf32, #tpu.memory_space<hbm>>) target(%dma_start3A_49 : memref<1024xf32, #tpu.memory_space<vmem>>) target_semaphore(%arg15 : memref<!tpu.dma_semaphore, #tpu.memory_space<semaphore_mem>>)
    %mul3A_51 = arith.constant 4 : i32
    %mul3A_52 = arith.muli %mul3A_51, %add3A : i32
    %add3A_53 = arith.constant 512 : i32
    %add3A_54 = arith.addi %add3A_53, %mul3A_52 : i32
    %mul3A_55 = arith.constant 256 : i32
    %mul3A_56 = arith.muli %add3A_54, %mul3A_55 : i32
    %dma_start3A_57 = arith.constant 4096 : i32
    %dma_start3A_58 = tpu.memref_slice %arg6[%dma_start3A_57] : memref<8192xf32, #tpu.memory_space<vmem>> -> memref<1024xf32, #tpu.memory_space<vmem>>
    %dma_start3A_59 = tpu.memref_slice %arg2[%mul3A_56] : memref<6553600xf32, #tpu.memory_space<hbm>> -> memref<1024xf32, #tpu.memory_space<hbm>>
    %dma_start3A_60 = arith.constant 4096 : i32
    %dma_start3A_61 = tpu.memref_slice %arg6[%dma_start3A_60] : memref<8192xf32, #tpu.memory_space<vmem>> -> memref<1024xf32, #tpu.memory_space<vmem>>
    %dma_start3A_62 = tpu.memref_slice %arg2[%mul3A_56] : memref<6553600xf32, #tpu.memory_space<hbm>> -> memref<1024xf32, #tpu.memory_space<hbm>>
    tpu.enqueue_dma source(%dma_start3A_62 : memref<1024xf32, #tpu.memory_space<hbm>>) target(%dma_start3A_61 : memref<1024xf32, #tpu.memory_space<vmem>>) target_semaphore(%arg15 : memref<!tpu.dma_semaphore, #tpu.memory_space<semaphore_mem>>)
    %mul3A_63 = arith.constant 4 : i32
    %mul3A_64 = arith.muli %mul3A_63, %add3A : i32
    %add3A_65 = arith.constant 640 : i32
    %add3A_66 = arith.addi %add3A_65, %mul3A_64 : i32
    %mul3A_67 = arith.constant 256 : i32
    %mul3A_68 = arith.muli %add3A_66, %mul3A_67 : i32
    %dma_start3A_69 = arith.constant 5120 : i32
    %dma_start3A_70 = tpu.memref_slice %arg6[%dma_start3A_69] : memref<8192xf32, #tpu.memory_space<vmem>> -> memref<1024xf32, #tpu.memory_space<vmem>>
    %dma_start3A_71 = tpu.memref_slice %arg2[%mul3A_68] : memref<6553600xf32, #tpu.memory_space<hbm>> -> memref<1024xf32, #tpu.memory_space<hbm>>
    %dma_start3A_72 = arith.constant 5120 : i32
    %dma_start3A_73 = tpu.memref_slice %arg6[%dma_start3A_72] : memref<8192xf32, #tpu.memory_space<vmem>> -> memref<1024xf32, #tpu.memory_space<vmem>>
    %dma_start3A_74 = tpu.memref_slice %arg2[%mul3A_68] : memref<6553600xf32, #tpu.memory_space<hbm>> -> memref<1024xf32, #tpu.memory_space<hbm>>
    tpu.enqueue_dma source(%dma_start3A_74 : memref<1024xf32, #tpu.memory_space<hbm>>) target(%dma_start3A_73 : memref<1024xf32, #tpu.memory_space<vmem>>) target_semaphore(%arg15 : memref<!tpu.dma_semaphore, #tpu.memory_space<semaphore_mem>>)
    %mul3A_75 = arith.constant 4 : i32
    %mul3A_76 = arith.muli %mul3A_75, %add3A : i32
    %add3A_77 = arith.constant 768 : i32
    %add3A_78 = arith.addi %add3A_77, %mul3A_76 : i32
    %mul3A_79 = arith.constant 256 : i32
    %mul3A_80 = arith.muli %add3A_78, %mul3A_79 : i32
    %dma_start3A_81 = arith.constant 6144 : i32
    %dma_start3A_82 = tpu.memref_slice %arg6[%dma_start3A_81] : memref<8192xf32, #tpu.memory_space<vmem>> -> memref<1024xf32, #tpu.memory_space<vmem>>
    %dma_start3A_83 = tpu.memref_slice %arg2[%mul3A_80] : memref<6553600xf32, #tpu.memory_space<hbm>> -> memref<1024xf32, #tpu.memory_space<hbm>>
    %dma_start3A_84 = arith.constant 6144 : i32
    %dma_start3A_85 = tpu.memref_slice %arg6[%dma_start3A_84] : memref<8192xf32, #tpu.memory_space<vmem>> -> memref<1024xf32, #tpu.memory_space<vmem>>
    %dma_start3A_86 = tpu.memref_slice %arg2[%mul3A_80] : memref<6553600xf32, #tpu.memory_space<hbm>> -> memref<1024xf32, #tpu.memory_space<hbm>>
    tpu.enqueue_dma source(%dma_start3A_86 : memref<1024xf32, #tpu.memory_space<hbm>>) target(%dma_start3A_85 : memref<1024xf32, #tpu.memory_space<vmem>>) target_semaphore(%arg15 : memref<!tpu.dma_semaphore, #tpu.memory_space<semaphore_mem>>)
    %mul3A_87 = arith.constant 4 : i32
    %mul3A_88 = arith.muli %mul3A_87, %add3A : i32
    %add3A_89 = arith.constant 896 : i32
    %add3A_90 = arith.addi %add3A_89, %mul3A_88 : i32
    %mul3A_91 = arith.constant 256 : i32
    %mul3A_92 = arith.muli %add3A_90, %mul3A_91 : i32
    %dma_start3A_93 = arith.constant 7168 : i32
    %dma_start3A_94 = tpu.memref_slice %arg6[%dma_start3A_93] : memref<8192xf32, #tpu.memory_space<vmem>> -> memref<1024xf32, #tpu.memory_space<vmem>>
    %dma_start3A_95 = tpu.memref_slice %arg2[%mul3A_92] : memref<6553600xf32, #tpu.memory_space<hbm>> -> memref<1024xf32, #tpu.memory_space<hbm>>
    %dma_start3A_96 = arith.constant 7168 : i32
    %dma_start3A_97 = tpu.memref_slice %arg6[%dma_start3A_96] : memref<8192xf32, #tpu.memory_space<vmem>> -> memref<1024xf32, #tpu.memory_space<vmem>>
    %dma_start3A_98 = tpu.memref_slice %arg2[%mul3A_92] : memref<6553600xf32, #tpu.memory_space<hbm>> -> memref<1024xf32, #tpu.memory_space<hbm>>
    tpu.enqueue_dma source(%dma_start3A_98 : memref<1024xf32, #tpu.memory_space<hbm>>) target(%dma_start3A_97 : memref<1024xf32, #tpu.memory_space<vmem>>) target_semaphore(%arg15 : memref<!tpu.dma_semaphore, #tpu.memory_space<semaphore_mem>>)
    %mul3A_99 = arith.constant 4 : i32
    %mul3A_100 = arith.muli %mul3A_99, %add3A : i32
    %add3A_101 = arith.constant 1024 : i32
    %add3A_102 = arith.addi %add3A_101, %mul3A_100 : i32
    %mul3A_103 = arith.constant 256 : i32
    %mul3A_104 = arith.muli %add3A_102, %mul3A_103 : i32
    %dma_start3A_105 = arith.constant 0 : i32
    %dma_start3A_106 = tpu.memref_slice %arg7[%dma_start3A_105] : memref<8192xf32, #tpu.memory_space<vmem>> -> memref<1024xf32, #tpu.memory_space<vmem>>
    %dma_start3A_107 = tpu.memref_slice %arg2[%mul3A_104] : memref<6553600xf32, #tpu.memory_space<hbm>> -> memref<1024xf32, #tpu.memory_space<hbm>>
    %dma_start3A_108 = arith.constant 0 : i32
    %dma_start3A_109 = tpu.memref_slice %arg7[%dma_start3A_108] : memref<8192xf32, #tpu.memory_space<vmem>> -> memref<1024xf32, #tpu.memory_space<vmem>>
    %dma_start3A_110 = tpu.memref_slice %arg2[%mul3A_104] : memref<6553600xf32, #tpu.memory_space<hbm>> -> memref<1024xf32, #tpu.memory_space<hbm>>
    tpu.enqueue_dma source(%dma_start3A_110 : memref<1024xf32, #tpu.memory_space<hbm>>) target(%dma_start3A_109 : memref<1024xf32, #tpu.memory_space<vmem>>) target_semaphore(%arg16 : memref<!tpu.dma_semaphore, #tpu.memory_space<semaphore_mem>>)
    %mul3A_111 = arith.constant 4 : i32
    %mul3A_112 = arith.muli %mul3A_111, %add3A : i32
    %add3A_113 = arith.constant 1152 : i32
    %add3A_114 = arith.addi %add3A_113, %mul3A_112 : i32
    %mul3A_115 = arith.constant 256 : i32
    %mul3A_116 = arith.muli %add3A_114, %mul3A_115 : i32
    %dma_start3A_117 = arith.constant 1024 : i32
    %dma_start3A_118 = tpu.memref_slice %arg7[%dma_start3A_117] : memref<8192xf32, #tpu.memory_space<vmem>> -> memref<1024xf32, #tpu.memory_space<vmem>>
    %dma_start3A_119 = tpu.memref_slice %arg2[%mul3A_116] : memref<6553600xf32, #tpu.memory_space<hbm>> -> memref<1024xf32, #tpu.memory_space<hbm>>
    %dma_start3A_120 = arith.constant 1024 : i32
    %dma_start3A_121 = tpu.memref_slice %arg7[%dma_start3A_120] : memref<8192xf32, #tpu.memory_space<vmem>> -> memref<1024xf32, #tpu.memory_space<vmem>>
    %dma_start3A_122 = tpu.memref_slice %arg2[%mul3A_116] : memref<6553600xf32, #tpu.memory_space<hbm>> -> memref<1024xf32, #tpu.memory_space<hbm>>
    tpu.enqueue_dma source(%dma_start3A_122 : memref<1024xf32, #tpu.memory_space<hbm>>) target(%dma_start3A_121 : memref<1024xf32, #tpu.memory_space<vmem>>) target_semaphore(%arg16 : memref<!tpu.dma_semaphore, #tpu.memory_space<semaphore_mem>>)
    %mul3A_123 = arith.constant 4 : i32
    %mul3A_124 = arith.muli %mul3A_123, %add3A : i32
    %add3A_125 = arith.constant 1280 : i32
    %add3A_126 = arith.addi %add3A_125, %mul3A_124 : i32
    %mul3A_127 = arith.constant 256 : i32
    %mul3A_128 = arith.muli %add3A_126, %mul3A_127 : i32
    %dma_start3A_129 = arith.constant 2048 : i32
    %dma_start3A_130 = tpu.memref_slice %arg7[%dma_start3A_129] : memref<8192xf32, #tpu.memory_space<vmem>> -> memref<1024xf32, #tpu.memory_space<vmem>>
    %dma_start3A_131 = tpu.memref_slice %arg2[%mul3A_128] : memref<6553600xf32, #tpu.memory_space<hbm>> -> memref<1024xf32, #tpu.memory_space<hbm>>
    %dma_start3A_132 = arith.constant 2048 : i32
    %dma_start3A_133 = tpu.memref_slice %arg7[%dma_start3A_132] : memref<8192xf32, #tpu.memory_space<vmem>> -> memref<1024xf32, #tpu.memory_space<vmem>>
    %dma_start3A_134 = tpu.memref_slice %arg2[%mul3A_128] : memref<6553600xf32, #tpu.memory_space<hbm>> -> memref<1024xf32, #tpu.memory_space<hbm>>
    tpu.enqueue_dma source(%dma_start3A_134 : memref<1024xf32, #tpu.memory_space<hbm>>) target(%dma_start3A_133 : memref<1024xf32, #tpu.memory_space<vmem>>) target_semaphore(%arg16 : memref<!tpu.dma_semaphore, #tpu.memory_space<semaphore_mem>>)
    %mul3A_135 = arith.constant 4 : i32
    %mul3A_136 = arith.muli %mul3A_135, %add3A : i32
    %add3A_137 = arith.constant 1408 : i32
    %add3A_138 = arith.addi %add3A_137, %mul3A_136 : i32
    %mul3A_139 = arith.constant 256 : i32
    %mul3A_140 = arith.muli %add3A_138, %mul3A_139 : i32
    %dma_start3A_141 = arith.constant 3072 : i32
    %dma_start3A_142 = tpu.memref_slice %arg7[%dma_start3A_141] : memref<8192xf32, #tpu.memory_space<vmem>> -> memref<1024xf32, #tpu.memory_space<vmem>>
    %dma_start3A_143 = tpu.memref_slice %arg2[%mul3A_140] : memref<6553600xf32, #tpu.memory_space<hbm>> -> memref<1024xf32, #tpu.memory_space<hbm>>
    %dma_start3A_144 = arith.constant 3072 : i32
    %dma_start3A_145 = tpu.memref_slice %arg7[%dma_start3A_144] : memref<8192xf32, #tpu.memory_space<vmem>> -> memref<1024xf32, #tpu.memory_space<vmem>>
    %dma_start3A_146 = tpu.memref_slice %arg2[%mul3A_140] : memref<6553600xf32, #tpu.memory_space<hbm>> -> memref<1024xf32, #tpu.memory_space<hbm>>
    tpu.enqueue_dma source(%dma_start3A_146 : memref<1024xf32, #tpu.memory_space<hbm>>) target(%dma_start3A_145 : memref<1024xf32, #tpu.memory_space<vmem>>) target_semaphore(%arg16 : memref<!tpu.dma_semaphore, #tpu.memory_space<semaphore_mem>>)
    %mul3A_147 = arith.constant 4 : i32
    %mul3A_148 = arith.muli %mul3A_147, %add3A : i32
    %add3A_149 = arith.constant 1536 : i32
    %add3A_150 = arith.addi %add3A_149, %mul3A_148 : i32
    %mul3A_151 = arith.constant 256 : i32
    %mul3A_152 = arith.muli %add3A_150, %mul3A_151 : i32
    %dma_start3A_153 = arith.constant 4096 : i32
    %dma_start3A_154 = tpu.memref_slice %arg7[%dma_start3A_153] : memref<8192xf32, #tpu.memory_space<vmem>> -> memref<1024xf32, #tpu.memory_space<vmem>>
    %dma_start3A_155 = tpu.memref_slice %arg2[%mul3A_152] : memref<6553600xf32, #tpu.memory_space<hbm>> -> memref<1024xf32, #tpu.memory_space<hbm>>
    %dma_start3A_156 = arith.constant 4096 : i32
    %dma_start3A_157 = tpu.memref_slice %arg7[%dma_start3A_156] : memref<8192xf32, #tpu.memory_space<vmem>> -> memref<1024xf32, #tpu.memory_space<vmem>>
    %dma_start3A_158 = tpu.memref_slice %arg2[%mul3A_152] : memref<6553600xf32, #tpu.memory_space<hbm>> -> memref<1024xf32, #tpu.memory_space<hbm>>
    tpu.enqueue_dma source(%dma_start3A_158 : memref<1024xf32, #tpu.memory_space<hbm>>) target(%dma_start3A_157 : memref<1024xf32, #tpu.memory_space<vmem>>) target_semaphore(%arg16 : memref<!tpu.dma_semaphore, #tpu.memory_space<semaphore_mem>>)
    %mul3A_159 = arith.constant 4 : i32
    %mul3A_160 = arith.muli %mul3A_159, %add3A : i32
    %add3A_161 = arith.constant 1664 : i32
    %add3A_162 = arith.addi %add3A_161, %mul3A_160 : i32
    %mul3A_163 = arith.constant 256 : i32
    %mul3A_164 = arith.muli %add3A_162, %mul3A_163 : i32
    %dma_start3A_165 = arith.constant 5120 : i32
    %dma_start3A_166 = tpu.memref_slice %arg7[%dma_start3A_165] : memref<8192xf32, #tpu.memory_space<vmem>> -> memref<1024xf32, #tpu.memory_space<vmem>>
    %dma_start3A_167 = tpu.memref_slice %arg2[%mul3A_164] : memref<6553600xf32, #tpu.memory_space<hbm>> -> memref<1024xf32, #tpu.memory_space<hbm>>
    %dma_start3A_168 = arith.constant 5120 : i32
    %dma_start3A_169 = tpu.memref_slice %arg7[%dma_start3A_168] : memref<8192xf32, #tpu.memory_space<vmem>> -> memref<1024xf32, #tpu.memory_space<vmem>>
    %dma_start3A_170 = tpu.memref_slice %arg2[%mul3A_164] : memref<6553600xf32, #tpu.memory_space<hbm>> -> memref<1024xf32, #tpu.memory_space<hbm>>
    tpu.enqueue_dma source(%dma_start3A_170 : memref<1024xf32, #tpu.memory_space<hbm>>) target(%dma_start3A_169 : memref<1024xf32, #tpu.memory_space<vmem>>) target_semaphore(%arg16 : memref<!tpu.dma_semaphore, #tpu.memory_space<semaphore_mem>>)
    %mul3A_171 = arith.constant 4 : i32
    %mul3A_172 = arith.muli %mul3A_171, %add3A : i32
    %add3A_173 = arith.constant 1792 : i32
    %add3A_174 = arith.addi %add3A_173, %mul3A_172 : i32
    %mul3A_175 = arith.constant 256 : i32
    %mul3A_176 = arith.muli %add3A_174, %mul3A_175 : i32
    %dma_start3A_177 = arith.constant 6144 : i32
    %dma_start3A_178 = tpu.memref_slice %arg7[%dma_start3A_177] : memref<8192xf32, #tpu.memory_space<vmem>> -> memref<1024xf32, #tpu.memory_space<vmem>>
    %dma_start3A_179 = tpu.memref_slice %arg2[%mul3A_176] : memref<6553600xf32, #tpu.memory_space<hbm>> -> memref<1024xf32, #tpu.memory_space<hbm>>
    %dma_start3A_180 = arith.constant 6144 : i32
    %dma_start3A_181 = tpu.memref_slice %arg7[%dma_start3A_180] : memref<8192xf32, #tpu.memory_space<vmem>> -> memref<1024xf32, #tpu.memory_space<vmem>>
    %dma_start3A_182 = tpu.memref_slice %arg2[%mul3A_176] : memref<6553600xf32, #tpu.memory_space<hbm>> -> memref<1024xf32, #tpu.memory_space<hbm>>
    tpu.enqueue_dma source(%dma_start3A_182 : memref<1024xf32, #tpu.memory_space<hbm>>) target(%dma_start3A_181 : memref<1024xf32, #tpu.memory_space<vmem>>) target_semaphore(%arg16 : memref<!tpu.dma_semaphore, #tpu.memory_space<semaphore_mem>>)
    %mul3A_183 = arith.constant 4 : i32
    %mul3A_184 = arith.muli %mul3A_183, %add3A : i32
    %add3A_185 = arith.constant 1920 : i32
    %add3A_186 = arith.addi %add3A_185, %mul3A_184 : i32
    %mul3A_187 = arith.constant 256 : i32
    %mul3A_188 = arith.muli %add3A_186, %mul3A_187 : i32
    %dma_start3A_189 = arith.constant 7168 : i32
    %dma_start3A_190 = tpu.memref_slice %arg7[%dma_start3A_189] : memref<8192xf32, #tpu.memory_space<vmem>> -> memref<1024xf32, #tpu.memory_space<vmem>>
    %dma_start3A_191 = tpu.memref_slice %arg2[%mul3A_188] : memref<6553600xf32, #tpu.memory_space<hbm>> -> memref<1024xf32, #tpu.memory_space<hbm>>
    %dma_start3A_192 = arith.constant 7168 : i32
    %dma_start3A_193 = tpu.memref_slice %arg7[%dma_start3A_192] : memref<8192xf32, #tpu.memory_space<vmem>> -> memref<1024xf32, #tpu.memory_space<vmem>>
    %dma_start3A_194 = tpu.memref_slice %arg2[%mul3A_188] : memref<6553600xf32, #tpu.memory_space<hbm>> -> memref<1024xf32, #tpu.memory_space<hbm>>
    tpu.enqueue_dma source(%dma_start3A_194 : memref<1024xf32, #tpu.memory_space<hbm>>) target(%dma_start3A_193 : memref<1024xf32, #tpu.memory_space<vmem>>) target_semaphore(%arg16 : memref<!tpu.dma_semaphore, #tpu.memory_space<semaphore_mem>>)
    %mul3A_195 = arith.constant 4 : i32
    %mul3A_196 = arith.muli %mul3A_195, %add3A : i32
    %add3A_197 = arith.constant 0 : i32
    %add3A_198 = arith.addi %add3A_197, %mul3A_196 : i32
    %mul3A_199 = arith.constant 256 : i32
    %mul3A_200 = arith.muli %add3A_198, %mul3A_199 : i32
    %dma_wait3A = arith.constant 0 : i32
    %dma_wait3A_201 = tpu.memref_slice %arg6[%dma_wait3A] : memref<8192xf32, #tpu.memory_space<vmem>> -> memref<1024xf32, #tpu.memory_space<vmem>>
    %dma_wait3A_202 = tpu.memref_slice %arg2[%mul3A_200] : memref<6553600xf32, #tpu.memory_space<hbm>> -> memref<1024xf32, #tpu.memory_space<hbm>>
    %dma_wait3A_203 = arith.constant 0 : i32
    %dma_wait3A_204 = tpu.memref_slice %arg6[%dma_wait3A_203] : memref<8192xf32, #tpu.memory_space<vmem>> -> memref<1024xf32, #tpu.memory_space<vmem>>
    %dma_wait3A_205 = tpu.memref_slice %arg2[%mul3A_200] : memref<6553600xf32, #tpu.memory_space<hbm>> -> memref<1024xf32, #tpu.memory_space<hbm>>
    tpu.wait_dma2 semaphore(%arg15 : memref<!tpu.dma_semaphore, #tpu.memory_space<semaphore_mem>>) src(%dma_wait3A_205 : memref<1024xf32, #tpu.memory_space<hbm>>) dst(%dma_wait3A_204 : memref<1024xf32, #tpu.memory_space<vmem>>)
    %mul3A_206 = arith.constant 4 : i32
    %mul3A_207 = arith.muli %mul3A_206, %add3A : i32
    %add3A_208 = arith.constant 128 : i32
    %add3A_209 = arith.addi %add3A_208, %mul3A_207 : i32
    %mul3A_210 = arith.constant 256 : i32
    %mul3A_211 = arith.muli %add3A_209, %mul3A_210 : i32
    %dma_wait3A_212 = arith.constant 1024 : i32
    %dma_wait3A_213 = tpu.memref_slice %arg6[%dma_wait3A_212] : memref<8192xf32, #tpu.memory_space<vmem>> -> memref<1024xf32, #tpu.memory_space<vmem>>
    %dma_wait3A_214 = tpu.memref_slice %arg2[%mul3A_211] : memref<6553600xf32, #tpu.memory_space<hbm>> -> memref<1024xf32, #tpu.memory_space<hbm>>
    %dma_wait3A_215 = arith.constant 1024 : i32
    %dma_wait3A_216 = tpu.memref_slice %arg6[%dma_wait3A_215] : memref<8192xf32, #tpu.memory_space<vmem>> -> memref<1024xf32, #tpu.memory_space<vmem>>
    %dma_wait3A_217 = tpu.memref_slice %arg2[%mul3A_211] : memref<6553600xf32, #tpu.memory_space<hbm>> -> memref<1024xf32, #tpu.memory_space<hbm>>
    tpu.wait_dma2 semaphore(%arg15 : memref<!tpu.dma_semaphore, #tpu.memory_space<semaphore_mem>>) src(%dma_wait3A_217 : memref<1024xf32, #tpu.memory_space<hbm>>) dst(%dma_wait3A_216 : memref<1024xf32, #tpu.memory_space<vmem>>)
    %mul3A_218 = arith.constant 4 : i32
    %mul3A_219 = arith.muli %mul3A_218, %add3A : i32
    %add3A_220 = arith.constant 256 : i32
    %add3A_221 = arith.addi %add3A_220, %mul3A_219 : i32
    %mul3A_222 = arith.constant 256 : i32
    %mul3A_223 = arith.muli %add3A_221, %mul3A_222 : i32
    %dma_wait3A_224 = arith.constant 2048 : i32
    %dma_wait3A_225 = tpu.memref_slice %arg6[%dma_wait3A_224] : memref<8192xf32, #tpu.memory_space<vmem>> -> memref<1024xf32, #tpu.memory_space<vmem>>
    %dma_wait3A_226 = tpu.memref_slice %arg2[%mul3A_223] : memref<6553600xf32, #tpu.memory_space<hbm>> -> memref<1024xf32, #tpu.memory_space<hbm>>
    %dma_wait3A_227 = arith.constant 2048 : i32
    %dma_wait3A_228 = tpu.memref_slice %arg6[%dma_wait3A_227] : memref<8192xf32, #tpu.memory_space<vmem>> -> memref<1024xf32, #tpu.memory_space<vmem>>
    %dma_wait3A_229 = tpu.memref_slice %arg2[%mul3A_223] : memref<6553600xf32, #tpu.memory_space<hbm>> -> memref<1024xf32, #tpu.memory_space<hbm>>
    tpu.wait_dma2 semaphore(%arg15 : memref<!tpu.dma_semaphore, #tpu.memory_space<semaphore_mem>>) src(%dma_wait3A_229 : memref<1024xf32, #tpu.memory_space<hbm>>) dst(%dma_wait3A_228 : memref<1024xf32, #tpu.memory_space<vmem>>)
    %mul3A_230 = arith.constant 4 : i32
    %mul3A_231 = arith.muli %mul3A_230, %add3A : i32
    %add3A_232 = arith.constant 384 : i32
    %add3A_233 = arith.addi %add3A_232, %mul3A_231 : i32
    %mul3A_234 = arith.constant 256 : i32
    %mul3A_235 = arith.muli %add3A_233, %mul3A_234 : i32
    %dma_wait3A_236 = arith.constant 3072 : i32
    %dma_wait3A_237 = tpu.memref_slice %arg6[%dma_wait3A_236] : memref<8192xf32, #tpu.memory_space<vmem>> -> memref<1024xf32, #tpu.memory_space<vmem>>
    %dma_wait3A_238 = tpu.memref_slice %arg2[%mul3A_235] : memref<6553600xf32, #tpu.memory_space<hbm>> -> memref<1024xf32, #tpu.memory_space<hbm>>
    %dma_wait3A_239 = arith.constant 3072 : i32
    %dma_wait3A_240 = tpu.memref_slice %arg6[%dma_wait3A_239] : memref<8192xf32, #tpu.memory_space<vmem>> -> memref<1024xf32, #tpu.memory_space<vmem>>
    %dma_wait3A_241 = tpu.memref_slice %arg2[%mul3A_235] : memref<6553600xf32, #tpu.memory_space<hbm>> -> memref<1024xf32, #tpu.memory_space<hbm>>
    tpu.wait_dma2 semaphore(%arg15 : memref<!tpu.dma_semaphore, #tpu.memory_space<semaphore_mem>>) src(%dma_wait3A_241 : memref<1024xf32, #tpu.memory_space<hbm>>) dst(%dma_wait3A_240 : memref<1024xf32, #tpu.memory_space<vmem>>)
    %mul3A_242 = arith.constant 4 : i32
    %mul3A_243 = arith.muli %mul3A_242, %add3A : i32
    %add3A_244 = arith.constant 512 : i32
    %add3A_245 = arith.addi %add3A_244, %mul3A_243 : i32
    %mul3A_246 = arith.constant 256 : i32
    %mul3A_247 = arith.muli %add3A_245, %mul3A_246 : i32
    %dma_wait3A_248 = arith.constant 4096 : i32
    %dma_wait3A_249 = tpu.memref_slice %arg6[%dma_wait3A_248] : memref<8192xf32, #tpu.memory_space<vmem>> -> memref<1024xf32, #tpu.memory_space<vmem>>
    %dma_wait3A_250 = tpu.memref_slice %arg2[%mul3A_247] : memref<6553600xf32, #tpu.memory_space<hbm>> -> memref<1024xf32, #tpu.memory_space<hbm>>
    %dma_wait3A_251 = arith.constant 4096 : i32
    %dma_wait3A_252 = tpu.memref_slice %arg6[%dma_wait3A_251] : memref<8192xf32, #tpu.memory_space<vmem>> -> memref<1024xf32, #tpu.memory_space<vmem>>
    %dma_wait3A_253 = tpu.memref_slice %arg2[%mul3A_247] : memref<6553600xf32, #tpu.memory_space<hbm>> -> memref<1024xf32, #tpu.memory_space<hbm>>
    tpu.wait_dma2 semaphore(%arg15 : memref<!tpu.dma_semaphore, #tpu.memory_space<semaphore_mem>>) src(%dma_wait3A_253 : memref<1024xf32, #tpu.memory_space<hbm>>) dst(%dma_wait3A_252 : memref<1024xf32, #tpu.memory_space<vmem>>)
    %mul3A_254 = arith.constant 4 : i32
    %mul3A_255 = arith.muli %mul3A_254, %add3A : i32
    %add3A_256 = arith.constant 640 : i32
    %add3A_257 = arith.addi %add3A_256, %mul3A_255 : i32
    %mul3A_258 = arith.constant 256 : i32
    %mul3A_259 = arith.muli %add3A_257, %mul3A_258 : i32
    %dma_wait3A_260 = arith.constant 5120 : i32
    %dma_wait3A_261 = tpu.memref_slice %arg6[%dma_wait3A_260] : memref<8192xf32, #tpu.memory_space<vmem>> -> memref<1024xf32, #tpu.memory_space<vmem>>
    %dma_wait3A_262 = tpu.memref_slice %arg2[%mul3A_259] : memref<6553600xf32, #tpu.memory_space<hbm>> -> memref<1024xf32, #tpu.memory_space<hbm>>
    %dma_wait3A_263 = arith.constant 5120 : i32
    %dma_wait3A_264 = tpu.memref_slice %arg6[%dma_wait3A_263] : memref<8192xf32, #tpu.memory_space<vmem>> -> memref<1024xf32, #tpu.memory_space<vmem>>
    %dma_wait3A_265 = tpu.memref_slice %arg2[%mul3A_259] : memref<6553600xf32, #tpu.memory_space<hbm>> -> memref<1024xf32, #tpu.memory_space<hbm>>
    tpu.wait_dma2 semaphore(%arg15 : memref<!tpu.dma_semaphore, #tpu.memory_space<semaphore_mem>>) src(%dma_wait3A_265 : memref<1024xf32, #tpu.memory_space<hbm>>) dst(%dma_wait3A_264 : memref<1024xf32, #tpu.memory_space<vmem>>)
    %mul3A_266 = arith.constant 4 : i32
    %mul3A_267 = arith.muli %mul3A_266, %add3A : i32
    %add3A_268 = arith.constant 768 : i32
    %add3A_269 = arith.addi %add3A_268, %mul3A_267 : i32
    %mul3A_270 = arith.constant 256 : i32
    %mul3A_271 = arith.muli %add3A_269, %mul3A_270 : i32
    %dma_wait3A_272 = arith.constant 6144 : i32
    %dma_wait3A_273 = tpu.memref_slice %arg6[%dma_wait3A_272] : memref<8192xf32, #tpu.memory_space<vmem>> -> memref<1024xf32, #tpu.memory_space<vmem>>
    %dma_wait3A_274 = tpu.memref_slice %arg2[%mul3A_271] : memref<6553600xf32, #tpu.memory_space<hbm>> -> memref<1024xf32, #tpu.memory_space<hbm>>
    %dma_wait3A_275 = arith.constant 6144 : i32
    %dma_wait3A_276 = tpu.memref_slice %arg6[%dma_wait3A_275] : memref<8192xf32, #tpu.memory_space<vmem>> -> memref<1024xf32, #tpu.memory_space<vmem>>
    %dma_wait3A_277 = tpu.memref_slice %arg2[%mul3A_271] : memref<6553600xf32, #tpu.memory_space<hbm>> -> memref<1024xf32, #tpu.memory_space<hbm>>
    tpu.wait_dma2 semaphore(%arg15 : memref<!tpu.dma_semaphore, #tpu.memory_space<semaphore_mem>>) src(%dma_wait3A_277 : memref<1024xf32, #tpu.memory_space<hbm>>) dst(%dma_wait3A_276 : memref<1024xf32, #tpu.memory_space<vmem>>)
    %mul3A_278 = arith.constant 4 : i32
    %mul3A_279 = arith.muli %mul3A_278, %add3A : i32
    %add3A_280 = arith.constant 896 : i32
    %add3A_281 = arith.addi %add3A_280, %mul3A_279 : i32
    %mul3A_282 = arith.constant 256 : i32
    %mul3A_283 = arith.muli %add3A_281, %mul3A_282 : i32
    %dma_wait3A_284 = arith.constant 7168 : i32
    %dma_wait3A_285 = tpu.memref_slice %arg6[%dma_wait3A_284] : memref<8192xf32, #tpu.memory_space<vmem>> -> memref<1024xf32, #tpu.memory_space<vmem>>
    %dma_wait3A_286 = tpu.memref_slice %arg2[%mul3A_283] : memref<6553600xf32, #tpu.memory_space<hbm>> -> memref<1024xf32, #tpu.memory_space<hbm>>
    %dma_wait3A_287 = arith.constant 7168 : i32
    %dma_wait3A_288 = tpu.memref_slice %arg6[%dma_wait3A_287] : memref<8192xf32, #tpu.memory_space<vmem>> -> memref<1024xf32, #tpu.memory_space<vmem>>
    %dma_wait3A_289 = tpu.memref_slice %arg2[%mul3A_283] : memref<6553600xf32, #tpu.memory_space<hbm>> -> memref<1024xf32, #tpu.memory_space<hbm>>
    tpu.wait_dma2 semaphore(%arg15 : memref<!tpu.dma_semaphore, #tpu.memory_space<semaphore_mem>>) src(%dma_wait3A_289 : memref<1024xf32, #tpu.memory_space<hbm>>) dst(%dma_wait3A_288 : memref<1024xf32, #tpu.memory_space<vmem>>)
    %scan3A = arith.constant 0 : i32
    %scan3A_290 = arith.constant 4.096000e+03 : f32
    %scan3A_291 = arith.constant 0 : i32
    %scan3A_292 = arith.constant 256 : i32
    %scan3A_293 = arith.addi %scan3A_291, %scan3A_292 : i32
    %scan3A_294 = arith.constant 8 : i32
    scf.for %scan3A_345 = %scan3A_291 to %scan3A_293 step %scan3A_294  : i32 {
      %shift_right_arithmetic3A = arith.constant 3 : i32
      %shift_right_arithmetic3A_346 = arith.shrsi %scan3A_345, %shift_right_arithmetic3A : i32
      %and3A = arith.constant 7 : i32
      %and3A_347 = arith.andi %shift_right_arithmetic3A_346, %and3A : i32
      %mul3A_348 = arith.constant 1024 : i32
      %mul3A_349 = arith.muli %and3A_347, %mul3A_348 : i32
      %shift_right_arithmetic3A_350 = arith.constant 6 : i32
      %shift_right_arithmetic3A_351 = arith.shrsi %scan3A_345, %shift_right_arithmetic3A_350 : i32
      %mul3A_352 = arith.constant 256 : i32
      %mul3A_353 = arith.muli %shift_right_arithmetic3A_351, %mul3A_352 : i32
      %add3A_354 = arith.addi %mul3A_349, %mul3A_353 : i32
      %and3A_355 = arith.constant 7 : i32
      %and3A_356 = arith.andi %scan3A_345, %and3A_355 : i32
      %mul3A_357 = arith.constant 16 : i32
      %mul3A_358 = arith.muli %and3A_356, %mul3A_357 : i32
      %add3A_359 = arith.addi %add3A_354, %mul3A_358 : i32
      %get3A_360 = arith.index_cast %add3A_359 : i32 to index
      %get3A_361 = tpu.vector_load %arg6[%get3A_360] {strides = array<i32>} : memref<8192xf32, #tpu.memory_space<vmem>>, vector<16xf32>,
      %add3A_362 = arith.constant 128 : i32
      %add3A_363 = arith.addi %add3A_359, %add3A_362 : i32
      %get3A_364 = arith.index_cast %add3A_363 : i32 to index
      %get3A_365 = tpu.vector_load %arg6[%get3A_364] {strides = array<i32>} : memref<8192xf32, #tpu.memory_space<vmem>>, vector<16xf32>,
      %mul3A_366 = vector.broadcast %scan3A_290 : f32 to vector<16xf32>
      %mul3A_367 = arith.mulf %get3A_361, %mul3A_366 : vector<16xf32>
      %convert_element_type3A = arith.fptosi %mul3A_367 : vector<16xf32> to vector<16xi32>
      %mul3A_368 = vector.broadcast %scan3A_290 : f32 to vector<16xf32>
      %mul3A_369 = arith.mulf %get3A_365, %mul3A_368 : vector<16xf32>
      %convert_element_type3A_370 = arith.fptosi %mul3A_369 : vector<16xf32> to vector<16xi32>
      %mul3A_371 = arith.constant 128 : i32
      %mul3A_372 = vector.broadcast %mul3A_371 : i32 to vector<16xi32>
      %mul3A_373 = arith.muli %convert_element_type3A_370, %mul3A_372 : vector<16xi32>
      %shift_right_arithmetic3A_374 = arith.constant 3 : i32
      %shift_right_arithmetic3A_375 = vector.broadcast %shift_right_arithmetic3A_374 : i32 to vector<16xi32>
      %shift_right_arithmetic3A_376 = arith.shrsi %convert_element_type3A_370, %shift_right_arithmetic3A_375 : vector<16xi32>
      %mul3A_377 = arith.constant 31744 : i32
      %mul3A_378 = vector.broadcast %mul3A_377 : i32 to vector<16xi32>
      %mul3A_379 = arith.muli %shift_right_arithmetic3A_376, %mul3A_378 : vector<16xi32>
      %add3A_380 = arith.addi %mul3A_373, %mul3A_379 : vector<16xi32>
      %shift_right_arithmetic3A_381 = arith.constant 7 : i32
      %shift_right_arithmetic3A_382 = vector.broadcast %shift_right_arithmetic3A_381 : i32 to vector<16xi32>
      %shift_right_arithmetic3A_383 = arith.shrsi %convert_element_type3A, %shift_right_arithmetic3A_382 : vector<16xi32>
      %mul3A_384 = arith.constant 896 : i32
      %mul3A_385 = vector.broadcast %mul3A_384 : i32 to vector<16xi32>
      %mul3A_386 = arith.muli %shift_right_arithmetic3A_383, %mul3A_385 : vector<16xi32>
      %add3A_387 = arith.addi %convert_element_type3A, %mul3A_386 : vector<16xi32>
      %add3A_388 = arith.addi %add3A_380, %add3A_387 : vector<16xi32>
      %mul3A_389 = arith.constant 16 : i32
      %mul3A_390 = arith.muli %scan3A_345, %mul3A_389 : i32
      %swap3A = arith.index_cast %mul3A_390 : i32 to index
      %swap3A_391 = tpu.vector_load %arg8[%swap3A] {strides = array<i32>} : memref<4096xi32, #tpu.memory_space<vmem>>, vector<16xi32>,
      tpu.vector_store %arg8[%swap3A], %add3A_388 {strides = array<i32>} : memref<4096xi32, #tpu.memory_space<vmem>>, vector<16xi32>,
      %scan3A_392 = arith.constant 1 : i32
      %scan3A_393 = arith.addi %scan3A_345, %scan3A_392 : i32
      %shift_right_arithmetic3A_394 = arith.constant 3 : i32
      %shift_right_arithmetic3A_395 = arith.shrsi %scan3A_393, %shift_right_arithmetic3A_394 : i32
      %and3A_396 = arith.constant 7 : i32
      %and3A_397 = arith.andi %shift_right_arithmetic3A_395, %and3A_396 : i32
      %mul3A_398 = arith.constant 1024 : i32
      %mul3A_399 = arith.muli %and3A_397, %mul3A_398 : i32
      %shift_right_arithmetic3A_400 = arith.constant 6 : i32
      %shift_right_arithmetic3A_401 = arith.shrsi %scan3A_393, %shift_right_arithmetic3A_400 : i32
      %mul3A_402 = arith.constant 256 : i32
      %mul3A_403 = arith.muli %shift_right_arithmetic3A_401, %mul3A_402 : i32
      %add3A_404 = arith.addi %mul3A_399, %mul3A_403 : i32
      %and3A_405 = arith.constant 7 : i32
      %and3A_406 = arith.andi %scan3A_393, %and3A_405 : i32
      %mul3A_407 = arith.constant 16 : i32
      %mul3A_408 = arith.muli %and3A_406, %mul3A_407 : i32
      %add3A_409 = arith.addi %add3A_404, %mul3A_408 : i32
      %get3A_410 = arith.index_cast %add3A_409 : i32 to index
      %get3A_411 = tpu.vector_load %arg6[%get3A_410] {strides = array<i32>} : memref<8192xf32, #tpu.memory_space<vmem>>, vector<16xf32>,
      %add3A_412 = arith.constant 128 : i32
      %add3A_413 = arith.addi %add3A_409, %add3A_412 : i32
      %get3A_414 = arith.index_cast %add3A_413 : i32 to index
      %get3A_415 = tpu.vector_load %arg6[%get3A_414] {strides = array<i32>} : memref<8192xf32, #tpu.memory_space<vmem>>, vector<16xf32>,
      %mul3A_416 = vector.broadcast %scan3A_290 : f32 to vector<16xf32>
      %mul3A_417 = arith.mulf %get3A_411, %mul3A_416 : vector<16xf32>
      %convert_element_type3A_418 = arith.fptosi %mul3A_417 : vector<16xf32> to vector<16xi32>
      %mul3A_419 = vector.broadcast %scan3A_290 : f32 to vector<16xf32>
      %mul3A_420 = arith.mulf %get3A_415, %mul3A_419 : vector<16xf32>
      %convert_element_type3A_421 = arith.fptosi %mul3A_420 : vector<16xf32> to vector<16xi32>
      %mul3A_422 = arith.constant 128 : i32
      %mul3A_423 = vector.broadcast %mul3A_422 : i32 to vector<16xi32>
      %mul3A_424 = arith.muli %convert_element_type3A_421, %mul3A_423 : vector<16xi32>
      %shift_right_arithmetic3A_425 = arith.constant 3 : i32
      %shift_right_arithmetic3A_426 = vector.broadcast %shift_right_arithmetic3A_425 : i32 to vector<16xi32>
      %shift_right_arithmetic3A_427 = arith.shrsi %convert_element_type3A_421, %shift_right_arithmetic3A_426 : vector<16xi32>
      %mul3A_428 = arith.constant 31744 : i32
      %mul3A_429 = vector.broadcast %mul3A_428 : i32 to vector<16xi32>
      %mul3A_430 = arith.muli %shift_right_arithmetic3A_427, %mul3A_429 : vector<16xi32>
      %add3A_431 = arith.addi %mul3A_424, %mul3A_430 : vector<16xi32>
      %shift_right_arithmetic3A_432 = arith.constant 7 : i32
      %shift_right_arithmetic3A_433 = vector.broadcast %shift_right_arithmetic3A_432 : i32 to vector<16xi32>
      %shift_right_arithmetic3A_434 = arith.shrsi %convert_element_type3A_418, %shift_right_arithmetic3A_433 : vector<16xi32>
      %mul3A_435 = arith.constant 896 : i32
      %mul3A_436 = vector.broadcast %mul3A_435 : i32 to vector<16xi32>
      %mul3A_437 = arith.muli %shift_right_arithmetic3A_434, %mul3A_436 : vector<16xi32>
      %add3A_438 = arith.addi %convert_element_type3A_418, %mul3A_437 : vector<16xi32>
      %add3A_439 = arith.addi %add3A_431, %add3A_438 : vector<16xi32>
      %mul3A_440 = arith.constant 16 : i32
      %mul3A_441 = arith.muli %scan3A_393, %mul3A_440 : i32
      %swap3A_442 = arith.index_cast %mul3A_441 : i32 to index
      %swap3A_443 = tpu.vector_load %arg8[%swap3A_442] {strides = array<i32>} : memref<4096xi32, #tpu.memory_space<vmem>>, vector<16xi32>,
      tpu.vector_store %arg8[%swap3A_442], %add3A_439 {strides = array<i32>} : memref<4096xi32, #tpu.memory_space<vmem>>, vector<16xi32>,
      %scan3A_444 = arith.constant 2 : i32
      %scan3A_445 = arith.addi %scan3A_345, %scan3A_444 : i32
      %shift_right_arithmetic3A_446 = arith.constant 3 : i32
      %shift_right_arithmetic3A_447 = arith.shrsi %scan3A_445, %shift_right_arithmetic3A_446 : i32
      %and3A_448 = arith.constant 7 : i32
      %and3A_449 = arith.andi %shift_right_arithmetic3A_447, %and3A_448 : i32
      %mul3A_450 = arith.constant 1024 : i32
      %mul3A_451 = arith.muli %and3A_449, %mul3A_450 : i32
      %shift_right_arithmetic3A_452 = arith.constant 6 : i32
      %shift_right_arithmetic3A_453 = arith.shrsi %scan3A_445, %shift_right_arithmetic3A_452 : i32
      %mul3A_454 = arith.constant 256 : i32
      %mul3A_455 = arith.muli %shift_right_arithmetic3A_453, %mul3A_454 : i32
      %add3A_456 = arith.addi %mul3A_451, %mul3A_455 : i32
      %and3A_457 = arith.constant 7 : i32
      %and3A_458 = arith.andi %scan3A_445, %and3A_457 : i32
      %mul3A_459 = arith.constant 16 : i32
      %mul3A_460 = arith.muli %and3A_458, %mul3A_459 : i32
      %add3A_461 = arith.addi %add3A_456, %mul3A_460 : i32
      %get3A_462 = arith.index_cast %add3A_461 : i32 to index
      %get3A_463 = tpu.vector_load %arg6[%get3A_462] {strides = array<i32>} : memref<8192xf32, #tpu.memory_space<vmem>>, vector<16xf32>,
      %add3A_464 = arith.constant 128 : i32
      %add3A_465 = arith.addi %add3A_461, %add3A_464 : i32
      %get3A_466 = arith.index_cast %add3A_465 : i32 to index
      %get3A_467 = tpu.vector_load %arg6[%get3A_466] {strides = array<i32>} : memref<8192xf32, #tpu.memory_space<vmem>>, vector<16xf32>,
      %mul3A_468 = vector.broadcast %scan3A_290 : f32 to vector<16xf32>
      %mul3A_469 = arith.mulf %get3A_463, %mul3A_468 : vector<16xf32>
      %convert_element_type3A_470 = arith.fptosi %mul3A_469 : vector<16xf32> to vector<16xi32>
      %mul3A_471 = vector.broadcast %scan3A_290 : f32 to vector<16xf32>
      %mul3A_472 = arith.mulf %get3A_467, %mul3A_471 : vector<16xf32>
      %convert_element_type3A_473 = arith.fptosi %mul3A_472 : vector<16xf32> to vector<16xi32>
      %mul3A_474 = arith.constant 128 : i32
      %mul3A_475 = vector.broadcast %mul3A_474 : i32 to vector<16xi32>
      %mul3A_476 = arith.muli %convert_element_type3A_473, %mul3A_475 : vector<16xi32>
      %shift_right_arithmetic3A_477 = arith.constant 3 : i32
      %shift_right_arithmetic3A_478 = vector.broadcast %shift_right_arithmetic3A_477 : i32 to vector<16xi32>
      %shift_right_arithmetic3A_479 = arith.shrsi %convert_element_type3A_473, %shift_right_arithmetic3A_478 : vector<16xi32>
      %mul3A_480 = arith.constant 31744 : i32
      %mul3A_481 = vector.broadcast %mul3A_480 : i32 to vector<16xi32>
      %mul3A_482 = arith.muli %shift_right_arithmetic3A_479, %mul3A_481 : vector<16xi32>
      %add3A_483 = arith.addi %mul3A_476, %mul3A_482 : vector<16xi32>
      %shift_right_arithmetic3A_484 = arith.constant 7 : i32
      %shift_right_arithmetic3A_485 = vector.broadcast %shift_right_arithmetic3A_484 : i32 to vector<16xi32>
      %shift_right_arithmetic3A_486 = arith.shrsi %convert_element_type3A_470, %shift_right_arithmetic3A_485 : vector<16xi32>
      %mul3A_487 = arith.constant 896 : i32
      %mul3A_488 = vector.broadcast %mul3A_487 : i32 to vector<16xi32>
      %mul3A_489 = arith.muli %shift_right_arithmetic3A_486, %mul3A_488 : vector<16xi32>
      %add3A_490 = arith.addi %convert_element_type3A_470, %mul3A_489 : vector<16xi32>
      %add3A_491 = arith.addi %add3A_483, %add3A_490 : vector<16xi32>
      %mul3A_492 = arith.constant 16 : i32
      %mul3A_493 = arith.muli %scan3A_445, %mul3A_492 : i32
      %swap3A_494 = arith.index_cast %mul3A_493 : i32 to index
      %swap3A_495 = tpu.vector_load %arg8[%swap3A_494] {strides = array<i32>} : memref<4096xi32, #tpu.memory_space<vmem>>, vector<16xi32>,
      tpu.vector_store %arg8[%swap3A_494], %add3A_491 {strides = array<i32>} : memref<4096xi32, #tpu.memory_space<vmem>>, vector<16xi32>,
      %scan3A_496 = arith.constant 3 : i32
      %scan3A_497 = arith.addi %scan3A_345, %scan3A_496 : i32
      %shift_right_arithmetic3A_498 = arith.constant 3 : i32
      %shift_right_arithmetic3A_499 = arith.shrsi %scan3A_497, %shift_right_arithmetic3A_498 : i32
      %and3A_500 = arith.constant 7 : i32
      %and3A_501 = arith.andi %shift_right_arithmetic3A_499, %and3A_500 : i32
      %mul3A_502 = arith.constant 1024 : i32
      %mul3A_503 = arith.muli %and3A_501, %mul3A_502 : i32
      %shift_right_arithmetic3A_504 = arith.constant 6 : i32
      %shift_right_arithmetic3A_505 = arith.shrsi %scan3A_497, %shift_right_arithmetic3A_504 : i32
      %mul3A_506 = arith.constant 256 : i32
      %mul3A_507 = arith.muli %shift_right_arithmetic3A_505, %mul3A_506 : i32
      %add3A_508 = arith.addi %mul3A_503, %mul3A_507 : i32
      %and3A_509 = arith.constant 7 : i32
      %and3A_510 = arith.andi %scan3A_497, %and3A_509 : i32
      %mul3A_511 = arith.constant 16 : i32
      %mul3A_512 = arith.muli %and3A_510, %mul3A_511 : i32
      %add3A_513 = arith.addi %add3A_508, %mul3A_512 : i32
      %get3A_514 = arith.index_cast %add3A_513 : i32 to index
      %get3A_515 = tpu.vector_load %arg6[%get3A_514] {strides = array<i32>} : memref<8192xf32, #tpu.memory_space<vmem>>, vector<16xf32>,
      %add3A_516 = arith.constant 128 : i32
      %add3A_517 = arith.addi %add3A_513, %add3A_516 : i32
      %get3A_518 = arith.index_cast %add3A_517 : i32 to index
      %get3A_519 = tpu.vector_load %arg6[%get3A_518] {strides = array<i32>} : memref<8192xf32, #tpu.memory_space<vmem>>, vector<16xf32>,
      %mul3A_520 = vector.broadcast %scan3A_290 : f32 to vector<16xf32>
      %mul3A_521 = arith.mulf %get3A_515, %mul3A_520 : vector<16xf32>
      %convert_element_type3A_522 = arith.fptosi %mul3A_521 : vector<16xf32> to vector<16xi32>
      %mul3A_523 = vector.broadcast %scan3A_290 : f32 to vector<16xf32>
      %mul3A_524 = arith.mulf %get3A_519, %mul3A_523 : vector<16xf32>
      %convert_element_type3A_525 = arith.fptosi %mul3A_524 : vector<16xf32> to vector<16xi32>
      %mul3A_526 = arith.constant 128 : i32
      %mul3A_527 = vector.broadcast %mul3A_526 : i32 to vector<16xi32>
      %mul3A_528 = arith.muli %convert_element_type3A_525, %mul3A_527 : vector<16xi32>
      %shift_right_arithmetic3A_529 = arith.constant 3 : i32
      %shift_right_arithmetic3A_530 = vector.broadcast %shift_right_arithmetic3A_529 : i32 to vector<16xi32>
      %shift_right_arithmetic3A_531 = arith.shrsi %convert_element_type3A_525, %shift_right_arithmetic3A_530 : vector<16xi32>
      %mul3A_532 = arith.constant 31744 : i32
      %mul3A_533 = vector.broadcast %mul3A_532 : i32 to vector<16xi32>
      %mul3A_534 = arith.muli %shift_right_arithmetic3A_531, %mul3A_533 : vector<16xi32>
      %add3A_535 = arith.addi %mul3A_528, %mul3A_534 : vector<16xi32>
      %shift_right_arithmetic3A_536 = arith.constant 7 : i32
      %shift_right_arithmetic3A_537 = vector.broadcast %shift_right_arithmetic3A_536 : i32 to vector<16xi32>
      %shift_right_arithmetic3A_538 = arith.shrsi %convert_element_type3A_522, %shift_right_arithmetic3A_537 : vector<16xi32>
      %mul3A_539 = arith.constant 896 : i32
      %mul3A_540 = vector.broadcast %mul3A_539 : i32 to vector<16xi32>
      %mul3A_541 = arith.muli %shift_right_arithmetic3A_538, %mul3A_540 : vector<16xi32>
      %add3A_542 = arith.addi %convert_element_type3A_522, %mul3A_541 : vector<16xi32>
      %add3A_543 = arith.addi %add3A_535, %add3A_542 : vector<16xi32>
      %mul3A_544 = arith.constant 16 : i32
      %mul3A_545 = arith.muli %scan3A_497, %mul3A_544 : i32
      %swap3A_546 = arith.index_cast %mul3A_545 : i32 to index
      %swap3A_547 = tpu.vector_load %arg8[%swap3A_546] {strides = array<i32>} : memref<4096xi32, #tpu.memory_space<vmem>>, vector<16xi32>,
      tpu.vector_store %arg8[%swap3A_546], %add3A_543 {strides = array<i32>} : memref<4096xi32, #tpu.memory_space<vmem>>, vector<16xi32>,
      %scan3A_548 = arith.constant 4 : i32
      %scan3A_549 = arith.addi %scan3A_345, %scan3A_548 : i32
      %shift_right_arithmetic3A_550 = arith.constant 3 : i32
      %shift_right_arithmetic3A_551 = arith.shrsi %scan3A_549, %shift_right_arithmetic3A_550 : i32
      %and3A_552 = arith.constant 7 : i32
      %and3A_553 = arith.andi %shift_right_arithmetic3A_551, %and3A_552 : i32
      %mul3A_554 = arith.constant 1024 : i32
      %mul3A_555 = arith.muli %and3A_553, %mul3A_554 : i32
      %shift_right_arithmetic3A_556 = arith.constant 6 : i32
      %shift_right_arithmetic3A_557 = arith.shrsi %scan3A_549, %shift_right_arithmetic3A_556 : i32
      %mul3A_558 = arith.constant 256 : i32
      %mul3A_559 = arith.muli %shift_right_arithmetic3A_557, %mul3A_558 : i32
      %add3A_560 = arith.addi %mul3A_555, %mul3A_559 : i32
      %and3A_561 = arith.constant 7 : i32
      %and3A_562 = arith.andi %scan3A_549, %and3A_561 : i32
      %mul3A_563 = arith.constant 16 : i32
      %mul3A_564 = arith.muli %and3A_562, %mul3A_563 : i32
      %add3A_565 = arith.addi %add3A_560, %mul3A_564 : i32
      %get3A_566 = arith.index_cast %add3A_565 : i32 to index
      %get3A_567 = tpu.vector_load %arg6[%get3A_566] {strides = array<i32>} : memref<8192xf32, #tpu.memory_space<vmem>>, vector<16xf32>,
      %add3A_568 = arith.constant 128 : i32
      %add3A_569 = arith.addi %add3A_565, %add3A_568 : i32
      %get3A_570 = arith.index_cast %add3A_569 : i32 to index
      %get3A_571 = tpu.vector_load %arg6[%get3A_570] {strides = array<i32>} : memref<8192xf32, #tpu.memory_space<vmem>>, vector<16xf32>,
      %mul3A_572 = vector.broadcast %scan3A_290 : f32 to vector<16xf32>
      %mul3A_573 = arith.mulf %get3A_567, %mul3A_572 : vector<16xf32>
      %convert_element_type3A_574 = arith.fptosi %mul3A_573 : vector<16xf32> to vector<16xi32>
      %mul3A_575 = vector.broadcast %scan3A_290 : f32 to vector<16xf32>
      %mul3A_576 = arith.mulf %get3A_571, %mul3A_575 : vector<16xf32>
      %convert_element_type3A_577 = arith.fptosi %mul3A_576 : vector<16xf32> to vector<16xi32>
      %mul3A_578 = arith.constant 128 : i32
      %mul3A_579 = vector.broadcast %mul3A_578 : i32 to vector<16xi32>
      %mul3A_580 = arith.muli %convert_element_type3A_577, %mul3A_579 : vector<16xi32>
      %shift_right_arithmetic3A_581 = arith.constant 3 : i32
      %shift_right_arithmetic3A_582 = vector.broadcast %shift_right_arithmetic3A_581 : i32 to vector<16xi32>
      %shift_right_arithmetic3A_583 = arith.shrsi %convert_element_type3A_577, %shift_right_arithmetic3A_582 : vector<16xi32>
      %mul3A_584 = arith.constant 31744 : i32
      %mul3A_585 = vector.broadcast %mul3A_584 : i32 to vector<16xi32>
      %mul3A_586 = arith.muli %shift_right_arithmetic3A_583, %mul3A_585 : vector<16xi32>
      %add3A_587 = arith.addi %mul3A_580, %mul3A_586 : vector<16xi32>
      %shift_right_arithmetic3A_588 = arith.constant 7 : i32
      %shift_right_arithmetic3A_589 = vector.broadcast %shift_right_arithmetic3A_588 : i32 to vector<16xi32>
      %shift_right_arithmetic3A_590 = arith.shrsi %convert_element_type3A_574, %shift_right_arithmetic3A_589 : vector<16xi32>
      %mul3A_591 = arith.constant 896 : i32
      %mul3A_592 = vector.broadcast %mul3A_591 : i32 to vector<16xi32>
      %mul3A_593 = arith.muli %shift_right_arithmetic3A_590, %mul3A_592 : vector<16xi32>
      %add3A_594 = arith.addi %convert_element_type3A_574, %mul3A_593 : vector<16xi32>
      %add3A_595 = arith.addi %add3A_587, %add3A_594 : vector<16xi32>
      %mul3A_596 = arith.constant 16 : i32
      %mul3A_597 = arith.muli %scan3A_549, %mul3A_596 : i32
      %swap3A_598 = arith.index_cast %mul3A_597 : i32 to index
      %swap3A_599 = tpu.vector_load %arg8[%swap3A_598] {strides = array<i32>} : memref<4096xi32, #tpu.memory_space<vmem>>, vector<16xi32>,
      tpu.vector_store %arg8[%swap3A_598], %add3A_595 {strides = array<i32>} : memref<4096xi32, #tpu.memory_space<vmem>>, vector<16xi32>,
      %scan3A_600 = arith.constant 5 : i32
      %scan3A_601 = arith.addi %scan3A_345, %scan3A_600 : i32
      %shift_right_arithmetic3A_602 = arith.constant 3 : i32
      %shift_right_arithmetic3A_603 = arith.shrsi %scan3A_601, %shift_right_arithmetic3A_602 : i32
      %and3A_604 = arith.constant 7 : i32
      %and3A_605 = arith.andi %shift_right_arithmetic3A_603, %and3A_604 : i32
      %mul3A_606 = arith.constant 1024 : i32
      %mul3A_607 = arith.muli %and3A_605, %mul3A_606 : i32
      %shift_right_arithmetic3A_608 = arith.constant 6 : i32
      %shift_right_arithmetic3A_609 = arith.shrsi %scan3A_601, %shift_right_arithmetic3A_608 : i32
      %mul3A_610 = arith.constant 256 : i32
      %mul3A_611 = arith.muli %shift_right_arithmetic3A_609, %mul3A_610 : i32
      %add3A_612 = arith.addi %mul3A_607, %mul3A_611 : i32
      %and3A_613 = arith.constant 7 : i32
      %and3A_614 = arith.andi %scan3A_601, %and3A_613 : i32
      %mul3A_615 = arith.constant 16 : i32
      %mul3A_616 = arith.muli %and3A_614, %mul3A_615 : i32
      %add3A_617 = arith.addi %add3A_612, %mul3A_616 : i32
      %get3A_618 = arith.index_cast %add3A_617 : i32 to index
      %get3A_619 = tpu.vector_load %arg6[%get3A_618] {strides = array<i32>} : memref<8192xf32, #tpu.memory_space<vmem>>, vector<16xf32>,
      %add3A_620 = arith.constant 128 : i32
      %add3A_621 = arith.addi %add3A_617, %add3A_620 : i32
      %get3A_622 = arith.index_cast %add3A_621 : i32 to index
      %get3A_623 = tpu.vector_load %arg6[%get3A_622] {strides = array<i32>} : memref<8192xf32, #tpu.memory_space<vmem>>, vector<16xf32>,
      %mul3A_624 = vector.broadcast %scan3A_290 : f32 to vector<16xf32>
      %mul3A_625 = arith.mulf %get3A_619, %mul3A_624 : vector<16xf32>
      %convert_element_type3A_626 = arith.fptosi %mul3A_625 : vector<16xf32> to vector<16xi32>
      %mul3A_627 = vector.broadcast %scan3A_290 : f32 to vector<16xf32>
      %mul3A_628 = arith.mulf %get3A_623, %mul3A_627 : vector<16xf32>
      %convert_element_type3A_629 = arith.fptosi %mul3A_628 : vector<16xf32> to vector<16xi32>
      %mul3A_630 = arith.constant 128 : i32
      %mul3A_631 = vector.broadcast %mul3A_630 : i32 to vector<16xi32>
      %mul3A_632 = arith.muli %convert_element_type3A_629, %mul3A_631 : vector<16xi32>
      %shift_right_arithmetic3A_633 = arith.constant 3 : i32
      %shift_right_arithmetic3A_634 = vector.broadcast %shift_right_arithmetic3A_633 : i32 to vector<16xi32>
      %shift_right_arithmetic3A_635 = arith.shrsi %convert_element_type3A_629, %shift_right_arithmetic3A_634 : vector<16xi32>
      %mul3A_636 = arith.constant 31744 : i32
      %mul3A_637 = vector.broadcast %mul3A_636 : i32 to vector<16xi32>
      %mul3A_638 = arith.muli %shift_right_arithmetic3A_635, %mul3A_637 : vector<16xi32>
      %add3A_639 = arith.addi %mul3A_632, %mul3A_638 : vector<16xi32>
      %shift_right_arithmetic3A_640 = arith.constant 7 : i32
      %shift_right_arithmetic3A_641 = vector.broadcast %shift_right_arithmetic3A_640 : i32 to vector<16xi32>
      %shift_right_arithmetic3A_642 = arith.shrsi %convert_element_type3A_626, %shift_right_arithmetic3A_641 : vector<16xi32>
      %mul3A_643 = arith.constant 896 : i32
      %mul3A_644 = vector.broadcast %mul3A_643 : i32 to vector<16xi32>
      %mul3A_645 = arith.muli %shift_right_arithmetic3A_642, %mul3A_644 : vector<16xi32>
      %add3A_646 = arith.addi %convert_element_type3A_626, %mul3A_645 : vector<16xi32>
      %add3A_647 = arith.addi %add3A_639, %add3A_646 : vector<16xi32>
      %mul3A_648 = arith.constant 16 : i32
      %mul3A_649 = arith.muli %scan3A_601, %mul3A_648 : i32
      %swap3A_650 = arith.index_cast %mul3A_649 : i32 to index
      %swap3A_651 = tpu.vector_load %arg8[%swap3A_650] {strides = array<i32>} : memref<4096xi32, #tpu.memory_space<vmem>>, vector<16xi32>,
      tpu.vector_store %arg8[%swap3A_650], %add3A_647 {strides = array<i32>} : memref<4096xi32, #tpu.memory_space<vmem>>, vector<16xi32>,
      %scan3A_652 = arith.constant 6 : i32
      %scan3A_653 = arith.addi %scan3A_345, %scan3A_652 : i32
      %shift_right_arithmetic3A_654 = arith.constant 3 : i32
      %shift_right_arithmetic3A_655 = arith.shrsi %scan3A_653, %shift_right_arithmetic3A_654 : i32
      %and3A_656 = arith.constant 7 : i32
      %and3A_657 = arith.andi %shift_right_arithmetic3A_655, %and3A_656 : i32
      %mul3A_658 = arith.constant 1024 : i32
      %mul3A_659 = arith.muli %and3A_657, %mul3A_658 : i32
      %shift_right_arithmetic3A_660 = arith.constant 6 : i32
      %shift_right_arithmetic3A_661 = arith.shrsi %scan3A_653, %shift_right_arithmetic3A_660 : i32
      %mul3A_662 = arith.constant 256 : i32
      %mul3A_663 = arith.muli %shift_right_arithmetic3A_661, %mul3A_662 : i32
      %add3A_664 = arith.addi %mul3A_659, %mul3A_663 : i32
      %and3A_665 = arith.constant 7 : i32
      %and3A_666 = arith.andi %scan3A_653, %and3A_665 : i32
      %mul3A_667 = arith.constant 16 : i32
      %mul3A_668 = arith.muli %and3A_666, %mul3A_667 : i32
      %add3A_669 = arith.addi %add3A_664, %mul3A_668 : i32
      %get3A_670 = arith.index_cast %add3A_669 : i32 to index
      %get3A_671 = tpu.vector_load %arg6[%get3A_670] {strides = array<i32>} : memref<8192xf32, #tpu.memory_space<vmem>>, vector<16xf32>,
      %add3A_672 = arith.constant 128 : i32
      %add3A_673 = arith.addi %add3A_669, %add3A_672 : i32
      %get3A_674 = arith.index_cast %add3A_673 : i32 to index
      %get3A_675 = tpu.vector_load %arg6[%get3A_674] {strides = array<i32>} : memref<8192xf32, #tpu.memory_space<vmem>>, vector<16xf32>,
      %mul3A_676 = vector.broadcast %scan3A_290 : f32 to vector<16xf32>
      %mul3A_677 = arith.mulf %get3A_671, %mul3A_676 : vector<16xf32>
      %convert_element_type3A_678 = arith.fptosi %mul3A_677 : vector<16xf32> to vector<16xi32>
      %mul3A_679 = vector.broadcast %scan3A_290 : f32 to vector<16xf32>
      %mul3A_680 = arith.mulf %get3A_675, %mul3A_679 : vector<16xf32>
      %convert_element_type3A_681 = arith.fptosi %mul3A_680 : vector<16xf32> to vector<16xi32>
      %mul3A_682 = arith.constant 128 : i32
      %mul3A_683 = vector.broadcast %mul3A_682 : i32 to vector<16xi32>
      %mul3A_684 = arith.muli %convert_element_type3A_681, %mul3A_683 : vector<16xi32>
      %shift_right_arithmetic3A_685 = arith.constant 3 : i32
      %shift_right_arithmetic3A_686 = vector.broadcast %shift_right_arithmetic3A_685 : i32 to vector<16xi32>
      %shift_right_arithmetic3A_687 = arith.shrsi %convert_element_type3A_681, %shift_right_arithmetic3A_686 : vector<16xi32>
      %mul3A_688 = arith.constant 31744 : i32
      %mul3A_689 = vector.broadcast %mul3A_688 : i32 to vector<16xi32>
      %mul3A_690 = arith.muli %shift_right_arithmetic3A_687, %mul3A_689 : vector<16xi32>
      %add3A_691 = arith.addi %mul3A_684, %mul3A_690 : vector<16xi32>
      %shift_right_arithmetic3A_692 = arith.constant 7 : i32
      %shift_right_arithmetic3A_693 = vector.broadcast %shift_right_arithmetic3A_692 : i32 to vector<16xi32>
      %shift_right_arithmetic3A_694 = arith.shrsi %convert_element_type3A_678, %shift_right_arithmetic3A_693 : vector<16xi32>
      %mul3A_695 = arith.constant 896 : i32
      %mul3A_696 = vector.broadcast %mul3A_695 : i32 to vector<16xi32>
      %mul3A_697 = arith.muli %shift_right_arithmetic3A_694, %mul3A_696 : vector<16xi32>
      %add3A_698 = arith.addi %convert_element_type3A_678, %mul3A_697 : vector<16xi32>
      %add3A_699 = arith.addi %add3A_691, %add3A_698 : vector<16xi32>
      %mul3A_700 = arith.constant 16 : i32
      %mul3A_701 = arith.muli %scan3A_653, %mul3A_700 : i32
      %swap3A_702 = arith.index_cast %mul3A_701 : i32 to index
      %swap3A_703 = tpu.vector_load %arg8[%swap3A_702] {strides = array<i32>} : memref<4096xi32, #tpu.memory_space<vmem>>, vector<16xi32>,
      tpu.vector_store %arg8[%swap3A_702], %add3A_699 {strides = array<i32>} : memref<4096xi32, #tpu.memory_space<vmem>>, vector<16xi32>,
      %scan3A_704 = arith.constant 7 : i32
      %scan3A_705 = arith.addi %scan3A_345, %scan3A_704 : i32
      %shift_right_arithmetic3A_706 = arith.constant 3 : i32
      %shift_right_arithmetic3A_707 = arith.shrsi %scan3A_705, %shift_right_arithmetic3A_706 : i32
      %and3A_708 = arith.constant 7 : i32
      %and3A_709 = arith.andi %shift_right_arithmetic3A_707, %and3A_708 : i32
      %mul3A_710 = arith.constant 1024 : i32
      %mul3A_711 = arith.muli %and3A_709, %mul3A_710 : i32
      %shift_right_arithmetic3A_712 = arith.constant 6 : i32
      %shift_right_arithmetic3A_713 = arith.shrsi %scan3A_705, %shift_right_arithmetic3A_712 : i32
      %mul3A_714 = arith.constant 256 : i32
      %mul3A_715 = arith.muli %shift_right_arithmetic3A_713, %mul3A_714 : i32
      %add3A_716 = arith.addi %mul3A_711, %mul3A_715 : i32
      %and3A_717 = arith.constant 7 : i32
      %and3A_718 = arith.andi %scan3A_705, %and3A_717 : i32
      %mul3A_719 = arith.constant 16 : i32
      %mul3A_720 = arith.muli %and3A_718, %mul3A_719 : i32
      %add3A_721 = arith.addi %add3A_716, %mul3A_720 : i32
      %get3A_722 = arith.index_cast %add3A_721 : i32 to index
      %get3A_723 = tpu.vector_load %arg6[%get3A_722] {strides = array<i32>} : memref<8192xf32, #tpu.memory_space<vmem>>, vector<16xf32>,
      %add3A_724 = arith.constant 128 : i32
      %add3A_725 = arith.addi %add3A_721, %add3A_724 : i32
      %get3A_726 = arith.index_cast %add3A_725 : i32 to index
      %get3A_727 = tpu.vector_load %arg6[%get3A_726] {strides = array<i32>} : memref<8192xf32, #tpu.memory_space<vmem>>, vector<16xf32>,
      %mul3A_728 = vector.broadcast %scan3A_290 : f32 to vector<16xf32>
      %mul3A_729 = arith.mulf %get3A_723, %mul3A_728 : vector<16xf32>
      %convert_element_type3A_730 = arith.fptosi %mul3A_729 : vector<16xf32> to vector<16xi32>
      %mul3A_731 = vector.broadcast %scan3A_290 : f32 to vector<16xf32>
      %mul3A_732 = arith.mulf %get3A_727, %mul3A_731 : vector<16xf32>
      %convert_element_type3A_733 = arith.fptosi %mul3A_732 : vector<16xf32> to vector<16xi32>
      %mul3A_734 = arith.constant 128 : i32
      %mul3A_735 = vector.broadcast %mul3A_734 : i32 to vector<16xi32>
      %mul3A_736 = arith.muli %convert_element_type3A_733, %mul3A_735 : vector<16xi32>
      %shift_right_arithmetic3A_737 = arith.constant 3 : i32
      %shift_right_arithmetic3A_738 = vector.broadcast %shift_right_arithmetic3A_737 : i32 to vector<16xi32>
      %shift_right_arithmetic3A_739 = arith.shrsi %convert_element_type3A_733, %shift_right_arithmetic3A_738 : vector<16xi32>
      %mul3A_740 = arith.constant 31744 : i32
      %mul3A_741 = vector.broadcast %mul3A_740 : i32 to vector<16xi32>
      %mul3A_742 = arith.muli %shift_right_arithmetic3A_739, %mul3A_741 : vector<16xi32>
      %add3A_743 = arith.addi %mul3A_736, %mul3A_742 : vector<16xi32>
      %shift_right_arithmetic3A_744 = arith.constant 7 : i32
      %shift_right_arithmetic3A_745 = vector.broadcast %shift_right_arithmetic3A_744 : i32 to vector<16xi32>
      %shift_right_arithmetic3A_746 = arith.shrsi %convert_element_type3A_730, %shift_right_arithmetic3A_745 : vector<16xi32>
      %mul3A_747 = arith.constant 896 : i32
      %mul3A_748 = vector.broadcast %mul3A_747 : i32 to vector<16xi32>
      %mul3A_749 = arith.muli %shift_right_arithmetic3A_746, %mul3A_748 : vector<16xi32>
      %add3A_750 = arith.addi %convert_element_type3A_730, %mul3A_749 : vector<16xi32>
      %add3A_751 = arith.addi %add3A_743, %add3A_750 : vector<16xi32>
      %mul3A_752 = arith.constant 16 : i32
      %mul3A_753 = arith.muli %scan3A_705, %mul3A_752 : i32
      %swap3A_754 = arith.index_cast %mul3A_753 : i32 to index
      %swap3A_755 = tpu.vector_load %arg8[%swap3A_754] {strides = array<i32>} : memref<4096xi32, #tpu.memory_space<vmem>>, vector<16xi32>,
      tpu.vector_store %arg8[%swap3A_754], %add3A_751 {strides = array<i32>} : memref<4096xi32, #tpu.memory_space<vmem>>, vector<16xi32>,
    }
    %scan3A_295 = arith.constant 256 : i32
    %dma_start3A_296 = arith.constant 0 : i32
    %dma_start3A_297 = tpu.memref_slice %arg3[%dma_start3A_296] : memref<16777216xf32, #tpu.memory_space<hbm>> -> memref<16777216xf32, #tpu.memory_space<hbm>>
    tpu.enqueue_indirect_dma source(%dma_start3A_297 : memref<16777216xf32, #tpu.memory_space<hbm>>) target(%arg10 : memref<4096xf32, #tpu.memory_space<vmem>>) offsets(%arg8 : memref<4096xi32, #tpu.memory_space<vmem>>) semaphore(%arg17 : memref<!tpu.dma_semaphore, #tpu.memory_space<semaphore_mem>>)
    %scan3A_298 = arith.constant 0 : i32
    %scan3A_299 = arith.constant 4.096000e+03 : f32
    %scan3A_300 = arith.constant 0 : i32
    %scan3A_301 = arith.constant 12 : i32
    %scan3A_302 = arith.addi %scan3A_300, %scan3A_301 : i32
    %scan3A_303 = arith.constant 1 : i32
    scf.for %scan3A_345 = %scan3A_300 to %scan3A_302 step %scan3A_303  : i32 {
      %mul3A_346 = arith.constant 2 : i32
      %mul3A_347 = arith.muli %mul3A_346, %scan3A_345 : i32
      %add3A_348 = arith.constant 1 : i32
      %add3A_349 = arith.addi %mul3A_347, %add3A_348 : i32
      %add3A_350 = arith.constant 0 : i32
      %add3A_351 = arith.addi %add3A_349, %add3A_350 : i32
      %mul3A_352 = arith.constant 8 : i32
      %mul3A_353 = arith.muli %mul3A_352, %add3A_351 : i32
      %add3A_354 = arith.constant 0 : i32
      %add3A_355 = arith.addi %mul3A_353, %add3A_354 : i32
      %mul3A_356 = arith.constant 128 : i32
      %mul3A_357 = arith.muli %add3A_355, %mul3A_356 : i32
      %mul3A_358 = arith.constant 4 : i32
      %mul3A_359 = arith.muli %mul3A_358, %add3A : i32
      %add3A_360 = arith.addi %mul3A_357, %mul3A_359 : i32
      %mul3A_361 = arith.constant 256 : i32
      %mul3A_362 = arith.muli %add3A_360, %mul3A_361 : i32
      %dma_wait3A_363 = arith.constant 0 : i32
      %dma_wait3A_364 = tpu.memref_slice %arg7[%dma_wait3A_363] : memref<8192xf32, #tpu.memory_space<vmem>> -> memref<1024xf32, #tpu.memory_space<vmem>>
      %dma_wait3A_365 = tpu.memref_slice %arg2[%mul3A_362] : memref<6553600xf32, #tpu.memory_space<hbm>> -> memref<1024xf32, #tpu.memory_space<hbm>>
      %dma_wait3A_366 = arith.constant 0 : i32
      %dma_wait3A_367 = tpu.memref_slice %arg7[%dma_wait3A_366] : memref<8192xf32, #tpu.memory_space<vmem>> -> memref<1024xf32, #tpu.memory_space<vmem>>
      %dma_wait3A_368 = tpu.memref_slice %arg2[%mul3A_362] : memref<6553600xf32, #tpu.memory_space<hbm>> -> memref<1024xf32, #tpu.memory_space<hbm>>
      tpu.wait_dma2 semaphore(%arg16 : memref<!tpu.dma_semaphore, #tpu.memory_space<semaphore_mem>>) src(%dma_wait3A_368 : memref<1024xf32, #tpu.memory_space<hbm>>) dst(%dma_wait3A_367 : memref<1024xf32, #tpu.memory_space<vmem>>)
      %mul3A_369 = arith.constant 8 : i32
      %mul3A_370 = arith.muli %mul3A_369, %add3A_351 : i32
      %add3A_371 = arith.constant 1 : i32
      %add3A_372 = arith.addi %mul3A_370, %add3A_371 : i32
      %mul3A_373 = arith.constant 128 : i32
      %mul3A_374 = arith.muli %add3A_372, %mul3A_373 : i32
      %mul3A_375 = arith.constant 4 : i32
      %mul3A_376 = arith.muli %mul3A_375, %add3A : i32
      %add3A_377 = arith.addi %mul3A_374, %mul3A_376 : i32
      %mul3A_378 = arith.constant 256 : i32
      %mul3A_379 = arith.muli %add3A_377, %mul3A_378 : i32
      %dma_wait3A_380 = arith.constant 1024 : i32
      %dma_wait3A_381 = tpu.memref_slice %arg7[%dma_wait3A_380] : memref<8192xf32, #tpu.memory_space<vmem>> -> memref<1024xf32, #tpu.memory_space<vmem>>
      %dma_wait3A_382 = tpu.memref_slice %arg2[%mul3A_379] : memref<6553600xf32, #tpu.memory_space<hbm>> -> memref<1024xf32, #tpu.memory_space<hbm>>
      %dma_wait3A_383 = arith.constant 1024 : i32
      %dma_wait3A_384 = tpu.memref_slice %arg7[%dma_wait3A_383] : memref<8192xf32, #tpu.memory_space<vmem>> -> memref<1024xf32, #tpu.memory_space<vmem>>
      %dma_wait3A_385 = tpu.memref_slice %arg2[%mul3A_379] : memref<6553600xf32, #tpu.memory_space<hbm>> -> memref<1024xf32, #tpu.memory_space<hbm>>
      tpu.wait_dma2 semaphore(%arg16 : memref<!tpu.dma_semaphore, #tpu.memory_space<semaphore_mem>>) src(%dma_wait3A_385 : memref<1024xf32, #tpu.memory_space<hbm>>) dst(%dma_wait3A_384 : memref<1024xf32, #tpu.memory_space<vmem>>)
      %mul3A_386 = arith.constant 8 : i32
      %mul3A_387 = arith.muli %mul3A_386, %add3A_351 : i32
      %add3A_388 = arith.constant 2 : i32
      %add3A_389 = arith.addi %mul3A_387, %add3A_388 : i32
      %mul3A_390 = arith.constant 128 : i32
      %mul3A_391 = arith.muli %add3A_389, %mul3A_390 : i32
      %mul3A_392 = arith.constant 4 : i32
      %mul3A_393 = arith.muli %mul3A_392, %add3A : i32
      %add3A_394 = arith.addi %mul3A_391, %mul3A_393 : i32
      %mul3A_395 = arith.constant 256 : i32
      %mul3A_396 = arith.muli %add3A_394, %mul3A_395 : i32
      %dma_wait3A_397 = arith.constant 2048 : i32
      %dma_wait3A_398 = tpu.memref_slice %arg7[%dma_wait3A_397] : memref<8192xf32, #tpu.memory_space<vmem>> -> memref<1024xf32, #tpu.memory_space<vmem>>
      %dma_wait3A_399 = tpu.memref_slice %arg2[%mul3A_396] : memref<6553600xf32, #tpu.memory_space<hbm>> -> memref<1024xf32, #tpu.memory_space<hbm>>
      %dma_wait3A_400 = arith.constant 2048 : i32
      %dma_wait3A_401 = tpu.memref_slice %arg7[%dma_wait3A_400] : memref<8192xf32, #tpu.memory_space<vmem>> -> memref<1024xf32, #tpu.memory_space<vmem>>
      %dma_wait3A_402 = tpu.memref_slice %arg2[%mul3A_396] : memref<6553600xf32, #tpu.memory_space<hbm>> -> memref<1024xf32, #tpu.memory_space<hbm>>
      tpu.wait_dma2 semaphore(%arg16 : memref<!tpu.dma_semaphore, #tpu.memory_space<semaphore_mem>>) src(%dma_wait3A_402 : memref<1024xf32, #tpu.memory_space<hbm>>) dst(%dma_wait3A_401 : memref<1024xf32, #tpu.memory_space<vmem>>)
      %mul3A_403 = arith.constant 8 : i32
      %mul3A_404 = arith.muli %mul3A_403, %add3A_351 : i32
      %add3A_405 = arith.constant 3 : i32
      %add3A_406 = arith.addi %mul3A_404, %add3A_405 : i32
      %mul3A_407 = arith.constant 128 : i32
      %mul3A_408 = arith.muli %add3A_406, %mul3A_407 : i32
      %mul3A_409 = arith.constant 4 : i32
      %mul3A_410 = arith.muli %mul3A_409, %add3A : i32
      %add3A_411 = arith.addi %mul3A_408, %mul3A_410 : i32
      %mul3A_412 = arith.constant 256 : i32
      %mul3A_413 = arith.muli %add3A_411, %mul3A_412 : i32
      %dma_wait3A_414 = arith.constant 3072 : i32
      %dma_wait3A_415 = tpu.memref_slice %arg7[%dma_wait3A_414] : memref<8192xf32, #tpu.memory_space<vmem>> -> memref<1024xf32, #tpu.memory_space<vmem>>
      %dma_wait3A_416 = tpu.memref_slice %arg2[%mul3A_413] : memref<6553600xf32, #tpu.memory_space<hbm>> -> memref<1024xf32, #tpu.memory_space<hbm>>
      %dma_wait3A_417 = arith.constant 3072 : i32
      %dma_wait3A_418 = tpu.memref_slice %arg7[%dma_wait3A_417] : memref<8192xf32, #tpu.memory_space<vmem>> -> memref<1024xf32, #tpu.memory_space<vmem>>
      %dma_wait3A_419 = tpu.memref_slice %arg2[%mul3A_413] : memref<6553600xf32, #tpu.memory_space<hbm>> -> memref<1024xf32, #tpu.memory_space<hbm>>
      tpu.wait_dma2 semaphore(%arg16 : memref<!tpu.dma_semaphore, #tpu.memory_space<semaphore_mem>>) src(%dma_wait3A_419 : memref<1024xf32, #tpu.memory_space<hbm>>) dst(%dma_wait3A_418 : memref<1024xf32, #tpu.memory_space<vmem>>)
      %mul3A_420 = arith.constant 8 : i32
      %mul3A_421 = arith.muli %mul3A_420, %add3A_351 : i32
      %add3A_422 = arith.constant 4 : i32
      %add3A_423 = arith.addi %mul3A_421, %add3A_422 : i32
      %mul3A_424 = arith.constant 128 : i32
      %mul3A_425 = arith.muli %add3A_423, %mul3A_424 : i32
      %mul3A_426 = arith.constant 4 : i32
      %mul3A_427 = arith.muli %mul3A_426, %add3A : i32
      %add3A_428 = arith.addi %mul3A_425, %mul3A_427 : i32
      %mul3A_429 = arith.constant 256 : i32
      %mul3A_430 = arith.muli %add3A_428, %mul3A_429 : i32
      %dma_wait3A_431 = arith.constant 4096 : i32
      %dma_wait3A_432 = tpu.memref_slice %arg7[%dma_wait3A_431] : memref<8192xf32, #tpu.memory_space<vmem>> -> memref<1024xf32, #tpu.memory_space<vmem>>
      %dma_wait3A_433 = tpu.memref_slice %arg2[%mul3A_430] : memref<6553600xf32, #tpu.memory_space<hbm>> -> memref<1024xf32, #tpu.memory_space<hbm>>
      %dma_wait3A_434 = arith.constant 4096 : i32
      %dma_wait3A_435 = tpu.memref_slice %arg7[%dma_wait3A_434] : memref<8192xf32, #tpu.memory_space<vmem>> -> memref<1024xf32, #tpu.memory_space<vmem>>
      %dma_wait3A_436 = tpu.memref_slice %arg2[%mul3A_430] : memref<6553600xf32, #tpu.memory_space<hbm>> -> memref<1024xf32, #tpu.memory_space<hbm>>
      tpu.wait_dma2 semaphore(%arg16 : memref<!tpu.dma_semaphore, #tpu.memory_space<semaphore_mem>>) src(%dma_wait3A_436 : memref<1024xf32, #tpu.memory_space<hbm>>) dst(%dma_wait3A_435 : memref<1024xf32, #tpu.memory_space<vmem>>)
      %mul3A_437 = arith.constant 8 : i32
      %mul3A_438 = arith.muli %mul3A_437, %add3A_351 : i32
      %add3A_439 = arith.constant 5 : i32
      %add3A_440 = arith.addi %mul3A_438, %add3A_439 : i32
      %mul3A_441 = arith.constant 128 : i32
      %mul3A_442 = arith.muli %add3A_440, %mul3A_441 : i32
      %mul3A_443 = arith.constant 4 : i32
      %mul3A_444 = arith.muli %mul3A_443, %add3A : i32
      %add3A_445 = arith.addi %mul3A_442, %mul3A_444 : i32
      %mul3A_446 = arith.constant 256 : i32
      %mul3A_447 = arith.muli %add3A_445, %mul3A_446 : i32
      %dma_wait3A_448 = arith.constant 5120 : i32
      %dma_wait3A_449 = tpu.memref_slice %arg7[%dma_wait3A_448] : memref<8192xf32, #tpu.memory_space<vmem>> -> memref<1024xf32, #tpu.memory_space<vmem>>
      %dma_wait3A_450 = tpu.memref_slice %arg2[%mul3A_447] : memref<6553600xf32, #tpu.memory_space<hbm>> -> memref<1024xf32, #tpu.memory_space<hbm>>
      %dma_wait3A_451 = arith.constant 5120 : i32
      %dma_wait3A_452 = tpu.memref_slice %arg7[%dma_wait3A_451] : memref<8192xf32, #tpu.memory_space<vmem>> -> memref<1024xf32, #tpu.memory_space<vmem>>
      %dma_wait3A_453 = tpu.memref_slice %arg2[%mul3A_447] : memref<6553600xf32, #tpu.memory_space<hbm>> -> memref<1024xf32, #tpu.memory_space<hbm>>
      tpu.wait_dma2 semaphore(%arg16 : memref<!tpu.dma_semaphore, #tpu.memory_space<semaphore_mem>>) src(%dma_wait3A_453 : memref<1024xf32, #tpu.memory_space<hbm>>) dst(%dma_wait3A_452 : memref<1024xf32, #tpu.memory_space<vmem>>)
      %mul3A_454 = arith.constant 8 : i32
      %mul3A_455 = arith.muli %mul3A_454, %add3A_351 : i32
      %add3A_456 = arith.constant 6 : i32
      %add3A_457 = arith.addi %mul3A_455, %add3A_456 : i32
      %mul3A_458 = arith.constant 128 : i32
      %mul3A_459 = arith.muli %add3A_457, %mul3A_458 : i32
      %mul3A_460 = arith.constant 4 : i32
      %mul3A_461 = arith.muli %mul3A_460, %add3A : i32
      %add3A_462 = arith.addi %mul3A_459, %mul3A_461 : i32
      %mul3A_463 = arith.constant 256 : i32
      %mul3A_464 = arith.muli %add3A_462, %mul3A_463 : i32
      %dma_wait3A_465 = arith.constant 6144 : i32
      %dma_wait3A_466 = tpu.memref_slice %arg7[%dma_wait3A_465] : memref<8192xf32, #tpu.memory_space<vmem>> -> memref<1024xf32, #tpu.memory_space<vmem>>
      %dma_wait3A_467 = tpu.memref_slice %arg2[%mul3A_464] : memref<6553600xf32, #tpu.memory_space<hbm>> -> memref<1024xf32, #tpu.memory_space<hbm>>
      %dma_wait3A_468 = arith.constant 6144 : i32
      %dma_wait3A_469 = tpu.memref_slice %arg7[%dma_wait3A_468] : memref<8192xf32, #tpu.memory_space<vmem>> -> memref<1024xf32, #tpu.memory_space<vmem>>
      %dma_wait3A_470 = tpu.memref_slice %arg2[%mul3A_464] : memref<6553600xf32, #tpu.memory_space<hbm>> -> memref<1024xf32, #tpu.memory_space<hbm>>
      tpu.wait_dma2 semaphore(%arg16 : memref<!tpu.dma_semaphore, #tpu.memory_space<semaphore_mem>>) src(%dma_wait3A_470 : memref<1024xf32, #tpu.memory_space<hbm>>) dst(%dma_wait3A_469 : memref<1024xf32, #tpu.memory_space<vmem>>)
      %mul3A_471 = arith.constant 8 : i32
      %mul3A_472 = arith.muli %mul3A_471, %add3A_351 : i32
      %add3A_473 = arith.constant 7 : i32
      %add3A_474 = arith.addi %mul3A_472, %add3A_473 : i32
      %mul3A_475 = arith.constant 128 : i32
      %mul3A_476 = arith.muli %add3A_474, %mul3A_475 : i32
      %mul3A_477 = arith.constant 4 : i32
      %mul3A_478 = arith.muli %mul3A_477, %add3A : i32
      %add3A_479 = arith.addi %mul3A_476, %mul3A_478 : i32
      %mul3A_480 = arith.constant 256 : i32
      %mul3A_481 = arith.muli %add3A_479, %mul3A_480 : i32
      %dma_wait3A_482 = arith.constant 7168 : i32
      %dma_wait3A_483 = tpu.memref_slice %arg7[%dma_wait3A_482] : memref<8192xf32, #tpu.memory_space<vmem>> -> memref<1024xf32, #tpu.memory_space<vmem>>
      %dma_wait3A_484 = tpu.memref_slice %arg2[%mul3A_481] : memref<6553600xf32, #tpu.memory_space<hbm>> -> memref<1024xf32, #tpu.memory_space<hbm>>
      %dma_wait3A_485 = arith.constant 7168 : i32
      %dma_wait3A_486 = tpu.memref_slice %arg7[%dma_wait3A_485] : memref<8192xf32, #tpu.memory_space<vmem>> -> memref<1024xf32, #tpu.memory_space<vmem>>
      %dma_wait3A_487 = tpu.memref_slice %arg2[%mul3A_481] : memref<6553600xf32, #tpu.memory_space<hbm>> -> memref<1024xf32, #tpu.memory_space<hbm>>
      tpu.wait_dma2 semaphore(%arg16 : memref<!tpu.dma_semaphore, #tpu.memory_space<semaphore_mem>>) src(%dma_wait3A_487 : memref<1024xf32, #tpu.memory_space<hbm>>) dst(%dma_wait3A_486 : memref<1024xf32, #tpu.memory_space<vmem>>)
      %scan3A_488 = arith.constant 0 : i32
      %scan3A_489 = arith.constant 0 : i32
      %scan3A_490 = arith.constant 256 : i32
      %scan3A_491 = arith.addi %scan3A_489, %scan3A_490 : i32
      %scan3A_492 = arith.constant 8 : i32
      scf.for %scan3A_832 = %scan3A_489 to %scan3A_491 step %scan3A_492  : i32 {
        %shift_right_arithmetic3A = arith.constant 3 : i32
        %shift_right_arithmetic3A_833 = arith.shrsi %scan3A_832, %shift_right_arithmetic3A : i32
        %and3A = arith.constant 7 : i32
        %and3A_834 = arith.andi %shift_right_arithmetic3A_833, %and3A : i32
        %mul3A_835 = arith.constant 1024 : i32
        %mul3A_836 = arith.muli %and3A_834, %mul3A_835 : i32
        %shift_right_arithmetic3A_837 = arith.constant 6 : i32
        %shift_right_arithmetic3A_838 = arith.shrsi %scan3A_832, %shift_right_arithmetic3A_837 : i32
        %mul3A_839 = arith.constant 256 : i32
        %mul3A_840 = arith.muli %shift_right_arithmetic3A_838, %mul3A_839 : i32
        %add3A_841 = arith.addi %mul3A_836, %mul3A_840 : i32
        %and3A_842 = arith.constant 7 : i32
        %and3A_843 = arith.andi %scan3A_832, %and3A_842 : i32
        %mul3A_844 = arith.constant 16 : i32
        %mul3A_845 = arith.muli %and3A_843, %mul3A_844 : i32
        %add3A_846 = arith.addi %add3A_841, %mul3A_845 : i32
        %get3A_847 = arith.index_cast %add3A_846 : i32 to index
        %get3A_848 = tpu.vector_load %arg7[%get3A_847] {strides = array<i32>} : memref<8192xf32, #tpu.memory_space<vmem>>, vector<16xf32>,
        %add3A_849 = arith.constant 128 : i32
        %add3A_850 = arith.addi %add3A_846, %add3A_849 : i32
        %get3A_851 = arith.index_cast %add3A_850 : i32 to index
        %get3A_852 = tpu.vector_load %arg7[%get3A_851] {strides = array<i32>} : memref<8192xf32, #tpu.memory_space<vmem>>, vector<16xf32>,
        %mul3A_853 = vector.broadcast %scan3A_299 : f32 to vector<16xf32>
        %mul3A_854 = arith.mulf %get3A_848, %mul3A_853 : vector<16xf32>
        %convert_element_type3A_855 = arith.fptosi %mul3A_854 : vector<16xf32> to vector<16xi32>
        %mul3A_856 = vector.broadcast %scan3A_299 : f32 to vector<16xf32>
        %mul3A_857 = arith.mulf %get3A_852, %mul3A_856 : vector<16xf32>
        %convert_element_type3A_858 = arith.fptosi %mul3A_857 : vector<16xf32> to vector<16xi32>
        %mul3A_859 = arith.constant 128 : i32
        %mul3A_860 = vector.broadcast %mul3A_859 : i32 to vector<16xi32>
        %mul3A_861 = arith.muli %convert_element_type3A_858, %mul3A_860 : vector<16xi32>
        %shift_right_arithmetic3A_862 = arith.constant 3 : i32
        %shift_right_arithmetic3A_863 = vector.broadcast %shift_right_arithmetic3A_862 : i32 to vector<16xi32>
        %shift_right_arithmetic3A_864 = arith.shrsi %convert_element_type3A_858, %shift_right_arithmetic3A_863 : vector<16xi32>
        %mul3A_865 = arith.constant 31744 : i32
        %mul3A_866 = vector.broadcast %mul3A_865 : i32 to vector<16xi32>
        %mul3A_867 = arith.muli %shift_right_arithmetic3A_864, %mul3A_866 : vector<16xi32>
        %add3A_868 = arith.addi %mul3A_861, %mul3A_867 : vector<16xi32>
        %shift_right_arithmetic3A_869 = arith.constant 7 : i32
        %shift_right_arithmetic3A_870 = vector.broadcast %shift_right_arithmetic3A_869 : i32 to vector<16xi32>
        %shift_right_arithmetic3A_871 = arith.shrsi %convert_element_type3A_855, %shift_right_arithmetic3A_870 : vector<16xi32>
        %mul3A_872 = arith.constant 896 : i32
        %mul3A_873 = vector.broadcast %mul3A_872 : i32 to vector<16xi32>
        %mul3A_874 = arith.muli %shift_right_arithmetic3A_871, %mul3A_873 : vector<16xi32>
        %add3A_875 = arith.addi %convert_element_type3A_855, %mul3A_874 : vector<16xi32>
        %add3A_876 = arith.addi %add3A_868, %add3A_875 : vector<16xi32>
        %mul3A_877 = arith.constant 16 : i32
        %mul3A_878 = arith.muli %scan3A_832, %mul3A_877 : i32
        %swap3A = arith.index_cast %mul3A_878 : i32 to index
        %swap3A_879 = tpu.vector_load %arg9[%swap3A] {strides = array<i32>} : memref<4096xi32, #tpu.memory_space<vmem>>, vector<16xi32>,
        tpu.vector_store %arg9[%swap3A], %add3A_876 {strides = array<i32>} : memref<4096xi32, #tpu.memory_space<vmem>>, vector<16xi32>,
        %scan3A_880 = arith.constant 1 : i32
        %scan3A_881 = arith.addi %scan3A_832, %scan3A_880 : i32
        %shift_right_arithmetic3A_882 = arith.constant 3 : i32
        %shift_right_arithmetic3A_883 = arith.shrsi %scan3A_881, %shift_right_arithmetic3A_882 : i32
        %and3A_884 = arith.constant 7 : i32
        %and3A_885 = arith.andi %shift_right_arithmetic3A_883, %and3A_884 : i32
        %mul3A_886 = arith.constant 1024 : i32
        %mul3A_887 = arith.muli %and3A_885, %mul3A_886 : i32
        %shift_right_arithmetic3A_888 = arith.constant 6 : i32
        %shift_right_arithmetic3A_889 = arith.shrsi %scan3A_881, %shift_right_arithmetic3A_888 : i32
        %mul3A_890 = arith.constant 256 : i32
        %mul3A_891 = arith.muli %shift_right_arithmetic3A_889, %mul3A_890 : i32
        %add3A_892 = arith.addi %mul3A_887, %mul3A_891 : i32
        %and3A_893 = arith.constant 7 : i32
        %and3A_894 = arith.andi %scan3A_881, %and3A_893 : i32
        %mul3A_895 = arith.constant 16 : i32
        %mul3A_896 = arith.muli %and3A_894, %mul3A_895 : i32
        %add3A_897 = arith.addi %add3A_892, %mul3A_896 : i32
        %get3A_898 = arith.index_cast %add3A_897 : i32 to index
        %get3A_899 = tpu.vector_load %arg7[%get3A_898] {strides = array<i32>} : memref<8192xf32, #tpu.memory_space<vmem>>, vector<16xf32>,
        %add3A_900 = arith.constant 128 : i32
        %add3A_901 = arith.addi %add3A_897, %add3A_900 : i32
        %get3A_902 = arith.index_cast %add3A_901 : i32 to index
        %get3A_903 = tpu.vector_load %arg7[%get3A_902] {strides = array<i32>} : memref<8192xf32, #tpu.memory_space<vmem>>, vector<16xf32>,
        %mul3A_904 = vector.broadcast %scan3A_299 : f32 to vector<16xf32>
        %mul3A_905 = arith.mulf %get3A_899, %mul3A_904 : vector<16xf32>
        %convert_element_type3A_906 = arith.fptosi %mul3A_905 : vector<16xf32> to vector<16xi32>
        %mul3A_907 = vector.broadcast %scan3A_299 : f32 to vector<16xf32>
        %mul3A_908 = arith.mulf %get3A_903, %mul3A_907 : vector<16xf32>
        %convert_element_type3A_909 = arith.fptosi %mul3A_908 : vector<16xf32> to vector<16xi32>
        %mul3A_910 = arith.constant 128 : i32
        %mul3A_911 = vector.broadcast %mul3A_910 : i32 to vector<16xi32>
        %mul3A_912 = arith.muli %convert_element_type3A_909, %mul3A_911 : vector<16xi32>
        %shift_right_arithmetic3A_913 = arith.constant 3 : i32
        %shift_right_arithmetic3A_914 = vector.broadcast %shift_right_arithmetic3A_913 : i32 to vector<16xi32>
        %shift_right_arithmetic3A_915 = arith.shrsi %convert_element_type3A_909, %shift_right_arithmetic3A_914 : vector<16xi32>
        %mul3A_916 = arith.constant 31744 : i32
        %mul3A_917 = vector.broadcast %mul3A_916 : i32 to vector<16xi32>
        %mul3A_918 = arith.muli %shift_right_arithmetic3A_915, %mul3A_917 : vector<16xi32>
        %add3A_919 = arith.addi %mul3A_912, %mul3A_918 : vector<16xi32>
        %shift_right_arithmetic3A_920 = arith.constant 7 : i32
        %shift_right_arithmetic3A_921 = vector.broadcast %shift_right_arithmetic3A_920 : i32 to vector<16xi32>
        %shift_right_arithmetic3A_922 = arith.shrsi %convert_element_type3A_906, %shift_right_arithmetic3A_921 : vector<16xi32>
        %mul3A_923 = arith.constant 896 : i32
        %mul3A_924 = vector.broadcast %mul3A_923 : i32 to vector<16xi32>
        %mul3A_925 = arith.muli %shift_right_arithmetic3A_922, %mul3A_924 : vector<16xi32>
        %add3A_926 = arith.addi %convert_element_type3A_906, %mul3A_925 : vector<16xi32>
        %add3A_927 = arith.addi %add3A_919, %add3A_926 : vector<16xi32>
        %mul3A_928 = arith.constant 16 : i32
        %mul3A_929 = arith.muli %scan3A_881, %mul3A_928 : i32
        %swap3A_930 = arith.index_cast %mul3A_929 : i32 to index
        %swap3A_931 = tpu.vector_load %arg9[%swap3A_930] {strides = array<i32>} : memref<4096xi32, #tpu.memory_space<vmem>>, vector<16xi32>,
        tpu.vector_store %arg9[%swap3A_930], %add3A_927 {strides = array<i32>} : memref<4096xi32, #tpu.memory_space<vmem>>, vector<16xi32>,
        %scan3A_932 = arith.constant 2 : i32
        %scan3A_933 = arith.addi %scan3A_832, %scan3A_932 : i32
        %shift_right_arithmetic3A_934 = arith.constant 3 : i32
        %shift_right_arithmetic3A_935 = arith.shrsi %scan3A_933, %shift_right_arithmetic3A_934 : i32
        %and3A_936 = arith.constant 7 : i32
        %and3A_937 = arith.andi %shift_right_arithmetic3A_935, %and3A_936 : i32
        %mul3A_938 = arith.constant 1024 : i32
        %mul3A_939 = arith.muli %and3A_937, %mul3A_938 : i32
        %shift_right_arithmetic3A_940 = arith.constant 6 : i32
        %shift_right_arithmetic3A_941 = arith.shrsi %scan3A_933, %shift_right_arithmetic3A_940 : i32
        %mul3A_942 = arith.constant 256 : i32
        %mul3A_943 = arith.muli %shift_right_arithmetic3A_941, %mul3A_942 : i32
        %add3A_944 = arith.addi %mul3A_939, %mul3A_943 : i32
        %and3A_945 = arith.constant 7 : i32
        %and3A_946 = arith.andi %scan3A_933, %and3A_945 : i32
        %mul3A_947 = arith.constant 16 : i32
        %mul3A_948 = arith.muli %and3A_946, %mul3A_947 : i32
        %add3A_949 = arith.addi %add3A_944, %mul3A_948 : i32
        %get3A_950 = arith.index_cast %add3A_949 : i32 to index
        %get3A_951 = tpu.vector_load %arg7[%get3A_950] {strides = array<i32>} : memref<8192xf32, #tpu.memory_space<vmem>>, vector<16xf32>,
        %add3A_952 = arith.constant 128 : i32
        %add3A_953 = arith.addi %add3A_949, %add3A_952 : i32
        %get3A_954 = arith.index_cast %add3A_953 : i32 to index
        %get3A_955 = tpu.vector_load %arg7[%get3A_954] {strides = array<i32>} : memref<8192xf32, #tpu.memory_space<vmem>>, vector<16xf32>,
        %mul3A_956 = vector.broadcast %scan3A_299 : f32 to vector<16xf32>
        %mul3A_957 = arith.mulf %get3A_951, %mul3A_956 : vector<16xf32>
        %convert_element_type3A_958 = arith.fptosi %mul3A_957 : vector<16xf32> to vector<16xi32>
        %mul3A_959 = vector.broadcast %scan3A_299 : f32 to vector<16xf32>
        %mul3A_960 = arith.mulf %get3A_955, %mul3A_959 : vector<16xf32>
        %convert_element_type3A_961 = arith.fptosi %mul3A_960 : vector<16xf32> to vector<16xi32>
        %mul3A_962 = arith.constant 128 : i32
        %mul3A_963 = vector.broadcast %mul3A_962 : i32 to vector<16xi32>
        %mul3A_964 = arith.muli %convert_element_type3A_961, %mul3A_963 : vector<16xi32>
        %shift_right_arithmetic3A_965 = arith.constant 3 : i32
        %shift_right_arithmetic3A_966 = vector.broadcast %shift_right_arithmetic3A_965 : i32 to vector<16xi32>
        %shift_right_arithmetic3A_967 = arith.shrsi %convert_element_type3A_961, %shift_right_arithmetic3A_966 : vector<16xi32>
        %mul3A_968 = arith.constant 31744 : i32
        %mul3A_969 = vector.broadcast %mul3A_968 : i32 to vector<16xi32>
        %mul3A_970 = arith.muli %shift_right_arithmetic3A_967, %mul3A_969 : vector<16xi32>
        %add3A_971 = arith.addi %mul3A_964, %mul3A_970 : vector<16xi32>
        %shift_right_arithmetic3A_972 = arith.constant 7 : i32
        %shift_right_arithmetic3A_973 = vector.broadcast %shift_right_arithmetic3A_972 : i32 to vector<16xi32>
        %shift_right_arithmetic3A_974 = arith.shrsi %convert_element_type3A_958, %shift_right_arithmetic3A_973 : vector<16xi32>
        %mul3A_975 = arith.constant 896 : i32
        %mul3A_976 = vector.broadcast %mul3A_975 : i32 to vector<16xi32>
        %mul3A_977 = arith.muli %shift_right_arithmetic3A_974, %mul3A_976 : vector<16xi32>
        %add3A_978 = arith.addi %convert_element_type3A_958, %mul3A_977 : vector<16xi32>
        %add3A_979 = arith.addi %add3A_971, %add3A_978 : vector<16xi32>
        %mul3A_980 = arith.constant 16 : i32
        %mul3A_981 = arith.muli %scan3A_933, %mul3A_980 : i32
        %swap3A_982 = arith.index_cast %mul3A_981 : i32 to index
        %swap3A_983 = tpu.vector_load %arg9[%swap3A_982] {strides = array<i32>} : memref<4096xi32, #tpu.memory_space<vmem>>, vector<16xi32>,
        tpu.vector_store %arg9[%swap3A_982], %add3A_979 {strides = array<i32>} : memref<4096xi32, #tpu.memory_space<vmem>>, vector<16xi32>,
        %scan3A_984 = arith.constant 3 : i32
        %scan3A_985 = arith.addi %scan3A_832, %scan3A_984 : i32
        %shift_right_arithmetic3A_986 = arith.constant 3 : i32
        %shift_right_arithmetic3A_987 = arith.shrsi %scan3A_985, %shift_right_arithmetic3A_986 : i32
        %and3A_988 = arith.constant 7 : i32
        %and3A_989 = arith.andi %shift_right_arithmetic3A_987, %and3A_988 : i32
        %mul3A_990 = arith.constant 1024 : i32
        %mul3A_991 = arith.muli %and3A_989, %mul3A_990 : i32
        %shift_right_arithmetic3A_992 = arith.constant 6 : i32
        %shift_right_arithmetic3A_993 = arith.shrsi %scan3A_985, %shift_right_arithmetic3A_992 : i32
        %mul3A_994 = arith.constant 256 : i32
        %mul3A_995 = arith.muli %shift_right_arithmetic3A_993, %mul3A_994 : i32
        %add3A_996 = arith.addi %mul3A_991, %mul3A_995 : i32
        %and3A_997 = arith.constant 7 : i32
        %and3A_998 = arith.andi %scan3A_985, %and3A_997 : i32
        %mul3A_999 = arith.constant 16 : i32
        %mul3A_1000 = arith.muli %and3A_998, %mul3A_999 : i32
        %add3A_1001 = arith.addi %add3A_996, %mul3A_1000 : i32
        %get3A_1002 = arith.index_cast %add3A_1001 : i32 to index
        %get3A_1003 = tpu.vector_load %arg7[%get3A_1002] {strides = array<i32>} : memref<8192xf32, #tpu.memory_space<vmem>>, vector<16xf32>,
        %add3A_1004 = arith.constant 128 : i32
        %add3A_1005 = arith.addi %add3A_1001, %add3A_1004 : i32
        %get3A_1006 = arith.index_cast %add3A_1005 : i32 to index
        %get3A_1007 = tpu.vector_load %arg7[%get3A_1006] {strides = array<i32>} : memref<8192xf32, #tpu.memory_space<vmem>>, vector<16xf32>,
        %mul3A_1008 = vector.broadcast %scan3A_299 : f32 to vector<16xf32>
        %mul3A_1009 = arith.mulf %get3A_1003, %mul3A_1008 : vector<16xf32>
        %convert_element_type3A_1010 = arith.fptosi %mul3A_1009 : vector<16xf32> to vector<16xi32>
        %mul3A_1011 = vector.broadcast %scan3A_299 : f32 to vector<16xf32>
        %mul3A_1012 = arith.mulf %get3A_1007, %mul3A_1011 : vector<16xf32>
        %convert_element_type3A_1013 = arith.fptosi %mul3A_1012 : vector<16xf32> to vector<16xi32>
        %mul3A_1014 = arith.constant 128 : i32
        %mul3A_1015 = vector.broadcast %mul3A_1014 : i32 to vector<16xi32>
        %mul3A_1016 = arith.muli %convert_element_type3A_1013, %mul3A_1015 : vector<16xi32>
        %shift_right_arithmetic3A_1017 = arith.constant 3 : i32
        %shift_right_arithmetic3A_1018 = vector.broadcast %shift_right_arithmetic3A_1017 : i32 to vector<16xi32>
        %shift_right_arithmetic3A_1019 = arith.shrsi %convert_element_type3A_1013, %shift_right_arithmetic3A_1018 : vector<16xi32>
        %mul3A_1020 = arith.constant 31744 : i32
        %mul3A_1021 = vector.broadcast %mul3A_1020 : i32 to vector<16xi32>
        %mul3A_1022 = arith.muli %shift_right_arithmetic3A_1019, %mul3A_1021 : vector<16xi32>
        %add3A_1023 = arith.addi %mul3A_1016, %mul3A_1022 : vector<16xi32>
        %shift_right_arithmetic3A_1024 = arith.constant 7 : i32
        %shift_right_arithmetic3A_1025 = vector.broadcast %shift_right_arithmetic3A_1024 : i32 to vector<16xi32>
        %shift_right_arithmetic3A_1026 = arith.shrsi %convert_element_type3A_1010, %shift_right_arithmetic3A_1025 : vector<16xi32>
        %mul3A_1027 = arith.constant 896 : i32
        %mul3A_1028 = vector.broadcast %mul3A_1027 : i32 to vector<16xi32>
        %mul3A_1029 = arith.muli %shift_right_arithmetic3A_1026, %mul3A_1028 : vector<16xi32>
        %add3A_1030 = arith.addi %convert_element_type3A_1010, %mul3A_1029 : vector<16xi32>
        %add3A_1031 = arith.addi %add3A_1023, %add3A_1030 : vector<16xi32>
        %mul3A_1032 = arith.constant 16 : i32
        %mul3A_1033 = arith.muli %scan3A_985, %mul3A_1032 : i32
        %swap3A_1034 = arith.index_cast %mul3A_1033 : i32 to index
        %swap3A_1035 = tpu.vector_load %arg9[%swap3A_1034] {strides = array<i32>} : memref<4096xi32, #tpu.memory_space<vmem>>, vector<16xi32>,
        tpu.vector_store %arg9[%swap3A_1034], %add3A_1031 {strides = array<i32>} : memref<4096xi32, #tpu.memory_space<vmem>>, vector<16xi32>,
        %scan3A_1036 = arith.constant 4 : i32
        %scan3A_1037 = arith.addi %scan3A_832, %scan3A_1036 : i32
        %shift_right_arithmetic3A_1038 = arith.constant 3 : i32
        %shift_right_arithmetic3A_1039 = arith.shrsi %scan3A_1037, %shift_right_arithmetic3A_1038 : i32
        %and3A_1040 = arith.constant 7 : i32
        %and3A_1041 = arith.andi %shift_right_arithmetic3A_1039, %and3A_1040 : i32
        %mul3A_1042 = arith.constant 1024 : i32
        %mul3A_1043 = arith.muli %and3A_1041, %mul3A_1042 : i32
        %shift_right_arithmetic3A_1044 = arith.constant 6 : i32
        %shift_right_arithmetic3A_1045 = arith.shrsi %scan3A_1037, %shift_right_arithmetic3A_1044 : i32
        %mul3A_1046 = arith.constant 256 : i32
        %mul3A_1047 = arith.muli %shift_right_arithmetic3A_1045, %mul3A_1046 : i32
        %add3A_1048 = arith.addi %mul3A_1043, %mul3A_1047 : i32
        %and3A_1049 = arith.constant 7 : i32
        %and3A_1050 = arith.andi %scan3A_1037, %and3A_1049 : i32
        %mul3A_1051 = arith.constant 16 : i32
        %mul3A_1052 = arith.muli %and3A_1050, %mul3A_1051 : i32
        %add3A_1053 = arith.addi %add3A_1048, %mul3A_1052 : i32
        %get3A_1054 = arith.index_cast %add3A_1053 : i32 to index
        %get3A_1055 = tpu.vector_load %arg7[%get3A_1054] {strides = array<i32>} : memref<8192xf32, #tpu.memory_space<vmem>>, vector<16xf32>,
        %add3A_1056 = arith.constant 128 : i32
        %add3A_1057 = arith.addi %add3A_1053, %add3A_1056 : i32
        %get3A_1058 = arith.index_cast %add3A_1057 : i32 to index
        %get3A_1059 = tpu.vector_load %arg7[%get3A_1058] {strides = array<i32>} : memref<8192xf32, #tpu.memory_space<vmem>>, vector<16xf32>,
        %mul3A_1060 = vector.broadcast %scan3A_299 : f32 to vector<16xf32>
        %mul3A_1061 = arith.mulf %get3A_1055, %mul3A_1060 : vector<16xf32>
        %convert_element_type3A_1062 = arith.fptosi %mul3A_1061 : vector<16xf32> to vector<16xi32>
        %mul3A_1063 = vector.broadcast %scan3A_299 : f32 to vector<16xf32>
        %mul3A_1064 = arith.mulf %get3A_1059, %mul3A_1063 : vector<16xf32>
        %convert_element_type3A_1065 = arith.fptosi %mul3A_1064 : vector<16xf32> to vector<16xi32>
        %mul3A_1066 = arith.constant 128 : i32
        %mul3A_1067 = vector.broadcast %mul3A_1066 : i32 to vector<16xi32>
        %mul3A_1068 = arith.muli %convert_element_type3A_1065, %mul3A_1067 : vector<16xi32>
        %shift_right_arithmetic3A_1069 = arith.constant 3 : i32
        %shift_right_arithmetic3A_1070 = vector.broadcast %shift_right_arithmetic3A_1069 : i32 to vector<16xi32>
        %shift_right_arithmetic3A_1071 = arith.shrsi %convert_element_type3A_1065, %shift_right_arithmetic3A_1070 : vector<16xi32>
        %mul3A_1072 = arith.constant 31744 : i32
        %mul3A_1073 = vector.broadcast %mul3A_1072 : i32 to vector<16xi32>
        %mul3A_1074 = arith.muli %shift_right_arithmetic3A_1071, %mul3A_1073 : vector<16xi32>
        %add3A_1075 = arith.addi %mul3A_1068, %mul3A_1074 : vector<16xi32>
        %shift_right_arithmetic3A_1076 = arith.constant 7 : i32
        %shift_right_arithmetic3A_1077 = vector.broadcast %shift_right_arithmetic3A_1076 : i32 to vector<16xi32>
        %shift_right_arithmetic3A_1078 = arith.shrsi %convert_element_type3A_1062, %shift_right_arithmetic3A_1077 : vector<16xi32>
        %mul3A_1079 = arith.constant 896 : i32
        %mul3A_1080 = vector.broadcast %mul3A_1079 : i32 to vector<16xi32>
        %mul3A_1081 = arith.muli %shift_right_arithmetic3A_1078, %mul3A_1080 : vector<16xi32>
        %add3A_1082 = arith.addi %convert_element_type3A_1062, %mul3A_1081 : vector<16xi32>
        %add3A_1083 = arith.addi %add3A_1075, %add3A_1082 : vector<16xi32>
        %mul3A_1084 = arith.constant 16 : i32
        %mul3A_1085 = arith.muli %scan3A_1037, %mul3A_1084 : i32
        %swap3A_1086 = arith.index_cast %mul3A_1085 : i32 to index
        %swap3A_1087 = tpu.vector_load %arg9[%swap3A_1086] {strides = array<i32>} : memref<4096xi32, #tpu.memory_space<vmem>>, vector<16xi32>,
        tpu.vector_store %arg9[%swap3A_1086], %add3A_1083 {strides = array<i32>} : memref<4096xi32, #tpu.memory_space<vmem>>, vector<16xi32>,
        %scan3A_1088 = arith.constant 5 : i32
        %scan3A_1089 = arith.addi %scan3A_832, %scan3A_1088 : i32
        %shift_right_arithmetic3A_1090 = arith.constant 3 : i32
        %shift_right_arithmetic3A_1091 = arith.shrsi %scan3A_1089, %shift_right_arithmetic3A_1090 : i32
        %and3A_1092 = arith.constant 7 : i32
        %and3A_1093 = arith.andi %shift_right_arithmetic3A_1091, %and3A_1092 : i32
        %mul3A_1094 = arith.constant 1024 : i32
        %mul3A_1095 = arith.muli %and3A_1093, %mul3A_1094 : i32
        %shift_right_arithmetic3A_1096 = arith.constant 6 : i32
        %shift_right_arithmetic3A_1097 = arith.shrsi %scan3A_1089, %shift_right_arithmetic3A_1096 : i32
        %mul3A_1098 = arith.constant 256 : i32
        %mul3A_1099 = arith.muli %shift_right_arithmetic3A_1097, %mul3A_1098 : i32
        %add3A_1100 = arith.addi %mul3A_1095, %mul3A_1099 : i32
        %and3A_1101 = arith.constant 7 : i32
        %and3A_1102 = arith.andi %scan3A_1089, %and3A_1101 : i32
        %mul3A_1103 = arith.constant 16 : i32
        %mul3A_1104 = arith.muli %and3A_1102, %mul3A_1103 : i32
        %add3A_1105 = arith.addi %add3A_1100, %mul3A_1104 : i32
        %get3A_1106 = arith.index_cast %add3A_1105 : i32 to index
        %get3A_1107 = tpu.vector_load %arg7[%get3A_1106] {strides = array<i32>} : memref<8192xf32, #tpu.memory_space<vmem>>, vector<16xf32>,
        %add3A_1108 = arith.constant 128 : i32
        %add3A_1109 = arith.addi %add3A_1105, %add3A_1108 : i32
        %get3A_1110 = arith.index_cast %add3A_1109 : i32 to index
        %get3A_1111 = tpu.vector_load %arg7[%get3A_1110] {strides = array<i32>} : memref<8192xf32, #tpu.memory_space<vmem>>, vector<16xf32>,
        %mul3A_1112 = vector.broadcast %scan3A_299 : f32 to vector<16xf32>
        %mul3A_1113 = arith.mulf %get3A_1107, %mul3A_1112 : vector<16xf32>
        %convert_element_type3A_1114 = arith.fptosi %mul3A_1113 : vector<16xf32> to vector<16xi32>
        %mul3A_1115 = vector.broadcast %scan3A_299 : f32 to vector<16xf32>
        %mul3A_1116 = arith.mulf %get3A_1111, %mul3A_1115 : vector<16xf32>
        %convert_element_type3A_1117 = arith.fptosi %mul3A_1116 : vector<16xf32> to vector<16xi32>
        %mul3A_1118 = arith.constant 128 : i32
        %mul3A_1119 = vector.broadcast %mul3A_1118 : i32 to vector<16xi32>
        %mul3A_1120 = arith.muli %convert_element_type3A_1117, %mul3A_1119 : vector<16xi32>
        %shift_right_arithmetic3A_1121 = arith.constant 3 : i32
        %shift_right_arithmetic3A_1122 = vector.broadcast %shift_right_arithmetic3A_1121 : i32 to vector<16xi32>
        %shift_right_arithmetic3A_1123 = arith.shrsi %convert_element_type3A_1117, %shift_right_arithmetic3A_1122 : vector<16xi32>
        %mul3A_1124 = arith.constant 31744 : i32
        %mul3A_1125 = vector.broadcast %mul3A_1124 : i32 to vector<16xi32>
        %mul3A_1126 = arith.muli %shift_right_arithmetic3A_1123, %mul3A_1125 : vector<16xi32>
        %add3A_1127 = arith.addi %mul3A_1120, %mul3A_1126 : vector<16xi32>
        %shift_right_arithmetic3A_1128 = arith.constant 7 : i32
        %shift_right_arithmetic3A_1129 = vector.broadcast %shift_right_arithmetic3A_1128 : i32 to vector<16xi32>
        %shift_right_arithmetic3A_1130 = arith.shrsi %convert_element_type3A_1114, %shift_right_arithmetic3A_1129 : vector<16xi32>
        %mul3A_1131 = arith.constant 896 : i32
        %mul3A_1132 = vector.broadcast %mul3A_1131 : i32 to vector<16xi32>
        %mul3A_1133 = arith.muli %shift_right_arithmetic3A_1130, %mul3A_1132 : vector<16xi32>
        %add3A_1134 = arith.addi %convert_element_type3A_1114, %mul3A_1133 : vector<16xi32>
        %add3A_1135 = arith.addi %add3A_1127, %add3A_1134 : vector<16xi32>
        %mul3A_1136 = arith.constant 16 : i32
        %mul3A_1137 = arith.muli %scan3A_1089, %mul3A_1136 : i32
        %swap3A_1138 = arith.index_cast %mul3A_1137 : i32 to index
        %swap3A_1139 = tpu.vector_load %arg9[%swap3A_1138] {strides = array<i32>} : memref<4096xi32, #tpu.memory_space<vmem>>, vector<16xi32>,
        tpu.vector_store %arg9[%swap3A_1138], %add3A_1135 {strides = array<i32>} : memref<4096xi32, #tpu.memory_space<vmem>>, vector<16xi32>,
        %scan3A_1140 = arith.constant 6 : i32
        %scan3A_1141 = arith.addi %scan3A_832, %scan3A_1140 : i32
        %shift_right_arithmetic3A_1142 = arith.constant 3 : i32
        %shift_right_arithmetic3A_1143 = arith.shrsi %scan3A_1141, %shift_right_arithmetic3A_1142 : i32
        %and3A_1144 = arith.constant 7 : i32
        %and3A_1145 = arith.andi %shift_right_arithmetic3A_1143, %and3A_1144 : i32
        %mul3A_1146 = arith.constant 1024 : i32
        %mul3A_1147 = arith.muli %and3A_1145, %mul3A_1146 : i32
        %shift_right_arithmetic3A_1148 = arith.constant 6 : i32
        %shift_right_arithmetic3A_1149 = arith.shrsi %scan3A_1141, %shift_right_arithmetic3A_1148 : i32
        %mul3A_1150 = arith.constant 256 : i32
        %mul3A_1151 = arith.muli %shift_right_arithmetic3A_1149, %mul3A_1150 : i32
        %add3A_1152 = arith.addi %mul3A_1147, %mul3A_1151 : i32
        %and3A_1153 = arith.constant 7 : i32
        %and3A_1154 = arith.andi %scan3A_1141, %and3A_1153 : i32
        %mul3A_1155 = arith.constant 16 : i32
        %mul3A_1156 = arith.muli %and3A_1154, %mul3A_1155 : i32
        %add3A_1157 = arith.addi %add3A_1152, %mul3A_1156 : i32
        %get3A_1158 = arith.index_cast %add3A_1157 : i32 to index
        %get3A_1159 = tpu.vector_load %arg7[%get3A_1158] {strides = array<i32>} : memref<8192xf32, #tpu.memory_space<vmem>>, vector<16xf32>,
        %add3A_1160 = arith.constant 128 : i32
        %add3A_1161 = arith.addi %add3A_1157, %add3A_1160 : i32
        %get3A_1162 = arith.index_cast %add3A_1161 : i32 to index
        %get3A_1163 = tpu.vector_load %arg7[%get3A_1162] {strides = array<i32>} : memref<8192xf32, #tpu.memory_space<vmem>>, vector<16xf32>,
        %mul3A_1164 = vector.broadcast %scan3A_299 : f32 to vector<16xf32>
        %mul3A_1165 = arith.mulf %get3A_1159, %mul3A_1164 : vector<16xf32>
        %convert_element_type3A_1166 = arith.fptosi %mul3A_1165 : vector<16xf32> to vector<16xi32>
        %mul3A_1167 = vector.broadcast %scan3A_299 : f32 to vector<16xf32>
        %mul3A_1168 = arith.mulf %get3A_1163, %mul3A_1167 : vector<16xf32>
        %convert_element_type3A_1169 = arith.fptosi %mul3A_1168 : vector<16xf32> to vector<16xi32>
        %mul3A_1170 = arith.constant 128 : i32
        %mul3A_1171 = vector.broadcast %mul3A_1170 : i32 to vector<16xi32>
        %mul3A_1172 = arith.muli %convert_element_type3A_1169, %mul3A_1171 : vector<16xi32>
        %shift_right_arithmetic3A_1173 = arith.constant 3 : i32
        %shift_right_arithmetic3A_1174 = vector.broadcast %shift_right_arithmetic3A_1173 : i32 to vector<16xi32>
        %shift_right_arithmetic3A_1175 = arith.shrsi %convert_element_type3A_1169, %shift_right_arithmetic3A_1174 : vector<16xi32>
        %mul3A_1176 = arith.constant 31744 : i32
        %mul3A_1177 = vector.broadcast %mul3A_1176 : i32 to vector<16xi32>
        %mul3A_1178 = arith.muli %shift_right_arithmetic3A_1175, %mul3A_1177 : vector<16xi32>
        %add3A_1179 = arith.addi %mul3A_1172, %mul3A_1178 : vector<16xi32>
        %shift_right_arithmetic3A_1180 = arith.constant 7 : i32
        %shift_right_arithmetic3A_1181 = vector.broadcast %shift_right_arithmetic3A_1180 : i32 to vector<16xi32>
        %shift_right_arithmetic3A_1182 = arith.shrsi %convert_element_type3A_1166, %shift_right_arithmetic3A_1181 : vector<16xi32>
        %mul3A_1183 = arith.constant 896 : i32
        %mul3A_1184 = vector.broadcast %mul3A_1183 : i32 to vector<16xi32>
        %mul3A_1185 = arith.muli %shift_right_arithmetic3A_1182, %mul3A_1184 : vector<16xi32>
        %add3A_1186 = arith.addi %convert_element_type3A_1166, %mul3A_1185 : vector<16xi32>
        %add3A_1187 = arith.addi %add3A_1179, %add3A_1186 : vector<16xi32>
        %mul3A_1188 = arith.constant 16 : i32
        %mul3A_1189 = arith.muli %scan3A_1141, %mul3A_1188 : i32
        %swap3A_1190 = arith.index_cast %mul3A_1189 : i32 to index
        %swap3A_1191 = tpu.vector_load %arg9[%swap3A_1190] {strides = array<i32>} : memref<4096xi32, #tpu.memory_space<vmem>>, vector<16xi32>,
        tpu.vector_store %arg9[%swap3A_1190], %add3A_1187 {strides = array<i32>} : memref<4096xi32, #tpu.memory_space<vmem>>, vector<16xi32>,
        %scan3A_1192 = arith.constant 7 : i32
        %scan3A_1193 = arith.addi %scan3A_832, %scan3A_1192 : i32
        %shift_right_arithmetic3A_1194 = arith.constant 3 : i32
        %shift_right_arithmetic3A_1195 = arith.shrsi %scan3A_1193, %shift_right_arithmetic3A_1194 : i32
        %and3A_1196 = arith.constant 7 : i32
        %and3A_1197 = arith.andi %shift_right_arithmetic3A_1195, %and3A_1196 : i32
        %mul3A_1198 = arith.constant 1024 : i32
        %mul3A_1199 = arith.muli %and3A_1197, %mul3A_1198 : i32
        %shift_right_arithmetic3A_1200 = arith.constant 6 : i32
        %shift_right_arithmetic3A_1201 = arith.shrsi %scan3A_1193, %shift_right_arithmetic3A_1200 : i32
        %mul3A_1202 = arith.constant 256 : i32
        %mul3A_1203 = arith.muli %shift_right_arithmetic3A_1201, %mul3A_1202 : i32
        %add3A_1204 = arith.addi %mul3A_1199, %mul3A_1203 : i32
        %and3A_1205 = arith.constant 7 : i32
        %and3A_1206 = arith.andi %scan3A_1193, %and3A_1205 : i32
        %mul3A_1207 = arith.constant 16 : i32
        %mul3A_1208 = arith.muli %and3A_1206, %mul3A_1207 : i32
        %add3A_1209 = arith.addi %add3A_1204, %mul3A_1208 : i32
        %get3A_1210 = arith.index_cast %add3A_1209 : i32 to index
        %get3A_1211 = tpu.vector_load %arg7[%get3A_1210] {strides = array<i32>} : memref<8192xf32, #tpu.memory_space<vmem>>, vector<16xf32>,
        %add3A_1212 = arith.constant 128 : i32
        %add3A_1213 = arith.addi %add3A_1209, %add3A_1212 : i32
        %get3A_1214 = arith.index_cast %add3A_1213 : i32 to index
        %get3A_1215 = tpu.vector_load %arg7[%get3A_1214] {strides = array<i32>} : memref<8192xf32, #tpu.memory_space<vmem>>, vector<16xf32>,
        %mul3A_1216 = vector.broadcast %scan3A_299 : f32 to vector<16xf32>
        %mul3A_1217 = arith.mulf %get3A_1211, %mul3A_1216 : vector<16xf32>
        %convert_element_type3A_1218 = arith.fptosi %mul3A_1217 : vector<16xf32> to vector<16xi32>
        %mul3A_1219 = vector.broadcast %scan3A_299 : f32 to vector<16xf32>
        %mul3A_1220 = arith.mulf %get3A_1215, %mul3A_1219 : vector<16xf32>
        %convert_element_type3A_1221 = arith.fptosi %mul3A_1220 : vector<16xf32> to vector<16xi32>
        %mul3A_1222 = arith.constant 128 : i32
        %mul3A_1223 = vector.broadcast %mul3A_1222 : i32 to vector<16xi32>
        %mul3A_1224 = arith.muli %convert_element_type3A_1221, %mul3A_1223 : vector<16xi32>
        %shift_right_arithmetic3A_1225 = arith.constant 3 : i32
        %shift_right_arithmetic3A_1226 = vector.broadcast %shift_right_arithmetic3A_1225 : i32 to vector<16xi32>
        %shift_right_arithmetic3A_1227 = arith.shrsi %convert_element_type3A_1221, %shift_right_arithmetic3A_1226 : vector<16xi32>
        %mul3A_1228 = arith.constant 31744 : i32
        %mul3A_1229 = vector.broadcast %mul3A_1228 : i32 to vector<16xi32>
        %mul3A_1230 = arith.muli %shift_right_arithmetic3A_1227, %mul3A_1229 : vector<16xi32>
        %add3A_1231 = arith.addi %mul3A_1224, %mul3A_1230 : vector<16xi32>
        %shift_right_arithmetic3A_1232 = arith.constant 7 : i32
        %shift_right_arithmetic3A_1233 = vector.broadcast %shift_right_arithmetic3A_1232 : i32 to vector<16xi32>
        %shift_right_arithmetic3A_1234 = arith.shrsi %convert_element_type3A_1218, %shift_right_arithmetic3A_1233 : vector<16xi32>
        %mul3A_1235 = arith.constant 896 : i32
        %mul3A_1236 = vector.broadcast %mul3A_1235 : i32 to vector<16xi32>
        %mul3A_1237 = arith.muli %shift_right_arithmetic3A_1234, %mul3A_1236 : vector<16xi32>
        %add3A_1238 = arith.addi %convert_element_type3A_1218, %mul3A_1237 : vector<16xi32>
        %add3A_1239 = arith.addi %add3A_1231, %add3A_1238 : vector<16xi32>
        %mul3A_1240 = arith.constant 16 : i32
        %mul3A_1241 = arith.muli %scan3A_1193, %mul3A_1240 : i32
        %swap3A_1242 = arith.index_cast %mul3A_1241 : i32 to index
        %swap3A_1243 = tpu.vector_load %arg9[%swap3A_1242] {strides = array<i32>} : memref<4096xi32, #tpu.memory_space<vmem>>, vector<16xi32>,
        tpu.vector_store %arg9[%swap3A_1242], %add3A_1239 {strides = array<i32>} : memref<4096xi32, #tpu.memory_space<vmem>>, vector<16xi32>,
      }
      %scan3A_493 = arith.constant 256 : i32
      %dma_start3A_494 = arith.constant 0 : i32
      %dma_start3A_495 = tpu.memref_slice %arg3[%dma_start3A_494] : memref<16777216xf32, #tpu.memory_space<hbm>> -> memref<16777216xf32, #tpu.memory_space<hbm>>
      tpu.enqueue_indirect_dma source(%dma_start3A_495 : memref<16777216xf32, #tpu.memory_space<hbm>>) target(%arg11 : memref<4096xf32, #tpu.memory_space<vmem>>) offsets(%arg9 : memref<4096xi32, #tpu.memory_space<vmem>>) semaphore(%arg18 : memref<!tpu.dma_semaphore, #tpu.memory_space<semaphore_mem>>)
      %add3A_496 = arith.constant 1 : i32
      %add3A_497 = arith.addi %add3A_351, %add3A_496 : i32
      %mul3A_498 = arith.constant 8 : i32
      %mul3A_499 = arith.muli %mul3A_498, %add3A_497 : i32
      %add3A_500 = arith.constant 0 : i32
      %add3A_501 = arith.addi %mul3A_499, %add3A_500 : i32
      %mul3A_502 = arith.constant 128 : i32
      %mul3A_503 = arith.muli %add3A_501, %mul3A_502 : i32
      %mul3A_504 = arith.constant 4 : i32
      %mul3A_505 = arith.muli %mul3A_504, %add3A : i32
      %add3A_506 = arith.addi %mul3A_503, %mul3A_505 : i32
      %mul3A_507 = arith.constant 256 : i32
      %mul3A_508 = arith.muli %add3A_506, %mul3A_507 : i32
      %dma_start3A_509 = arith.constant 0 : i32
      %dma_start3A_510 = tpu.memref_slice %arg6[%dma_start3A_509] : memref<8192xf32, #tpu.memory_space<vmem>> -> memref<1024xf32, #tpu.memory_space<vmem>>
      %dma_start3A_511 = tpu.memref_slice %arg2[%mul3A_508] : memref<6553600xf32, #tpu.memory_space<hbm>> -> memref<1024xf32, #tpu.memory_space<hbm>>
      %dma_start3A_512 = arith.constant 0 : i32
      %dma_start3A_513 = tpu.memref_slice %arg6[%dma_start3A_512] : memref<8192xf32, #tpu.memory_space<vmem>> -> memref<1024xf32, #tpu.memory_space<vmem>>
      %dma_start3A_514 = tpu.memref_slice %arg2[%mul3A_508] : memref<6553600xf32, #tpu.memory_space<hbm>> -> memref<1024xf32, #tpu.memory_space<hbm>>
      tpu.enqueue_dma source(%dma_start3A_514 : memref<1024xf32, #tpu.memory_space<hbm>>) target(%dma_start3A_513 : memref<1024xf32, #tpu.memory_space<vmem>>) target_semaphore(%arg15 : memref<!tpu.dma_semaphore, #tpu.memory_space<semaphore_mem>>)
      %mul3A_515 = arith.constant 8 : i32
      %mul3A_516 = arith.muli %mul3A_515, %add3A_497 : i32
      %add3A_517 = arith.constant 1 : i32
      %add3A_518 = arith.addi %mul3A_516, %add3A_517 : i32
      %mul3A_519 = arith.constant 128 : i32
      %mul3A_520 = arith.muli %add3A_518, %mul3A_519 : i32
      %mul3A_521 = arith.constant 4 : i32
      %mul3A_522 = arith.muli %mul3A_521, %add3A : i32
      %add3A_523 = arith.addi %mul3A_520, %mul3A_522 : i32
      %mul3A_524 = arith.constant 256 : i32
      %mul3A_525 = arith.muli %add3A_523, %mul3A_524 : i32
      %dma_start3A_526 = arith.constant 1024 : i32
      %dma_start3A_527 = tpu.memref_slice %arg6[%dma_start3A_526] : memref<8192xf32, #tpu.memory_space<vmem>> -> memref<1024xf32, #tpu.memory_space<vmem>>
      %dma_start3A_528 = tpu.memref_slice %arg2[%mul3A_525] : memref<6553600xf32, #tpu.memory_space<hbm>> -> memref<1024xf32, #tpu.memory_space<hbm>>
      %dma_start3A_529 = arith.constant 1024 : i32
      %dma_start3A_530 = tpu.memref_slice %arg6[%dma_start3A_529] : memref<8192xf32, #tpu.memory_space<vmem>> -> memref<1024xf32, #tpu.memory_space<vmem>>
      %dma_start3A_531 = tpu.memref_slice %arg2[%mul3A_525] : memref<6553600xf32, #tpu.memory_space<hbm>> -> memref<1024xf32, #tpu.memory_space<hbm>>
      tpu.enqueue_dma source(%dma_start3A_531 : memref<1024xf32, #tpu.memory_space<hbm>>) target(%dma_start3A_530 : memref<1024xf32, #tpu.memory_space<vmem>>) target_semaphore(%arg15 : memref<!tpu.dma_semaphore, #tpu.memory_space<semaphore_mem>>)
      %mul3A_532 = arith.constant 8 : i32
      %mul3A_533 = arith.muli %mul3A_532, %add3A_497 : i32
      %add3A_534 = arith.constant 2 : i32
      %add3A_535 = arith.addi %mul3A_533, %add3A_534 : i32
      %mul3A_536 = arith.constant 128 : i32
      %mul3A_537 = arith.muli %add3A_535, %mul3A_536 : i32
      %mul3A_538 = arith.constant 4 : i32
      %mul3A_539 = arith.muli %mul3A_538, %add3A : i32
      %add3A_540 = arith.addi %mul3A_537, %mul3A_539 : i32
      %mul3A_541 = arith.constant 256 : i32
      %mul3A_542 = arith.muli %add3A_540, %mul3A_541 : i32
      %dma_start3A_543 = arith.constant 2048 : i32
      %dma_start3A_544 = tpu.memref_slice %arg6[%dma_start3A_543] : memref<8192xf32, #tpu.memory_space<vmem>> -> memref<1024xf32, #tpu.memory_space<vmem>>
      %dma_start3A_545 = tpu.memref_slice %arg2[%mul3A_542] : memref<6553600xf32, #tpu.memory_space<hbm>> -> memref<1024xf32, #tpu.memory_space<hbm>>
      %dma_start3A_546 = arith.constant 2048 : i32
      %dma_start3A_547 = tpu.memref_slice %arg6[%dma_start3A_546] : memref<8192xf32, #tpu.memory_space<vmem>> -> memref<1024xf32, #tpu.memory_space<vmem>>
      %dma_start3A_548 = tpu.memref_slice %arg2[%mul3A_542] : memref<6553600xf32, #tpu.memory_space<hbm>> -> memref<1024xf32, #tpu.memory_space<hbm>>
      tpu.enqueue_dma source(%dma_start3A_548 : memref<1024xf32, #tpu.memory_space<hbm>>) target(%dma_start3A_547 : memref<1024xf32, #tpu.memory_space<vmem>>) target_semaphore(%arg15 : memref<!tpu.dma_semaphore, #tpu.memory_space<semaphore_mem>>)
      %mul3A_549 = arith.constant 8 : i32
      %mul3A_550 = arith.muli %mul3A_549, %add3A_497 : i32
      %add3A_551 = arith.constant 3 : i32
      %add3A_552 = arith.addi %mul3A_550, %add3A_551 : i32
      %mul3A_553 = arith.constant 128 : i32
      %mul3A_554 = arith.muli %add3A_552, %mul3A_553 : i32
      %mul3A_555 = arith.constant 4 : i32
      %mul3A_556 = arith.muli %mul3A_555, %add3A : i32
      %add3A_557 = arith.addi %mul3A_554, %mul3A_556 : i32
      %mul3A_558 = arith.constant 256 : i32
      %mul3A_559 = arith.muli %add3A_557, %mul3A_558 : i32
      %dma_start3A_560 = arith.constant 3072 : i32
      %dma_start3A_561 = tpu.memref_slice %arg6[%dma_start3A_560] : memref<8192xf32, #tpu.memory_space<vmem>> -> memref<1024xf32, #tpu.memory_space<vmem>>
      %dma_start3A_562 = tpu.memref_slice %arg2[%mul3A_559] : memref<6553600xf32, #tpu.memory_space<hbm>> -> memref<1024xf32, #tpu.memory_space<hbm>>
      %dma_start3A_563 = arith.constant 3072 : i32
      %dma_start3A_564 = tpu.memref_slice %arg6[%dma_start3A_563] : memref<8192xf32, #tpu.memory_space<vmem>> -> memref<1024xf32, #tpu.memory_space<vmem>>
      %dma_start3A_565 = tpu.memref_slice %arg2[%mul3A_559] : memref<6553600xf32, #tpu.memory_space<hbm>> -> memref<1024xf32, #tpu.memory_space<hbm>>
      tpu.enqueue_dma source(%dma_start3A_565 : memref<1024xf32, #tpu.memory_space<hbm>>) target(%dma_start3A_564 : memref<1024xf32, #tpu.memory_space<vmem>>) target_semaphore(%arg15 : memref<!tpu.dma_semaphore, #tpu.memory_space<semaphore_mem>>)
      %mul3A_566 = arith.constant 8 : i32
      %mul3A_567 = arith.muli %mul3A_566, %add3A_497 : i32
      %add3A_568 = arith.constant 4 : i32
      %add3A_569 = arith.addi %mul3A_567, %add3A_568 : i32
      %mul3A_570 = arith.constant 128 : i32
      %mul3A_571 = arith.muli %add3A_569, %mul3A_570 : i32
      %mul3A_572 = arith.constant 4 : i32
      %mul3A_573 = arith.muli %mul3A_572, %add3A : i32
      %add3A_574 = arith.addi %mul3A_571, %mul3A_573 : i32
      %mul3A_575 = arith.constant 256 : i32
      %mul3A_576 = arith.muli %add3A_574, %mul3A_575 : i32
      %dma_start3A_577 = arith.constant 4096 : i32
      %dma_start3A_578 = tpu.memref_slice %arg6[%dma_start3A_577] : memref<8192xf32, #tpu.memory_space<vmem>> -> memref<1024xf32, #tpu.memory_space<vmem>>
      %dma_start3A_579 = tpu.memref_slice %arg2[%mul3A_576] : memref<6553600xf32, #tpu.memory_space<hbm>> -> memref<1024xf32, #tpu.memory_space<hbm>>
      %dma_start3A_580 = arith.constant 4096 : i32
      %dma_start3A_581 = tpu.memref_slice %arg6[%dma_start3A_580] : memref<8192xf32, #tpu.memory_space<vmem>> -> memref<1024xf32, #tpu.memory_space<vmem>>
      %dma_start3A_582 = tpu.memref_slice %arg2[%mul3A_576] : memref<6553600xf32, #tpu.memory_space<hbm>> -> memref<1024xf32, #tpu.memory_space<hbm>>
      tpu.enqueue_dma source(%dma_start3A_582 : memref<1024xf32, #tpu.memory_space<hbm>>) target(%dma_start3A_581 : memref<1024xf32, #tpu.memory_space<vmem>>) target_semaphore(%arg15 : memref<!tpu.dma_semaphore, #tpu.memory_space<semaphore_mem>>)
      %mul3A_583 = arith.constant 8 : i32
      %mul3A_584 = arith.muli %mul3A_583, %add3A_497 : i32
      %add3A_585 = arith.constant 5 : i32
      %add3A_586 = arith.addi %mul3A_584, %add3A_585 : i32
      %mul3A_587 = arith.constant 128 : i32
      %mul3A_588 = arith.muli %add3A_586, %mul3A_587 : i32
      %mul3A_589 = arith.constant 4 : i32
      %mul3A_590 = arith.muli %mul3A_589, %add3A : i32
      %add3A_591 = arith.addi %mul3A_588, %mul3A_590 : i32
      %mul3A_592 = arith.constant 256 : i32
      %mul3A_593 = arith.muli %add3A_591, %mul3A_592 : i32
      %dma_start3A_594 = arith.constant 5120 : i32
      %dma_start3A_595 = tpu.memref_slice %arg6[%dma_start3A_594] : memref<8192xf32, #tpu.memory_space<vmem>> -> memref<1024xf32, #tpu.memory_space<vmem>>
      %dma_start3A_596 = tpu.memref_slice %arg2[%mul3A_593] : memref<6553600xf32, #tpu.memory_space<hbm>> -> memref<1024xf32, #tpu.memory_space<hbm>>
      %dma_start3A_597 = arith.constant 5120 : i32
      %dma_start3A_598 = tpu.memref_slice %arg6[%dma_start3A_597] : memref<8192xf32, #tpu.memory_space<vmem>> -> memref<1024xf32, #tpu.memory_space<vmem>>
      %dma_start3A_599 = tpu.memref_slice %arg2[%mul3A_593] : memref<6553600xf32, #tpu.memory_space<hbm>> -> memref<1024xf32, #tpu.memory_space<hbm>>
      tpu.enqueue_dma source(%dma_start3A_599 : memref<1024xf32, #tpu.memory_space<hbm>>) target(%dma_start3A_598 : memref<1024xf32, #tpu.memory_space<vmem>>) target_semaphore(%arg15 : memref<!tpu.dma_semaphore, #tpu.memory_space<semaphore_mem>>)
      %mul3A_600 = arith.constant 8 : i32
      %mul3A_601 = arith.muli %mul3A_600, %add3A_497 : i32
      %add3A_602 = arith.constant 6 : i32
      %add3A_603 = arith.addi %mul3A_601, %add3A_602 : i32
      %mul3A_604 = arith.constant 128 : i32
      %mul3A_605 = arith.muli %add3A_603, %mul3A_604 : i32
      %mul3A_606 = arith.constant 4 : i32
      %mul3A_607 = arith.muli %mul3A_606, %add3A : i32
      %add3A_608 = arith.addi %mul3A_605, %mul3A_607 : i32
      %mul3A_609 = arith.constant 256 : i32
      %mul3A_610 = arith.muli %add3A_608, %mul3A_609 : i32
      %dma_start3A_611 = arith.constant 6144 : i32
      %dma_start3A_612 = tpu.memref_slice %arg6[%dma_start3A_611] : memref<8192xf32, #tpu.memory_space<vmem>> -> memref<1024xf32, #tpu.memory_space<vmem>>
      %dma_start3A_613 = tpu.memref_slice %arg2[%mul3A_610] : memref<6553600xf32, #tpu.memory_space<hbm>> -> memref<1024xf32, #tpu.memory_space<hbm>>
      %dma_start3A_614 = arith.constant 6144 : i32
      %dma_start3A_615 = tpu.memref_slice %arg6[%dma_start3A_614] : memref<8192xf32, #tpu.memory_space<vmem>> -> memref<1024xf32, #tpu.memory_space<vmem>>
      %dma_start3A_616 = tpu.memref_slice %arg2[%mul3A_610] : memref<6553600xf32, #tpu.memory_space<hbm>> -> memref<1024xf32, #tpu.memory_space<hbm>>
      tpu.enqueue_dma source(%dma_start3A_616 : memref<1024xf32, #tpu.memory_space<hbm>>) target(%dma_start3A_615 : memref<1024xf32, #tpu.memory_space<vmem>>) target_semaphore(%arg15 : memref<!tpu.dma_semaphore, #tpu.memory_space<semaphore_mem>>)
      %mul3A_617 = arith.constant 8 : i32
      %mul3A_618 = arith.muli %mul3A_617, %add3A_497 : i32
      %add3A_619 = arith.constant 7 : i32
      %add3A_620 = arith.addi %mul3A_618, %add3A_619 : i32
      %mul3A_621 = arith.constant 128 : i32
      %mul3A_622 = arith.muli %add3A_620, %mul3A_621 : i32
      %mul3A_623 = arith.constant 4 : i32
      %mul3A_624 = arith.muli %mul3A_623, %add3A : i32
      %add3A_625 = arith.addi %mul3A_622, %mul3A_624 : i32
      %mul3A_626 = arith.constant 256 : i32
      %mul3A_627 = arith.muli %add3A_625, %mul3A_626 : i32
      %dma_start3A_628 = arith.constant 7168 : i32
      %dma_start3A_629 = tpu.memref_slice %arg6[%dma_start3A_628] : memref<8192xf32, #tpu.memory_space<vmem>> -> memref<1024xf32, #tpu.memory_space<vmem>>
      %dma_start3A_630 = tpu.memref_slice %arg2[%mul3A_627] : memref<6553600xf32, #tpu.memory_space<hbm>> -> memref<1024xf32, #tpu.memory_space<hbm>>
      %dma_start3A_631 = arith.constant 7168 : i32
      %dma_start3A_632 = tpu.memref_slice %arg6[%dma_start3A_631] : memref<8192xf32, #tpu.memory_space<vmem>> -> memref<1024xf32, #tpu.memory_space<vmem>>
      %dma_start3A_633 = tpu.memref_slice %arg2[%mul3A_627] : memref<6553600xf32, #tpu.memory_space<hbm>> -> memref<1024xf32, #tpu.memory_space<hbm>>
      tpu.enqueue_dma source(%dma_start3A_633 : memref<1024xf32, #tpu.memory_space<hbm>>) target(%dma_start3A_632 : memref<1024xf32, #tpu.memory_space<vmem>>) target_semaphore(%arg15 : memref<!tpu.dma_semaphore, #tpu.memory_space<semaphore_mem>>)
      %ge3A = arith.constant 1 : i32
      %ge3A_634 = arith.cmpi sge, %scan3A_345, %ge3A : i32
      %convert_element_type3A = arith.extui %ge3A_634 : i1 to i32
      %cond3A = arith.constant 0 : i32
      %cond3A_635 = arith.cmpi ne, %convert_element_type3A, %cond3A : i32
      scf.if %cond3A_635 {
        %sub3A_832 = arith.constant 3 : i32
        %sub3A_833 = arith.subi %add3A_351, %sub3A_832 : i32
        %mul3A_834 = arith.constant 128 : i32
        %mul3A_835 = arith.muli %sub3A_833, %mul3A_834 : i32
        %mul3A_836 = arith.constant 4 : i32
        %mul3A_837 = arith.muli %mul3A_836, %add3A : i32
        %add3A_838 = arith.addi %mul3A_835, %mul3A_837 : i32
        %mul3A_839 = arith.constant 1024 : i32
        %mul3A_840 = arith.muli %add3A_838, %mul3A_839 : i32
        %dma_wait3A_841 = tpu.memref_slice %arg5[%mul3A_840] : memref<3276800xf32, #tpu.memory_space<hbm>> -> memref<4096xf32, #tpu.memory_space<hbm>>
        %dma_wait3A_842 = tpu.memref_slice %arg5[%mul3A_840] : memref<3276800xf32, #tpu.memory_space<hbm>> -> memref<4096xf32, #tpu.memory_space<hbm>>
        tpu.wait_dma2 semaphore(%arg19 : memref<!tpu.dma_semaphore, #tpu.memory_space<semaphore_mem>>) src(%arg12 : memref<4096xf32, #tpu.memory_space<vmem>>) dst(%dma_wait3A_842 : memref<4096xf32, #tpu.memory_space<hbm>>)
      } else {
      }
      %dma_wait3A_636 = arith.constant 0 : i32
      %dma_wait3A_637 = tpu.memref_slice %arg3[%dma_wait3A_636] : memref<16777216xf32, #tpu.memory_space<hbm>> -> memref<16777216xf32, #tpu.memory_space<hbm>>
      tpu.wait_indirect_dma semaphore(%arg17 : memref<!tpu.dma_semaphore, #tpu.memory_space<semaphore_mem>>) src(%dma_wait3A_637 : memref<16777216xf32, #tpu.memory_space<hbm>>) dst(%arg10 : memref<4096xf32, #tpu.memory_space<vmem>>)
      %scan3A_638 = arith.constant 0 : i32
      %scan3A_639 = arith.constant 0 : i32
      %scan3A_640 = arith.constant 256 : i32
      %scan3A_641 = arith.addi %scan3A_639, %scan3A_640 : i32
      %scan3A_642 = arith.constant 8 : i32
      scf.for %scan3A_832 = %scan3A_639 to %scan3A_641 step %scan3A_642  : i32 {
        %mul3A_833 = arith.constant 16 : i32
        %mul3A_834 = arith.muli %scan3A_832, %mul3A_833 : i32
        %get3A_835 = arith.index_cast %mul3A_834 : i32 to index
        %get3A_836 = tpu.vector_load %arg10[%get3A_835] {strides = array<i32>} : memref<4096xf32, #tpu.memory_space<vmem>>, vector<16xf32>,
        %add3A_837 = arith.constant 0.00999999977 : f32
        %add3A_838 = vector.broadcast %add3A_837 : f32 to vector<16xf32>
        %add3A_839 = arith.addf %get3A_836, %add3A_838 : vector<16xf32>
        %gt3A = arith.constant 0.000000e+00 : f32
        %gt3A_840 = vector.broadcast %gt3A : f32 to vector<16xf32>
        %gt3A_841 = arith.cmpf ogt, %add3A_839, %gt3A_840 : vector<16xf32>
        %select_n3A = arith.select %gt3A_841, %broadcast_in_dim3A, %broadcast_in_dim3A_3 : vector<16xi1>, vector<16xf32>
        %mul3A_842 = arith.constant 16 : i32
        %mul3A_843 = arith.muli %scan3A_832, %mul3A_842 : i32
        %swap3A = arith.index_cast %mul3A_843 : i32 to index
        %swap3A_844 = tpu.vector_load %arg12[%swap3A] {strides = array<i32>} : memref<4096xf32, #tpu.memory_space<vmem>>, vector<16xf32>,
        tpu.vector_store %arg12[%swap3A], %select_n3A {strides = array<i32>} : memref<4096xf32, #tpu.memory_space<vmem>>, vector<16xf32>,
        %scan3A_845 = arith.constant 1 : i32
        %scan3A_846 = arith.addi %scan3A_832, %scan3A_845 : i32
        %mul3A_847 = arith.constant 16 : i32
        %mul3A_848 = arith.muli %scan3A_846, %mul3A_847 : i32
        %get3A_849 = arith.index_cast %mul3A_848 : i32 to index
        %get3A_850 = tpu.vector_load %arg10[%get3A_849] {strides = array<i32>} : memref<4096xf32, #tpu.memory_space<vmem>>, vector<16xf32>,
        %add3A_851 = arith.constant 0.00999999977 : f32
        %add3A_852 = vector.broadcast %add3A_851 : f32 to vector<16xf32>
        %add3A_853 = arith.addf %get3A_850, %add3A_852 : vector<16xf32>
        %gt3A_854 = arith.constant 0.000000e+00 : f32
        %gt3A_855 = vector.broadcast %gt3A_854 : f32 to vector<16xf32>
        %gt3A_856 = arith.cmpf ogt, %add3A_853, %gt3A_855 : vector<16xf32>
        %select_n3A_857 = arith.select %gt3A_856, %broadcast_in_dim3A, %broadcast_in_dim3A_3 : vector<16xi1>, vector<16xf32>
        %mul3A_858 = arith.constant 16 : i32
        %mul3A_859 = arith.muli %scan3A_846, %mul3A_858 : i32
        %swap3A_860 = arith.index_cast %mul3A_859 : i32 to index
        %swap3A_861 = tpu.vector_load %arg12[%swap3A_860] {strides = array<i32>} : memref<4096xf32, #tpu.memory_space<vmem>>, vector<16xf32>,
        tpu.vector_store %arg12[%swap3A_860], %select_n3A_857 {strides = array<i32>} : memref<4096xf32, #tpu.memory_space<vmem>>, vector<16xf32>,
        %scan3A_862 = arith.constant 2 : i32
        %scan3A_863 = arith.addi %scan3A_832, %scan3A_862 : i32
        %mul3A_864 = arith.constant 16 : i32
        %mul3A_865 = arith.muli %scan3A_863, %mul3A_864 : i32
        %get3A_866 = arith.index_cast %mul3A_865 : i32 to index
        %get3A_867 = tpu.vector_load %arg10[%get3A_866] {strides = array<i32>} : memref<4096xf32, #tpu.memory_space<vmem>>, vector<16xf32>,
        %add3A_868 = arith.constant 0.00999999977 : f32
        %add3A_869 = vector.broadcast %add3A_868 : f32 to vector<16xf32>
        %add3A_870 = arith.addf %get3A_867, %add3A_869 : vector<16xf32>
        %gt3A_871 = arith.constant 0.000000e+00 : f32
        %gt3A_872 = vector.broadcast %gt3A_871 : f32 to vector<16xf32>
        %gt3A_873 = arith.cmpf ogt, %add3A_870, %gt3A_872 : vector<16xf32>
        %select_n3A_874 = arith.select %gt3A_873, %broadcast_in_dim3A, %broadcast_in_dim3A_3 : vector<16xi1>, vector<16xf32>
        %mul3A_875 = arith.constant 16 : i32
        %mul3A_876 = arith.muli %scan3A_863, %mul3A_875 : i32
        %swap3A_877 = arith.index_cast %mul3A_876 : i32 to index
        %swap3A_878 = tpu.vector_load %arg12[%swap3A_877] {strides = array<i32>} : memref<4096xf32, #tpu.memory_space<vmem>>, vector<16xf32>,
        tpu.vector_store %arg12[%swap3A_877], %select_n3A_874 {strides = array<i32>} : memref<4096xf32, #tpu.memory_space<vmem>>, vector<16xf32>,
        %scan3A_879 = arith.constant 3 : i32
        %scan3A_880 = arith.addi %scan3A_832, %scan3A_879 : i32
        %mul3A_881 = arith.constant 16 : i32
        %mul3A_882 = arith.muli %scan3A_880, %mul3A_881 : i32
        %get3A_883 = arith.index_cast %mul3A_882 : i32 to index
        %get3A_884 = tpu.vector_load %arg10[%get3A_883] {strides = array<i32>} : memref<4096xf32, #tpu.memory_space<vmem>>, vector<16xf32>,
        %add3A_885 = arith.constant 0.00999999977 : f32
        %add3A_886 = vector.broadcast %add3A_885 : f32 to vector<16xf32>
        %add3A_887 = arith.addf %get3A_884, %add3A_886 : vector<16xf32>
        %gt3A_888 = arith.constant 0.000000e+00 : f32
        %gt3A_889 = vector.broadcast %gt3A_888 : f32 to vector<16xf32>
        %gt3A_890 = arith.cmpf ogt, %add3A_887, %gt3A_889 : vector<16xf32>
        %select_n3A_891 = arith.select %gt3A_890, %broadcast_in_dim3A, %broadcast_in_dim3A_3 : vector<16xi1>, vector<16xf32>
        %mul3A_892 = arith.constant 16 : i32
        %mul3A_893 = arith.muli %scan3A_880, %mul3A_892 : i32
        %swap3A_894 = arith.index_cast %mul3A_893 : i32 to index
        %swap3A_895 = tpu.vector_load %arg12[%swap3A_894] {strides = array<i32>} : memref<4096xf32, #tpu.memory_space<vmem>>, vector<16xf32>,
        tpu.vector_store %arg12[%swap3A_894], %select_n3A_891 {strides = array<i32>} : memref<4096xf32, #tpu.memory_space<vmem>>, vector<16xf32>,
        %scan3A_896 = arith.constant 4 : i32
        %scan3A_897 = arith.addi %scan3A_832, %scan3A_896 : i32
        %mul3A_898 = arith.constant 16 : i32
        %mul3A_899 = arith.muli %scan3A_897, %mul3A_898 : i32
        %get3A_900 = arith.index_cast %mul3A_899 : i32 to index
        %get3A_901 = tpu.vector_load %arg10[%get3A_900] {strides = array<i32>} : memref<4096xf32, #tpu.memory_space<vmem>>, vector<16xf32>,
        %add3A_902 = arith.constant 0.00999999977 : f32
        %add3A_903 = vector.broadcast %add3A_902 : f32 to vector<16xf32>
        %add3A_904 = arith.addf %get3A_901, %add3A_903 : vector<16xf32>
        %gt3A_905 = arith.constant 0.000000e+00 : f32
        %gt3A_906 = vector.broadcast %gt3A_905 : f32 to vector<16xf32>
        %gt3A_907 = arith.cmpf ogt, %add3A_904, %gt3A_906 : vector<16xf32>
        %select_n3A_908 = arith.select %gt3A_907, %broadcast_in_dim3A, %broadcast_in_dim3A_3 : vector<16xi1>, vector<16xf32>
        %mul3A_909 = arith.constant 16 : i32
        %mul3A_910 = arith.muli %scan3A_897, %mul3A_909 : i32
        %swap3A_911 = arith.index_cast %mul3A_910 : i32 to index
        %swap3A_912 = tpu.vector_load %arg12[%swap3A_911] {strides = array<i32>} : memref<4096xf32, #tpu.memory_space<vmem>>, vector<16xf32>,
        tpu.vector_store %arg12[%swap3A_911], %select_n3A_908 {strides = array<i32>} : memref<4096xf32, #tpu.memory_space<vmem>>, vector<16xf32>,
        %scan3A_913 = arith.constant 5 : i32
        %scan3A_914 = arith.addi %scan3A_832, %scan3A_913 : i32
        %mul3A_915 = arith.constant 16 : i32
        %mul3A_916 = arith.muli %scan3A_914, %mul3A_915 : i32
        %get3A_917 = arith.index_cast %mul3A_916 : i32 to index
        %get3A_918 = tpu.vector_load %arg10[%get3A_917] {strides = array<i32>} : memref<4096xf32, #tpu.memory_space<vmem>>, vector<16xf32>,
        %add3A_919 = arith.constant 0.00999999977 : f32
        %add3A_920 = vector.broadcast %add3A_919 : f32 to vector<16xf32>
        %add3A_921 = arith.addf %get3A_918, %add3A_920 : vector<16xf32>
        %gt3A_922 = arith.constant 0.000000e+00 : f32
        %gt3A_923 = vector.broadcast %gt3A_922 : f32 to vector<16xf32>
        %gt3A_924 = arith.cmpf ogt, %add3A_921, %gt3A_923 : vector<16xf32>
        %select_n3A_925 = arith.select %gt3A_924, %broadcast_in_dim3A, %broadcast_in_dim3A_3 : vector<16xi1>, vector<16xf32>
        %mul3A_926 = arith.constant 16 : i32
        %mul3A_927 = arith.muli %scan3A_914, %mul3A_926 : i32
        %swap3A_928 = arith.index_cast %mul3A_927 : i32 to index
        %swap3A_929 = tpu.vector_load %arg12[%swap3A_928] {strides = array<i32>} : memref<4096xf32, #tpu.memory_space<vmem>>, vector<16xf32>,
        tpu.vector_store %arg12[%swap3A_928], %select_n3A_925 {strides = array<i32>} : memref<4096xf32, #tpu.memory_space<vmem>>, vector<16xf32>,
        %scan3A_930 = arith.constant 6 : i32
        %scan3A_931 = arith.addi %scan3A_832, %scan3A_930 : i32
        %mul3A_932 = arith.constant 16 : i32
        %mul3A_933 = arith.muli %scan3A_931, %mul3A_932 : i32
        %get3A_934 = arith.index_cast %mul3A_933 : i32 to index
        %get3A_935 = tpu.vector_load %arg10[%get3A_934] {strides = array<i32>} : memref<4096xf32, #tpu.memory_space<vmem>>, vector<16xf32>,
        %add3A_936 = arith.constant 0.00999999977 : f32
        %add3A_937 = vector.broadcast %add3A_936 : f32 to vector<16xf32>
        %add3A_938 = arith.addf %get3A_935, %add3A_937 : vector<16xf32>
        %gt3A_939 = arith.constant 0.000000e+00 : f32
        %gt3A_940 = vector.broadcast %gt3A_939 : f32 to vector<16xf32>
        %gt3A_941 = arith.cmpf ogt, %add3A_938, %gt3A_940 : vector<16xf32>
        %select_n3A_942 = arith.select %gt3A_941, %broadcast_in_dim3A, %broadcast_in_dim3A_3 : vector<16xi1>, vector<16xf32>
        %mul3A_943 = arith.constant 16 : i32
        %mul3A_944 = arith.muli %scan3A_931, %mul3A_943 : i32
        %swap3A_945 = arith.index_cast %mul3A_944 : i32 to index
        %swap3A_946 = tpu.vector_load %arg12[%swap3A_945] {strides = array<i32>} : memref<4096xf32, #tpu.memory_space<vmem>>, vector<16xf32>,
        tpu.vector_store %arg12[%swap3A_945], %select_n3A_942 {strides = array<i32>} : memref<4096xf32, #tpu.memory_space<vmem>>, vector<16xf32>,
        %scan3A_947 = arith.constant 7 : i32
        %scan3A_948 = arith.addi %scan3A_832, %scan3A_947 : i32
        %mul3A_949 = arith.constant 16 : i32
        %mul3A_950 = arith.muli %scan3A_948, %mul3A_949 : i32
        %get3A_951 = arith.index_cast %mul3A_950 : i32 to index
        %get3A_952 = tpu.vector_load %arg10[%get3A_951] {strides = array<i32>} : memref<4096xf32, #tpu.memory_space<vmem>>, vector<16xf32>,
        %add3A_953 = arith.constant 0.00999999977 : f32
        %add3A_954 = vector.broadcast %add3A_953 : f32 to vector<16xf32>
        %add3A_955 = arith.addf %get3A_952, %add3A_954 : vector<16xf32>
        %gt3A_956 = arith.constant 0.000000e+00 : f32
        %gt3A_957 = vector.broadcast %gt3A_956 : f32 to vector<16xf32>
        %gt3A_958 = arith.cmpf ogt, %add3A_955, %gt3A_957 : vector<16xf32>
        %select_n3A_959 = arith.select %gt3A_958, %broadcast_in_dim3A, %broadcast_in_dim3A_3 : vector<16xi1>, vector<16xf32>
        %mul3A_960 = arith.constant 16 : i32
        %mul3A_961 = arith.muli %scan3A_948, %mul3A_960 : i32
        %swap3A_962 = arith.index_cast %mul3A_961 : i32 to index
        %swap3A_963 = tpu.vector_load %arg12[%swap3A_962] {strides = array<i32>} : memref<4096xf32, #tpu.memory_space<vmem>>, vector<16xf32>,
        tpu.vector_store %arg12[%swap3A_962], %select_n3A_959 {strides = array<i32>} : memref<4096xf32, #tpu.memory_space<vmem>>, vector<16xf32>,
      }
      %scan3A_643 = arith.constant 256 : i32
      %sub3A = arith.constant 1 : i32
      %sub3A_644 = arith.subi %add3A_351, %sub3A : i32
      %mul3A_645 = arith.constant 128 : i32
      %mul3A_646 = arith.muli %sub3A_644, %mul3A_645 : i32
      %mul3A_647 = arith.constant 4 : i32
      %mul3A_648 = arith.muli %mul3A_647, %add3A : i32
      %add3A_649 = arith.addi %mul3A_646, %mul3A_648 : i32
      %mul3A_650 = arith.constant 1024 : i32
      %mul3A_651 = arith.muli %add3A_649, %mul3A_650 : i32
      %dma_start3A_652 = tpu.memref_slice %arg5[%mul3A_651] : memref<3276800xf32, #tpu.memory_space<hbm>> -> memref<4096xf32, #tpu.memory_space<hbm>>
      %dma_start3A_653 = tpu.memref_slice %arg5[%mul3A_651] : memref<3276800xf32, #tpu.memory_space<hbm>> -> memref<4096xf32, #tpu.memory_space<hbm>>
      tpu.enqueue_dma source(%arg12 : memref<4096xf32, #tpu.memory_space<vmem>>) target(%dma_start3A_653 : memref<4096xf32, #tpu.memory_space<hbm>>) target_semaphore(%arg19 : memref<!tpu.dma_semaphore, #tpu.memory_space<semaphore_mem>>)
      %mul3A_654 = arith.constant 2 : i32
      %mul3A_655 = arith.muli %mul3A_654, %scan3A_345 : i32
      %add3A_656 = arith.constant 1 : i32
      %add3A_657 = arith.addi %mul3A_655, %add3A_656 : i32
      %add3A_658 = arith.constant 1 : i32
      %add3A_659 = arith.addi %add3A_657, %add3A_658 : i32
      %mul3A_660 = arith.constant 8 : i32
      %mul3A_661 = arith.muli %mul3A_660, %add3A_659 : i32
      %add3A_662 = arith.constant 0 : i32
      %add3A_663 = arith.addi %mul3A_661, %add3A_662 : i32
      %mul3A_664 = arith.constant 128 : i32
      %mul3A_665 = arith.muli %add3A_663, %mul3A_664 : i32
      %mul3A_666 = arith.constant 4 : i32
      %mul3A_667 = arith.muli %mul3A_666, %add3A : i32
      %add3A_668 = arith.addi %mul3A_665, %mul3A_667 : i32
      %mul3A_669 = arith.constant 256 : i32
      %mul3A_670 = arith.muli %add3A_668, %mul3A_669 : i32
      %dma_wait3A_671 = arith.constant 0 : i32
      %dma_wait3A_672 = tpu.memref_slice %arg6[%dma_wait3A_671] : memref<8192xf32, #tpu.memory_space<vmem>> -> memref<1024xf32, #tpu.memory_space<vmem>>
      %dma_wait3A_673 = tpu.memref_slice %arg2[%mul3A_670] : memref<6553600xf32, #tpu.memory_space<hbm>> -> memref<1024xf32, #tpu.memory_space<hbm>>
      %dma_wait3A_674 = arith.constant 0 : i32
      %dma_wait3A_675 = tpu.memref_slice %arg6[%dma_wait3A_674] : memref<8192xf32, #tpu.memory_space<vmem>> -> memref<1024xf32, #tpu.memory_space<vmem>>
      %dma_wait3A_676 = tpu.memref_slice %arg2[%mul3A_670] : memref<6553600xf32, #tpu.memory_space<hbm>> -> memref<1024xf32, #tpu.memory_space<hbm>>
      tpu.wait_dma2 semaphore(%arg15 : memref<!tpu.dma_semaphore, #tpu.memory_space<semaphore_mem>>) src(%dma_wait3A_676 : memref<1024xf32, #tpu.memory_space<hbm>>) dst(%dma_wait3A_675 : memref<1024xf32, #tpu.memory_space<vmem>>)
      %mul3A_677 = arith.constant 8 : i32
      %mul3A_678 = arith.muli %mul3A_677, %add3A_659 : i32
      %add3A_679 = arith.constant 1 : i32
      %add3A_680 = arith.addi %mul3A_678, %add3A_679 : i32
      %mul3A_681 = arith.constant 128 : i32
      %mul3A_682 = arith.muli %add3A_680, %mul3A_681 : i32
      %mul3A_683 = arith.constant 4 : i32
      %mul3A_684 = arith.muli %mul3A_683, %add3A : i32
      %add3A_685 = arith.addi %mul3A_682, %mul3A_684 : i32
      %mul3A_686 = arith.constant 256 : i32
      %mul3A_687 = arith.muli %add3A_685, %mul3A_686 : i32
      %dma_wait3A_688 = arith.constant 1024 : i32
      %dma_wait3A_689 = tpu.memref_slice %arg6[%dma_wait3A_688] : memref<8192xf32, #tpu.memory_space<vmem>> -> memref<1024xf32, #tpu.memory_space<vmem>>
      %dma_wait3A_690 = tpu.memref_slice %arg2[%mul3A_687] : memref<6553600xf32, #tpu.memory_space<hbm>> -> memref<1024xf32, #tpu.memory_space<hbm>>
      %dma_wait3A_691 = arith.constant 1024 : i32
      %dma_wait3A_692 = tpu.memref_slice %arg6[%dma_wait3A_691] : memref<8192xf32, #tpu.memory_space<vmem>> -> memref<1024xf32, #tpu.memory_space<vmem>>
      %dma_wait3A_693 = tpu.memref_slice %arg2[%mul3A_687] : memref<6553600xf32, #tpu.memory_space<hbm>> -> memref<1024xf32, #tpu.memory_space<hbm>>
      tpu.wait_dma2 semaphore(%arg15 : memref<!tpu.dma_semaphore, #tpu.memory_space<semaphore_mem>>) src(%dma_wait3A_693 : memref<1024xf32, #tpu.memory_space<hbm>>) dst(%dma_wait3A_692 : memref<1024xf32, #tpu.memory_space<vmem>>)
      %mul3A_694 = arith.constant 8 : i32
      %mul3A_695 = arith.muli %mul3A_694, %add3A_659 : i32
      %add3A_696 = arith.constant 2 : i32
      %add3A_697 = arith.addi %mul3A_695, %add3A_696 : i32
      %mul3A_698 = arith.constant 128 : i32
      %mul3A_699 = arith.muli %add3A_697, %mul3A_698 : i32
      %mul3A_700 = arith.constant 4 : i32
      %mul3A_701 = arith.muli %mul3A_700, %add3A : i32
      %add3A_702 = arith.addi %mul3A_699, %mul3A_701 : i32
      %mul3A_703 = arith.constant 256 : i32
      %mul3A_704 = arith.muli %add3A_702, %mul3A_703 : i32
      %dma_wait3A_705 = arith.constant 2048 : i32
      %dma_wait3A_706 = tpu.memref_slice %arg6[%dma_wait3A_705] : memref<8192xf32, #tpu.memory_space<vmem>> -> memref<1024xf32, #tpu.memory_space<vmem>>
      %dma_wait3A_707 = tpu.memref_slice %arg2[%mul3A_704] : memref<6553600xf32, #tpu.memory_space<hbm>> -> memref<1024xf32, #tpu.memory_space<hbm>>
      %dma_wait3A_708 = arith.constant 2048 : i32
      %dma_wait3A_709 = tpu.memref_slice %arg6[%dma_wait3A_708] : memref<8192xf32, #tpu.memory_space<vmem>> -> memref<1024xf32, #tpu.memory_space<vmem>>
      %dma_wait3A_710 = tpu.memref_slice %arg2[%mul3A_704] : memref<6553600xf32, #tpu.memory_space<hbm>> -> memref<1024xf32, #tpu.memory_space<hbm>>
      tpu.wait_dma2 semaphore(%arg15 : memref<!tpu.dma_semaphore, #tpu.memory_space<semaphore_mem>>) src(%dma_wait3A_710 : memref<1024xf32, #tpu.memory_space<hbm>>) dst(%dma_wait3A_709 : memref<1024xf32, #tpu.memory_space<vmem>>)
      %mul3A_711 = arith.constant 8 : i32
      %mul3A_712 = arith.muli %mul3A_711, %add3A_659 : i32
      %add3A_713 = arith.constant 3 : i32
      %add3A_714 = arith.addi %mul3A_712, %add3A_713 : i32
      %mul3A_715 = arith.constant 128 : i32
      %mul3A_716 = arith.muli %add3A_714, %mul3A_715 : i32
      %mul3A_717 = arith.constant 4 : i32
      %mul3A_718 = arith.muli %mul3A_717, %add3A : i32
      %add3A_719 = arith.addi %mul3A_716, %mul3A_718 : i32
      %mul3A_720 = arith.constant 256 : i32
      %mul3A_721 = arith.muli %add3A_719, %mul3A_720 : i32
      %dma_wait3A_722 = arith.constant 3072 : i32
      %dma_wait3A_723 = tpu.memref_slice %arg6[%dma_wait3A_722] : memref<8192xf32, #tpu.memory_space<vmem>> -> memref<1024xf32, #tpu.memory_space<vmem>>
      %dma_wait3A_724 = tpu.memref_slice %arg2[%mul3A_721] : memref<6553600xf32, #tpu.memory_space<hbm>> -> memref<1024xf32, #tpu.memory_space<hbm>>
      %dma_wait3A_725 = arith.constant 3072 : i32
      %dma_wait3A_726 = tpu.memref_slice %arg6[%dma_wait3A_725] : memref<8192xf32, #tpu.memory_space<vmem>> -> memref<1024xf32, #tpu.memory_space<vmem>>
      %dma_wait3A_727 = tpu.memref_slice %arg2[%mul3A_721] : memref<6553600xf32, #tpu.memory_space<hbm>> -> memref<1024xf32, #tpu.memory_space<hbm>>
      tpu.wait_dma2 semaphore(%arg15 : memref<!tpu.dma_semaphore, #tpu.memory_space<semaphore_mem>>) src(%dma_wait3A_727 : memref<1024xf32, #tpu.memory_space<hbm>>) dst(%dma_wait3A_726 : memref<1024xf32, #tpu.memory_space<vmem>>)
      %mul3A_728 = arith.constant 8 : i32
      %mul3A_729 = arith.muli %mul3A_728, %add3A_659 : i32
      %add3A_730 = arith.constant 4 : i32
      %add3A_731 = arith.addi %mul3A_729, %add3A_730 : i32
      %mul3A_732 = arith.constant 128 : i32
      %mul3A_733 = arith.muli %add3A_731, %mul3A_732 : i32
      %mul3A_734 = arith.constant 4 : i32
      %mul3A_735 = arith.muli %mul3A_734, %add3A : i32
      %add3A_736 = arith.addi %mul3A_733, %mul3A_735 : i32
      %mul3A_737 = arith.constant 256 : i32
      %mul3A_738 = arith.muli %add3A_736, %mul3A_737 : i32
      %dma_wait3A_739 = arith.constant 4096 : i32
      %dma_wait3A_740 = tpu.memref_slice %arg6[%dma_wait3A_739] : memref<8192xf32, #tpu.memory_space<vmem>> -> memref<1024xf32, #tpu.memory_space<vmem>>
      %dma_wait3A_741 = tpu.memref_slice %arg2[%mul3A_738] : memref<6553600xf32, #tpu.memory_space<hbm>> -> memref<1024xf32, #tpu.memory_space<hbm>>
      %dma_wait3A_742 = arith.constant 4096 : i32
      %dma_wait3A_743 = tpu.memref_slice %arg6[%dma_wait3A_742] : memref<8192xf32, #tpu.memory_space<vmem>> -> memref<1024xf32, #tpu.memory_space<vmem>>
      %dma_wait3A_744 = tpu.memref_slice %arg2[%mul3A_738] : memref<6553600xf32, #tpu.memory_space<hbm>> -> memref<1024xf32, #tpu.memory_space<hbm>>
      tpu.wait_dma2 semaphore(%arg15 : memref<!tpu.dma_semaphore, #tpu.memory_space<semaphore_mem>>) src(%dma_wait3A_744 : memref<1024xf32, #tpu.memory_space<hbm>>) dst(%dma_wait3A_743 : memref<1024xf32, #tpu.memory_space<vmem>>)
      %mul3A_745 = arith.constant 8 : i32
      %mul3A_746 = arith.muli %mul3A_745, %add3A_659 : i32
      %add3A_747 = arith.constant 5 : i32
      %add3A_748 = arith.addi %mul3A_746, %add3A_747 : i32
      %mul3A_749 = arith.constant 128 : i32
      %mul3A_750 = arith.muli %add3A_748, %mul3A_749 : i32
      %mul3A_751 = arith.constant 4 : i32
      %mul3A_752 = arith.muli %mul3A_751, %add3A : i32
      %add3A_753 = arith.addi %mul3A_750, %mul3A_752 : i32
      %mul3A_754 = arith.constant 256 : i32
      %mul3A_755 = arith.muli %add3A_753, %mul3A_754 : i32
      %dma_wait3A_756 = arith.constant 5120 : i32
      %dma_wait3A_757 = tpu.memref_slice %arg6[%dma_wait3A_756] : memref<8192xf32, #tpu.memory_space<vmem>> -> memref<1024xf32, #tpu.memory_space<vmem>>
      %dma_wait3A_758 = tpu.memref_slice %arg2[%mul3A_755] : memref<6553600xf32, #tpu.memory_space<hbm>> -> memref<1024xf32, #tpu.memory_space<hbm>>
      %dma_wait3A_759 = arith.constant 5120 : i32
      %dma_wait3A_760 = tpu.memref_slice %arg6[%dma_wait3A_759] : memref<8192xf32, #tpu.memory_space<vmem>> -> memref<1024xf32, #tpu.memory_space<vmem>>
      %dma_wait3A_761 = tpu.memref_slice %arg2[%mul3A_755] : memref<6553600xf32, #tpu.memory_space<hbm>> -> memref<1024xf32, #tpu.memory_space<hbm>>
      tpu.wait_dma2 semaphore(%arg15 : memref<!tpu.dma_semaphore, #tpu.memory_space<semaphore_mem>>) src(%dma_wait3A_761 : memref<1024xf32, #tpu.memory_space<hbm>>) dst(%dma_wait3A_760 : memref<1024xf32, #tpu.memory_space<vmem>>)
      %mul3A_762 = arith.constant 8 : i32
      %mul3A_763 = arith.muli %mul3A_762, %add3A_659 : i32
      %add3A_764 = arith.constant 6 : i32
      %add3A_765 = arith.addi %mul3A_763, %add3A_764 : i32
      %mul3A_766 = arith.constant 128 : i32
      %mul3A_767 = arith.muli %add3A_765, %mul3A_766 : i32
      %mul3A_768 = arith.constant 4 : i32
      %mul3A_769 = arith.muli %mul3A_768, %add3A : i32
      %add3A_770 = arith.addi %mul3A_767, %mul3A_769 : i32
      %mul3A_771 = arith.constant 256 : i32
      %mul3A_772 = arith.muli %add3A_770, %mul3A_771 : i32
      %dma_wait3A_773 = arith.constant 6144 : i32
      %dma_wait3A_774 = tpu.memref_slice %arg6[%dma_wait3A_773] : memref<8192xf32, #tpu.memory_space<vmem>> -> memref<1024xf32, #tpu.memory_space<vmem>>
      %dma_wait3A_775 = tpu.memref_slice %arg2[%mul3A_772] : memref<6553600xf32, #tpu.memory_space<hbm>> -> memref<1024xf32, #tpu.memory_space<hbm>>
      %dma_wait3A_776 = arith.constant 6144 : i32
      %dma_wait3A_777 = tpu.memref_slice %arg6[%dma_wait3A_776] : memref<8192xf32, #tpu.memory_space<vmem>> -> memref<1024xf32, #tpu.memory_space<vmem>>
      %dma_wait3A_778 = tpu.memref_slice %arg2[%mul3A_772] : memref<6553600xf32, #tpu.memory_space<hbm>> -> memref<1024xf32, #tpu.memory_space<hbm>>
      tpu.wait_dma2 semaphore(%arg15 : memref<!tpu.dma_semaphore, #tpu.memory_space<semaphore_mem>>) src(%dma_wait3A_778 : memref<1024xf32, #tpu.memory_space<hbm>>) dst(%dma_wait3A_777 : memref<1024xf32, #tpu.memory_space<vmem>>)
      %mul3A_779 = arith.constant 8 : i32
      %mul3A_780 = arith.muli %mul3A_779, %add3A_659 : i32
      %add3A_781 = arith.constant 7 : i32
      %add3A_782 = arith.addi %mul3A_780, %add3A_781 : i32
      %mul3A_783 = arith.constant 128 : i32
      %mul3A_784 = arith.muli %add3A_782, %mul3A_783 : i32
      %mul3A_785 = arith.constant 4 : i32
      %mul3A_786 = arith.muli %mul3A_785, %add3A : i32
      %add3A_787 = arith.addi %mul3A_784, %mul3A_786 : i32
      %mul3A_788 = arith.constant 256 : i32
      %mul3A_789 = arith.muli %add3A_787, %mul3A_788 : i32
      %dma_wait3A_790 = arith.constant 7168 : i32
      %dma_wait3A_791 = tpu.memref_slice %arg6[%dma_wait3A_790] : memref<8192xf32, #tpu.memory_space<vmem>> -> memref<1024xf32, #tpu.memory_space<vmem>>
      %dma_wait3A_792 = tpu.memref_slice %arg2[%mul3A_789] : memref<6553600xf32, #tpu.memory_space<hbm>> -> memref<1024xf32, #tpu.memory_space<hbm>>
      %dma_wait3A_793 = arith.constant 7168 : i32
      %dma_wait3A_794 = tpu.memref_slice %arg6[%dma_wait3A_793] : memref<8192xf32, #tpu.memory_space<vmem>> -> memref<1024xf32, #tpu.memory_space<vmem>>
      %dma_wait3A_795 = tpu.memref_slice %arg2[%mul3A_789] : memref<6553600xf32, #tpu.memory_space<hbm>> -> memref<1024xf32, #tpu.memory_space<hbm>>
      tpu.wait_dma2 semaphore(%arg15 : memref<!tpu.dma_semaphore, #tpu.memory_space<semaphore_mem>>) src(%dma_wait3A_795 : memref<1024xf32, #tpu.memory_space<hbm>>) dst(%dma_wait3A_794 : memref<1024xf32, #tpu.memory_space<vmem>>)
      %scan3A_796 = arith.constant 0 : i32
      %scan3A_797 = arith.constant 0 : i32
      %scan3A_798 = arith.constant 256 : i32
      %scan3A_799 = arith.addi %scan3A_797, %scan3A_798 : i32
      %scan3A_800 = arith.constant 8 : i32
      scf.for %scan3A_832 = %scan3A_797 to %scan3A_799 step %scan3A_800  : i32 {
        %shift_right_arithmetic3A = arith.constant 3 : i32
        %shift_right_arithmetic3A_833 = arith.shrsi %scan3A_832, %shift_right_arithmetic3A : i32
        %and3A = arith.constant 7 : i32
        %and3A_834 = arith.andi %shift_right_arithmetic3A_833, %and3A : i32
        %mul3A_835 = arith.constant 1024 : i32
        %mul3A_836 = arith.muli %and3A_834, %mul3A_835 : i32
        %shift_right_arithmetic3A_837 = arith.constant 6 : i32
        %shift_right_arithmetic3A_838 = arith.shrsi %scan3A_832, %shift_right_arithmetic3A_837 : i32
        %mul3A_839 = arith.constant 256 : i32
        %mul3A_840 = arith.muli %shift_right_arithmetic3A_838, %mul3A_839 : i32
        %add3A_841 = arith.addi %mul3A_836, %mul3A_840 : i32
        %and3A_842 = arith.constant 7 : i32
        %and3A_843 = arith.andi %scan3A_832, %and3A_842 : i32
        %mul3A_844 = arith.constant 16 : i32
        %mul3A_845 = arith.muli %and3A_843, %mul3A_844 : i32
        %add3A_846 = arith.addi %add3A_841, %mul3A_845 : i32
        %get3A_847 = arith.index_cast %add3A_846 : i32 to index
        %get3A_848 = tpu.vector_load %arg6[%get3A_847] {strides = array<i32>} : memref<8192xf32, #tpu.memory_space<vmem>>, vector<16xf32>,
        %add3A_849 = arith.constant 128 : i32
        %add3A_850 = arith.addi %add3A_846, %add3A_849 : i32
        %get3A_851 = arith.index_cast %add3A_850 : i32 to index
        %get3A_852 = tpu.vector_load %arg6[%get3A_851] {strides = array<i32>} : memref<8192xf32, #tpu.memory_space<vmem>>, vector<16xf32>,
        %mul3A_853 = vector.broadcast %scan3A_299 : f32 to vector<16xf32>
        %mul3A_854 = arith.mulf %get3A_848, %mul3A_853 : vector<16xf32>
        %convert_element_type3A_855 = arith.fptosi %mul3A_854 : vector<16xf32> to vector<16xi32>
        %mul3A_856 = vector.broadcast %scan3A_299 : f32 to vector<16xf32>
        %mul3A_857 = arith.mulf %get3A_852, %mul3A_856 : vector<16xf32>
        %convert_element_type3A_858 = arith.fptosi %mul3A_857 : vector<16xf32> to vector<16xi32>
        %mul3A_859 = arith.constant 128 : i32
        %mul3A_860 = vector.broadcast %mul3A_859 : i32 to vector<16xi32>
        %mul3A_861 = arith.muli %convert_element_type3A_858, %mul3A_860 : vector<16xi32>
        %shift_right_arithmetic3A_862 = arith.constant 3 : i32
        %shift_right_arithmetic3A_863 = vector.broadcast %shift_right_arithmetic3A_862 : i32 to vector<16xi32>
        %shift_right_arithmetic3A_864 = arith.shrsi %convert_element_type3A_858, %shift_right_arithmetic3A_863 : vector<16xi32>
        %mul3A_865 = arith.constant 31744 : i32
        %mul3A_866 = vector.broadcast %mul3A_865 : i32 to vector<16xi32>
        %mul3A_867 = arith.muli %shift_right_arithmetic3A_864, %mul3A_866 : vector<16xi32>
        %add3A_868 = arith.addi %mul3A_861, %mul3A_867 : vector<16xi32>
        %shift_right_arithmetic3A_869 = arith.constant 7 : i32
        %shift_right_arithmetic3A_870 = vector.broadcast %shift_right_arithmetic3A_869 : i32 to vector<16xi32>
        %shift_right_arithmetic3A_871 = arith.shrsi %convert_element_type3A_855, %shift_right_arithmetic3A_870 : vector<16xi32>
        %mul3A_872 = arith.constant 896 : i32
        %mul3A_873 = vector.broadcast %mul3A_872 : i32 to vector<16xi32>
        %mul3A_874 = arith.muli %shift_right_arithmetic3A_871, %mul3A_873 : vector<16xi32>
        %add3A_875 = arith.addi %convert_element_type3A_855, %mul3A_874 : vector<16xi32>
        %add3A_876 = arith.addi %add3A_868, %add3A_875 : vector<16xi32>
        %mul3A_877 = arith.constant 16 : i32
        %mul3A_878 = arith.muli %scan3A_832, %mul3A_877 : i32
        %swap3A = arith.index_cast %mul3A_878 : i32 to index
        %swap3A_879 = tpu.vector_load %arg8[%swap3A] {strides = array<i32>} : memref<4096xi32, #tpu.memory_space<vmem>>, vector<16xi32>,
        tpu.vector_store %arg8[%swap3A], %add3A_876 {strides = array<i32>} : memref<4096xi32, #tpu.memory_space<vmem>>, vector<16xi32>,
        %scan3A_880 = arith.constant 1 : i32
        %scan3A_881 = arith.addi %scan3A_832, %scan3A_880 : i32
        %shift_right_arithmetic3A_882 = arith.constant 3 : i32
        %shift_right_arithmetic3A_883 = arith.shrsi %scan3A_881, %shift_right_arithmetic3A_882 : i32
        %and3A_884 = arith.constant 7 : i32
        %and3A_885 = arith.andi %shift_right_arithmetic3A_883, %and3A_884 : i32
        %mul3A_886 = arith.constant 1024 : i32
        %mul3A_887 = arith.muli %and3A_885, %mul3A_886 : i32
        %shift_right_arithmetic3A_888 = arith.constant 6 : i32
        %shift_right_arithmetic3A_889 = arith.shrsi %scan3A_881, %shift_right_arithmetic3A_888 : i32
        %mul3A_890 = arith.constant 256 : i32
        %mul3A_891 = arith.muli %shift_right_arithmetic3A_889, %mul3A_890 : i32
        %add3A_892 = arith.addi %mul3A_887, %mul3A_891 : i32
        %and3A_893 = arith.constant 7 : i32
        %and3A_894 = arith.andi %scan3A_881, %and3A_893 : i32
        %mul3A_895 = arith.constant 16 : i32
        %mul3A_896 = arith.muli %and3A_894, %mul3A_895 : i32
        %add3A_897 = arith.addi %add3A_892, %mul3A_896 : i32
        %get3A_898 = arith.index_cast %add3A_897 : i32 to index
        %get3A_899 = tpu.vector_load %arg6[%get3A_898] {strides = array<i32>} : memref<8192xf32, #tpu.memory_space<vmem>>, vector<16xf32>,
        %add3A_900 = arith.constant 128 : i32
        %add3A_901 = arith.addi %add3A_897, %add3A_900 : i32
        %get3A_902 = arith.index_cast %add3A_901 : i32 to index
        %get3A_903 = tpu.vector_load %arg6[%get3A_902] {strides = array<i32>} : memref<8192xf32, #tpu.memory_space<vmem>>, vector<16xf32>,
        %mul3A_904 = vector.broadcast %scan3A_299 : f32 to vector<16xf32>
        %mul3A_905 = arith.mulf %get3A_899, %mul3A_904 : vector<16xf32>
        %convert_element_type3A_906 = arith.fptosi %mul3A_905 : vector<16xf32> to vector<16xi32>
        %mul3A_907 = vector.broadcast %scan3A_299 : f32 to vector<16xf32>
        %mul3A_908 = arith.mulf %get3A_903, %mul3A_907 : vector<16xf32>
        %convert_element_type3A_909 = arith.fptosi %mul3A_908 : vector<16xf32> to vector<16xi32>
        %mul3A_910 = arith.constant 128 : i32
        %mul3A_911 = vector.broadcast %mul3A_910 : i32 to vector<16xi32>
        %mul3A_912 = arith.muli %convert_element_type3A_909, %mul3A_911 : vector<16xi32>
        %shift_right_arithmetic3A_913 = arith.constant 3 : i32
        %shift_right_arithmetic3A_914 = vector.broadcast %shift_right_arithmetic3A_913 : i32 to vector<16xi32>
        %shift_right_arithmetic3A_915 = arith.shrsi %convert_element_type3A_909, %shift_right_arithmetic3A_914 : vector<16xi32>
        %mul3A_916 = arith.constant 31744 : i32
        %mul3A_917 = vector.broadcast %mul3A_916 : i32 to vector<16xi32>
        %mul3A_918 = arith.muli %shift_right_arithmetic3A_915, %mul3A_917 : vector<16xi32>
        %add3A_919 = arith.addi %mul3A_912, %mul3A_918 : vector<16xi32>
        %shift_right_arithmetic3A_920 = arith.constant 7 : i32
        %shift_right_arithmetic3A_921 = vector.broadcast %shift_right_arithmetic3A_920 : i32 to vector<16xi32>
        %shift_right_arithmetic3A_922 = arith.shrsi %convert_element_type3A_906, %shift_right_arithmetic3A_921 : vector<16xi32>
        %mul3A_923 = arith.constant 896 : i32
        %mul3A_924 = vector.broadcast %mul3A_923 : i32 to vector<16xi32>
        %mul3A_925 = arith.muli %shift_right_arithmetic3A_922, %mul3A_924 : vector<16xi32>
        %add3A_926 = arith.addi %convert_element_type3A_906, %mul3A_925 : vector<16xi32>
        %add3A_927 = arith.addi %add3A_919, %add3A_926 : vector<16xi32>
        %mul3A_928 = arith.constant 16 : i32
        %mul3A_929 = arith.muli %scan3A_881, %mul3A_928 : i32
        %swap3A_930 = arith.index_cast %mul3A_929 : i32 to index
        %swap3A_931 = tpu.vector_load %arg8[%swap3A_930] {strides = array<i32>} : memref<4096xi32, #tpu.memory_space<vmem>>, vector<16xi32>,
        tpu.vector_store %arg8[%swap3A_930], %add3A_927 {strides = array<i32>} : memref<4096xi32, #tpu.memory_space<vmem>>, vector<16xi32>,
        %scan3A_932 = arith.constant 2 : i32
        %scan3A_933 = arith.addi %scan3A_832, %scan3A_932 : i32
        %shift_right_arithmetic3A_934 = arith.constant 3 : i32
        %shift_right_arithmetic3A_935 = arith.shrsi %scan3A_933, %shift_right_arithmetic3A_934 : i32
        %and3A_936 = arith.constant 7 : i32
        %and3A_937 = arith.andi %shift_right_arithmetic3A_935, %and3A_936 : i32
        %mul3A_938 = arith.constant 1024 : i32
        %mul3A_939 = arith.muli %and3A_937, %mul3A_938 : i32
        %shift_right_arithmetic3A_940 = arith.constant 6 : i32
        %shift_right_arithmetic3A_941 = arith.shrsi %scan3A_933, %shift_right_arithmetic3A_940 : i32
        %mul3A_942 = arith.constant 256 : i32
        %mul3A_943 = arith.muli %shift_right_arithmetic3A_941, %mul3A_942 : i32
        %add3A_944 = arith.addi %mul3A_939, %mul3A_943 : i32
        %and3A_945 = arith.constant 7 : i32
        %and3A_946 = arith.andi %scan3A_933, %and3A_945 : i32
        %mul3A_947 = arith.constant 16 : i32
        %mul3A_948 = arith.muli %and3A_946, %mul3A_947 : i32
        %add3A_949 = arith.addi %add3A_944, %mul3A_948 : i32
        %get3A_950 = arith.index_cast %add3A_949 : i32 to index
        %get3A_951 = tpu.vector_load %arg6[%get3A_950] {strides = array<i32>} : memref<8192xf32, #tpu.memory_space<vmem>>, vector<16xf32>,
        %add3A_952 = arith.constant 128 : i32
        %add3A_953 = arith.addi %add3A_949, %add3A_952 : i32
        %get3A_954 = arith.index_cast %add3A_953 : i32 to index
        %get3A_955 = tpu.vector_load %arg6[%get3A_954] {strides = array<i32>} : memref<8192xf32, #tpu.memory_space<vmem>>, vector<16xf32>,
        %mul3A_956 = vector.broadcast %scan3A_299 : f32 to vector<16xf32>
        %mul3A_957 = arith.mulf %get3A_951, %mul3A_956 : vector<16xf32>
        %convert_element_type3A_958 = arith.fptosi %mul3A_957 : vector<16xf32> to vector<16xi32>
        %mul3A_959 = vector.broadcast %scan3A_299 : f32 to vector<16xf32>
        %mul3A_960 = arith.mulf %get3A_955, %mul3A_959 : vector<16xf32>
        %convert_element_type3A_961 = arith.fptosi %mul3A_960 : vector<16xf32> to vector<16xi32>
        %mul3A_962 = arith.constant 128 : i32
        %mul3A_963 = vector.broadcast %mul3A_962 : i32 to vector<16xi32>
        %mul3A_964 = arith.muli %convert_element_type3A_961, %mul3A_963 : vector<16xi32>
        %shift_right_arithmetic3A_965 = arith.constant 3 : i32
        %shift_right_arithmetic3A_966 = vector.broadcast %shift_right_arithmetic3A_965 : i32 to vector<16xi32>
        %shift_right_arithmetic3A_967 = arith.shrsi %convert_element_type3A_961, %shift_right_arithmetic3A_966 : vector<16xi32>
        %mul3A_968 = arith.constant 31744 : i32
        %mul3A_969 = vector.broadcast %mul3A_968 : i32 to vector<16xi32>
        %mul3A_970 = arith.muli %shift_right_arithmetic3A_967, %mul3A_969 : vector<16xi32>
        %add3A_971 = arith.addi %mul3A_964, %mul3A_970 : vector<16xi32>
        %shift_right_arithmetic3A_972 = arith.constant 7 : i32
        %shift_right_arithmetic3A_973 = vector.broadcast %shift_right_arithmetic3A_972 : i32 to vector<16xi32>
        %shift_right_arithmetic3A_974 = arith.shrsi %convert_element_type3A_958, %shift_right_arithmetic3A_973 : vector<16xi32>
        %mul3A_975 = arith.constant 896 : i32
        %mul3A_976 = vector.broadcast %mul3A_975 : i32 to vector<16xi32>
        %mul3A_977 = arith.muli %shift_right_arithmetic3A_974, %mul3A_976 : vector<16xi32>
        %add3A_978 = arith.addi %convert_element_type3A_958, %mul3A_977 : vector<16xi32>
        %add3A_979 = arith.addi %add3A_971, %add3A_978 : vector<16xi32>
        %mul3A_980 = arith.constant 16 : i32
        %mul3A_981 = arith.muli %scan3A_933, %mul3A_980 : i32
        %swap3A_982 = arith.index_cast %mul3A_981 : i32 to index
        %swap3A_983 = tpu.vector_load %arg8[%swap3A_982] {strides = array<i32>} : memref<4096xi32, #tpu.memory_space<vmem>>, vector<16xi32>,
        tpu.vector_store %arg8[%swap3A_982], %add3A_979 {strides = array<i32>} : memref<4096xi32, #tpu.memory_space<vmem>>, vector<16xi32>,
        %scan3A_984 = arith.constant 3 : i32
        %scan3A_985 = arith.addi %scan3A_832, %scan3A_984 : i32
        %shift_right_arithmetic3A_986 = arith.constant 3 : i32
        %shift_right_arithmetic3A_987 = arith.shrsi %scan3A_985, %shift_right_arithmetic3A_986 : i32
        %and3A_988 = arith.constant 7 : i32
        %and3A_989 = arith.andi %shift_right_arithmetic3A_987, %and3A_988 : i32
        %mul3A_990 = arith.constant 1024 : i32
        %mul3A_991 = arith.muli %and3A_989, %mul3A_990 : i32
        %shift_right_arithmetic3A_992 = arith.constant 6 : i32
        %shift_right_arithmetic3A_993 = arith.shrsi %scan3A_985, %shift_right_arithmetic3A_992 : i32
        %mul3A_994 = arith.constant 256 : i32
        %mul3A_995 = arith.muli %shift_right_arithmetic3A_993, %mul3A_994 : i32
        %add3A_996 = arith.addi %mul3A_991, %mul3A_995 : i32
        %and3A_997 = arith.constant 7 : i32
        %and3A_998 = arith.andi %scan3A_985, %and3A_997 : i32
        %mul3A_999 = arith.constant 16 : i32
        %mul3A_1000 = arith.muli %and3A_998, %mul3A_999 : i32
        %add3A_1001 = arith.addi %add3A_996, %mul3A_1000 : i32
        %get3A_1002 = arith.index_cast %add3A_1001 : i32 to index
        %get3A_1003 = tpu.vector_load %arg6[%get3A_1002] {strides = array<i32>} : memref<8192xf32, #tpu.memory_space<vmem>>, vector<16xf32>,
        %add3A_1004 = arith.constant 128 : i32
        %add3A_1005 = arith.addi %add3A_1001, %add3A_1004 : i32
        %get3A_1006 = arith.index_cast %add3A_1005 : i32 to index
        %get3A_1007 = tpu.vector_load %arg6[%get3A_1006] {strides = array<i32>} : memref<8192xf32, #tpu.memory_space<vmem>>, vector<16xf32>,
        %mul3A_1008 = vector.broadcast %scan3A_299 : f32 to vector<16xf32>
        %mul3A_1009 = arith.mulf %get3A_1003, %mul3A_1008 : vector<16xf32>
        %convert_element_type3A_1010 = arith.fptosi %mul3A_1009 : vector<16xf32> to vector<16xi32>
        %mul3A_1011 = vector.broadcast %scan3A_299 : f32 to vector<16xf32>
        %mul3A_1012 = arith.mulf %get3A_1007, %mul3A_1011 : vector<16xf32>
        %convert_element_type3A_1013 = arith.fptosi %mul3A_1012 : vector<16xf32> to vector<16xi32>
        %mul3A_1014 = arith.constant 128 : i32
        %mul3A_1015 = vector.broadcast %mul3A_1014 : i32 to vector<16xi32>
        %mul3A_1016 = arith.muli %convert_element_type3A_1013, %mul3A_1015 : vector<16xi32>
        %shift_right_arithmetic3A_1017 = arith.constant 3 : i32
        %shift_right_arithmetic3A_1018 = vector.broadcast %shift_right_arithmetic3A_1017 : i32 to vector<16xi32>
        %shift_right_arithmetic3A_1019 = arith.shrsi %convert_element_type3A_1013, %shift_right_arithmetic3A_1018 : vector<16xi32>
        %mul3A_1020 = arith.constant 31744 : i32
        %mul3A_1021 = vector.broadcast %mul3A_1020 : i32 to vector<16xi32>
        %mul3A_1022 = arith.muli %shift_right_arithmetic3A_1019, %mul3A_1021 : vector<16xi32>
        %add3A_1023 = arith.addi %mul3A_1016, %mul3A_1022 : vector<16xi32>
        %shift_right_arithmetic3A_1024 = arith.constant 7 : i32
        %shift_right_arithmetic3A_1025 = vector.broadcast %shift_right_arithmetic3A_1024 : i32 to vector<16xi32>
        %shift_right_arithmetic3A_1026 = arith.shrsi %convert_element_type3A_1010, %shift_right_arithmetic3A_1025 : vector<16xi32>
        %mul3A_1027 = arith.constant 896 : i32
        %mul3A_1028 = vector.broadcast %mul3A_1027 : i32 to vector<16xi32>
        %mul3A_1029 = arith.muli %shift_right_arithmetic3A_1026, %mul3A_1028 : vector<16xi32>
        %add3A_1030 = arith.addi %convert_element_type3A_1010, %mul3A_1029 : vector<16xi32>
        %add3A_1031 = arith.addi %add3A_1023, %add3A_1030 : vector<16xi32>
        %mul3A_1032 = arith.constant 16 : i32
        %mul3A_1033 = arith.muli %scan3A_985, %mul3A_1032 : i32
        %swap3A_1034 = arith.index_cast %mul3A_1033 : i32 to index
        %swap3A_1035 = tpu.vector_load %arg8[%swap3A_1034] {strides = array<i32>} : memref<4096xi32, #tpu.memory_space<vmem>>, vector<16xi32>,
        tpu.vector_store %arg8[%swap3A_1034], %add3A_1031 {strides = array<i32>} : memref<4096xi32, #tpu.memory_space<vmem>>, vector<16xi32>,
        %scan3A_1036 = arith.constant 4 : i32
        %scan3A_1037 = arith.addi %scan3A_832, %scan3A_1036 : i32
        %shift_right_arithmetic3A_1038 = arith.constant 3 : i32
        %shift_right_arithmetic3A_1039 = arith.shrsi %scan3A_1037, %shift_right_arithmetic3A_1038 : i32
        %and3A_1040 = arith.constant 7 : i32
        %and3A_1041 = arith.andi %shift_right_arithmetic3A_1039, %and3A_1040 : i32
        %mul3A_1042 = arith.constant 1024 : i32
        %mul3A_1043 = arith.muli %and3A_1041, %mul3A_1042 : i32
        %shift_right_arithmetic3A_1044 = arith.constant 6 : i32
        %shift_right_arithmetic3A_1045 = arith.shrsi %scan3A_1037, %shift_right_arithmetic3A_1044 : i32
        %mul3A_1046 = arith.constant 256 : i32
        %mul3A_1047 = arith.muli %shift_right_arithmetic3A_1045, %mul3A_1046 : i32
        %add3A_1048 = arith.addi %mul3A_1043, %mul3A_1047 : i32
        %and3A_1049 = arith.constant 7 : i32
        %and3A_1050 = arith.andi %scan3A_1037, %and3A_1049 : i32
        %mul3A_1051 = arith.constant 16 : i32
        %mul3A_1052 = arith.muli %and3A_1050, %mul3A_1051 : i32
        %add3A_1053 = arith.addi %add3A_1048, %mul3A_1052 : i32
        %get3A_1054 = arith.index_cast %add3A_1053 : i32 to index
        %get3A_1055 = tpu.vector_load %arg6[%get3A_1054] {strides = array<i32>} : memref<8192xf32, #tpu.memory_space<vmem>>, vector<16xf32>,
        %add3A_1056 = arith.constant 128 : i32
        %add3A_1057 = arith.addi %add3A_1053, %add3A_1056 : i32
        %get3A_1058 = arith.index_cast %add3A_1057 : i32 to index
        %get3A_1059 = tpu.vector_load %arg6[%get3A_1058] {strides = array<i32>} : memref<8192xf32, #tpu.memory_space<vmem>>, vector<16xf32>,
        %mul3A_1060 = vector.broadcast %scan3A_299 : f32 to vector<16xf32>
        %mul3A_1061 = arith.mulf %get3A_1055, %mul3A_1060 : vector<16xf32>
        %convert_element_type3A_1062 = arith.fptosi %mul3A_1061 : vector<16xf32> to vector<16xi32>
        %mul3A_1063 = vector.broadcast %scan3A_299 : f32 to vector<16xf32>
        %mul3A_1064 = arith.mulf %get3A_1059, %mul3A_1063 : vector<16xf32>
        %convert_element_type3A_1065 = arith.fptosi %mul3A_1064 : vector<16xf32> to vector<16xi32>
        %mul3A_1066 = arith.constant 128 : i32
        %mul3A_1067 = vector.broadcast %mul3A_1066 : i32 to vector<16xi32>
        %mul3A_1068 = arith.muli %convert_element_type3A_1065, %mul3A_1067 : vector<16xi32>
        %shift_right_arithmetic3A_1069 = arith.constant 3 : i32
        %shift_right_arithmetic3A_1070 = vector.broadcast %shift_right_arithmetic3A_1069 : i32 to vector<16xi32>
        %shift_right_arithmetic3A_1071 = arith.shrsi %convert_element_type3A_1065, %shift_right_arithmetic3A_1070 : vector<16xi32>
        %mul3A_1072 = arith.constant 31744 : i32
        %mul3A_1073 = vector.broadcast %mul3A_1072 : i32 to vector<16xi32>
        %mul3A_1074 = arith.muli %shift_right_arithmetic3A_1071, %mul3A_1073 : vector<16xi32>
        %add3A_1075 = arith.addi %mul3A_1068, %mul3A_1074 : vector<16xi32>
        %shift_right_arithmetic3A_1076 = arith.constant 7 : i32
        %shift_right_arithmetic3A_1077 = vector.broadcast %shift_right_arithmetic3A_1076 : i32 to vector<16xi32>
        %shift_right_arithmetic3A_1078 = arith.shrsi %convert_element_type3A_1062, %shift_right_arithmetic3A_1077 : vector<16xi32>
        %mul3A_1079 = arith.constant 896 : i32
        %mul3A_1080 = vector.broadcast %mul3A_1079 : i32 to vector<16xi32>
        %mul3A_1081 = arith.muli %shift_right_arithmetic3A_1078, %mul3A_1080 : vector<16xi32>
        %add3A_1082 = arith.addi %convert_element_type3A_1062, %mul3A_1081 : vector<16xi32>
        %add3A_1083 = arith.addi %add3A_1075, %add3A_1082 : vector<16xi32>
        %mul3A_1084 = arith.constant 16 : i32
        %mul3A_1085 = arith.muli %scan3A_1037, %mul3A_1084 : i32
        %swap3A_1086 = arith.index_cast %mul3A_1085 : i32 to index
        %swap3A_1087 = tpu.vector_load %arg8[%swap3A_1086] {strides = array<i32>} : memref<4096xi32, #tpu.memory_space<vmem>>, vector<16xi32>,
        tpu.vector_store %arg8[%swap3A_1086], %add3A_1083 {strides = array<i32>} : memref<4096xi32, #tpu.memory_space<vmem>>, vector<16xi32>,
        %scan3A_1088 = arith.constant 5 : i32
        %scan3A_1089 = arith.addi %scan3A_832, %scan3A_1088 : i32
        %shift_right_arithmetic3A_1090 = arith.constant 3 : i32
        %shift_right_arithmetic3A_1091 = arith.shrsi %scan3A_1089, %shift_right_arithmetic3A_1090 : i32
        %and3A_1092 = arith.constant 7 : i32
        %and3A_1093 = arith.andi %shift_right_arithmetic3A_1091, %and3A_1092 : i32
        %mul3A_1094 = arith.constant 1024 : i32
        %mul3A_1095 = arith.muli %and3A_1093, %mul3A_1094 : i32
        %shift_right_arithmetic3A_1096 = arith.constant 6 : i32
        %shift_right_arithmetic3A_1097 = arith.shrsi %scan3A_1089, %shift_right_arithmetic3A_1096 : i32
        %mul3A_1098 = arith.constant 256 : i32
        %mul3A_1099 = arith.muli %shift_right_arithmetic3A_1097, %mul3A_1098 : i32
        %add3A_1100 = arith.addi %mul3A_1095, %mul3A_1099 : i32
        %and3A_1101 = arith.constant 7 : i32
        %and3A_1102 = arith.andi %scan3A_1089, %and3A_1101 : i32
        %mul3A_1103 = arith.constant 16 : i32
        %mul3A_1104 = arith.muli %and3A_1102, %mul3A_1103 : i32
        %add3A_1105 = arith.addi %add3A_1100, %mul3A_1104 : i32
        %get3A_1106 = arith.index_cast %add3A_1105 : i32 to index
        %get3A_1107 = tpu.vector_load %arg6[%get3A_1106] {strides = array<i32>} : memref<8192xf32, #tpu.memory_space<vmem>>, vector<16xf32>,
        %add3A_1108 = arith.constant 128 : i32
        %add3A_1109 = arith.addi %add3A_1105, %add3A_1108 : i32
        %get3A_1110 = arith.index_cast %add3A_1109 : i32 to index
        %get3A_1111 = tpu.vector_load %arg6[%get3A_1110] {strides = array<i32>} : memref<8192xf32, #tpu.memory_space<vmem>>, vector<16xf32>,
        %mul3A_1112 = vector.broadcast %scan3A_299 : f32 to vector<16xf32>
        %mul3A_1113 = arith.mulf %get3A_1107, %mul3A_1112 : vector<16xf32>
        %convert_element_type3A_1114 = arith.fptosi %mul3A_1113 : vector<16xf32> to vector<16xi32>
        %mul3A_1115 = vector.broadcast %scan3A_299 : f32 to vector<16xf32>
        %mul3A_1116 = arith.mulf %get3A_1111, %mul3A_1115 : vector<16xf32>
        %convert_element_type3A_1117 = arith.fptosi %mul3A_1116 : vector<16xf32> to vector<16xi32>
        %mul3A_1118 = arith.constant 128 : i32
        %mul3A_1119 = vector.broadcast %mul3A_1118 : i32 to vector<16xi32>
        %mul3A_1120 = arith.muli %convert_element_type3A_1117, %mul3A_1119 : vector<16xi32>
        %shift_right_arithmetic3A_1121 = arith.constant 3 : i32
        %shift_right_arithmetic3A_1122 = vector.broadcast %shift_right_arithmetic3A_1121 : i32 to vector<16xi32>
        %shift_right_arithmetic3A_1123 = arith.shrsi %convert_element_type3A_1117, %shift_right_arithmetic3A_1122 : vector<16xi32>
        %mul3A_1124 = arith.constant 31744 : i32
        %mul3A_1125 = vector.broadcast %mul3A_1124 : i32 to vector<16xi32>
        %mul3A_1126 = arith.muli %shift_right_arithmetic3A_1123, %mul3A_1125 : vector<16xi32>
        %add3A_1127 = arith.addi %mul3A_1120, %mul3A_1126 : vector<16xi32>
        %shift_right_arithmetic3A_1128 = arith.constant 7 : i32
        %shift_right_arithmetic3A_1129 = vector.broadcast %shift_right_arithmetic3A_1128 : i32 to vector<16xi32>
        %shift_right_arithmetic3A_1130 = arith.shrsi %convert_element_type3A_1114, %shift_right_arithmetic3A_1129 : vector<16xi32>
        %mul3A_1131 = arith.constant 896 : i32
        %mul3A_1132 = vector.broadcast %mul3A_1131 : i32 to vector<16xi32>
        %mul3A_1133 = arith.muli %shift_right_arithmetic3A_1130, %mul3A_1132 : vector<16xi32>
        %add3A_1134 = arith.addi %convert_element_type3A_1114, %mul3A_1133 : vector<16xi32>
        %add3A_1135 = arith.addi %add3A_1127, %add3A_1134 : vector<16xi32>
        %mul3A_1136 = arith.constant 16 : i32
        %mul3A_1137 = arith.muli %scan3A_1089, %mul3A_1136 : i32
        %swap3A_1138 = arith.index_cast %mul3A_1137 : i32 to index
        %swap3A_1139 = tpu.vector_load %arg8[%swap3A_1138] {strides = array<i32>} : memref<4096xi32, #tpu.memory_space<vmem>>, vector<16xi32>,
        tpu.vector_store %arg8[%swap3A_1138], %add3A_1135 {strides = array<i32>} : memref<4096xi32, #tpu.memory_space<vmem>>, vector<16xi32>,
        %scan3A_1140 = arith.constant 6 : i32
        %scan3A_1141 = arith.addi %scan3A_832, %scan3A_1140 : i32
        %shift_right_arithmetic3A_1142 = arith.constant 3 : i32
        %shift_right_arithmetic3A_1143 = arith.shrsi %scan3A_1141, %shift_right_arithmetic3A_1142 : i32
        %and3A_1144 = arith.constant 7 : i32
        %and3A_1145 = arith.andi %shift_right_arithmetic3A_1143, %and3A_1144 : i32
        %mul3A_1146 = arith.constant 1024 : i32
        %mul3A_1147 = arith.muli %and3A_1145, %mul3A_1146 : i32
        %shift_right_arithmetic3A_1148 = arith.constant 6 : i32
        %shift_right_arithmetic3A_1149 = arith.shrsi %scan3A_1141, %shift_right_arithmetic3A_1148 : i32
        %mul3A_1150 = arith.constant 256 : i32
        %mul3A_1151 = arith.muli %shift_right_arithmetic3A_1149, %mul3A_1150 : i32
        %add3A_1152 = arith.addi %mul3A_1147, %mul3A_1151 : i32
        %and3A_1153 = arith.constant 7 : i32
        %and3A_1154 = arith.andi %scan3A_1141, %and3A_1153 : i32
        %mul3A_1155 = arith.constant 16 : i32
        %mul3A_1156 = arith.muli %and3A_1154, %mul3A_1155 : i32
        %add3A_1157 = arith.addi %add3A_1152, %mul3A_1156 : i32
        %get3A_1158 = arith.index_cast %add3A_1157 : i32 to index
        %get3A_1159 = tpu.vector_load %arg6[%get3A_1158] {strides = array<i32>} : memref<8192xf32, #tpu.memory_space<vmem>>, vector<16xf32>,
        %add3A_1160 = arith.constant 128 : i32
        %add3A_1161 = arith.addi %add3A_1157, %add3A_1160 : i32
        %get3A_1162 = arith.index_cast %add3A_1161 : i32 to index
        %get3A_1163 = tpu.vector_load %arg6[%get3A_1162] {strides = array<i32>} : memref<8192xf32, #tpu.memory_space<vmem>>, vector<16xf32>,
        %mul3A_1164 = vector.broadcast %scan3A_299 : f32 to vector<16xf32>
        %mul3A_1165 = arith.mulf %get3A_1159, %mul3A_1164 : vector<16xf32>
        %convert_element_type3A_1166 = arith.fptosi %mul3A_1165 : vector<16xf32> to vector<16xi32>
        %mul3A_1167 = vector.broadcast %scan3A_299 : f32 to vector<16xf32>
        %mul3A_1168 = arith.mulf %get3A_1163, %mul3A_1167 : vector<16xf32>
        %convert_element_type3A_1169 = arith.fptosi %mul3A_1168 : vector<16xf32> to vector<16xi32>
        %mul3A_1170 = arith.constant 128 : i32
        %mul3A_1171 = vector.broadcast %mul3A_1170 : i32 to vector<16xi32>
        %mul3A_1172 = arith.muli %convert_element_type3A_1169, %mul3A_1171 : vector<16xi32>
        %shift_right_arithmetic3A_1173 = arith.constant 3 : i32
        %shift_right_arithmetic3A_1174 = vector.broadcast %shift_right_arithmetic3A_1173 : i32 to vector<16xi32>
        %shift_right_arithmetic3A_1175 = arith.shrsi %convert_element_type3A_1169, %shift_right_arithmetic3A_1174 : vector<16xi32>
        %mul3A_1176 = arith.constant 31744 : i32
        %mul3A_1177 = vector.broadcast %mul3A_1176 : i32 to vector<16xi32>
        %mul3A_1178 = arith.muli %shift_right_arithmetic3A_1175, %mul3A_1177 : vector<16xi32>
        %add3A_1179 = arith.addi %mul3A_1172, %mul3A_1178 : vector<16xi32>
        %shift_right_arithmetic3A_1180 = arith.constant 7 : i32
        %shift_right_arithmetic3A_1181 = vector.broadcast %shift_right_arithmetic3A_1180 : i32 to vector<16xi32>
        %shift_right_arithmetic3A_1182 = arith.shrsi %convert_element_type3A_1166, %shift_right_arithmetic3A_1181 : vector<16xi32>
        %mul3A_1183 = arith.constant 896 : i32
        %mul3A_1184 = vector.broadcast %mul3A_1183 : i32 to vector<16xi32>
        %mul3A_1185 = arith.muli %shift_right_arithmetic3A_1182, %mul3A_1184 : vector<16xi32>
        %add3A_1186 = arith.addi %convert_element_type3A_1166, %mul3A_1185 : vector<16xi32>
        %add3A_1187 = arith.addi %add3A_1179, %add3A_1186 : vector<16xi32>
        %mul3A_1188 = arith.constant 16 : i32
        %mul3A_1189 = arith.muli %scan3A_1141, %mul3A_1188 : i32
        %swap3A_1190 = arith.index_cast %mul3A_1189 : i32 to index
        %swap3A_1191 = tpu.vector_load %arg8[%swap3A_1190] {strides = array<i32>} : memref<4096xi32, #tpu.memory_space<vmem>>, vector<16xi32>,
        tpu.vector_store %arg8[%swap3A_1190], %add3A_1187 {strides = array<i32>} : memref<4096xi32, #tpu.memory_space<vmem>>, vector<16xi32>,
        %scan3A_1192 = arith.constant 7 : i32
        %scan3A_1193 = arith.addi %scan3A_832, %scan3A_1192 : i32
        %shift_right_arithmetic3A_1194 = arith.constant 3 : i32
        %shift_right_arithmetic3A_1195 = arith.shrsi %scan3A_1193, %shift_right_arithmetic3A_1194 : i32
        %and3A_1196 = arith.constant 7 : i32
        %and3A_1197 = arith.andi %shift_right_arithmetic3A_1195, %and3A_1196 : i32
        %mul3A_1198 = arith.constant 1024 : i32
        %mul3A_1199 = arith.muli %and3A_1197, %mul3A_1198 : i32
        %shift_right_arithmetic3A_1200 = arith.constant 6 : i32
        %shift_right_arithmetic3A_1201 = arith.shrsi %scan3A_1193, %shift_right_arithmetic3A_1200 : i32
        %mul3A_1202 = arith.constant 256 : i32
        %mul3A_1203 = arith.muli %shift_right_arithmetic3A_1201, %mul3A_1202 : i32
        %add3A_1204 = arith.addi %mul3A_1199, %mul3A_1203 : i32
        %and3A_1205 = arith.constant 7 : i32
        %and3A_1206 = arith.andi %scan3A_1193, %and3A_1205 : i32
        %mul3A_1207 = arith.constant 16 : i32
        %mul3A_1208 = arith.muli %and3A_1206, %mul3A_1207 : i32
        %add3A_1209 = arith.addi %add3A_1204, %mul3A_1208 : i32
        %get3A_1210 = arith.index_cast %add3A_1209 : i32 to index
        %get3A_1211 = tpu.vector_load %arg6[%get3A_1210] {strides = array<i32>} : memref<8192xf32, #tpu.memory_space<vmem>>, vector<16xf32>,
        %add3A_1212 = arith.constant 128 : i32
        %add3A_1213 = arith.addi %add3A_1209, %add3A_1212 : i32
        %get3A_1214 = arith.index_cast %add3A_1213 : i32 to index
        %get3A_1215 = tpu.vector_load %arg6[%get3A_1214] {strides = array<i32>} : memref<8192xf32, #tpu.memory_space<vmem>>, vector<16xf32>,
        %mul3A_1216 = vector.broadcast %scan3A_299 : f32 to vector<16xf32>
        %mul3A_1217 = arith.mulf %get3A_1211, %mul3A_1216 : vector<16xf32>
        %convert_element_type3A_1218 = arith.fptosi %mul3A_1217 : vector<16xf32> to vector<16xi32>
        %mul3A_1219 = vector.broadcast %scan3A_299 : f32 to vector<16xf32>
        %mul3A_1220 = arith.mulf %get3A_1215, %mul3A_1219 : vector<16xf32>
        %convert_element_type3A_1221 = arith.fptosi %mul3A_1220 : vector<16xf32> to vector<16xi32>
        %mul3A_1222 = arith.constant 128 : i32
        %mul3A_1223 = vector.broadcast %mul3A_1222 : i32 to vector<16xi32>
        %mul3A_1224 = arith.muli %convert_element_type3A_1221, %mul3A_1223 : vector<16xi32>
        %shift_right_arithmetic3A_1225 = arith.constant 3 : i32
        %shift_right_arithmetic3A_1226 = vector.broadcast %shift_right_arithmetic3A_1225 : i32 to vector<16xi32>
        %shift_right_arithmetic3A_1227 = arith.shrsi %convert_element_type3A_1221, %shift_right_arithmetic3A_1226 : vector<16xi32>
        %mul3A_1228 = arith.constant 31744 : i32
        %mul3A_1229 = vector.broadcast %mul3A_1228 : i32 to vector<16xi32>
        %mul3A_1230 = arith.muli %shift_right_arithmetic3A_1227, %mul3A_1229 : vector<16xi32>
        %add3A_1231 = arith.addi %mul3A_1224, %mul3A_1230 : vector<16xi32>
        %shift_right_arithmetic3A_1232 = arith.constant 7 : i32
        %shift_right_arithmetic3A_1233 = vector.broadcast %shift_right_arithmetic3A_1232 : i32 to vector<16xi32>
        %shift_right_arithmetic3A_1234 = arith.shrsi %convert_element_type3A_1218, %shift_right_arithmetic3A_1233 : vector<16xi32>
        %mul3A_1235 = arith.constant 896 : i32
        %mul3A_1236 = vector.broadcast %mul3A_1235 : i32 to vector<16xi32>
        %mul3A_1237 = arith.muli %shift_right_arithmetic3A_1234, %mul3A_1236 : vector<16xi32>
        %add3A_1238 = arith.addi %convert_element_type3A_1218, %mul3A_1237 : vector<16xi32>
        %add3A_1239 = arith.addi %add3A_1231, %add3A_1238 : vector<16xi32>
        %mul3A_1240 = arith.constant 16 : i32
        %mul3A_1241 = arith.muli %scan3A_1193, %mul3A_1240 : i32
        %swap3A_1242 = arith.index_cast %mul3A_1241 : i32 to index
        %swap3A_1243 = tpu.vector_load %arg8[%swap3A_1242] {strides = array<i32>} : memref<4096xi32, #tpu.memory_space<vmem>>, vector<16xi32>,
        tpu.vector_store %arg8[%swap3A_1242], %add3A_1239 {strides = array<i32>} : memref<4096xi32, #tpu.memory_space<vmem>>, vector<16xi32>,
      }
      %scan3A_801 = arith.constant 256 : i32
      %dma_start3A_802 = arith.constant 0 : i32
      %dma_start3A_803 = tpu.memref_slice %arg3[%dma_start3A_802] : memref<16777216xf32, #tpu.memory_space<hbm>> -> memref<16777216xf32, #tpu.memory_space<hbm>>
      tpu.enqueue_indirect_dma source(%dma_start3A_803 : memref<16777216xf32, #tpu.memory_space<hbm>>) target(%arg10 : memref<4096xf32, #tpu.memory_space<vmem>>) offsets(%arg8 : memref<4096xi32, #tpu.memory_space<vmem>>) semaphore(%arg17 : memref<!tpu.dma_semaphore, #tpu.memory_space<semaphore_mem>>)
      %lt3A = arith.constant 11 : i32
      %lt3A_804 = arith.cmpi slt, %scan3A_345, %lt3A : i32
      %convert_element_type3A_805 = arith.extui %lt3A_804 : i1 to i32
      %cond3A_806 = arith.constant 0 : i32
      %cond3A_807 = arith.cmpi ne, %convert_element_type3A_805, %cond3A_806 : i32
      scf.if %cond3A_807 {
        %add3A_832 = arith.constant 1 : i32
        %add3A_833 = arith.addi %add3A_659, %add3A_832 : i32
        %mul3A_834 = arith.constant 8 : i32
        %mul3A_835 = arith.muli %mul3A_834, %add3A_833 : i32
        %add3A_836 = arith.constant 0 : i32
        %add3A_837 = arith.addi %mul3A_835, %add3A_836 : i32
        %mul3A_838 = arith.constant 128 : i32
        %mul3A_839 = arith.muli %add3A_837, %mul3A_838 : i32
        %mul3A_840 = arith.constant 4 : i32
        %mul3A_841 = arith.muli %mul3A_840, %add3A : i32
        %add3A_842 = arith.addi %mul3A_839, %mul3A_841 : i32
        %mul3A_843 = arith.constant 256 : i32
        %mul3A_844 = arith.muli %add3A_842, %mul3A_843 : i32
        %dma_start3A_845 = arith.constant 0 : i32
        %dma_start3A_846 = tpu.memref_slice %arg7[%dma_start3A_845] : memref<8192xf32, #tpu.memory_space<vmem>> -> memref<1024xf32, #tpu.memory_space<vmem>>
        %dma_start3A_847 = tpu.memref_slice %arg2[%mul3A_844] : memref<6553600xf32, #tpu.memory_space<hbm>> -> memref<1024xf32, #tpu.memory_space<hbm>>
        %dma_start3A_848 = arith.constant 0 : i32
        %dma_start3A_849 = tpu.memref_slice %arg7[%dma_start3A_848] : memref<8192xf32, #tpu.memory_space<vmem>> -> memref<1024xf32, #tpu.memory_space<vmem>>
        %dma_start3A_850 = tpu.memref_slice %arg2[%mul3A_844] : memref<6553600xf32, #tpu.memory_space<hbm>> -> memref<1024xf32, #tpu.memory_space<hbm>>
        tpu.enqueue_dma source(%dma_start3A_850 : memref<1024xf32, #tpu.memory_space<hbm>>) target(%dma_start3A_849 : memref<1024xf32, #tpu.memory_space<vmem>>) target_semaphore(%arg16 : memref<!tpu.dma_semaphore, #tpu.memory_space<semaphore_mem>>)
        %mul3A_851 = arith.constant 8 : i32
        %mul3A_852 = arith.muli %mul3A_851, %add3A_833 : i32
        %add3A_853 = arith.constant 1 : i32
        %add3A_854 = arith.addi %mul3A_852, %add3A_853 : i32
        %mul3A_855 = arith.constant 128 : i32
        %mul3A_856 = arith.muli %add3A_854, %mul3A_855 : i32
        %mul3A_857 = arith.constant 4 : i32
        %mul3A_858 = arith.muli %mul3A_857, %add3A : i32
        %add3A_859 = arith.addi %mul3A_856, %mul3A_858 : i32
        %mul3A_860 = arith.constant 256 : i32
        %mul3A_861 = arith.muli %add3A_859, %mul3A_860 : i32
        %dma_start3A_862 = arith.constant 1024 : i32
        %dma_start3A_863 = tpu.memref_slice %arg7[%dma_start3A_862] : memref<8192xf32, #tpu.memory_space<vmem>> -> memref<1024xf32, #tpu.memory_space<vmem>>
        %dma_start3A_864 = tpu.memref_slice %arg2[%mul3A_861] : memref<6553600xf32, #tpu.memory_space<hbm>> -> memref<1024xf32, #tpu.memory_space<hbm>>
        %dma_start3A_865 = arith.constant 1024 : i32
        %dma_start3A_866 = tpu.memref_slice %arg7[%dma_start3A_865] : memref<8192xf32, #tpu.memory_space<vmem>> -> memref<1024xf32, #tpu.memory_space<vmem>>
        %dma_start3A_867 = tpu.memref_slice %arg2[%mul3A_861] : memref<6553600xf32, #tpu.memory_space<hbm>> -> memref<1024xf32, #tpu.memory_space<hbm>>
        tpu.enqueue_dma source(%dma_start3A_867 : memref<1024xf32, #tpu.memory_space<hbm>>) target(%dma_start3A_866 : memref<1024xf32, #tpu.memory_space<vmem>>) target_semaphore(%arg16 : memref<!tpu.dma_semaphore, #tpu.memory_space<semaphore_mem>>)
        %mul3A_868 = arith.constant 8 : i32
        %mul3A_869 = arith.muli %mul3A_868, %add3A_833 : i32
        %add3A_870 = arith.constant 2 : i32
        %add3A_871 = arith.addi %mul3A_869, %add3A_870 : i32
        %mul3A_872 = arith.constant 128 : i32
        %mul3A_873 = arith.muli %add3A_871, %mul3A_872 : i32
        %mul3A_874 = arith.constant 4 : i32
        %mul3A_875 = arith.muli %mul3A_874, %add3A : i32
        %add3A_876 = arith.addi %mul3A_873, %mul3A_875 : i32
        %mul3A_877 = arith.constant 256 : i32
        %mul3A_878 = arith.muli %add3A_876, %mul3A_877 : i32
        %dma_start3A_879 = arith.constant 2048 : i32
        %dma_start3A_880 = tpu.memref_slice %arg7[%dma_start3A_879] : memref<8192xf32, #tpu.memory_space<vmem>> -> memref<1024xf32, #tpu.memory_space<vmem>>
        %dma_start3A_881 = tpu.memref_slice %arg2[%mul3A_878] : memref<6553600xf32, #tpu.memory_space<hbm>> -> memref<1024xf32, #tpu.memory_space<hbm>>
        %dma_start3A_882 = arith.constant 2048 : i32
        %dma_start3A_883 = tpu.memref_slice %arg7[%dma_start3A_882] : memref<8192xf32, #tpu.memory_space<vmem>> -> memref<1024xf32, #tpu.memory_space<vmem>>
        %dma_start3A_884 = tpu.memref_slice %arg2[%mul3A_878] : memref<6553600xf32, #tpu.memory_space<hbm>> -> memref<1024xf32, #tpu.memory_space<hbm>>
        tpu.enqueue_dma source(%dma_start3A_884 : memref<1024xf32, #tpu.memory_space<hbm>>) target(%dma_start3A_883 : memref<1024xf32, #tpu.memory_space<vmem>>) target_semaphore(%arg16 : memref<!tpu.dma_semaphore, #tpu.memory_space<semaphore_mem>>)
        %mul3A_885 = arith.constant 8 : i32
        %mul3A_886 = arith.muli %mul3A_885, %add3A_833 : i32
        %add3A_887 = arith.constant 3 : i32
        %add3A_888 = arith.addi %mul3A_886, %add3A_887 : i32
        %mul3A_889 = arith.constant 128 : i32
        %mul3A_890 = arith.muli %add3A_888, %mul3A_889 : i32
        %mul3A_891 = arith.constant 4 : i32
        %mul3A_892 = arith.muli %mul3A_891, %add3A : i32
        %add3A_893 = arith.addi %mul3A_890, %mul3A_892 : i32
        %mul3A_894 = arith.constant 256 : i32
        %mul3A_895 = arith.muli %add3A_893, %mul3A_894 : i32
        %dma_start3A_896 = arith.constant 3072 : i32
        %dma_start3A_897 = tpu.memref_slice %arg7[%dma_start3A_896] : memref<8192xf32, #tpu.memory_space<vmem>> -> memref<1024xf32, #tpu.memory_space<vmem>>
        %dma_start3A_898 = tpu.memref_slice %arg2[%mul3A_895] : memref<6553600xf32, #tpu.memory_space<hbm>> -> memref<1024xf32, #tpu.memory_space<hbm>>
        %dma_start3A_899 = arith.constant 3072 : i32
        %dma_start3A_900 = tpu.memref_slice %arg7[%dma_start3A_899] : memref<8192xf32, #tpu.memory_space<vmem>> -> memref<1024xf32, #tpu.memory_space<vmem>>
        %dma_start3A_901 = tpu.memref_slice %arg2[%mul3A_895] : memref<6553600xf32, #tpu.memory_space<hbm>> -> memref<1024xf32, #tpu.memory_space<hbm>>
        tpu.enqueue_dma source(%dma_start3A_901 : memref<1024xf32, #tpu.memory_space<hbm>>) target(%dma_start3A_900 : memref<1024xf32, #tpu.memory_space<vmem>>) target_semaphore(%arg16 : memref<!tpu.dma_semaphore, #tpu.memory_space<semaphore_mem>>)
        %mul3A_902 = arith.constant 8 : i32
        %mul3A_903 = arith.muli %mul3A_902, %add3A_833 : i32
        %add3A_904 = arith.constant 4 : i32
        %add3A_905 = arith.addi %mul3A_903, %add3A_904 : i32
        %mul3A_906 = arith.constant 128 : i32
        %mul3A_907 = arith.muli %add3A_905, %mul3A_906 : i32
        %mul3A_908 = arith.constant 4 : i32
        %mul3A_909 = arith.muli %mul3A_908, %add3A : i32
        %add3A_910 = arith.addi %mul3A_907, %mul3A_909 : i32
        %mul3A_911 = arith.constant 256 : i32
        %mul3A_912 = arith.muli %add3A_910, %mul3A_911 : i32
        %dma_start3A_913 = arith.constant 4096 : i32
        %dma_start3A_914 = tpu.memref_slice %arg7[%dma_start3A_913] : memref<8192xf32, #tpu.memory_space<vmem>> -> memref<1024xf32, #tpu.memory_space<vmem>>
        %dma_start3A_915 = tpu.memref_slice %arg2[%mul3A_912] : memref<6553600xf32, #tpu.memory_space<hbm>> -> memref<1024xf32, #tpu.memory_space<hbm>>
        %dma_start3A_916 = arith.constant 4096 : i32
        %dma_start3A_917 = tpu.memref_slice %arg7[%dma_start3A_916] : memref<8192xf32, #tpu.memory_space<vmem>> -> memref<1024xf32, #tpu.memory_space<vmem>>
        %dma_start3A_918 = tpu.memref_slice %arg2[%mul3A_912] : memref<6553600xf32, #tpu.memory_space<hbm>> -> memref<1024xf32, #tpu.memory_space<hbm>>
        tpu.enqueue_dma source(%dma_start3A_918 : memref<1024xf32, #tpu.memory_space<hbm>>) target(%dma_start3A_917 : memref<1024xf32, #tpu.memory_space<vmem>>) target_semaphore(%arg16 : memref<!tpu.dma_semaphore, #tpu.memory_space<semaphore_mem>>)
        %mul3A_919 = arith.constant 8 : i32
        %mul3A_920 = arith.muli %mul3A_919, %add3A_833 : i32
        %add3A_921 = arith.constant 5 : i32
        %add3A_922 = arith.addi %mul3A_920, %add3A_921 : i32
        %mul3A_923 = arith.constant 128 : i32
        %mul3A_924 = arith.muli %add3A_922, %mul3A_923 : i32
        %mul3A_925 = arith.constant 4 : i32
        %mul3A_926 = arith.muli %mul3A_925, %add3A : i32
        %add3A_927 = arith.addi %mul3A_924, %mul3A_926 : i32
        %mul3A_928 = arith.constant 256 : i32
        %mul3A_929 = arith.muli %add3A_927, %mul3A_928 : i32
        %dma_start3A_930 = arith.constant 5120 : i32
        %dma_start3A_931 = tpu.memref_slice %arg7[%dma_start3A_930] : memref<8192xf32, #tpu.memory_space<vmem>> -> memref<1024xf32, #tpu.memory_space<vmem>>
        %dma_start3A_932 = tpu.memref_slice %arg2[%mul3A_929] : memref<6553600xf32, #tpu.memory_space<hbm>> -> memref<1024xf32, #tpu.memory_space<hbm>>
        %dma_start3A_933 = arith.constant 5120 : i32
        %dma_start3A_934 = tpu.memref_slice %arg7[%dma_start3A_933] : memref<8192xf32, #tpu.memory_space<vmem>> -> memref<1024xf32, #tpu.memory_space<vmem>>
        %dma_start3A_935 = tpu.memref_slice %arg2[%mul3A_929] : memref<6553600xf32, #tpu.memory_space<hbm>> -> memref<1024xf32, #tpu.memory_space<hbm>>
        tpu.enqueue_dma source(%dma_start3A_935 : memref<1024xf32, #tpu.memory_space<hbm>>) target(%dma_start3A_934 : memref<1024xf32, #tpu.memory_space<vmem>>) target_semaphore(%arg16 : memref<!tpu.dma_semaphore, #tpu.memory_space<semaphore_mem>>)
        %mul3A_936 = arith.constant 8 : i32
        %mul3A_937 = arith.muli %mul3A_936, %add3A_833 : i32
        %add3A_938 = arith.constant 6 : i32
        %add3A_939 = arith.addi %mul3A_937, %add3A_938 : i32
        %mul3A_940 = arith.constant 128 : i32
        %mul3A_941 = arith.muli %add3A_939, %mul3A_940 : i32
        %mul3A_942 = arith.constant 4 : i32
        %mul3A_943 = arith.muli %mul3A_942, %add3A : i32
        %add3A_944 = arith.addi %mul3A_941, %mul3A_943 : i32
        %mul3A_945 = arith.constant 256 : i32
        %mul3A_946 = arith.muli %add3A_944, %mul3A_945 : i32
        %dma_start3A_947 = arith.constant 6144 : i32
        %dma_start3A_948 = tpu.memref_slice %arg7[%dma_start3A_947] : memref<8192xf32, #tpu.memory_space<vmem>> -> memref<1024xf32, #tpu.memory_space<vmem>>
        %dma_start3A_949 = tpu.memref_slice %arg2[%mul3A_946] : memref<6553600xf32, #tpu.memory_space<hbm>> -> memref<1024xf32, #tpu.memory_space<hbm>>
        %dma_start3A_950 = arith.constant 6144 : i32
        %dma_start3A_951 = tpu.memref_slice %arg7[%dma_start3A_950] : memref<8192xf32, #tpu.memory_space<vmem>> -> memref<1024xf32, #tpu.memory_space<vmem>>
        %dma_start3A_952 = tpu.memref_slice %arg2[%mul3A_946] : memref<6553600xf32, #tpu.memory_space<hbm>> -> memref<1024xf32, #tpu.memory_space<hbm>>
        tpu.enqueue_dma source(%dma_start3A_952 : memref<1024xf32, #tpu.memory_space<hbm>>) target(%dma_start3A_951 : memref<1024xf32, #tpu.memory_space<vmem>>) target_semaphore(%arg16 : memref<!tpu.dma_semaphore, #tpu.memory_space<semaphore_mem>>)
        %mul3A_953 = arith.constant 8 : i32
        %mul3A_954 = arith.muli %mul3A_953, %add3A_833 : i32
        %add3A_955 = arith.constant 7 : i32
        %add3A_956 = arith.addi %mul3A_954, %add3A_955 : i32
        %mul3A_957 = arith.constant 128 : i32
        %mul3A_958 = arith.muli %add3A_956, %mul3A_957 : i32
        %mul3A_959 = arith.constant 4 : i32
        %mul3A_960 = arith.muli %mul3A_959, %add3A : i32
        %add3A_961 = arith.addi %mul3A_958, %mul3A_960 : i32
        %mul3A_962 = arith.constant 256 : i32
        %mul3A_963 = arith.muli %add3A_961, %mul3A_962 : i32
        %dma_start3A_964 = arith.constant 7168 : i32
        %dma_start3A_965 = tpu.memref_slice %arg7[%dma_start3A_964] : memref<8192xf32, #tpu.memory_space<vmem>> -> memref<1024xf32, #tpu.memory_space<vmem>>
        %dma_start3A_966 = tpu.memref_slice %arg2[%mul3A_963] : memref<6553600xf32, #tpu.memory_space<hbm>> -> memref<1024xf32, #tpu.memory_space<hbm>>
        %dma_start3A_967 = arith.constant 7168 : i32
        %dma_start3A_968 = tpu.memref_slice %arg7[%dma_start3A_967] : memref<8192xf32, #tpu.memory_space<vmem>> -> memref<1024xf32, #tpu.memory_space<vmem>>
        %dma_start3A_969 = tpu.memref_slice %arg2[%mul3A_963] : memref<6553600xf32, #tpu.memory_space<hbm>> -> memref<1024xf32, #tpu.memory_space<hbm>>
        tpu.enqueue_dma source(%dma_start3A_969 : memref<1024xf32, #tpu.memory_space<hbm>>) target(%dma_start3A_968 : memref<1024xf32, #tpu.memory_space<vmem>>) target_semaphore(%arg16 : memref<!tpu.dma_semaphore, #tpu.memory_space<semaphore_mem>>)
      } else {
      }
      %ge3A_808 = arith.constant 1 : i32
      %ge3A_809 = arith.cmpi sge, %scan3A_345, %ge3A_808 : i32
      %convert_element_type3A_810 = arith.extui %ge3A_809 : i1 to i32
      %cond3A_811 = arith.constant 0 : i32
      %cond3A_812 = arith.cmpi ne, %convert_element_type3A_810, %cond3A_811 : i32
      scf.if %cond3A_812 {
        %sub3A_832 = arith.constant 3 : i32
        %sub3A_833 = arith.subi %add3A_659, %sub3A_832 : i32
        %mul3A_834 = arith.constant 128 : i32
        %mul3A_835 = arith.muli %sub3A_833, %mul3A_834 : i32
        %mul3A_836 = arith.constant 4 : i32
        %mul3A_837 = arith.muli %mul3A_836, %add3A : i32
        %add3A_838 = arith.addi %mul3A_835, %mul3A_837 : i32
        %mul3A_839 = arith.constant 1024 : i32
        %mul3A_840 = arith.muli %add3A_838, %mul3A_839 : i32
        %dma_wait3A_841 = tpu.memref_slice %arg5[%mul3A_840] : memref<3276800xf32, #tpu.memory_space<hbm>> -> memref<4096xf32, #tpu.memory_space<hbm>>
        %dma_wait3A_842 = tpu.memref_slice %arg5[%mul3A_840] : memref<3276800xf32, #tpu.memory_space<hbm>> -> memref<4096xf32, #tpu.memory_space<hbm>>
        tpu.wait_dma2 semaphore(%arg20 : memref<!tpu.dma_semaphore, #tpu.memory_space<semaphore_mem>>) src(%arg13 : memref<4096xf32, #tpu.memory_space<vmem>>) dst(%dma_wait3A_842 : memref<4096xf32, #tpu.memory_space<hbm>>)
      } else {
      }
      %dma_wait3A_813 = arith.constant 0 : i32
      %dma_wait3A_814 = tpu.memref_slice %arg3[%dma_wait3A_813] : memref<16777216xf32, #tpu.memory_space<hbm>> -> memref<16777216xf32, #tpu.memory_space<hbm>>
      tpu.wait_indirect_dma semaphore(%arg18 : memref<!tpu.dma_semaphore, #tpu.memory_space<semaphore_mem>>) src(%dma_wait3A_814 : memref<16777216xf32, #tpu.memory_space<hbm>>) dst(%arg11 : memref<4096xf32, #tpu.memory_space<vmem>>)
      %scan3A_815 = arith.constant 0 : i32
      %scan3A_816 = arith.constant 0 : i32
      %scan3A_817 = arith.constant 256 : i32
      %scan3A_818 = arith.addi %scan3A_816, %scan3A_817 : i32
      %scan3A_819 = arith.constant 8 : i32
      scf.for %scan3A_832 = %scan3A_816 to %scan3A_818 step %scan3A_819  : i32 {
        %mul3A_833 = arith.constant 16 : i32
        %mul3A_834 = arith.muli %scan3A_832, %mul3A_833 : i32
        %get3A_835 = arith.index_cast %mul3A_834 : i32 to index
        %get3A_836 = tpu.vector_load %arg11[%get3A_835] {strides = array<i32>} : memref<4096xf32, #tpu.memory_space<vmem>>, vector<16xf32>,
        %add3A_837 = arith.constant 0.00999999977 : f32
        %add3A_838 = vector.broadcast %add3A_837 : f32 to vector<16xf32>
        %add3A_839 = arith.addf %get3A_836, %add3A_838 : vector<16xf32>
        %gt3A = arith.constant 0.000000e+00 : f32
        %gt3A_840 = vector.broadcast %gt3A : f32 to vector<16xf32>
        %gt3A_841 = arith.cmpf ogt, %add3A_839, %gt3A_840 : vector<16xf32>
        %select_n3A = arith.select %gt3A_841, %broadcast_in_dim3A, %broadcast_in_dim3A_3 : vector<16xi1>, vector<16xf32>
        %mul3A_842 = arith.constant 16 : i32
        %mul3A_843 = arith.muli %scan3A_832, %mul3A_842 : i32
        %swap3A = arith.index_cast %mul3A_843 : i32 to index
        %swap3A_844 = tpu.vector_load %arg13[%swap3A] {strides = array<i32>} : memref<4096xf32, #tpu.memory_space<vmem>>, vector<16xf32>,
        tpu.vector_store %arg13[%swap3A], %select_n3A {strides = array<i32>} : memref<4096xf32, #tpu.memory_space<vmem>>, vector<16xf32>,
        %scan3A_845 = arith.constant 1 : i32
        %scan3A_846 = arith.addi %scan3A_832, %scan3A_845 : i32
        %mul3A_847 = arith.constant 16 : i32
        %mul3A_848 = arith.muli %scan3A_846, %mul3A_847 : i32
        %get3A_849 = arith.index_cast %mul3A_848 : i32 to index
        %get3A_850 = tpu.vector_load %arg11[%get3A_849] {strides = array<i32>} : memref<4096xf32, #tpu.memory_space<vmem>>, vector<16xf32>,
        %add3A_851 = arith.constant 0.00999999977 : f32
        %add3A_852 = vector.broadcast %add3A_851 : f32 to vector<16xf32>
        %add3A_853 = arith.addf %get3A_850, %add3A_852 : vector<16xf32>
        %gt3A_854 = arith.constant 0.000000e+00 : f32
        %gt3A_855 = vector.broadcast %gt3A_854 : f32 to vector<16xf32>
        %gt3A_856 = arith.cmpf ogt, %add3A_853, %gt3A_855 : vector<16xf32>
        %select_n3A_857 = arith.select %gt3A_856, %broadcast_in_dim3A, %broadcast_in_dim3A_3 : vector<16xi1>, vector<16xf32>
        %mul3A_858 = arith.constant 16 : i32
        %mul3A_859 = arith.muli %scan3A_846, %mul3A_858 : i32
        %swap3A_860 = arith.index_cast %mul3A_859 : i32 to index
        %swap3A_861 = tpu.vector_load %arg13[%swap3A_860] {strides = array<i32>} : memref<4096xf32, #tpu.memory_space<vmem>>, vector<16xf32>,
        tpu.vector_store %arg13[%swap3A_860], %select_n3A_857 {strides = array<i32>} : memref<4096xf32, #tpu.memory_space<vmem>>, vector<16xf32>,
        %scan3A_862 = arith.constant 2 : i32
        %scan3A_863 = arith.addi %scan3A_832, %scan3A_862 : i32
        %mul3A_864 = arith.constant 16 : i32
        %mul3A_865 = arith.muli %scan3A_863, %mul3A_864 : i32
        %get3A_866 = arith.index_cast %mul3A_865 : i32 to index
        %get3A_867 = tpu.vector_load %arg11[%get3A_866] {strides = array<i32>} : memref<4096xf32, #tpu.memory_space<vmem>>, vector<16xf32>,
        %add3A_868 = arith.constant 0.00999999977 : f32
        %add3A_869 = vector.broadcast %add3A_868 : f32 to vector<16xf32>
        %add3A_870 = arith.addf %get3A_867, %add3A_869 : vector<16xf32>
        %gt3A_871 = arith.constant 0.000000e+00 : f32
        %gt3A_872 = vector.broadcast %gt3A_871 : f32 to vector<16xf32>
        %gt3A_873 = arith.cmpf ogt, %add3A_870, %gt3A_872 : vector<16xf32>
        %select_n3A_874 = arith.select %gt3A_873, %broadcast_in_dim3A, %broadcast_in_dim3A_3 : vector<16xi1>, vector<16xf32>
        %mul3A_875 = arith.constant 16 : i32
        %mul3A_876 = arith.muli %scan3A_863, %mul3A_875 : i32
        %swap3A_877 = arith.index_cast %mul3A_876 : i32 to index
        %swap3A_878 = tpu.vector_load %arg13[%swap3A_877] {strides = array<i32>} : memref<4096xf32, #tpu.memory_space<vmem>>, vector<16xf32>,
        tpu.vector_store %arg13[%swap3A_877], %select_n3A_874 {strides = array<i32>} : memref<4096xf32, #tpu.memory_space<vmem>>, vector<16xf32>,
        %scan3A_879 = arith.constant 3 : i32
        %scan3A_880 = arith.addi %scan3A_832, %scan3A_879 : i32
        %mul3A_881 = arith.constant 16 : i32
        %mul3A_882 = arith.muli %scan3A_880, %mul3A_881 : i32
        %get3A_883 = arith.index_cast %mul3A_882 : i32 to index
        %get3A_884 = tpu.vector_load %arg11[%get3A_883] {strides = array<i32>} : memref<4096xf32, #tpu.memory_space<vmem>>, vector<16xf32>,
        %add3A_885 = arith.constant 0.00999999977 : f32
        %add3A_886 = vector.broadcast %add3A_885 : f32 to vector<16xf32>
        %add3A_887 = arith.addf %get3A_884, %add3A_886 : vector<16xf32>
        %gt3A_888 = arith.constant 0.000000e+00 : f32
        %gt3A_889 = vector.broadcast %gt3A_888 : f32 to vector<16xf32>
        %gt3A_890 = arith.cmpf ogt, %add3A_887, %gt3A_889 : vector<16xf32>
        %select_n3A_891 = arith.select %gt3A_890, %broadcast_in_dim3A, %broadcast_in_dim3A_3 : vector<16xi1>, vector<16xf32>
        %mul3A_892 = arith.constant 16 : i32
        %mul3A_893 = arith.muli %scan3A_880, %mul3A_892 : i32
        %swap3A_894 = arith.index_cast %mul3A_893 : i32 to index
        %swap3A_895 = tpu.vector_load %arg13[%swap3A_894] {strides = array<i32>} : memref<4096xf32, #tpu.memory_space<vmem>>, vector<16xf32>,
        tpu.vector_store %arg13[%swap3A_894], %select_n3A_891 {strides = array<i32>} : memref<4096xf32, #tpu.memory_space<vmem>>, vector<16xf32>,
        %scan3A_896 = arith.constant 4 : i32
        %scan3A_897 = arith.addi %scan3A_832, %scan3A_896 : i32
        %mul3A_898 = arith.constant 16 : i32
        %mul3A_899 = arith.muli %scan3A_897, %mul3A_898 : i32
        %get3A_900 = arith.index_cast %mul3A_899 : i32 to index
        %get3A_901 = tpu.vector_load %arg11[%get3A_900] {strides = array<i32>} : memref<4096xf32, #tpu.memory_space<vmem>>, vector<16xf32>,
        %add3A_902 = arith.constant 0.00999999977 : f32
        %add3A_903 = vector.broadcast %add3A_902 : f32 to vector<16xf32>
        %add3A_904 = arith.addf %get3A_901, %add3A_903 : vector<16xf32>
        %gt3A_905 = arith.constant 0.000000e+00 : f32
        %gt3A_906 = vector.broadcast %gt3A_905 : f32 to vector<16xf32>
        %gt3A_907 = arith.cmpf ogt, %add3A_904, %gt3A_906 : vector<16xf32>
        %select_n3A_908 = arith.select %gt3A_907, %broadcast_in_dim3A, %broadcast_in_dim3A_3 : vector<16xi1>, vector<16xf32>
        %mul3A_909 = arith.constant 16 : i32
        %mul3A_910 = arith.muli %scan3A_897, %mul3A_909 : i32
        %swap3A_911 = arith.index_cast %mul3A_910 : i32 to index
        %swap3A_912 = tpu.vector_load %arg13[%swap3A_911] {strides = array<i32>} : memref<4096xf32, #tpu.memory_space<vmem>>, vector<16xf32>,
        tpu.vector_store %arg13[%swap3A_911], %select_n3A_908 {strides = array<i32>} : memref<4096xf32, #tpu.memory_space<vmem>>, vector<16xf32>,
        %scan3A_913 = arith.constant 5 : i32
        %scan3A_914 = arith.addi %scan3A_832, %scan3A_913 : i32
        %mul3A_915 = arith.constant 16 : i32
        %mul3A_916 = arith.muli %scan3A_914, %mul3A_915 : i32
        %get3A_917 = arith.index_cast %mul3A_916 : i32 to index
        %get3A_918 = tpu.vector_load %arg11[%get3A_917] {strides = array<i32>} : memref<4096xf32, #tpu.memory_space<vmem>>, vector<16xf32>,
        %add3A_919 = arith.constant 0.00999999977 : f32
        %add3A_920 = vector.broadcast %add3A_919 : f32 to vector<16xf32>
        %add3A_921 = arith.addf %get3A_918, %add3A_920 : vector<16xf32>
        %gt3A_922 = arith.constant 0.000000e+00 : f32
        %gt3A_923 = vector.broadcast %gt3A_922 : f32 to vector<16xf32>
        %gt3A_924 = arith.cmpf ogt, %add3A_921, %gt3A_923 : vector<16xf32>
        %select_n3A_925 = arith.select %gt3A_924, %broadcast_in_dim3A, %broadcast_in_dim3A_3 : vector<16xi1>, vector<16xf32>
        %mul3A_926 = arith.constant 16 : i32
        %mul3A_927 = arith.muli %scan3A_914, %mul3A_926 : i32
        %swap3A_928 = arith.index_cast %mul3A_927 : i32 to index
        %swap3A_929 = tpu.vector_load %arg13[%swap3A_928] {strides = array<i32>} : memref<4096xf32, #tpu.memory_space<vmem>>, vector<16xf32>,
        tpu.vector_store %arg13[%swap3A_928], %select_n3A_925 {strides = array<i32>} : memref<4096xf32, #tpu.memory_space<vmem>>, vector<16xf32>,
        %scan3A_930 = arith.constant 6 : i32
        %scan3A_931 = arith.addi %scan3A_832, %scan3A_930 : i32
        %mul3A_932 = arith.constant 16 : i32
        %mul3A_933 = arith.muli %scan3A_931, %mul3A_932 : i32
        %get3A_934 = arith.index_cast %mul3A_933 : i32 to index
        %get3A_935 = tpu.vector_load %arg11[%get3A_934] {strides = array<i32>} : memref<4096xf32, #tpu.memory_space<vmem>>, vector<16xf32>,
        %add3A_936 = arith.constant 0.00999999977 : f32
        %add3A_937 = vector.broadcast %add3A_936 : f32 to vector<16xf32>
        %add3A_938 = arith.addf %get3A_935, %add3A_937 : vector<16xf32>
        %gt3A_939 = arith.constant 0.000000e+00 : f32
        %gt3A_940 = vector.broadcast %gt3A_939 : f32 to vector<16xf32>
        %gt3A_941 = arith.cmpf ogt, %add3A_938, %gt3A_940 : vector<16xf32>
        %select_n3A_942 = arith.select %gt3A_941, %broadcast_in_dim3A, %broadcast_in_dim3A_3 : vector<16xi1>, vector<16xf32>
        %mul3A_943 = arith.constant 16 : i32
        %mul3A_944 = arith.muli %scan3A_931, %mul3A_943 : i32
        %swap3A_945 = arith.index_cast %mul3A_944 : i32 to index
        %swap3A_946 = tpu.vector_load %arg13[%swap3A_945] {strides = array<i32>} : memref<4096xf32, #tpu.memory_space<vmem>>, vector<16xf32>,
        tpu.vector_store %arg13[%swap3A_945], %select_n3A_942 {strides = array<i32>} : memref<4096xf32, #tpu.memory_space<vmem>>, vector<16xf32>,
        %scan3A_947 = arith.constant 7 : i32
        %scan3A_948 = arith.addi %scan3A_832, %scan3A_947 : i32
        %mul3A_949 = arith.constant 16 : i32
        %mul3A_950 = arith.muli %scan3A_948, %mul3A_949 : i32
        %get3A_951 = arith.index_cast %mul3A_950 : i32 to index
        %get3A_952 = tpu.vector_load %arg11[%get3A_951] {strides = array<i32>} : memref<4096xf32, #tpu.memory_space<vmem>>, vector<16xf32>,
        %add3A_953 = arith.constant 0.00999999977 : f32
        %add3A_954 = vector.broadcast %add3A_953 : f32 to vector<16xf32>
        %add3A_955 = arith.addf %get3A_952, %add3A_954 : vector<16xf32>
        %gt3A_956 = arith.constant 0.000000e+00 : f32
        %gt3A_957 = vector.broadcast %gt3A_956 : f32 to vector<16xf32>
        %gt3A_958 = arith.cmpf ogt, %add3A_955, %gt3A_957 : vector<16xf32>
        %select_n3A_959 = arith.select %gt3A_958, %broadcast_in_dim3A, %broadcast_in_dim3A_3 : vector<16xi1>, vector<16xf32>
        %mul3A_960 = arith.constant 16 : i32
        %mul3A_961 = arith.muli %scan3A_948, %mul3A_960 : i32
        %swap3A_962 = arith.index_cast %mul3A_961 : i32 to index
        %swap3A_963 = tpu.vector_load %arg13[%swap3A_962] {strides = array<i32>} : memref<4096xf32, #tpu.memory_space<vmem>>, vector<16xf32>,
        tpu.vector_store %arg13[%swap3A_962], %select_n3A_959 {strides = array<i32>} : memref<4096xf32, #tpu.memory_space<vmem>>, vector<16xf32>,
      }
      %scan3A_820 = arith.constant 256 : i32
      %sub3A_821 = arith.constant 1 : i32
      %sub3A_822 = arith.subi %add3A_659, %sub3A_821 : i32
      %mul3A_823 = arith.constant 128 : i32
      %mul3A_824 = arith.muli %sub3A_822, %mul3A_823 : i32
      %mul3A_825 = arith.constant 4 : i32
      %mul3A_826 = arith.muli %mul3A_825, %add3A : i32
      %add3A_827 = arith.addi %mul3A_824, %mul3A_826 : i32
      %mul3A_828 = arith.constant 1024 : i32
      %mul3A_829 = arith.muli %add3A_827, %mul3A_828 : i32
      %dma_start3A_830 = tpu.memref_slice %arg5[%mul3A_829] : memref<3276800xf32, #tpu.memory_space<hbm>> -> memref<4096xf32, #tpu.memory_space<hbm>>
      %dma_start3A_831 = tpu.memref_slice %arg5[%mul3A_829] : memref<3276800xf32, #tpu.memory_space<hbm>> -> memref<4096xf32, #tpu.memory_space<hbm>>
      tpu.enqueue_dma source(%arg13 : memref<4096xf32, #tpu.memory_space<vmem>>) target(%dma_start3A_831 : memref<4096xf32, #tpu.memory_space<hbm>>) target_semaphore(%arg20 : memref<!tpu.dma_semaphore, #tpu.memory_space<semaphore_mem>>)
    }
    %scan3A_304 = arith.constant 12 : i32
    %mul3A_305 = arith.constant 4 : i32
    %mul3A_306 = arith.muli %mul3A_305, %add3A : i32
    %add3A_307 = arith.constant 2816 : i32
    %add3A_308 = arith.addi %add3A_307, %mul3A_306 : i32
    %mul3A_309 = arith.constant 1024 : i32
    %mul3A_310 = arith.muli %add3A_308, %mul3A_309 : i32
    %dma_wait3A_311 = tpu.memref_slice %arg5[%mul3A_310] : memref<3276800xf32, #tpu.memory_space<hbm>> -> memref<4096xf32, #tpu.memory_space<hbm>>
    %dma_wait3A_312 = tpu.memref_slice %arg5[%mul3A_310] : memref<3276800xf32, #tpu.memory_space<hbm>> -> memref<4096xf32, #tpu.memory_space<hbm>>
    tpu.wait_dma2 semaphore(%arg19 : memref<!tpu.dma_semaphore, #tpu.memory_space<semaphore_mem>>) src(%arg12 : memref<4096xf32, #tpu.memory_space<vmem>>) dst(%dma_wait3A_312 : memref<4096xf32, #tpu.memory_space<hbm>>)
    %dma_wait3A_313 = arith.constant 0 : i32
    %dma_wait3A_314 = tpu.memref_slice %arg3[%dma_wait3A_313] : memref<16777216xf32, #tpu.memory_space<hbm>> -> memref<16777216xf32, #tpu.memory_space<hbm>>
    tpu.wait_indirect_dma semaphore(%arg17 : memref<!tpu.dma_semaphore, #tpu.memory_space<semaphore_mem>>) src(%dma_wait3A_314 : memref<16777216xf32, #tpu.memory_space<hbm>>) dst(%arg10 : memref<4096xf32, #tpu.memory_space<vmem>>)
    %scan3A_315 = arith.constant 0 : i32
    %scan3A_316 = arith.constant 0 : i32
    %scan3A_317 = arith.constant 256 : i32
    %scan3A_318 = arith.addi %scan3A_316, %scan3A_317 : i32
    %scan3A_319 = arith.constant 8 : i32
    scf.for %scan3A_345 = %scan3A_316 to %scan3A_318 step %scan3A_319  : i32 {
      %mul3A_346 = arith.constant 16 : i32
      %mul3A_347 = arith.muli %scan3A_345, %mul3A_346 : i32
      %get3A_348 = arith.index_cast %mul3A_347 : i32 to index
      %get3A_349 = tpu.vector_load %arg10[%get3A_348] {strides = array<i32>} : memref<4096xf32, #tpu.memory_space<vmem>>, vector<16xf32>,
      %add3A_350 = arith.constant 0.00999999977 : f32
      %add3A_351 = vector.broadcast %add3A_350 : f32 to vector<16xf32>
      %add3A_352 = arith.addf %get3A_349, %add3A_351 : vector<16xf32>
      %gt3A = arith.constant 0.000000e+00 : f32
      %gt3A_353 = vector.broadcast %gt3A : f32 to vector<16xf32>
      %gt3A_354 = arith.cmpf ogt, %add3A_352, %gt3A_353 : vector<16xf32>
      %select_n3A = arith.select %gt3A_354, %broadcast_in_dim3A, %broadcast_in_dim3A_3 : vector<16xi1>, vector<16xf32>
      %mul3A_355 = arith.constant 16 : i32
      %mul3A_356 = arith.muli %scan3A_345, %mul3A_355 : i32
      %swap3A = arith.index_cast %mul3A_356 : i32 to index
      %swap3A_357 = tpu.vector_load %arg12[%swap3A] {strides = array<i32>} : memref<4096xf32, #tpu.memory_space<vmem>>, vector<16xf32>,
      tpu.vector_store %arg12[%swap3A], %select_n3A {strides = array<i32>} : memref<4096xf32, #tpu.memory_space<vmem>>, vector<16xf32>,
      %scan3A_358 = arith.constant 1 : i32
      %scan3A_359 = arith.addi %scan3A_345, %scan3A_358 : i32
      %mul3A_360 = arith.constant 16 : i32
      %mul3A_361 = arith.muli %scan3A_359, %mul3A_360 : i32
      %get3A_362 = arith.index_cast %mul3A_361 : i32 to index
      %get3A_363 = tpu.vector_load %arg10[%get3A_362] {strides = array<i32>} : memref<4096xf32, #tpu.memory_space<vmem>>, vector<16xf32>,
      %add3A_364 = arith.constant 0.00999999977 : f32
      %add3A_365 = vector.broadcast %add3A_364 : f32 to vector<16xf32>
      %add3A_366 = arith.addf %get3A_363, %add3A_365 : vector<16xf32>
      %gt3A_367 = arith.constant 0.000000e+00 : f32
      %gt3A_368 = vector.broadcast %gt3A_367 : f32 to vector<16xf32>
      %gt3A_369 = arith.cmpf ogt, %add3A_366, %gt3A_368 : vector<16xf32>
      %select_n3A_370 = arith.select %gt3A_369, %broadcast_in_dim3A, %broadcast_in_dim3A_3 : vector<16xi1>, vector<16xf32>
      %mul3A_371 = arith.constant 16 : i32
      %mul3A_372 = arith.muli %scan3A_359, %mul3A_371 : i32
      %swap3A_373 = arith.index_cast %mul3A_372 : i32 to index
      %swap3A_374 = tpu.vector_load %arg12[%swap3A_373] {strides = array<i32>} : memref<4096xf32, #tpu.memory_space<vmem>>, vector<16xf32>,
      tpu.vector_store %arg12[%swap3A_373], %select_n3A_370 {strides = array<i32>} : memref<4096xf32, #tpu.memory_space<vmem>>, vector<16xf32>,
      %scan3A_375 = arith.constant 2 : i32
      %scan3A_376 = arith.addi %scan3A_345, %scan3A_375 : i32
      %mul3A_377 = arith.constant 16 : i32
      %mul3A_378 = arith.muli %scan3A_376, %mul3A_377 : i32
      %get3A_379 = arith.index_cast %mul3A_378 : i32 to index
      %get3A_380 = tpu.vector_load %arg10[%get3A_379] {strides = array<i32>} : memref<4096xf32, #tpu.memory_space<vmem>>, vector<16xf32>,
      %add3A_381 = arith.constant 0.00999999977 : f32
      %add3A_382 = vector.broadcast %add3A_381 : f32 to vector<16xf32>
      %add3A_383 = arith.addf %get3A_380, %add3A_382 : vector<16xf32>
      %gt3A_384 = arith.constant 0.000000e+00 : f32
      %gt3A_385 = vector.broadcast %gt3A_384 : f32 to vector<16xf32>
      %gt3A_386 = arith.cmpf ogt, %add3A_383, %gt3A_385 : vector<16xf32>
      %select_n3A_387 = arith.select %gt3A_386, %broadcast_in_dim3A, %broadcast_in_dim3A_3 : vector<16xi1>, vector<16xf32>
      %mul3A_388 = arith.constant 16 : i32
      %mul3A_389 = arith.muli %scan3A_376, %mul3A_388 : i32
      %swap3A_390 = arith.index_cast %mul3A_389 : i32 to index
      %swap3A_391 = tpu.vector_load %arg12[%swap3A_390] {strides = array<i32>} : memref<4096xf32, #tpu.memory_space<vmem>>, vector<16xf32>,
      tpu.vector_store %arg12[%swap3A_390], %select_n3A_387 {strides = array<i32>} : memref<4096xf32, #tpu.memory_space<vmem>>, vector<16xf32>,
      %scan3A_392 = arith.constant 3 : i32
      %scan3A_393 = arith.addi %scan3A_345, %scan3A_392 : i32
      %mul3A_394 = arith.constant 16 : i32
      %mul3A_395 = arith.muli %scan3A_393, %mul3A_394 : i32
      %get3A_396 = arith.index_cast %mul3A_395 : i32 to index
      %get3A_397 = tpu.vector_load %arg10[%get3A_396] {strides = array<i32>} : memref<4096xf32, #tpu.memory_space<vmem>>, vector<16xf32>,
      %add3A_398 = arith.constant 0.00999999977 : f32
      %add3A_399 = vector.broadcast %add3A_398 : f32 to vector<16xf32>
      %add3A_400 = arith.addf %get3A_397, %add3A_399 : vector<16xf32>
      %gt3A_401 = arith.constant 0.000000e+00 : f32
      %gt3A_402 = vector.broadcast %gt3A_401 : f32 to vector<16xf32>
      %gt3A_403 = arith.cmpf ogt, %add3A_400, %gt3A_402 : vector<16xf32>
      %select_n3A_404 = arith.select %gt3A_403, %broadcast_in_dim3A, %broadcast_in_dim3A_3 : vector<16xi1>, vector<16xf32>
      %mul3A_405 = arith.constant 16 : i32
      %mul3A_406 = arith.muli %scan3A_393, %mul3A_405 : i32
      %swap3A_407 = arith.index_cast %mul3A_406 : i32 to index
      %swap3A_408 = tpu.vector_load %arg12[%swap3A_407] {strides = array<i32>} : memref<4096xf32, #tpu.memory_space<vmem>>, vector<16xf32>,
      tpu.vector_store %arg12[%swap3A_407], %select_n3A_404 {strides = array<i32>} : memref<4096xf32, #tpu.memory_space<vmem>>, vector<16xf32>,
      %scan3A_409 = arith.constant 4 : i32
      %scan3A_410 = arith.addi %scan3A_345, %scan3A_409 : i32
      %mul3A_411 = arith.constant 16 : i32
      %mul3A_412 = arith.muli %scan3A_410, %mul3A_411 : i32
      %get3A_413 = arith.index_cast %mul3A_412 : i32 to index
      %get3A_414 = tpu.vector_load %arg10[%get3A_413] {strides = array<i32>} : memref<4096xf32, #tpu.memory_space<vmem>>, vector<16xf32>,
      %add3A_415 = arith.constant 0.00999999977 : f32
      %add3A_416 = vector.broadcast %add3A_415 : f32 to vector<16xf32>
      %add3A_417 = arith.addf %get3A_414, %add3A_416 : vector<16xf32>
      %gt3A_418 = arith.constant 0.000000e+00 : f32
      %gt3A_419 = vector.broadcast %gt3A_418 : f32 to vector<16xf32>
      %gt3A_420 = arith.cmpf ogt, %add3A_417, %gt3A_419 : vector<16xf32>
      %select_n3A_421 = arith.select %gt3A_420, %broadcast_in_dim3A, %broadcast_in_dim3A_3 : vector<16xi1>, vector<16xf32>
      %mul3A_422 = arith.constant 16 : i32
      %mul3A_423 = arith.muli %scan3A_410, %mul3A_422 : i32
      %swap3A_424 = arith.index_cast %mul3A_423 : i32 to index
      %swap3A_425 = tpu.vector_load %arg12[%swap3A_424] {strides = array<i32>} : memref<4096xf32, #tpu.memory_space<vmem>>, vector<16xf32>,
      tpu.vector_store %arg12[%swap3A_424], %select_n3A_421 {strides = array<i32>} : memref<4096xf32, #tpu.memory_space<vmem>>, vector<16xf32>,
      %scan3A_426 = arith.constant 5 : i32
      %scan3A_427 = arith.addi %scan3A_345, %scan3A_426 : i32
      %mul3A_428 = arith.constant 16 : i32
      %mul3A_429 = arith.muli %scan3A_427, %mul3A_428 : i32
      %get3A_430 = arith.index_cast %mul3A_429 : i32 to index
      %get3A_431 = tpu.vector_load %arg10[%get3A_430] {strides = array<i32>} : memref<4096xf32, #tpu.memory_space<vmem>>, vector<16xf32>,
      %add3A_432 = arith.constant 0.00999999977 : f32
      %add3A_433 = vector.broadcast %add3A_432 : f32 to vector<16xf32>
      %add3A_434 = arith.addf %get3A_431, %add3A_433 : vector<16xf32>
      %gt3A_435 = arith.constant 0.000000e+00 : f32
      %gt3A_436 = vector.broadcast %gt3A_435 : f32 to vector<16xf32>
      %gt3A_437 = arith.cmpf ogt, %add3A_434, %gt3A_436 : vector<16xf32>
      %select_n3A_438 = arith.select %gt3A_437, %broadcast_in_dim3A, %broadcast_in_dim3A_3 : vector<16xi1>, vector<16xf32>
      %mul3A_439 = arith.constant 16 : i32
      %mul3A_440 = arith.muli %scan3A_427, %mul3A_439 : i32
      %swap3A_441 = arith.index_cast %mul3A_440 : i32 to index
      %swap3A_442 = tpu.vector_load %arg12[%swap3A_441] {strides = array<i32>} : memref<4096xf32, #tpu.memory_space<vmem>>, vector<16xf32>,
      tpu.vector_store %arg12[%swap3A_441], %select_n3A_438 {strides = array<i32>} : memref<4096xf32, #tpu.memory_space<vmem>>, vector<16xf32>,
      %scan3A_443 = arith.constant 6 : i32
      %scan3A_444 = arith.addi %scan3A_345, %scan3A_443 : i32
      %mul3A_445 = arith.constant 16 : i32
      %mul3A_446 = arith.muli %scan3A_444, %mul3A_445 : i32
      %get3A_447 = arith.index_cast %mul3A_446 : i32 to index
      %get3A_448 = tpu.vector_load %arg10[%get3A_447] {strides = array<i32>} : memref<4096xf32, #tpu.memory_space<vmem>>, vector<16xf32>,
      %add3A_449 = arith.constant 0.00999999977 : f32
      %add3A_450 = vector.broadcast %add3A_449 : f32 to vector<16xf32>
      %add3A_451 = arith.addf %get3A_448, %add3A_450 : vector<16xf32>
      %gt3A_452 = arith.constant 0.000000e+00 : f32
      %gt3A_453 = vector.broadcast %gt3A_452 : f32 to vector<16xf32>
      %gt3A_454 = arith.cmpf ogt, %add3A_451, %gt3A_453 : vector<16xf32>
      %select_n3A_455 = arith.select %gt3A_454, %broadcast_in_dim3A, %broadcast_in_dim3A_3 : vector<16xi1>, vector<16xf32>
      %mul3A_456 = arith.constant 16 : i32
      %mul3A_457 = arith.muli %scan3A_444, %mul3A_456 : i32
      %swap3A_458 = arith.index_cast %mul3A_457 : i32 to index
      %swap3A_459 = tpu.vector_load %arg12[%swap3A_458] {strides = array<i32>} : memref<4096xf32, #tpu.memory_space<vmem>>, vector<16xf32>,
      tpu.vector_store %arg12[%swap3A_458], %select_n3A_455 {strides = array<i32>} : memref<4096xf32, #tpu.memory_space<vmem>>, vector<16xf32>,
      %scan3A_460 = arith.constant 7 : i32
      %scan3A_461 = arith.addi %scan3A_345, %scan3A_460 : i32
      %mul3A_462 = arith.constant 16 : i32
      %mul3A_463 = arith.muli %scan3A_461, %mul3A_462 : i32
      %get3A_464 = arith.index_cast %mul3A_463 : i32 to index
      %get3A_465 = tpu.vector_load %arg10[%get3A_464] {strides = array<i32>} : memref<4096xf32, #tpu.memory_space<vmem>>, vector<16xf32>,
      %add3A_466 = arith.constant 0.00999999977 : f32
      %add3A_467 = vector.broadcast %add3A_466 : f32 to vector<16xf32>
      %add3A_468 = arith.addf %get3A_465, %add3A_467 : vector<16xf32>
      %gt3A_469 = arith.constant 0.000000e+00 : f32
      %gt3A_470 = vector.broadcast %gt3A_469 : f32 to vector<16xf32>
      %gt3A_471 = arith.cmpf ogt, %add3A_468, %gt3A_470 : vector<16xf32>
      %select_n3A_472 = arith.select %gt3A_471, %broadcast_in_dim3A, %broadcast_in_dim3A_3 : vector<16xi1>, vector<16xf32>
      %mul3A_473 = arith.constant 16 : i32
      %mul3A_474 = arith.muli %scan3A_461, %mul3A_473 : i32
      %swap3A_475 = arith.index_cast %mul3A_474 : i32 to index
      %swap3A_476 = tpu.vector_load %arg12[%swap3A_475] {strides = array<i32>} : memref<4096xf32, #tpu.memory_space<vmem>>, vector<16xf32>,
      tpu.vector_store %arg12[%swap3A_475], %select_n3A_472 {strides = array<i32>} : memref<4096xf32, #tpu.memory_space<vmem>>, vector<16xf32>,
    }
    %scan3A_320 = arith.constant 256 : i32
    %mul3A_321 = arith.constant 4 : i32
    %mul3A_322 = arith.muli %mul3A_321, %add3A : i32
    %add3A_323 = arith.constant 3072 : i32
    %add3A_324 = arith.addi %add3A_323, %mul3A_322 : i32
    %mul3A_325 = arith.constant 1024 : i32
    %mul3A_326 = arith.muli %add3A_324, %mul3A_325 : i32
    %dma_start3A_327 = tpu.memref_slice %arg5[%mul3A_326] : memref<3276800xf32, #tpu.memory_space<hbm>> -> memref<4096xf32, #tpu.memory_space<hbm>>
    %dma_start3A_328 = tpu.memref_slice %arg5[%mul3A_326] : memref<3276800xf32, #tpu.memory_space<hbm>> -> memref<4096xf32, #tpu.memory_space<hbm>>
    tpu.enqueue_dma source(%arg12 : memref<4096xf32, #tpu.memory_space<vmem>>) target(%dma_start3A_328 : memref<4096xf32, #tpu.memory_space<hbm>>) target_semaphore(%arg19 : memref<!tpu.dma_semaphore, #tpu.memory_space<semaphore_mem>>)
    %mul3A_329 = arith.constant 4 : i32
    %mul3A_330 = arith.muli %mul3A_329, %add3A : i32
    %add3A_331 = arith.constant 2944 : i32
    %add3A_332 = arith.addi %add3A_331, %mul3A_330 : i32
    %mul3A_333 = arith.constant 1024 : i32
    %mul3A_334 = arith.muli %add3A_332, %mul3A_333 : i32
    %dma_wait3A_335 = tpu.memref_slice %arg5[%mul3A_334] : memref<3276800xf32, #tpu.memory_space<hbm>> -> memref<4096xf32, #tpu.memory_space<hbm>>
    %dma_wait3A_336 = tpu.memref_slice %arg5[%mul3A_334] : memref<3276800xf32, #tpu.memory_space<hbm>> -> memref<4096xf32, #tpu.memory_space<hbm>>
    tpu.wait_dma2 semaphore(%arg20 : memref<!tpu.dma_semaphore, #tpu.memory_space<semaphore_mem>>) src(%arg13 : memref<4096xf32, #tpu.memory_space<vmem>>) dst(%dma_wait3A_336 : memref<4096xf32, #tpu.memory_space<hbm>>)
    %mul3A_337 = arith.constant 4 : i32
    %mul3A_338 = arith.muli %mul3A_337, %add3A : i32
    %add3A_339 = arith.constant 3072 : i32
    %add3A_340 = arith.addi %add3A_339, %mul3A_338 : i32
    %mul3A_341 = arith.constant 1024 : i32
    %mul3A_342 = arith.muli %add3A_340, %mul3A_341 : i32
    %dma_wait3A_343 = tpu.memref_slice %arg5[%mul3A_342] : memref<3276800xf32, #tpu.memory_space<hbm>> -> memref<4096xf32, #tpu.memory_space<hbm>>
    %dma_wait3A_344 = tpu.memref_slice %arg5[%mul3A_342] : memref<3276800xf32, #tpu.memory_space<hbm>> -> memref<4096xf32, #tpu.memory_space<hbm>>
    tpu.wait_dma2 semaphore(%arg19 : memref<!tpu.dma_semaphore, #tpu.memory_space<semaphore_mem>>) src(%arg12 : memref<4096xf32, #tpu.memory_space<vmem>>) dst(%dma_wait3A_344 : memref<4096xf32, #tpu.memory_space<hbm>>)
    return
  }
}

</mosaic_0001>

<sc_bundles>
// kernel: _run.3.cloned.1.call-start
scs
__scs_entry_jumppad:
0x0: {  	(pc) =	sbr.rel $0x88, $3  }
0x1: {  	(tag) =	ssettag $0x0;
	lr =	simm.s32 $0x1  }
0x2: {  	[smem:$0x3F9E] =	sst lr;
	_ =	strace $0xD0000000  }
0x3: {  	_ = 	snop  }
0x4: {  	_ = 	snop  }
0x5: {  	_ = 	snop  }
0x6: {  	_ = 	snop  }
0x7: {  	_ = 	snop  }
__scs_overlays_trampoline_lowered:
0x8: {  	[smem:$0x3FAD] =	sst s0  }
0x9: {  	[smem:$0x3FAE] =	sst s1  }
0xa: {  	[smem:$0x3FAF] =	sst s2  }
0xb: {  	[smem:$0x3FB0] =	sst s3  }
0xc: {  	[smem:$0x3FB1] =	sst s4  }
0xd: {  	[smem:$0x3FB2] =	sst s5  }
0xe: {  	[smem:$0x3FB3] =	sst s6  }
0xf: {  	[smem:$0x3FB4] =	sst s7  }
0x10: {  	[smem:$0x3FB5] =	sst s8  }
0x11: {  	[smem:$0x3FB6] =	sst s9;
	s0 =	simm.s32 @!p0 $0x0  }
0x12: {  	s1 =	sld [smem:$0x3F9C];
	s0 =	simm.s32 @p0 $0x1  }
0x13: {  	[smem:$0x3FB7] =	sst s0;
	s0 =	simm.s32 @!p1 $0x0  }
0x14: {  	s2 =	sld [smem:$0x3F9B];
	s0 =	simm.s32 @p1 $0x1  }
0x15: {  	[smem:$0x3FB8] =	sst s0;
	s0 =	simm.s32 @!p2 $0x0  }
0x16: {  	s3 =	sld [smem:$0x3FDB];
	s0 =	simm.s32 @p2 $0x1  }
0x17: {  	s4 =	simm.s32 $0x1BF5;
	[smem:$0x3FBA] =	sst s0  }
0x18: {  	s0 =	sld [smem:$0x3F9D];
	_ =	swait.ge [sflag:s4], $0x0  }
0x19: {  	s7 =	sld [smem:$0x3F9E]  }
0x1a: {  	s8 =	sadd.s32 $0xFFFFE003, lr  }
0x1b: {  	s9 =	sadd.s32 $0xFFFFFEF7, lr;
	s5 =	simm.s32 $0xFFFFFFFF;
	p2 =	slt.u32 s8, $0xFFFFF086  }
0x1c: {  	p1 =	slt.u32 s9, $0xF7A;
	s5 =	simm.s32 @!p2 $0x0  }
0x1d: {  	s5 =	simm.s32 @p1 $0x1;
	p0 =	seq.s32 s7, s2  }
0x1e: {  	s7 =	smul.u32 @!p0 $0xF7A, s2;
	p2 =	seq.s32 @!p0 s5, $0x0  }
0x1f: {  	s9 =	smul.u32 $0xF7A, s1;
	s8 =	simm.s32 @!p0 $0x1BF5;
	p2 =	por !p2, p0  }
0x20: {  	[sflag:s8] =	ssyncset.s32 @!p0 $0xFFFFF086;
	s6 =	sadd.s32 @!p0 s3, s7;
	s7 =	simm.s32 @!p0 $0x108  }
0x21: {  	s3 =	sadd.s32 s3, s9;
	s6 =	sadd.s32 @!p0 $0x88, s6;
	s7 =	simm.s32 @p2 $0x1082  }
0x22: {  	[simem:s7], [sflag:s8] =	dma.local @!p0 [hbm:s6], $0xF7A  }
0x23: {  	s9 =	sor.u32 $0xD0000000, s2;
	s6 =	simm.s32 $0x108;
	_ =	swait.ge @!p0 [sflag:s8], $0x0  }
0x24: {  	s3 =	sadd.s32 $0x88, s3;
	s6 =	simm.s32 @!p1 $0x1082;
	[sflag:s4] =	ssyncset.s32 $0xFFFFF086  }
0x25: {  	[simem:s6], [sflag:s4] =	dma.local [hbm:s3], $0xF7A  }
0x26: {  	[smem:$0x3F9E] =	sst s1;
	(tag) =	ssettag s2;
	_ =	strace s9  }
0x27: {  	s1 =	sld [smem:$0x3FAE]  }
0x28: {  	s2 =	sld [smem:$0x3FAF]  }
0x29: {  	s4 =	sld [smem:$0x3FB1]  }
0x2a: {  	p0 =	seq.s32 s5, $0x0;
	s5 =	sld [smem:$0x3FB2]  }
0x2b: {  	s6 =	sld [smem:$0x3FB3]  }
0x2c: {  	s7 =	sld [smem:$0x3FB4]  }
0x2d: {  	s3 =	simm.s32 $0x108;
	s8 =	sld [smem:$0x3FB5]  }
0x2e: {  	s3 =	simm.s32 @!p0 $0x1082;
	s9 =	sld [smem:$0x3FB6]  }
0x2f: {  	lr =	sadd.s32 s0, s3;
	s0 =	sld [smem:$0x3FAD]  }
0x30: {  	s3 =	sld [smem:$0x3FB0]  }
0x31: {  	[smem:$0x3FB9] =	sst s10  }
0x32: {  	s10 =	sld [smem:$0x3FB7];
	_ =	sdelay $0x3  }
0x33: {  	p0 =	seq.s32 s10, $0x1;
	s10 =	sld [smem:$0x3FB9];
	_ =	sdelay $0x3  }
0x34: {  	[smem:$0x3FB9] =	sst s10  }
0x35: {  	s10 =	sld [smem:$0x3FB8];
	_ =	sdelay $0x3  }
0x36: {  	p1 =	seq.s32 s10, $0x1;
	s10 =	sld [smem:$0x3FB9];
	_ =	sdelay $0x3  }
0x37: {  	[smem:$0x3FB9] =	sst s10  }
0x38: {  	s10 =	sld [smem:$0x3FBA]  }
0x39: {  	_ = 	snop;
	(pc) =	sbr.ind lr, $3  }
0x3a: {  	_ = 	snop  }
0x3b: {  	_ = 	snop  }
0x3c: {  	p2 =	seq.s32 s10, $0x1;
	s10 =	sld [smem:$0x3FB9]  }
0x3d: {  	_ =	shalt  }
0x3e: {  	_ =	shalt  }
0x3f: {  	_ =	shalt  }
0x40: {  	_ =	shalt  }
0x41: {  	_ =	shalt  }
0x42: {  	_ =	shalt  }
0x43: {  	_ =	shalt  }
0x44: {  	_ =	shalt  }
0x45: {  	_ =	shalt  }
0x46: {  	_ =	shalt  }
0x47: {  	_ =	shalt  }
0x48: {  	_ =	shalt  }
0x49: {  	_ =	shalt  }
0x4a: {  	_ =	shalt  }
0x4b: {  	_ =	shalt  }
0x4c: {  	_ =	shalt  }
0x4d: {  	_ =	shalt  }
0x4e: {  	_ =	shalt  }
0x4f: {  	_ =	shalt  }
0x50: {  	_ =	shalt  }
0x51: {  	_ =	shalt  }
0x52: {  	_ =	shalt  }
0x53: {  	_ =	shalt  }
0x54: {  	_ =	shalt  }
0x55: {  	_ =	shalt  }
0x56: {  	_ =	shalt  }
0x57: {  	_ =	shalt  }
0x58: {  	_ =	shalt  }
0x59: {  	_ =	shalt  }
0x5a: {  	_ =	shalt  }
0x5b: {  	_ =	shalt  }
0x5c: {  	_ =	shalt  }
0x5d: {  	_ =	shalt  }
0x5e: {  	_ =	shalt  }
0x5f: {  	_ =	shalt  }
0x60: {  	_ =	shalt  }
0x61: {  	_ =	shalt  }
0x62: {  	_ =	shalt  }
0x63: {  	_ =	shalt  }
0x64: {  	_ =	shalt  }
0x65: {  	_ =	shalt  }
0x66: {  	_ =	shalt  }
0x67: {  	_ =	shalt  }
0x68: {  	_ =	shalt  }
0x69: {  	_ =	shalt  }
0x6a: {  	_ =	shalt  }
0x6b: {  	_ =	shalt  }
0x6c: {  	_ =	shalt  }
0x6d: {  	_ =	shalt  }
0x6e: {  	_ =	shalt  }
0x6f: {  	_ =	shalt  }
0x70: {  	_ =	shalt  }
0x71: {  	_ =	shalt  }
0x72: {  	_ =	shalt  }
0x73: {  	_ =	shalt  }
0x74: {  	_ =	shalt  }
0x75: {  	_ =	shalt  }
0x76: {  	_ =	shalt  }
0x77: {  	_ =	shalt  }
0x78: {  	_ =	shalt  }
0x79: {  	_ =	shalt  }
0x7a: {  	_ =	shalt  }
0x7b: {  	_ =	shalt  }
0x7c: {  	_ =	shalt  }
0x7d: {  	_ =	shalt  }
0x7e: {  	_ =	shalt  }
0x7f: {  	_ =	shalt  }
0x80: {  	_ =	shalt  }
0x81: {  	_ =	shalt  }
0x82: {  	_ =	shalt  }
0x83: {  	_ =	shalt  }
0x84: {  	_ =	shalt  }
0x85: {  	_ =	shalt  }
0x86: {  	_ =	shalt  }
0x87: {  	_ =	shalt  }
.Lfunc_end0:
.L_simem_size_0:
called_computation_lowered:
.L_overlay_start_0:
0x88: {  	s2 =	sld [smem:$0x3FD9]  }
0x89: {  	s3 =	sld [smem:$0x3FFE];
	_ =	sdelay $0x1  }
0x8a: {  	s1 =	srdreg.scid  }
0x8b: {  	s0 =	sand.u32 $0x1, s1  }
0x8c: {  	s18 =	sshll.u32 s0, $0xA;
	s2 =	sadd.s32 s3, s2  }
0x8d: {  	s2 =	sadd.s32 s2, s18  }
0x8e: {  	[smem:$0x3FC5] =	sst s2  }
0x8f: {  	_ = 	snop  }
0x90: {  	s2 =	sld [smem:$0x3FC9]  }
0x91: {  	s19 =	sld [smem:$0x3FC8]  }
0x92: {  	s4 =	sld [smem:$0x3FC7]  }
0x93: {  	s5 =	sld [smem:$0x3FD0];
	(tm) =	ssettm $0x1  }
0x94: {  	s6 =	sld [smem:$0x3FFB];
	_ =	sdelay $0x3  }
0x95: {  	_ =	strace s6  }
0x96: {  	s6 =	sld [smem:$0x3FFC];
	_ =	sdelay $0x3  }
0x97: {  	_ =	strace s6  }
0x98: {  	s6 =	sld [smem:$0x3FFD];
	_ =	sdelay $0x3  }
0x99: {  	_ =	strace s6  }
0x9a: {  	_ =	strace $0x8FFFFFFF  }
0x9b: {  	s20 =	sld [smem:$0x3FDB];
	_ =	sdelay $0x1  }
0x9c: {  	s7 =	simm.s32 $_scs_section_size  }
0x9d: {  	s8 =	simm.s32 $_size__tile_overlayer_lowered;
	s9 =	simm.s32 $_tile_overlayer_lowered  }
0x9e: {  	s23 =	simm.s32 $0x1BFF;
	s22 =	sshll.u32 s9, $0x1;
	s6 =	sadd.s32 s7, s20  }
0x9f: {  	s10 =	simm.s32 $0x0;
	s21 =	sshll.u32 s8, $0x1;
	s8 =	sadd.s32 s22, s6  }
0xa0: {  	[timem:s10], [sflag:s23] =	dma.local [hbm:s8], s21  }
0xa1: {  	_ =	swait.ge [sflag:s23], s21  }
0xa2: {  	s7 =	ssub.s32 $0x0, s21;
	[sflag:s23] =	ssyncset.done $0x0  }
0xa3: {  	[sflag:s23] =	ssyncadd.s32 s7;
	_ =	sdelay $0x1  }
0xa4: {  	s24 =	simm.s32 $0x1B8B  }
0xa5: {  	_ =	swait.ge [sflag:s24], $0x1  }
0xa6: {  	[sflag:s24] =	ssyncset.done $0x0  }
0xa7: {  	s25 =	simm.s32 $0x1B8E;
	[sflag:s24] =	ssyncadd.s32 $0xFFFFFFFF  }
0xa8: {  	s26 =	simm.s32 $execute0_lowered;
	[smem:$0x3FD2] =	sst s25  }
0xa9: {  	s7 =	sshll.u32 s26, $0x1;
	_ =	strace $0x80000046;
	[dreg:$0x1] =	wrdreg $0xFFFFFFFF  }
0xaa: {  	s28 =	simm.s32 $_size_execute0_lowered;
	s6 =	sadd.s32 s6, s7;
	[dreg:$0x0] =	wrdreg $0x0  }
0xab: {  	s7 =	sshll.u32 s28, $0x1;
	[dreg:$0x2] =	wrdreg s6  }
0xac: {  	[dreg:$0x3] =	wrdreg s7  }
0xad: {  	[dreg:$0x4] =	wrdreg $0xC0  }
0xae: {  	_ =	task [dreg:s10], $0x5FFFF  }
0xaf: {  	[dreg:$0x1] =	wrdreg $0xFFFFFFFF  }
0xb0: {  	[dreg:$0x0] =	wrdreg $0x60  }
0xb1: {  	[dreg:$0x2] =	wrdreg s2  }
0xb2: {  	[dreg:$0x3] =	wrdreg s19  }
0xb3: {  	[dreg:$0x4] =	wrdreg s4  }
0xb4: {  	[dreg:$0x5] =	wrdreg s5  }
0xb5: {  	[dreg:$0x6] =	wrdreg $0x9  }
0xb6: {  	_ =	task.clear_ibuf [dreg:s10], $0x7FFFF;
	_ =	strace $0x90000046  }
0xb7: {  	s29 =	simm.s32 $0x9;
	_ =	strace $0x80000048  }
0xb8: {  	_ =	swait.ge [sflag:s29], $0x1  }
0xb9: {  	[sflag:s29] =	ssyncadd.s32 $0xFFFFFFFF  }
0xba: {  	_ =	strace $0x90000048  }
0xbb: {  	_ =	sfence  }
0xbc: {  	s30 =	sld [smem:$0x0];
	_ =	sdelay $0x2  }
0xbd: {  	s31 =	sshll.u32 s1, $0xD;
	s1 =	sshrl.u32 s1, $0x2  }
0xbe: {  	s3 =	sand.u32 $0x4000, s31;
	s1 =	sadd.s32 s1, s30  }
0xbf: {  	s0 =	sor.u32 s3, s0;
	s1 =	sshll.u32 s1, $0x11  }
0xc0: {  	s0 =	sor.u32 s1, s0  }
0xc1: {  	s0 =	sadd.s32 $0x8F2B, s0  }
0xc2: {  	[sflag:s0] =	ssyncadd.remote.s32 $0x1  }
0xc3: {  	_ =	sfence.sel $0xFFFF  }
0xc4: {  	[dreg:$0x0] =	wrdreg $0xFFFFFFFF;
	(pc) =	sbr.abs _section_cstart, $3  }
0xc5: {  	[dreg:$0x1] =	wrdreg $0xFFFFFFFF  }
0xc6: {  	_ =	task.clear_ibuf [dreg:s10], $0x2FFFF;
	_ =	strace $0x9FFFFFFF  }
0xc7: {  	(tm) =	ssettm $0x7FFFFFFF  }
tec
execute0_lowered:
.L_overlay_start_1:
0x0: {  	(tag) =	ssettag $0x1  }
0x1: {  	s1 =	rddreg [dreg:$0x0]  }
0x2: {  	s2 =	rddreg [dreg:$0x1]  }
0x3: {  	s7 =	rddreg [dreg:$0x3]  }
0x4: {  	s0 =	srdreg.scid;
	s4 =	stileid.u32;
	s6 =	simm.s32 $0x0  }
0x5: {  	s0 =	sand.u32 $0x1, s0;
	s4 =	sshll.u32 s4, $0x1;
	[smem:$0x7FF] =	sst s6  }
0x6: {  	s9 =	sadd.s32 $0x1000, s1;
	s3 =	ssub.s32 $0x2, s0;
	s0 =	sor.u32 s0, s4  }
0x7: {  	s11 =	sadd.s32 $0x2000, s1;
	s12 =	sadd.s32 $0x3000, s1;
	s4 =	sshll.u32 s0, $0x7  }
0x8: {  	s15 =	sadd.s32 $0x4000, s1;
	s17 =	sadd.s32 $0x5000, s1;
	s25 =	sadd.s32 s4, s9  }
0x9: {  	_ =	strace $0x80000047;
	s26 =	sadd.s32 s4, s11;
	[dreg:$0x6] =	wrdreg s25  }
0xa: {  	s18 =	sadd.s32 $0x6000, s1;
	s28 =	sadd.s32 s4, s12;
	[dreg:$0x7] =	wrdreg s26  }
0xb: {  	s21 =	sadd.s32 $0x7000, s1;
	s30 =	sadd.s32 s4, s15;
	[dreg:$0x8] =	wrdreg s28  }
0xc: {  	s5 =	sshrl.u32 s3, $0x1;
	s31 =	sadd.s32 s4, s17;
	[dreg:$0x9] =	wrdreg s30  }
0xd: {  	s8 =	sshll.u32 s0, $0x9;
	s10 =	sadd.s32 s4, s18;
	[dreg:$0xa] =	wrdreg s31  }
0xe: {  	s3 =	ssub.s32 s3, s5;
	s13 =	sadd.s32 s4, s21;
	[dreg:$0xb] =	wrdreg s10  }
0xf: {  	s5 =	sadd.s32 s1, s4;
	s14 =	sadd.s32 s8, s7;
	[dreg:$0xc] =	wrdreg s13  }
0x10: {  	s0 =	sadd.s32 $0x60000, s14;
	[dreg:$0x5] =	wrdreg s5  }
0x11: {  	s16 =	smax.u32 s3, $0x1;
	[dreg:$0xd] =	wrdreg s0  }
0x12: {  	s29 =	simm.s32 $0x1;
	s19 =	sadd.s32 $0x8000, s5;
	[dreg:$0xe] =	wrdreg s16  }
0x13: {  	s23 =	sor.u32 $0x10000, s4;
	s20 =	sadd.s32 $0x9000, s5;
	[dreg:$0xf] =	wrdreg s19  }
0x14: {  	s24 =	sor.u32 $0x18000, s4;
	s22 =	sadd.s32 $0xA000, s5;
	[dreg:$0x10] =	wrdreg s20  }
0x15: {  	s25 =	sadd.s32 $0xB000, s5;
	s26 =	sadd.s32 $0xC000, s5;
	[dreg:$0x11] =	wrdreg s22  }
0x16: {  	s28 =	sadd.s32 $0xD000, s5;
	s30 =	sadd.s32 $0xE000, s5;
	[dreg:$0x12] =	wrdreg s25  }
0x17: {  	s31 =	sadd.s32 $0xF000, s5;
	s13 =	sadd.s32 $0x4000, s7;
	[dreg:$0x13] =	wrdreg s26  }
0x18: {  	s10 =	simm.s32 $0x3;
	s14 =	simm.s32 $0x4;
	[dreg:$0x14] =	wrdreg s28  }
0x19: {  	s3 =	simm.s32 $0x6;
	s5 =	simm.s32 $0x0;
	[dreg:$0x15] =	wrdreg s30  }
0x1a: {  	[dreg:$0x16] =	wrdreg s31;
	s22 =	simm.s32 $0x1000;
	s0 =	simm.s32 $0x2  }
.LBB2_1:
0x1b: {  	[dreg:$0x17] =	wrdreg s5  }
0x1c: {  	s4 =	rddreg [dreg:$0x2];
	s25 =	simm.s32 $0xA000;
	s26 =	simm.s32 $0x7  }
0x1d: {  	[tilespmem:s25], [sflag:$0x7] =	stream.linear.gather [hbm4b:s4+s6], $0x1, $0x38;
	[tilespmem:$0xA080] =	vst v63  }
0x1e: {  	_ =	swait.ge [sflag:s26], $0x1  }
0x1f: {  	[sflag:s26] =	ssyncset.done $0x0  }
0x20: {  	s28 =	rddreg [dreg:$0x5];
	[sflag:s26] =	ssyncadd.s32 $0xFFFFFFFF  }
0x21: {  	v0 =	vld [tilespmem:$0xA000];
	[tilespmem:s6], [sflag:$0x1] =	stream.linear.gather [hbm4b:s28+s6], $0x400, $0x38  }
0x22: {  	s31 =	simm.s32 $0x400;
	s30 =	rddreg [dreg:$0x6]  }
0x23: {  	[tilespmem:s31], [sflag:$0x1] =	stream.linear.gather [hbm4b:s30+s6], $0x400, $0x38;
	[tilespmem:$0xA080] =	vst v63  }
0x24: {  	s16 =	simm.s32 $0x800;
	s7 =	rddreg [dreg:$0x7]  }
0x25: {  	[tilespmem:s16], [sflag:$0x1] =	stream.linear.gather [hbm4b:s7+s6], $0x400, $0x38;
	[tilespmem:$0xA080] =	vst v63  }
0x26: {  	s20 =	simm.s32 $0xC00;
	s19 =	rddreg [dreg:$0x8]  }
0x27: {  	[tilespmem:s20], [sflag:$0x1] =	stream.linear.gather [hbm4b:s19+s6], $0x400, $0x38;
	[tilespmem:$0xA080] =	vst v63  }
0x28: {  	s25 =	rddreg [dreg:$0x9]  }
0x29: {  	[tilespmem:s22], [sflag:$0x1] =	stream.linear.gather [hbm4b:s25+s6], $0x400, $0x38;
	[tilespmem:$0xA080] =	vst v63  }
0x2a: {  	s26 =	rddreg [dreg:$0xa];
	s28 =	simm.s32 $0x1400  }
0x2b: {  	[tilespmem:s28], [sflag:$0x1] =	stream.linear.gather [hbm4b:s26+s6], $0x400, $0x38;
	[tilespmem:$0xA080] =	vst v63  }
0x2c: {  	s30 =	rddreg [dreg:$0xb];
	s31 =	simm.s32 $0x1800  }
0x2d: {  	[tilespmem:s31], [sflag:$0x1] =	stream.linear.gather [hbm4b:s30+s6], $0x400, $0x38;
	[tilespmem:$0xA080] =	vst v63  }
0x2e: {  	s5 =	rddreg [dreg:$0xc];
	s7 =	simm.s32 $0x1C00  }
0x2f: {  	[tilespmem:s7], [sflag:$0x1] =	stream.linear.gather [hbm4b:s5+s6], $0x400, $0x38;
	[tilespmem:$0xA080] =	vst v63  }
0x30: {  	s16 =	rddreg [dreg:$0xf];
	s19 =	simm.s32 $0x2000  }
0x31: {  	[tilespmem:s19], [sflag:$0x2] =	stream.linear.gather [hbm4b:s16+s6], $0x400, $0x38;
	[tilespmem:$0xA080] =	vst v63  }
0x32: {  	s20 =	rddreg [dreg:$0x10];
	s25 =	simm.s32 $0x2400  }
0x33: {  	[tilespmem:s25], [sflag:$0x2] =	stream.linear.gather [hbm4b:s20+s6], $0x400, $0x38;
	[tilespmem:$0xA080] =	vst v63  }
0x34: {  	s26 =	rddreg [dreg:$0x11];
	s28 =	simm.s32 $0x2800  }
0x35: {  	[tilespmem:s28], [sflag:$0x2] =	stream.linear.gather [hbm4b:s26+s6], $0x400, $0x38;
	[tilespmem:$0xA080] =	vst v63  }
0x36: {  	s30 =	rddreg [dreg:$0x12];
	s31 =	simm.s32 $0x2C00  }
0x37: {  	[tilespmem:s31], [sflag:$0x2] =	stream.linear.gather [hbm4b:s30+s6], $0x400, $0x38;
	[tilespmem:$0xA080] =	vst v63  }
0x38: {  	s5 =	rddreg [dreg:$0x13];
	s7 =	simm.s32 $0x3000  }
0x39: {  	[tilespmem:s7], [sflag:$0x2] =	stream.linear.gather [hbm4b:s5+s6], $0x400, $0x38;
	[tilespmem:$0xA080] =	vst v63  }
0x3a: {  	s16 =	rddreg [dreg:$0x14];
	s19 =	simm.s32 $0x3400  }
0x3b: {  	[tilespmem:s19], [sflag:$0x2] =	stream.linear.gather [hbm4b:s16+s6], $0x400, $0x38;
	[tilespmem:$0xA080] =	vst v63  }
0x3c: {  	s20 =	rddreg [dreg:$0x15];
	s25 =	simm.s32 $0x3800  }
0x3d: {  	[tilespmem:s25], [sflag:$0x2] =	stream.linear.gather [hbm4b:s20+s6], $0x400, $0x38;
	[tilespmem:$0xA080] =	vst v63  }
0x3e: {  	s26 =	rddreg [dreg:$0x16];
	s28 =	simm.s32 $0x3C00  }
0x3f: {  	[tilespmem:s28], [sflag:$0x2] =	stream.linear.gather [hbm4b:s26+s6], $0x400, $0x38;
	[tilespmem:$0xA080] =	vst v63  }
0x40: {  	_ =	swait.ge [sflag:s29], $0x400  }
0x41: {  	[sflag:s29] =	ssyncset.done $0x0  }
0x42: {  	[sflag:s29] =	ssyncadd.s32 $0xFFFFFC00  }
0x43: {  	_ =	swait.ge [sflag:s29], $0x400  }
0x44: {  	[sflag:s29] =	ssyncset.done $0x0  }
0x45: {  	[sflag:s29] =	ssyncadd.s32 $0xFFFFFC00  }
0x46: {  	_ =	swait.ge [sflag:s29], $0x400  }
0x47: {  	[sflag:s29] =	ssyncset.done $0x0  }
0x48: {  	[sflag:s29] =	ssyncadd.s32 $0xFFFFFC00  }
0x49: {  	_ =	swait.ge [sflag:s29], $0x400  }
0x4a: {  	[sflag:s29] =	ssyncset.done $0x0  }
0x4b: {  	[sflag:s29] =	ssyncadd.s32 $0xFFFFFC00  }
0x4c: {  	_ =	swait.ge [sflag:s29], $0x400  }
0x4d: {  	[sflag:s29] =	ssyncset.done $0x0  }
0x4e: {  	[sflag:s29] =	ssyncadd.s32 $0xFFFFFC00  }
0x4f: {  	_ =	swait.ge [sflag:s29], $0x400  }
0x50: {  	[sflag:s29] =	ssyncset.done $0x0  }
0x51: {  	[sflag:s29] =	ssyncadd.s32 $0xFFFFFC00  }
0x52: {  	_ =	swait.ge [sflag:s29], $0x400  }
0x53: {  	[sflag:s29] =	ssyncset.done $0x0  }
0x54: {  	[sflag:s29] =	ssyncadd.s32 $0xFFFFFC00  }
0x55: {  	_ =	swait.ge [sflag:s29], $0x400  }
0x56: {  	s30 =	sand.u32 $0x1C00, s6;
	s31 =	sand.u32 $0x300, s6;
	[sflag:s29] =	ssyncset.done $0x0  }
0x57: {  	s5 =	sor.u32 s31, s30;
	[sflag:s29] =	ssyncadd.s32 $0xFFFFFC00  }
0x58: {  	v1 =	vld [tilespmem:s5+$0x0];
	_ =	sdelay $0x1  }
0x59: {  	v2 =	vld [tilespmem:s5+$0x80];
	_ =	sdelay $0x2  }
0x5a: {  	v1 =	vmul.f32 $4.096000000e+03, v1;
	_ =	sdelay $0x1  }
0x5b: {  	v2 =	vmul.f32 $4.096000000e+03, v2;
	v1 =	vtrunc.f32 v1  }
0x5c: {  	v1 =	vcvt.f32.s32 v1  }
0x5d: {  	v2 =	vtrunc.f32 v2  }
0x5e: {  	v2 =	vcvt.f32.s32 v2;
	v3 =	vshrl.u32 v1, $0x7  }
0x5f: {  	v3 =	vmul.u32 $0x380, v3  }
0x60: {  	v4 =	vshrl.u32 v2, $0x3  }
0x61: {  	v2 =	vshll.u32 v2, $0x7;
	v4 =	vmul.u32 $0x7C00, v4;
	v1 =	vadd.s32 v1, v3  }
0x62: {  	v1 =	vadd.s32 v2, v1  }
0x63: {  	s4 =	simm.s32 $0x4040;
	v1 =	vadd.s32 v4, v1  }
0x64: {  	[tilespmem:s4+$0xFFFFFFC0] =	vst v1  }
0x65: {  	v1 =	vld [tilespmem:s5+$0x10];
	_ =	sdelay $0x1  }
0x66: {  	v2 =	vld [tilespmem:s5+$0x90];
	_ =	sdelay $0x2  }
0x67: {  	v1 =	vmul.f32 $4.096000000e+03, v1;
	_ =	sdelay $0x1  }
0x68: {  	v2 =	vmul.f32 $4.096000000e+03, v2;
	v1 =	vtrunc.f32 v1  }
0x69: {  	v1 =	vcvt.f32.s32 v1  }
0x6a: {  	v2 =	vtrunc.f32 v2  }
0x6b: {  	v2 =	vcvt.f32.s32 v2;
	v3 =	vshrl.u32 v1, $0x7  }
0x6c: {  	v3 =	vmul.u32 $0x380, v3  }
0x6d: {  	v57 =	vshrl.u32 v2, $0x3  }
0x6e: {  	v2 =	vshll.u32 v2, $0x7;
	v4 =	vmul.u32 $0x7C00, v57;
	v1 =	vadd.s32 v1, v3  }
0x6f: {  	v1 =	vadd.s32 v2, v1  }
0x70: {  	v1 =	vadd.s32 v4, v1  }
0x71: {  	[tilespmem:s4+$0xFFFFFFD0] =	vst v1  }
0x72: {  	v1 =	vld [tilespmem:s5+$0x20];
	_ =	sdelay $0x1  }
0x73: {  	v2 =	vld [tilespmem:s5+$0xA0];
	_ =	sdelay $0x2  }
0x74: {  	v1 =	vmul.f32 $4.096000000e+03, v1;
	_ =	sdelay $0x1  }
0x75: {  	v2 =	vmul.f32 $4.096000000e+03, v2;
	v1 =	vtrunc.f32 v1  }
0x76: {  	v1 =	vcvt.f32.s32 v1  }
0x77: {  	v2 =	vtrunc.f32 v2  }
0x78: {  	v2 =	vcvt.f32.s32 v2;
	v3 =	vshrl.u32 v1, $0x7  }
0x79: {  	v3 =	vmul.u32 $0x380, v3  }
0x7a: {  	v58 =	vshrl.u32 v2, $0x3  }
0x7b: {  	v2 =	vshll.u32 v2, $0x7;
	v4 =	vmul.u32 $0x7C00, v58;
	v1 =	vadd.s32 v1, v3  }
0x7c: {  	v1 =	vadd.s32 v2, v1  }
0x7d: {  	v1 =	vadd.s32 v4, v1  }
0x7e: {  	[tilespmem:s4+$0xFFFFFFE0] =	vst v1  }
0x7f: {  	v1 =	vld [tilespmem:s5+$0x30];
	_ =	sdelay $0x1  }
0x80: {  	v2 =	vld [tilespmem:s5+$0xB0];
	_ =	sdelay $0x2  }
0x81: {  	v1 =	vmul.f32 $4.096000000e+03, v1;
	_ =	sdelay $0x1  }
0x82: {  	v2 =	vmul.f32 $4.096000000e+03, v2;
	v1 =	vtrunc.f32 v1  }
0x83: {  	v1 =	vcvt.f32.s32 v1  }
0x84: {  	v2 =	vtrunc.f32 v2  }
0x85: {  	v2 =	vcvt.f32.s32 v2;
	v3 =	vshrl.u32 v1, $0x7  }
0x86: {  	v3 =	vmul.u32 $0x380, v3  }
0x87: {  	v59 =	vshrl.u32 v2, $0x3  }
0x88: {  	v2 =	vshll.u32 v2, $0x7;
	v4 =	vmul.u32 $0x7C00, v59;
	v1 =	vadd.s32 v1, v3  }
0x89: {  	v1 =	vadd.s32 v2, v1  }
0x8a: {  	v1 =	vadd.s32 v4, v1  }
0x8b: {  	[tilespmem:s4+$0xFFFFFFF0] =	vst v1  }
0x8c: {  	v1 =	vld [tilespmem:s5+$0x40];
	_ =	sdelay $0x1  }
0x8d: {  	v2 =	vld [tilespmem:s5+$0xC0];
	_ =	sdelay $0x2  }
0x8e: {  	v1 =	vmul.f32 $4.096000000e+03, v1;
	_ =	sdelay $0x1  }
0x8f: {  	v2 =	vmul.f32 $4.096000000e+03, v2;
	v1 =	vtrunc.f32 v1  }
0x90: {  	v1 =	vcvt.f32.s32 v1  }
0x91: {  	v2 =	vtrunc.f32 v2  }
0x92: {  	v2 =	vcvt.f32.s32 v2;
	v3 =	vshrl.u32 v1, $0x7  }
0x93: {  	v3 =	vmul.u32 $0x380, v3  }
0x94: {  	v60 =	vshrl.u32 v2, $0x3  }
0x95: {  	v2 =	vshll.u32 v2, $0x7;
	v4 =	vmul.u32 $0x7C00, v60;
	v1 =	vadd.s32 v1, v3  }
0x96: {  	v1 =	vadd.s32 v2, v1  }
0x97: {  	v1 =	vadd.s32 v4, v1  }
0x98: {  	[tilespmem:s4+$0x0] =	vst v1  }
0x99: {  	v1 =	vld [tilespmem:s5+$0x50];
	_ =	sdelay $0x1  }
0x9a: {  	v2 =	vld [tilespmem:s5+$0xD0];
	_ =	sdelay $0x2  }
0x9b: {  	v1 =	vmul.f32 $4.096000000e+03, v1;
	_ =	sdelay $0x1  }
0x9c: {  	v2 =	vmul.f32 $4.096000000e+03, v2;
	v1 =	vtrunc.f32 v1  }
0x9d: {  	v1 =	vcvt.f32.s32 v1  }
0x9e: {  	v2 =	vtrunc.f32 v2  }
0x9f: {  	v2 =	vcvt.f32.s32 v2;
	v3 =	vshrl.u32 v1, $0x7  }
0xa0: {  	v3 =	vmul.u32 $0x380, v3  }
0xa1: {  	v61 =	vshrl.u32 v2, $0x3  }
0xa2: {  	v2 =	vshll.u32 v2, $0x7;
	v4 =	vmul.u32 $0x7C00, v61;
	v1 =	vadd.s32 v1, v3  }
0xa3: {  	v1 =	vadd.s32 v2, v1  }
0xa4: {  	v1 =	vadd.s32 v4, v1  }
0xa5: {  	[tilespmem:s4+$0x10] =	vst v1  }
0xa6: {  	v1 =	vld [tilespmem:s5+$0x60];
	_ =	sdelay $0x1  }
0xa7: {  	v2 =	vld [tilespmem:s5+$0xE0];
	_ =	sdelay $0x2  }
0xa8: {  	v1 =	vmul.f32 $4.096000000e+03, v1;
	_ =	sdelay $0x1  }
0xa9: {  	v2 =	vmul.f32 $4.096000000e+03, v2;
	v1 =	vtrunc.f32 v1  }
0xaa: {  	v1 =	vcvt.f32.s32 v1  }
0xab: {  	v2 =	vtrunc.f32 v2  }
0xac: {  	v2 =	vcvt.f32.s32 v2;
	v3 =	vshrl.u32 v1, $0x7  }
0xad: {  	v3 =	vmul.u32 $0x380, v3  }
0xae: {  	v62 =	vshrl.u32 v2, $0x3  }
0xaf: {  	v2 =	vshll.u32 v2, $0x7;
	v4 =	vmul.u32 $0x7C00, v62;
	v1 =	vadd.s32 v1, v3  }
0xb0: {  	v1 =	vadd.s32 v2, v1  }
0xb1: {  	v1 =	vadd.s32 v4, v1  }
0xb2: {  	[tilespmem:s4+$0x20] =	vst v1  }
0xb3: {  	v1 =	vld [tilespmem:s5+$0x70];
	_ =	sdelay $0x1  }
0xb4: {  	v2 =	vld [tilespmem:s5+$0xF0];
	_ =	sdelay $0x2  }
0xb5: {  	v1 =	vmul.f32 $4.096000000e+03, v1;
	_ =	sdelay $0x1  }
0xb6: {  	v2 =	vmul.f32 $4.096000000e+03, v2;
	v1 =	vtrunc.f32 v1  }
0xb7: {  	v1 =	vcvt.f32.s32 v1  }
0xb8: {  	v2 =	vtrunc.f32 v2  }
0xb9: {  	v2 =	vcvt.f32.s32 v2;
	v3 =	vshrl.u32 v1, $0x7  }
0xba: {  	v3 =	vmul.u32 $0x380, v3  }
0xbb: {  	s16 =	simm.s32 $0x400;
	v63 =	vshrl.u32 v2, $0x3  }
0xbc: {  	s19 =	simm.s32 $0x20;
	s25 =	sand.u32 $0x1C00, s16;
	v2 =	vshll.u32 v2, $0x7;
	v3 =	vadd.s32 v1, v3;
	v1 =	vmul.u32 $0x7C00, v63  }
0xbd: {  	s20 =	simm.s32 $0x4040;
	s26 =	sand.u32 $0x300, s19;
	s5 =	simm.s32 $0x8;
	v2 =	vadd.s32 v2, v3  }
.LBB2_2:
0xbe: {  	s5 =	sadd.s32 $0x8, s5;
	s25 =	sor.u32 s26, s25;
	v1 =	vadd.s32 v1, v2;
	s4 =	sadd.s32 $0x80, s4  }
0xbf: {  	p0 =	slt.u32 s5, $0xF8;
	[tilespmem:s20+$0x30] =	vst v1;
	s20 =	smov.u32 s4  }
0xc0: {  	v1 =	vld [tilespmem:s25+$0x0]  }
0xc1: {  	v2 =	vld [tilespmem:s25+$0x80];
	_ =	sdelay $0x3  }
0xc2: {  	v1 =	vmul.f32 $4.096000000e+03, v1  }
0xc3: {  	v2 =	vmul.f32 $4.096000000e+03, v2  }
0xc4: {  	v1 =	vtrunc.f32 v1  }
0xc5: {  	v1 =	vcvt.f32.s32 v1;
	v2 =	vtrunc.f32 v2  }
0xc6: {  	v2 =	vcvt.f32.s32 v2  }
0xc7: {  	v3 =	vshrl.u32 v1, $0x7  }
0xc8: {  	v4 =	vshrl.u32 v2, $0x3;
	v3 =	vmul.u32 $0x380, v3  }
0xc9: {  	v2 =	vshll.u32 v2, $0x7;
	v4 =	vmul.u32 $0x7C00, v4  }
0xca: {  	v1 =	vadd.s32 v1, v3  }
0xcb: {  	v1 =	vadd.s32 v2, v1  }
0xcc: {  	v1 =	vadd.s32 v4, v1  }
0xcd: {  	[tilespmem:s4+$0xFFFFFFC0] =	vst v1  }
0xce: {  	v1 =	vld [tilespmem:s25+$0x10]  }
0xcf: {  	v2 =	vld [tilespmem:s25+$0x90];
	_ =	sdelay $0x3  }
0xd0: {  	v1 =	vmul.f32 $4.096000000e+03, v1  }
0xd1: {  	v2 =	vmul.f32 $4.096000000e+03, v2  }
0xd2: {  	v1 =	vtrunc.f32 v1  }
0xd3: {  	v1 =	vcvt.f32.s32 v1;
	v2 =	vtrunc.f32 v2  }
0xd4: {  	v2 =	vcvt.f32.s32 v2  }
0xd5: {  	v3 =	vshrl.u32 v1, $0x7  }
0xd6: {  	v4 =	vshrl.u32 v2, $0x3;
	v3 =	vmul.u32 $0x380, v3  }
0xd7: {  	v2 =	vshll.u32 v2, $0x7;
	v4 =	vmul.u32 $0x7C00, v4  }
0xd8: {  	v1 =	vadd.s32 v1, v3  }
0xd9: {  	v1 =	vadd.s32 v2, v1  }
0xda: {  	v1 =	vadd.s32 v4, v1  }
0xdb: {  	[tilespmem:s4+$0xFFFFFFD0] =	vst v1  }
0xdc: {  	v1 =	vld [tilespmem:s25+$0x20]  }
0xdd: {  	v2 =	vld [tilespmem:s25+$0xA0];
	_ =	sdelay $0x3  }
0xde: {  	v1 =	vmul.f32 $4.096000000e+03, v1  }
0xdf: {  	v2 =	vmul.f32 $4.096000000e+03, v2  }
0xe0: {  	v1 =	vtrunc.f32 v1  }
0xe1: {  	v1 =	vcvt.f32.s32 v1;
	v2 =	vtrunc.f32 v2  }
0xe2: {  	v2 =	vcvt.f32.s32 v2  }
0xe3: {  	v3 =	vshrl.u32 v1, $0x7  }
0xe4: {  	v4 =	vshrl.u32 v2, $0x3;
	v3 =	vmul.u32 $0x380, v3  }
0xe5: {  	v2 =	vshll.u32 v2, $0x7;
	v4 =	vmul.u32 $0x7C00, v4  }
0xe6: {  	v1 =	vadd.s32 v1, v3  }
0xe7: {  	v1 =	vadd.s32 v2, v1  }
0xe8: {  	v1 =	vadd.s32 v4, v1  }
0xe9: {  	[tilespmem:s4+$0xFFFFFFE0] =	vst v1  }
0xea: {  	v1 =	vld [tilespmem:s25+$0x30]  }
0xeb: {  	v2 =	vld [tilespmem:s25+$0xB0];
	_ =	sdelay $0x3  }
0xec: {  	v1 =	vmul.f32 $4.096000000e+03, v1  }
0xed: {  	v2 =	vmul.f32 $4.096000000e+03, v2  }
0xee: {  	v1 =	vtrunc.f32 v1  }
0xef: {  	v1 =	vcvt.f32.s32 v1;
	v2 =	vtrunc.f32 v2  }
0xf0: {  	v2 =	vcvt.f32.s32 v2  }
0xf1: {  	v3 =	vshrl.u32 v1, $0x7  }
0xf2: {  	v4 =	vshrl.u32 v2, $0x3;
	v3 =	vmul.u32 $0x380, v3  }
0xf3: {  	v2 =	vshll.u32 v2, $0x7;
	v4 =	vmul.u32 $0x7C00, v4  }
0xf4: {  	v1 =	vadd.s32 v1, v3  }
0xf5: {  	v1 =	vadd.s32 v2, v1  }
0xf6: {  	v1 =	vadd.s32 v4, v1  }
0xf7: {  	[tilespmem:s4+$0xFFFFFFF0] =	vst v1  }
0xf8: {  	v1 =	vld [tilespmem:s25+$0x40]  }
0xf9: {  	v2 =	vld [tilespmem:s25+$0xC0];
	_ =	sdelay $0x3  }
0xfa: {  	v1 =	vmul.f32 $4.096000000e+03, v1  }
0xfb: {  	v2 =	vmul.f32 $4.096000000e+03, v2  }
0xfc: {  	v1 =	vtrunc.f32 v1  }
0xfd: {  	v1 =	vcvt.f32.s32 v1;
	v2 =	vtrunc.f32 v2  }
0xfe: {  	v2 =	vcvt.f32.s32 v2  }
0xff: {  	v3 =	vshrl.u32 v1, $0x7  }
0x100: {  	v4 =	vshrl.u32 v2, $0x3;
	v3 =	vmul.u32 $0x380, v3  }
0x101: {  	v2 =	vshll.u32 v2, $0x7;
	v4 =	vmul.u32 $0x7C00, v4  }
0x102: {  	v1 =	vadd.s32 v1, v3  }
0x103: {  	v1 =	vadd.s32 v2, v1  }
0x104: {  	v1 =	vadd.s32 v4, v1  }
0x105: {  	[tilespmem:s4+$0x0] =	vst v1  }
0x106: {  	v1 =	vld [tilespmem:s25+$0x50]  }
0x107: {  	v2 =	vld [tilespmem:s25+$0xD0];
	_ =	sdelay $0x3  }
0x108: {  	v1 =	vmul.f32 $4.096000000e+03, v1  }
0x109: {  	v2 =	vmul.f32 $4.096000000e+03, v2  }
0x10a: {  	v1 =	vtrunc.f32 v1  }
0x10b: {  	v1 =	vcvt.f32.s32 v1;
	v2 =	vtrunc.f32 v2  }
0x10c: {  	v2 =	vcvt.f32.s32 v2  }
0x10d: {  	v3 =	vshrl.u32 v1, $0x7  }
0x10e: {  	v4 =	vshrl.u32 v2, $0x3;
	v3 =	vmul.u32 $0x380, v3  }
0x10f: {  	v2 =	vshll.u32 v2, $0x7;
	v4 =	vmul.u32 $0x7C00, v4  }
0x110: {  	v1 =	vadd.s32 v1, v3  }
0x111: {  	v1 =	vadd.s32 v2, v1  }
0x112: {  	v1 =	vadd.s32 v4, v1  }
0x113: {  	[tilespmem:s4+$0x10] =	vst v1  }
0x114: {  	v1 =	vld [tilespmem:s25+$0x60]  }
0x115: {  	v2 =	vld [tilespmem:s25+$0xE0];
	_ =	sdelay $0x3  }
0x116: {  	v1 =	vmul.f32 $4.096000000e+03, v1  }
0x117: {  	v2 =	vmul.f32 $4.096000000e+03, v2  }
0x118: {  	v1 =	vtrunc.f32 v1  }
0x119: {  	v1 =	vcvt.f32.s32 v1;
	v2 =	vtrunc.f32 v2  }
0x11a: {  	v2 =	vcvt.f32.s32 v2  }
0x11b: {  	v3 =	vshrl.u32 v1, $0x7  }
0x11c: {  	v4 =	vshrl.u32 v2, $0x3;
	v3 =	vmul.u32 $0x380, v3  }
0x11d: {  	v2 =	vshll.u32 v2, $0x7;
	v4 =	vmul.u32 $0x7C00, v4  }
0x11e: {  	v1 =	vadd.s32 v1, v3  }
0x11f: {  	v1 =	vadd.s32 v2, v1  }
0x120: {  	v1 =	vadd.s32 v4, v1  }
0x121: {  	[tilespmem:s4+$0x20] =	vst v1  }
0x122: {  	v1 =	vld [tilespmem:s25+$0x70]  }
0x123: {  	v2 =	vld [tilespmem:s25+$0xF0];
	_ =	sdelay $0x3  }
0x124: {  	v1 =	vmul.f32 $4.096000000e+03, v1  }
0x125: {  	v2 =	vmul.f32 $4.096000000e+03, v2  }
0x126: {  	v1 =	vtrunc.f32 v1  }
0x127: {  	v3 =	vcvt.f32.s32 v1;
	v1 =	vtrunc.f32 v2  }
0x128: {  	v1 =	vcvt.f32.s32 v1  }
.Ltmp0:
0x129: {  	v2 =	vshrl.u32 v3, $0x7;
	(pc) =	sbr.rel @p0 .LBB2_2-.Ltmp0, $4  }
0x12a: {  	v4 =	vshrl.u32 v1, $0x3;
	v2 =	vmul.u32 $0x380, v2  }
0x12b: {  	v5 =	vshll.u32 v1, $0x7;
	v1 =	vmul.u32 $0x7C00, v4  }
0x12c: {  	s16 =	sadd.s32 $0x400, s16;
	s19 =	sadd.s32 $0x20, s19;
	v2 =	vadd.s32 v3, v2  }
0x12d: {  	s26 =	sand.u32 $0x300, s19;
	s25 =	sand.u32 $0x1C00, s16;
	v2 =	vadd.s32 v5, v2  }
0x12e: {  	v1 =	vadd.s32 v1, v2  }
0x12f: {  	s5 =	sor.u32 s26, s25;
	[tilespmem:s20+$0x30] =	vst v1  }
0x130: {  	v1 =	vld [tilespmem:s5+$0x0];
	_ =	sdelay $0x1  }
0x131: {  	v2 =	vld [tilespmem:s5+$0x80];
	_ =	sdelay $0x2  }
0x132: {  	v1 =	vmul.f32 $4.096000000e+03, v1;
	_ =	sdelay $0x1  }
0x133: {  	v2 =	vmul.f32 $4.096000000e+03, v2;
	v1 =	vtrunc.f32 v1  }
0x134: {  	v1 =	vcvt.f32.s32 v1  }
0x135: {  	v2 =	vtrunc.f32 v2  }
0x136: {  	v2 =	vcvt.f32.s32 v2;
	v3 =	vshrl.u32 v1, $0x7  }
0x137: {  	v3 =	vmul.u32 $0x380, v3  }
0x138: {  	v4 =	vshrl.u32 v2, $0x3  }
0x139: {  	v2 =	vshll.u32 v2, $0x7;
	v4 =	vmul.u32 $0x7C00, v4;
	v1 =	vadd.s32 v1, v3  }
0x13a: {  	v1 =	vadd.s32 v2, v1  }
0x13b: {  	s4 =	sadd.s32 $0x80, s4;
	v1 =	vadd.s32 v4, v1  }
0x13c: {  	[tilespmem:s4+$0xFFFFFFC0] =	vst v1  }
0x13d: {  	v1 =	vld [tilespmem:s5+$0x10];
	_ =	sdelay $0x1  }
0x13e: {  	v2 =	vld [tilespmem:s5+$0x90];
	_ =	sdelay $0x2  }
0x13f: {  	v1 =	vmul.f32 $4.096000000e+03, v1;
	_ =	sdelay $0x1  }
0x140: {  	v2 =	vmul.f32 $4.096000000e+03, v2;
	v1 =	vtrunc.f32 v1  }
0x141: {  	v1 =	vcvt.f32.s32 v1  }
0x142: {  	v2 =	vtrunc.f32 v2  }
0x143: {  	v2 =	vcvt.f32.s32 v2;
	v3 =	vshrl.u32 v1, $0x7  }
0x144: {  	v3 =	vmul.u32 $0x380, v3  }
0x145: {  	v57 =	vshrl.u32 v2, $0x3  }
0x146: {  	v2 =	vshll.u32 v2, $0x7;
	v4 =	vmul.u32 $0x7C00, v57;
	v1 =	vadd.s32 v1, v3  }
0x147: {  	v1 =	vadd.s32 v2, v1  }
0x148: {  	v1 =	vadd.s32 v4, v1  }
0x149: {  	[tilespmem:s4+$0xFFFFFFD0] =	vst v1  }
0x14a: {  	v1 =	vld [tilespmem:s5+$0x20];
	_ =	sdelay $0x1  }
0x14b: {  	v2 =	vld [tilespmem:s5+$0xA0];
	_ =	sdelay $0x2  }
0x14c: {  	v1 =	vmul.f32 $4.096000000e+03, v1;
	_ =	sdelay $0x1  }
0x14d: {  	v2 =	vmul.f32 $4.096000000e+03, v2;
	v1 =	vtrunc.f32 v1  }
0x14e: {  	v1 =	vcvt.f32.s32 v1  }
0x14f: {  	v2 =	vtrunc.f32 v2  }
0x150: {  	v2 =	vcvt.f32.s32 v2;
	v3 =	vshrl.u32 v1, $0x7  }
0x151: {  	v3 =	vmul.u32 $0x380, v3  }
0x152: {  	v58 =	vshrl.u32 v2, $0x3  }
0x153: {  	v2 =	vshll.u32 v2, $0x7;
	v4 =	vmul.u32 $0x7C00, v58;
	v1 =	vadd.s32 v1, v3  }
0x154: {  	v1 =	vadd.s32 v2, v1  }
0x155: {  	v1 =	vadd.s32 v4, v1  }
0x156: {  	[tilespmem:s4+$0xFFFFFFE0] =	vst v1  }
0x157: {  	v1 =	vld [tilespmem:s5+$0x30];
	_ =	sdelay $0x1  }
0x158: {  	v2 =	vld [tilespmem:s5+$0xB0];
	_ =	sdelay $0x2  }
0x159: {  	v1 =	vmul.f32 $4.096000000e+03, v1;
	_ =	sdelay $0x1  }
0x15a: {  	v2 =	vmul.f32 $4.096000000e+03, v2;
	v1 =	vtrunc.f32 v1  }
0x15b: {  	v1 =	vcvt.f32.s32 v1  }
0x15c: {  	v2 =	vtrunc.f32 v2  }
0x15d: {  	v2 =	vcvt.f32.s32 v2;
	v3 =	vshrl.u32 v1, $0x7  }
0x15e: {  	v3 =	vmul.u32 $0x380, v3  }
0x15f: {  	v59 =	vshrl.u32 v2, $0x3  }
0x160: {  	v2 =	vshll.u32 v2, $0x7;
	v4 =	vmul.u32 $0x7C00, v59;
	v1 =	vadd.s32 v1, v3  }
0x161: {  	v1 =	vadd.s32 v2, v1  }
0x162: {  	v1 =	vadd.s32 v4, v1  }
0x163: {  	[tilespmem:s4+$0xFFFFFFF0] =	vst v1  }
0x164: {  	v1 =	vld [tilespmem:s5+$0x40];
	_ =	sdelay $0x1  }
0x165: {  	v2 =	vld [tilespmem:s5+$0xC0];
	_ =	sdelay $0x2  }
0x166: {  	v1 =	vmul.f32 $4.096000000e+03, v1;
	_ =	sdelay $0x1  }
0x167: {  	v2 =	vmul.f32 $4.096000000e+03, v2;
	v1 =	vtrunc.f32 v1  }
0x168: {  	v1 =	vcvt.f32.s32 v1  }
0x169: {  	v2 =	vtrunc.f32 v2  }
0x16a: {  	v2 =	vcvt.f32.s32 v2;
	v3 =	vshrl.u32 v1, $0x7  }
0x16b: {  	v3 =	vmul.u32 $0x380, v3  }
0x16c: {  	v60 =	vshrl.u32 v2, $0x3  }
0x16d: {  	v2 =	vshll.u32 v2, $0x7;
	v4 =	vmul.u32 $0x7C00, v60;
	v1 =	vadd.s32 v1, v3  }
0x16e: {  	v1 =	vadd.s32 v2, v1  }
0x16f: {  	v1 =	vadd.s32 v4, v1  }
0x170: {  	[tilespmem:s4+$0x0] =	vst v1  }
0x171: {  	v1 =	vld [tilespmem:s5+$0x50];
	_ =	sdelay $0x1  }
0x172: {  	v2 =	vld [tilespmem:s5+$0xD0];
	_ =	sdelay $0x2  }
0x173: {  	v1 =	vmul.f32 $4.096000000e+03, v1;
	_ =	sdelay $0x1  }
0x174: {  	v2 =	vmul.f32 $4.096000000e+03, v2;
	v1 =	vtrunc.f32 v1  }
0x175: {  	v1 =	vcvt.f32.s32 v1  }
0x176: {  	v2 =	vtrunc.f32 v2  }
0x177: {  	v2 =	vcvt.f32.s32 v2;
	v3 =	vshrl.u32 v1, $0x7  }
0x178: {  	v3 =	vmul.u32 $0x380, v3  }
0x179: {  	v61 =	vshrl.u32 v2, $0x3  }
0x17a: {  	v2 =	vshll.u32 v2, $0x7;
	v4 =	vmul.u32 $0x7C00, v61;
	v1 =	vadd.s32 v1, v3  }
0x17b: {  	v1 =	vadd.s32 v2, v1  }
0x17c: {  	v1 =	vadd.s32 v4, v1  }
0x17d: {  	[tilespmem:s4+$0x10] =	vst v1  }
0x17e: {  	v1 =	vld [tilespmem:s5+$0x60];
	_ =	sdelay $0x1  }
0x17f: {  	v2 =	vld [tilespmem:s5+$0xE0];
	_ =	sdelay $0x2  }
0x180: {  	v1 =	vmul.f32 $4.096000000e+03, v1;
	_ =	sdelay $0x1  }
0x181: {  	v2 =	vmul.f32 $4.096000000e+03, v2;
	v1 =	vtrunc.f32 v1  }
0x182: {  	v1 =	vcvt.f32.s32 v1  }
0x183: {  	v2 =	vtrunc.f32 v2  }
0x184: {  	v2 =	vcvt.f32.s32 v2;
	v3 =	vshrl.u32 v1, $0x7  }
0x185: {  	v3 =	vmul.u32 $0x380, v3  }
0x186: {  	v62 =	vshrl.u32 v2, $0x3  }
0x187: {  	v2 =	vshll.u32 v2, $0x7;
	v4 =	vmul.u32 $0x7C00, v62;
	v1 =	vadd.s32 v1, v3  }
0x188: {  	v1 =	vadd.s32 v2, v1  }
0x189: {  	v1 =	vadd.s32 v4, v1  }
0x18a: {  	[tilespmem:s4+$0x20] =	vst v1  }
0x18b: {  	v1 =	vld [tilespmem:s5+$0x70];
	_ =	sdelay $0x1  }
0x18c: {  	v2 =	vld [tilespmem:s5+$0xF0];
	_ =	sdelay $0x2  }
0x18d: {  	v1 =	vmul.f32 $4.096000000e+03, v1;
	_ =	sdelay $0x1  }
0x18e: {  	v2 =	vmul.f32 $4.096000000e+03, v2;
	v1 =	vtrunc.f32 v1  }
0x18f: {  	v1 =	vcvt.f32.s32 v1  }
0x190: {  	v2 =	vtrunc.f32 v2  }
0x191: {  	v2 =	vcvt.f32.s32 v2;
	v3 =	vshrl.u32 v1, $0x7  }
0x192: {  	v3 =	vmul.u32 $0x380, v3  }
0x193: {  	v63 =	vshrl.u32 v2, $0x3  }
0x194: {  	v2 =	vshll.u32 v2, $0x7;
	v4 =	vmul.u32 $0x7C00, v63;
	v1 =	vadd.s32 v1, v3  }
0x195: {  	v1 =	vadd.s32 v2, v1  }
0x196: {  	s30 =	simm.s32 $0x4000;
	v1 =	vadd.s32 v4, v1  }
0x197: {  	s31 =	simm.s32 $0x6000;
	s5 =	simm.s32 $0x0;
	[tilespmem:s4+$0x30] =	vst v1;
	s4 =	simm.s32 $0x0  }
0x198: {  	v0 =	vbroadcast v0, $0x0;
	[tilespmem:s31], [sflag:$0x3] =	stream.indirect.gather [hbm4b:s2+s22], $0x1, s30, s22, $0xb8;
	[tilespmem:$0xA080] =	vst v63  }
.LBB2_4:
0x199: {  	_ =	swait.ge [sflag:s0], $0x400  }
0x19a: {  	[sflag:s0] =	ssyncset.done $0x0  }
0x19b: {  	[sflag:s0] =	ssyncadd.s32 $0xFFFFFC00  }
0x19c: {  	_ =	swait.ge [sflag:s0], $0x400  }
0x19d: {  	[sflag:s0] =	ssyncset.done $0x0  }
0x19e: {  	[sflag:s0] =	ssyncadd.s32 $0xFFFFFC00  }
0x19f: {  	_ =	swait.ge [sflag:s0], $0x400  }
0x1a0: {  	[sflag:s0] =	ssyncset.done $0x0  }
0x1a1: {  	[sflag:s0] =	ssyncadd.s32 $0xFFFFFC00  }
0x1a2: {  	_ =	swait.ge [sflag:s0], $0x400  }
0x1a3: {  	[sflag:s0] =	ssyncset.done $0x0  }
0x1a4: {  	[sflag:s0] =	ssyncadd.s32 $0xFFFFFC00  }
0x1a5: {  	_ =	swait.ge [sflag:s0], $0x400  }
0x1a6: {  	[sflag:s0] =	ssyncset.done $0x0  }
0x1a7: {  	[sflag:s0] =	ssyncadd.s32 $0xFFFFFC00  }
0x1a8: {  	_ =	swait.ge [sflag:s0], $0x400  }
0x1a9: {  	[sflag:s0] =	ssyncset.done $0x0  }
0x1aa: {  	[sflag:s0] =	ssyncadd.s32 $0xFFFFFC00  }
0x1ab: {  	_ =	swait.ge [sflag:s0], $0x400  }
0x1ac: {  	[sflag:s0] =	ssyncset.done $0x0  }
0x1ad: {  	[sflag:s0] =	ssyncadd.s32 $0xFFFFFC00  }
0x1ae: {  	_ =	swait.ge [sflag:s0], $0x400  }
0x1af: {  	s7 =	sand.u32 $0x1C00, s4;
	s16 =	sand.u32 $0x300, s4;
	[sflag:s0] =	ssyncset.done $0x0  }
0x1b0: {  	s19 =	sor.u32 s16, s7;
	[sflag:s0] =	ssyncadd.s32 $0xFFFFFC00  }
0x1b1: {  	v1 =	vld [tilespmem:s19+$0x2000];
	_ =	sdelay $0x1  }
0x1b2: {  	v2 =	vld [tilespmem:s19+$0x2080];
	_ =	sdelay $0x2  }
0x1b3: {  	v1 =	vmul.f32 $4.096000000e+03, v1;
	_ =	sdelay $0x1  }
0x1b4: {  	v2 =	vmul.f32 $4.096000000e+03, v2;
	v1 =	vtrunc.f32 v1  }
0x1b5: {  	v1 =	vcvt.f32.s32 v1  }
0x1b6: {  	v2 =	vtrunc.f32 v2  }
0x1b7: {  	v2 =	vcvt.f32.s32 v2;
	v3 =	vshrl.u32 v1, $0x7  }
0x1b8: {  	v3 =	vmul.u32 $0x380, v3  }
0x1b9: {  	v4 =	vshrl.u32 v2, $0x3  }
0x1ba: {  	v2 =	vshll.u32 v2, $0x7;
	v4 =	vmul.u32 $0x7C00, v4;
	v1 =	vadd.s32 v1, v3  }
0x1bb: {  	v1 =	vadd.s32 v2, v1  }
0x1bc: {  	s16 =	simm.s32 $0x5040;
	v1 =	vadd.s32 v4, v1  }
0x1bd: {  	[tilespmem:s16+$0xFFFFFFC0] =	vst v1  }
0x1be: {  	v1 =	vld [tilespmem:s19+$0x2010];
	_ =	sdelay $0x1  }
0x1bf: {  	v2 =	vld [tilespmem:s19+$0x2090];
	_ =	sdelay $0x2  }
0x1c0: {  	v1 =	vmul.f32 $4.096000000e+03, v1;
	_ =	sdelay $0x1  }
0x1c1: {  	v2 =	vmul.f32 $4.096000000e+03, v2;
	v1 =	vtrunc.f32 v1  }
0x1c2: {  	v1 =	vcvt.f32.s32 v1  }
0x1c3: {  	v2 =	vtrunc.f32 v2  }
0x1c4: {  	v2 =	vcvt.f32.s32 v2;
	v3 =	vshrl.u32 v1, $0x7  }
0x1c5: {  	v3 =	vmul.u32 $0x380, v3  }
0x1c6: {  	v57 =	vshrl.u32 v2, $0x3  }
0x1c7: {  	v2 =	vshll.u32 v2, $0x7;
	v4 =	vmul.u32 $0x7C00, v57;
	v1 =	vadd.s32 v1, v3  }
0x1c8: {  	v1 =	vadd.s32 v2, v1  }
0x1c9: {  	v1 =	vadd.s32 v4, v1  }
0x1ca: {  	[tilespmem:s16+$0xFFFFFFD0] =	vst v1  }
0x1cb: {  	v1 =	vld [tilespmem:s19+$0x2020];
	_ =	sdelay $0x1  }
0x1cc: {  	v2 =	vld [tilespmem:s19+$0x20A0];
	_ =	sdelay $0x2  }
0x1cd: {  	v1 =	vmul.f32 $4.096000000e+03, v1;
	_ =	sdelay $0x1  }
0x1ce: {  	v2 =	vmul.f32 $4.096000000e+03, v2;
	v1 =	vtrunc.f32 v1  }
0x1cf: {  	v1 =	vcvt.f32.s32 v1  }
0x1d0: {  	v2 =	vtrunc.f32 v2  }
0x1d1: {  	v2 =	vcvt.f32.s32 v2;
	v3 =	vshrl.u32 v1, $0x7  }
0x1d2: {  	v3 =	vmul.u32 $0x380, v3  }
0x1d3: {  	v58 =	vshrl.u32 v2, $0x3  }
0x1d4: {  	v2 =	vshll.u32 v2, $0x7;
	v4 =	vmul.u32 $0x7C00, v58;
	v1 =	vadd.s32 v1, v3  }
0x1d5: {  	v1 =	vadd.s32 v2, v1  }
0x1d6: {  	v1 =	vadd.s32 v4, v1  }
0x1d7: {  	[tilespmem:s16+$0xFFFFFFE0] =	vst v1  }
0x1d8: {  	v1 =	vld [tilespmem:s19+$0x2030];
	_ =	sdelay $0x1  }
0x1d9: {  	v2 =	vld [tilespmem:s19+$0x20B0];
	_ =	sdelay $0x2  }
0x1da: {  	v1 =	vmul.f32 $4.096000000e+03, v1;
	_ =	sdelay $0x1  }
0x1db: {  	v2 =	vmul.f32 $4.096000000e+03, v2;
	v1 =	vtrunc.f32 v1  }
0x1dc: {  	v1 =	vcvt.f32.s32 v1  }
0x1dd: {  	v2 =	vtrunc.f32 v2  }
0x1de: {  	v2 =	vcvt.f32.s32 v2;
	v3 =	vshrl.u32 v1, $0x7  }
0x1df: {  	v3 =	vmul.u32 $0x380, v3  }
0x1e0: {  	v59 =	vshrl.u32 v2, $0x3  }
0x1e1: {  	v2 =	vshll.u32 v2, $0x7;
	v4 =	vmul.u32 $0x7C00, v59;
	v1 =	vadd.s32 v1, v3  }
0x1e2: {  	v1 =	vadd.s32 v2, v1  }
0x1e3: {  	v1 =	vadd.s32 v4, v1  }
0x1e4: {  	[tilespmem:s16+$0xFFFFFFF0] =	vst v1  }
0x1e5: {  	v1 =	vld [tilespmem:s19+$0x2040];
	_ =	sdelay $0x1  }
0x1e6: {  	v2 =	vld [tilespmem:s19+$0x20C0];
	_ =	sdelay $0x2  }
0x1e7: {  	v1 =	vmul.f32 $4.096000000e+03, v1;
	_ =	sdelay $0x1  }
0x1e8: {  	v2 =	vmul.f32 $4.096000000e+03, v2;
	v1 =	vtrunc.f32 v1  }
0x1e9: {  	v1 =	vcvt.f32.s32 v1  }
0x1ea: {  	v2 =	vtrunc.f32 v2  }
0x1eb: {  	v2 =	vcvt.f32.s32 v2;
	v3 =	vshrl.u32 v1, $0x7  }
0x1ec: {  	v3 =	vmul.u32 $0x380, v3  }
0x1ed: {  	v60 =	vshrl.u32 v2, $0x3  }
0x1ee: {  	v2 =	vshll.u32 v2, $0x7;
	v4 =	vmul.u32 $0x7C00, v60;
	v1 =	vadd.s32 v1, v3  }
0x1ef: {  	v1 =	vadd.s32 v2, v1  }
0x1f0: {  	v1 =	vadd.s32 v4, v1  }
0x1f1: {  	[tilespmem:s16+$0x0] =	vst v1  }
0x1f2: {  	v1 =	vld [tilespmem:s19+$0x2050];
	_ =	sdelay $0x1  }
0x1f3: {  	v2 =	vld [tilespmem:s19+$0x20D0];
	_ =	sdelay $0x2  }
0x1f4: {  	v1 =	vmul.f32 $4.096000000e+03, v1;
	_ =	sdelay $0x1  }
0x1f5: {  	v2 =	vmul.f32 $4.096000000e+03, v2;
	v1 =	vtrunc.f32 v1  }
0x1f6: {  	v1 =	vcvt.f32.s32 v1  }
0x1f7: {  	v2 =	vtrunc.f32 v2  }
0x1f8: {  	v2 =	vcvt.f32.s32 v2;
	v3 =	vshrl.u32 v1, $0x7  }
0x1f9: {  	v3 =	vmul.u32 $0x380, v3  }
0x1fa: {  	v61 =	vshrl.u32 v2, $0x3  }
0x1fb: {  	v2 =	vshll.u32 v2, $0x7;
	v4 =	vmul.u32 $0x7C00, v61;
	v1 =	vadd.s32 v1, v3  }
0x1fc: {  	v1 =	vadd.s32 v2, v1  }
0x1fd: {  	v1 =	vadd.s32 v4, v1  }
0x1fe: {  	[tilespmem:s16+$0x10] =	vst v1  }
0x1ff: {  	v1 =	vld [tilespmem:s19+$0x2060];
	_ =	sdelay $0x1  }
0x200: {  	v2 =	vld [tilespmem:s19+$0x20E0];
	_ =	sdelay $0x2  }
0x201: {  	v1 =	vmul.f32 $4.096000000e+03, v1;
	_ =	sdelay $0x1  }
0x202: {  	v2 =	vmul.f32 $4.096000000e+03, v2;
	v1 =	vtrunc.f32 v1  }
0x203: {  	v1 =	vcvt.f32.s32 v1  }
0x204: {  	v2 =	vtrunc.f32 v2  }
0x205: {  	v2 =	vcvt.f32.s32 v2;
	v3 =	vshrl.u32 v1, $0x7  }
0x206: {  	v3 =	vmul.u32 $0x380, v3  }
0x207: {  	v62 =	vshrl.u32 v2, $0x3  }
0x208: {  	v2 =	vshll.u32 v2, $0x7;
	v4 =	vmul.u32 $0x7C00, v62;
	v1 =	vadd.s32 v1, v3  }
0x209: {  	v1 =	vadd.s32 v2, v1  }
0x20a: {  	v1 =	vadd.s32 v4, v1  }
0x20b: {  	[tilespmem:s16+$0x20] =	vst v1  }
0x20c: {  	v1 =	vld [tilespmem:s19+$0x2070];
	_ =	sdelay $0x1  }
0x20d: {  	v2 =	vld [tilespmem:s19+$0x20F0];
	_ =	sdelay $0x2  }
0x20e: {  	v1 =	vmul.f32 $4.096000000e+03, v1;
	_ =	sdelay $0x1  }
0x20f: {  	v2 =	vmul.f32 $4.096000000e+03, v2;
	v1 =	vtrunc.f32 v1  }
0x210: {  	v1 =	vcvt.f32.s32 v1  }
0x211: {  	v2 =	vtrunc.f32 v2  }
0x212: {  	v2 =	vcvt.f32.s32 v2;
	v3 =	vshrl.u32 v1, $0x7  }
0x213: {  	v3 =	vmul.u32 $0x380, v3  }
0x214: {  	v63 =	vshrl.u32 v2, $0x3  }
0x215: {  	s20 =	simm.s32 $0x400;
	s25 =	simm.s32 $0x20;
	s26 =	simm.s32 $0x5040;
	v2 =	vshll.u32 v2, $0x7;
	v3 =	vadd.s32 v1, v3;
	v1 =	vmul.u32 $0x7C00, v63  }
0x216: {  	s28 =	sand.u32 $0x1C00, s20;
	s30 =	sand.u32 $0x300, s25;
	s19 =	simm.s32 $0x8;
	v2 =	vadd.s32 v2, v3  }
.LBB2_5:
0x217: {  	s19 =	sadd.s32 $0x8, s19;
	s28 =	sor.u32 s30, s28;
	v1 =	vadd.s32 v1, v2;
	s16 =	sadd.s32 $0x80, s16  }
0x218: {  	p0 =	slt.u32 s19, $0xF8;
	[tilespmem:s26+$0x30] =	vst v1;
	s26 =	smov.u32 s16  }
0x219: {  	v1 =	vld [tilespmem:s28+$0x2000]  }
0x21a: {  	v2 =	vld [tilespmem:s28+$0x2080];
	_ =	sdelay $0x3  }
0x21b: {  	v1 =	vmul.f32 $4.096000000e+03, v1  }
0x21c: {  	v2 =	vmul.f32 $4.096000000e+03, v2  }
0x21d: {  	v1 =	vtrunc.f32 v1  }
0x21e: {  	v1 =	vcvt.f32.s32 v1;
	v2 =	vtrunc.f32 v2  }
0x21f: {  	v2 =	vcvt.f32.s32 v2  }
0x220: {  	v3 =	vshrl.u32 v1, $0x7  }
0x221: {  	v4 =	vshrl.u32 v2, $0x3;
	v3 =	vmul.u32 $0x380, v3  }
0x222: {  	v2 =	vshll.u32 v2, $0x7;
	v4 =	vmul.u32 $0x7C00, v4  }
0x223: {  	v1 =	vadd.s32 v1, v3  }
0x224: {  	v1 =	vadd.s32 v2, v1  }
0x225: {  	v1 =	vadd.s32 v4, v1  }
0x226: {  	[tilespmem:s16+$0xFFFFFFC0] =	vst v1  }
0x227: {  	v1 =	vld [tilespmem:s28+$0x2010]  }
0x228: {  	v2 =	vld [tilespmem:s28+$0x2090];
	_ =	sdelay $0x3  }
0x229: {  	v1 =	vmul.f32 $4.096000000e+03, v1  }
0x22a: {  	v2 =	vmul.f32 $4.096000000e+03, v2  }
0x22b: {  	v1 =	vtrunc.f32 v1  }
0x22c: {  	v1 =	vcvt.f32.s32 v1;
	v2 =	vtrunc.f32 v2  }
0x22d: {  	v2 =	vcvt.f32.s32 v2  }
0x22e: {  	v3 =	vshrl.u32 v1, $0x7  }
0x22f: {  	v4 =	vshrl.u32 v2, $0x3;
	v3 =	vmul.u32 $0x380, v3  }
0x230: {  	v2 =	vshll.u32 v2, $0x7;
	v4 =	vmul.u32 $0x7C00, v4  }
0x231: {  	v1 =	vadd.s32 v1, v3  }
0x232: {  	v1 =	vadd.s32 v2, v1  }
0x233: {  	v1 =	vadd.s32 v4, v1  }
0x234: {  	[tilespmem:s16+$0xFFFFFFD0] =	vst v1  }
0x235: {  	v1 =	vld [tilespmem:s28+$0x2020]  }
0x236: {  	v2 =	vld [tilespmem:s28+$0x20A0];
	_ =	sdelay $0x3  }
0x237: {  	v1 =	vmul.f32 $4.096000000e+03, v1  }
0x238: {  	v2 =	vmul.f32 $4.096000000e+03, v2  }
0x239: {  	v1 =	vtrunc.f32 v1  }
0x23a: {  	v1 =	vcvt.f32.s32 v1;
	v2 =	vtrunc.f32 v2  }
0x23b: {  	v2 =	vcvt.f32.s32 v2  }
0x23c: {  	v3 =	vshrl.u32 v1, $0x7  }
0x23d: {  	v4 =	vshrl.u32 v2, $0x3;
	v3 =	vmul.u32 $0x380, v3  }
0x23e: {  	v2 =	vshll.u32 v2, $0x7;
	v4 =	vmul.u32 $0x7C00, v4  }
0x23f: {  	v1 =	vadd.s32 v1, v3  }
0x240: {  	v1 =	vadd.s32 v2, v1  }
0x241: {  	v1 =	vadd.s32 v4, v1  }
0x242: {  	[tilespmem:s16+$0xFFFFFFE0] =	vst v1  }
0x243: {  	v1 =	vld [tilespmem:s28+$0x2030]  }
0x244: {  	v2 =	vld [tilespmem:s28+$0x20B0];
	_ =	sdelay $0x3  }
0x245: {  	v1 =	vmul.f32 $4.096000000e+03, v1  }
0x246: {  	v2 =	vmul.f32 $4.096000000e+03, v2  }
0x247: {  	v1 =	vtrunc.f32 v1  }
0x248: {  	v1 =	vcvt.f32.s32 v1;
	v2 =	vtrunc.f32 v2  }
0x249: {  	v2 =	vcvt.f32.s32 v2  }
0x24a: {  	v3 =	vshrl.u32 v1, $0x7  }
0x24b: {  	v4 =	vshrl.u32 v2, $0x3;
	v3 =	vmul.u32 $0x380, v3  }
0x24c: {  	v2 =	vshll.u32 v2, $0x7;
	v4 =	vmul.u32 $0x7C00, v4  }
0x24d: {  	v1 =	vadd.s32 v1, v3  }
0x24e: {  	v1 =	vadd.s32 v2, v1  }
0x24f: {  	v1 =	vadd.s32 v4, v1  }
0x250: {  	[tilespmem:s16+$0xFFFFFFF0] =	vst v1  }
0x251: {  	v1 =	vld [tilespmem:s28+$0x2040]  }
0x252: {  	v2 =	vld [tilespmem:s28+$0x20C0];
	_ =	sdelay $0x3  }
0x253: {  	v1 =	vmul.f32 $4.096000000e+03, v1  }
0x254: {  	v2 =	vmul.f32 $4.096000000e+03, v2  }
0x255: {  	v1 =	vtrunc.f32 v1  }
0x256: {  	v1 =	vcvt.f32.s32 v1;
	v2 =	vtrunc.f32 v2  }
0x257: {  	v2 =	vcvt.f32.s32 v2  }
0x258: {  	v3 =	vshrl.u32 v1, $0x7  }
0x259: {  	v4 =	vshrl.u32 v2, $0x3;
	v3 =	vmul.u32 $0x380, v3  }
0x25a: {  	v2 =	vshll.u32 v2, $0x7;
	v4 =	vmul.u32 $0x7C00, v4  }
0x25b: {  	v1 =	vadd.s32 v1, v3  }
0x25c: {  	v1 =	vadd.s32 v2, v1  }
0x25d: {  	v1 =	vadd.s32 v4, v1  }
0x25e: {  	[tilespmem:s16+$0x0] =	vst v1  }
0x25f: {  	v1 =	vld [tilespmem:s28+$0x2050]  }
0x260: {  	v2 =	vld [tilespmem:s28+$0x20D0];
	_ =	sdelay $0x3  }
0x261: {  	v1 =	vmul.f32 $4.096000000e+03, v1  }
0x262: {  	v2 =	vmul.f32 $4.096000000e+03, v2  }
0x263: {  	v1 =	vtrunc.f32 v1  }
0x264: {  	v1 =	vcvt.f32.s32 v1;
	v2 =	vtrunc.f32 v2  }
0x265: {  	v2 =	vcvt.f32.s32 v2  }
0x266: {  	v3 =	vshrl.u32 v1, $0x7  }
0x267: {  	v4 =	vshrl.u32 v2, $0x3;
	v3 =	vmul.u32 $0x380, v3  }
0x268: {  	v2 =	vshll.u32 v2, $0x7;
	v4 =	vmul.u32 $0x7C00, v4  }
0x269: {  	v1 =	vadd.s32 v1, v3  }
0x26a: {  	v1 =	vadd.s32 v2, v1  }
0x26b: {  	v1 =	vadd.s32 v4, v1  }
0x26c: {  	[tilespmem:s16+$0x10] =	vst v1  }
0x26d: {  	v1 =	vld [tilespmem:s28+$0x2060]  }
0x26e: {  	v2 =	vld [tilespmem:s28+$0x20E0];
	_ =	sdelay $0x3  }
0x26f: {  	v1 =	vmul.f32 $4.096000000e+03, v1  }
0x270: {  	v2 =	vmul.f32 $4.096000000e+03, v2  }
0x271: {  	v1 =	vtrunc.f32 v1  }
0x272: {  	v1 =	vcvt.f32.s32 v1;
	v2 =	vtrunc.f32 v2  }
0x273: {  	v2 =	vcvt.f32.s32 v2  }
0x274: {  	v3 =	vshrl.u32 v1, $0x7  }
0x275: {  	v4 =	vshrl.u32 v2, $0x3;
	v3 =	vmul.u32 $0x380, v3  }
0x276: {  	v2 =	vshll.u32 v2, $0x7;
	v4 =	vmul.u32 $0x7C00, v4  }
0x277: {  	v1 =	vadd.s32 v1, v3  }
0x278: {  	v1 =	vadd.s32 v2, v1  }
0x279: {  	v1 =	vadd.s32 v4, v1  }
0x27a: {  	[tilespmem:s16+$0x20] =	vst v1  }
0x27b: {  	v1 =	vld [tilespmem:s28+$0x2070]  }
0x27c: {  	v2 =	vld [tilespmem:s28+$0x20F0];
	_ =	sdelay $0x3  }
0x27d: {  	v1 =	vmul.f32 $4.096000000e+03, v1  }
0x27e: {  	v2 =	vmul.f32 $4.096000000e+03, v2  }
0x27f: {  	v1 =	vtrunc.f32 v1  }
0x280: {  	v3 =	vcvt.f32.s32 v1;
	v1 =	vtrunc.f32 v2  }
0x281: {  	v1 =	vcvt.f32.s32 v1  }
.Ltmp1:
0x282: {  	v2 =	vshrl.u32 v3, $0x7;
	(pc) =	sbr.rel @p0 .LBB2_5-.Ltmp1, $4  }
0x283: {  	v4 =	vshrl.u32 v1, $0x3;
	v2 =	vmul.u32 $0x380, v2  }
0x284: {  	v5 =	vshll.u32 v1, $0x7;
	v1 =	vmul.u32 $0x7C00, v4  }
0x285: {  	s20 =	sadd.s32 $0x400, s20;
	s25 =	sadd.s32 $0x20, s25;
	v2 =	vadd.s32 v3, v2  }
0x286: {  	s30 =	sand.u32 $0x300, s25;
	s28 =	sand.u32 $0x1C00, s20;
	v2 =	vadd.s32 v5, v2  }
0x287: {  	v1 =	vadd.s32 v1, v2  }
0x288: {  	s19 =	sor.u32 s30, s28;
	[tilespmem:s26+$0x30] =	vst v1  }
0x289: {  	v1 =	vld [tilespmem:s19+$0x2000];
	_ =	sdelay $0x1  }
0x28a: {  	v2 =	vld [tilespmem:s19+$0x2080];
	_ =	sdelay $0x2  }
0x28b: {  	v1 =	vmul.f32 $4.096000000e+03, v1;
	_ =	sdelay $0x1  }
0x28c: {  	v2 =	vmul.f32 $4.096000000e+03, v2;
	v1 =	vtrunc.f32 v1  }
0x28d: {  	v1 =	vcvt.f32.s32 v1  }
0x28e: {  	v2 =	vtrunc.f32 v2  }
0x28f: {  	v2 =	vcvt.f32.s32 v2;
	v3 =	vshrl.u32 v1, $0x7  }
0x290: {  	v3 =	vmul.u32 $0x380, v3  }
0x291: {  	v4 =	vshrl.u32 v2, $0x3  }
0x292: {  	v2 =	vshll.u32 v2, $0x7;
	v4 =	vmul.u32 $0x7C00, v4;
	v1 =	vadd.s32 v1, v3  }
0x293: {  	v1 =	vadd.s32 v2, v1  }
0x294: {  	s16 =	sadd.s32 $0x80, s16;
	v1 =	vadd.s32 v4, v1  }
0x295: {  	[tilespmem:s16+$0xFFFFFFC0] =	vst v1  }
0x296: {  	v1 =	vld [tilespmem:s19+$0x2010];
	_ =	sdelay $0x1  }
0x297: {  	v2 =	vld [tilespmem:s19+$0x2090];
	_ =	sdelay $0x2  }
0x298: {  	v1 =	vmul.f32 $4.096000000e+03, v1;
	_ =	sdelay $0x1  }
0x299: {  	v2 =	vmul.f32 $4.096000000e+03, v2;
	v1 =	vtrunc.f32 v1  }
0x29a: {  	v1 =	vcvt.f32.s32 v1  }
0x29b: {  	v2 =	vtrunc.f32 v2  }
0x29c: {  	v2 =	vcvt.f32.s32 v2;
	v3 =	vshrl.u32 v1, $0x7  }
0x29d: {  	v3 =	vmul.u32 $0x380, v3  }
0x29e: {  	v57 =	vshrl.u32 v2, $0x3  }
0x29f: {  	v2 =	vshll.u32 v2, $0x7;
	v4 =	vmul.u32 $0x7C00, v57;
	v1 =	vadd.s32 v1, v3  }
0x2a0: {  	v1 =	vadd.s32 v2, v1  }
0x2a1: {  	v1 =	vadd.s32 v4, v1  }
0x2a2: {  	[tilespmem:s16+$0xFFFFFFD0] =	vst v1  }
0x2a3: {  	v1 =	vld [tilespmem:s19+$0x2020];
	_ =	sdelay $0x1  }
0x2a4: {  	v2 =	vld [tilespmem:s19+$0x20A0];
	_ =	sdelay $0x2  }
0x2a5: {  	v1 =	vmul.f32 $4.096000000e+03, v1;
	_ =	sdelay $0x1  }
0x2a6: {  	v2 =	vmul.f32 $4.096000000e+03, v2;
	v1 =	vtrunc.f32 v1  }
0x2a7: {  	v1 =	vcvt.f32.s32 v1  }
0x2a8: {  	v2 =	vtrunc.f32 v2  }
0x2a9: {  	v2 =	vcvt.f32.s32 v2;
	v3 =	vshrl.u32 v1, $0x7  }
0x2aa: {  	v3 =	vmul.u32 $0x380, v3  }
0x2ab: {  	v58 =	vshrl.u32 v2, $0x3  }
0x2ac: {  	v2 =	vshll.u32 v2, $0x7;
	v4 =	vmul.u32 $0x7C00, v58;
	v1 =	vadd.s32 v1, v3  }
0x2ad: {  	v1 =	vadd.s32 v2, v1  }
0x2ae: {  	v1 =	vadd.s32 v4, v1  }
0x2af: {  	[tilespmem:s16+$0xFFFFFFE0] =	vst v1  }
0x2b0: {  	v1 =	vld [tilespmem:s19+$0x2030];
	_ =	sdelay $0x1  }
0x2b1: {  	v2 =	vld [tilespmem:s19+$0x20B0];
	_ =	sdelay $0x2  }
0x2b2: {  	v1 =	vmul.f32 $4.096000000e+03, v1;
	_ =	sdelay $0x1  }
0x2b3: {  	v2 =	vmul.f32 $4.096000000e+03, v2;
	v1 =	vtrunc.f32 v1  }
0x2b4: {  	v1 =	vcvt.f32.s32 v1  }
0x2b5: {  	v2 =	vtrunc.f32 v2  }
0x2b6: {  	v2 =	vcvt.f32.s32 v2;
	v3 =	vshrl.u32 v1, $0x7  }
0x2b7: {  	v3 =	vmul.u32 $0x380, v3  }
0x2b8: {  	v59 =	vshrl.u32 v2, $0x3  }
0x2b9: {  	v2 =	vshll.u32 v2, $0x7;
	v4 =	vmul.u32 $0x7C00, v59;
	v1 =	vadd.s32 v1, v3  }
0x2ba: {  	v1 =	vadd.s32 v2, v1  }
0x2bb: {  	v1 =	vadd.s32 v4, v1  }
0x2bc: {  	[tilespmem:s16+$0xFFFFFFF0] =	vst v1  }
0x2bd: {  	v1 =	vld [tilespmem:s19+$0x2040];
	_ =	sdelay $0x1  }
0x2be: {  	v2 =	vld [tilespmem:s19+$0x20C0];
	_ =	sdelay $0x2  }
0x2bf: {  	v1 =	vmul.f32 $4.096000000e+03, v1;
	_ =	sdelay $0x1  }
0x2c0: {  	v2 =	vmul.f32 $4.096000000e+03, v2;
	v1 =	vtrunc.f32 v1  }
0x2c1: {  	v1 =	vcvt.f32.s32 v1  }
0x2c2: {  	v2 =	vtrunc.f32 v2  }
0x2c3: {  	v2 =	vcvt.f32.s32 v2;
	v3 =	vshrl.u32 v1, $0x7  }
0x2c4: {  	v3 =	vmul.u32 $0x380, v3  }
0x2c5: {  	v60 =	vshrl.u32 v2, $0x3  }
0x2c6: {  	v2 =	vshll.u32 v2, $0x7;
	v4 =	vmul.u32 $0x7C00, v60;
	v1 =	vadd.s32 v1, v3  }
0x2c7: {  	v1 =	vadd.s32 v2, v1  }
0x2c8: {  	v1 =	vadd.s32 v4, v1  }
0x2c9: {  	[tilespmem:s16+$0x0] =	vst v1  }
0x2ca: {  	v1 =	vld [tilespmem:s19+$0x2050];
	_ =	sdelay $0x1  }
0x2cb: {  	v2 =	vld [tilespmem:s19+$0x20D0];
	_ =	sdelay $0x2  }
0x2cc: {  	v1 =	vmul.f32 $4.096000000e+03, v1;
	_ =	sdelay $0x1  }
0x2cd: {  	v2 =	vmul.f32 $4.096000000e+03, v2;
	v1 =	vtrunc.f32 v1  }
0x2ce: {  	v1 =	vcvt.f32.s32 v1  }
0x2cf: {  	v2 =	vtrunc.f32 v2  }
0x2d0: {  	v2 =	vcvt.f32.s32 v2;
	v3 =	vshrl.u32 v1, $0x7  }
0x2d1: {  	v3 =	vmul.u32 $0x380, v3  }
0x2d2: {  	v61 =	vshrl.u32 v2, $0x3  }
0x2d3: {  	v2 =	vshll.u32 v2, $0x7;
	v4 =	vmul.u32 $0x7C00, v61;
	v1 =	vadd.s32 v1, v3  }
0x2d4: {  	v1 =	vadd.s32 v2, v1  }
0x2d5: {  	v1 =	vadd.s32 v4, v1  }
0x2d6: {  	[tilespmem:s16+$0x10] =	vst v1  }
0x2d7: {  	v1 =	vld [tilespmem:s19+$0x2060];
	_ =	sdelay $0x1  }
0x2d8: {  	v2 =	vld [tilespmem:s19+$0x20E0];
	_ =	sdelay $0x2  }
0x2d9: {  	v1 =	vmul.f32 $4.096000000e+03, v1;
	_ =	sdelay $0x1  }
0x2da: {  	v2 =	vmul.f32 $4.096000000e+03, v2;
	v1 =	vtrunc.f32 v1  }
0x2db: {  	v1 =	vcvt.f32.s32 v1  }
0x2dc: {  	v2 =	vtrunc.f32 v2  }
0x2dd: {  	v2 =	vcvt.f32.s32 v2;
	v3 =	vshrl.u32 v1, $0x7  }
0x2de: {  	v3 =	vmul.u32 $0x380, v3  }
0x2df: {  	v62 =	vshrl.u32 v2, $0x3  }
0x2e0: {  	v2 =	vshll.u32 v2, $0x7;
	v4 =	vmul.u32 $0x7C00, v62;
	v1 =	vadd.s32 v1, v3  }
0x2e1: {  	v1 =	vadd.s32 v2, v1  }
0x2e2: {  	v1 =	vadd.s32 v4, v1  }
0x2e3: {  	[tilespmem:s16+$0x20] =	vst v1  }
0x2e4: {  	v1 =	vld [tilespmem:s19+$0x2070];
	_ =	sdelay $0x1  }
0x2e5: {  	v2 =	vld [tilespmem:s19+$0x20F0];
	_ =	sdelay $0x2  }
0x2e6: {  	v1 =	vmul.f32 $4.096000000e+03, v1;
	_ =	sdelay $0x1  }
0x2e7: {  	v2 =	vmul.f32 $4.096000000e+03, v2;
	v1 =	vtrunc.f32 v1  }
0x2e8: {  	v1 =	vcvt.f32.s32 v1  }
0x2e9: {  	v2 =	vtrunc.f32 v2  }
0x2ea: {  	v2 =	vcvt.f32.s32 v2;
	v3 =	vshrl.u32 v1, $0x7  }
0x2eb: {  	v3 =	vmul.u32 $0x380, v3  }
0x2ec: {  	v63 =	vshrl.u32 v2, $0x3  }
0x2ed: {  	v2 =	vshll.u32 v2, $0x7;
	v4 =	vmul.u32 $0x7C00, v63;
	v1 =	vadd.s32 v1, v3  }
0x2ee: {  	v1 =	vadd.s32 v2, v1  }
0x2ef: {  	v1 =	vadd.s32 v4, v1  }
0x2f0: {  	s7 =	simm.s32 $0x5000;
	s28 =	simm.s32 $0x7000;
	s19 =	sshll.u32 s5, $0x10;
	[tilespmem:s16+$0x30] =	vst v1  }
0x2f1: {  	[tilespmem:s28], [sflag:$0x4] =	stream.indirect.gather [hbm4b:s2+s22], $0x1, s7, s22, $0xb8;
	[tilespmem:$0xA080] =	vst v63  }
0x2f2: {  	s7 =	sadd.s32 s23, s19  }
0x2f3: {  	s30 =	sadd.s32 s1, s7  }
0x2f4: {  	[tilespmem:s6], [sflag:$0x1] =	stream.linear.gather [hbm4b:s30+s6], $0x400, $0x38;
	[tilespmem:$0xA080] =	vst v63  }
0x2f5: {  	s20 =	simm.s32 $0x400;
	s31 =	sadd.s32 s7, s9  }
0x2f6: {  	[tilespmem:s20], [sflag:$0x1] =	stream.linear.gather [hbm4b:s31+s6], $0x400, $0x38;
	[tilespmem:$0xA080] =	vst v63  }
0x2f7: {  	s26 =	simm.s32 $0x800;
	s25 =	sadd.s32 s7, s11  }
0x2f8: {  	[tilespmem:s26], [sflag:$0x1] =	stream.linear.gather [hbm4b:s25+s6], $0x400, $0x38;
	[tilespmem:$0xA080] =	vst v63  }
0x2f9: {  	s28 =	sadd.s32 s7, s12;
	s30 =	simm.s32 $0xC00  }
0x2fa: {  	[tilespmem:s30], [sflag:$0x1] =	stream.linear.gather [hbm4b:s28+s6], $0x400, $0x38;
	[tilespmem:$0xA080] =	vst v63  }
0x2fb: {  	s31 =	sadd.s32 s7, s15  }
0x2fc: {  	[tilespmem:s22], [sflag:$0x1] =	stream.linear.gather [hbm4b:s31+s6], $0x400, $0x38;
	[tilespmem:$0xA080] =	vst v63  }
0x2fd: {  	s20 =	sadd.s32 s7, s17;
	s25 =	simm.s32 $0x1400  }
0x2fe: {  	[tilespmem:s25], [sflag:$0x1] =	stream.linear.gather [hbm4b:s20+s6], $0x400, $0x38;
	[tilespmem:$0xA080] =	vst v63  }
0x2ff: {  	s26 =	sadd.s32 s7, s18;
	s28 =	simm.s32 $0x1800  }
0x300: {  	[tilespmem:s28], [sflag:$0x1] =	stream.linear.gather [hbm4b:s26+s6], $0x400, $0x38;
	[tilespmem:$0xA080] =	vst v63  }
0x301: {  	p0 =	seq.s32 s5, $0x0;
	s7 =	sadd.s32 s7, s21;
	s30 =	simm.s32 $0x1C00  }
0x302: {  	[tilespmem:s30], [sflag:$0x1] =	stream.linear.gather [hbm4b:s7+s6], $0x400, $0x38;
	[tilespmem:$0xA080] =	vst v63  }
0x303: {  	s7 =	simm.s32 @!p0 $0x5  }
0x304: {  	_ =	swait.ge @!p0 [sflag:s7], $0x1000  }
0x305: {  	[sflag:s7] =	ssyncset.done @!p0 $0x0  }
0x306: {  	[sflag:s7] =	ssyncadd.s32 @!p0 $0xFFFFF000  }
0x307: {  	_ =	swait.ge [sflag:s10], $0x1000  }
0x308: {  	[sflag:s10] =	ssyncset.done $0x0  }
0x309: {  	s31 =	simm.s32 $0x6040;
	[sflag:s10] =	ssyncadd.s32 $0xFFFFF000  }
0x30a: {  	v1 =	vld [tilespmem:s31+$0xFFFFFFC0];
	_ =	sdelay $0x4  }
0x30b: {  	v1 =	vadd.f32 $9.999999770e-03, v1;
	_ =	sdelay $0x1  }
0x30c: {  	vm0 =	vgt.f32 v1, $0.0e+00  }
0x30d: {  	s16 =	simm.s32 $0x8040;
	v1 =	vnsel vm0, $0x0, v0  }
0x30e: {  	[tilespmem:s16+$0xFFFFFFC0] =	vst v1  }
0x30f: {  	v1 =	vld [tilespmem:s31+$0xFFFFFFD0];
	_ =	sdelay $0x4  }
0x310: {  	v1 =	vadd.f32 $9.999999770e-03, v1;
	_ =	sdelay $0x1  }
0x311: {  	vm9 =	vgt.f32 v1, $0.0e+00  }
0x312: {  	v1 =	vnsel vm9, $0x0, v0  }
0x313: {  	[tilespmem:s16+$0xFFFFFFD0] =	vst v1  }
0x314: {  	v1 =	vld [tilespmem:s31+$0xFFFFFFE0];
	_ =	sdelay $0x4  }
0x315: {  	v1 =	vadd.f32 $9.999999770e-03, v1;
	_ =	sdelay $0x1  }
0x316: {  	vm10 =	vgt.f32 v1, $0.0e+00  }
0x317: {  	v1 =	vnsel vm10, $0x0, v0  }
0x318: {  	[tilespmem:s16+$0xFFFFFFE0] =	vst v1  }
0x319: {  	v1 =	vld [tilespmem:s31+$0xFFFFFFF0];
	_ =	sdelay $0x4  }
0x31a: {  	v1 =	vadd.f32 $9.999999770e-03, v1;
	_ =	sdelay $0x1  }
0x31b: {  	vm11 =	vgt.f32 v1, $0.0e+00  }
0x31c: {  	v1 =	vnsel vm11, $0x0, v0  }
0x31d: {  	[tilespmem:s16+$0xFFFFFFF0] =	vst v1  }
0x31e: {  	v1 =	vld [tilespmem:s31+$0x0];
	_ =	sdelay $0x4  }
0x31f: {  	v1 =	vadd.f32 $9.999999770e-03, v1;
	_ =	sdelay $0x1  }
0x320: {  	vm12 =	vgt.f32 v1, $0.0e+00  }
0x321: {  	v1 =	vnsel vm12, $0x0, v0  }
0x322: {  	[tilespmem:s16+$0x0] =	vst v1  }
0x323: {  	v1 =	vld [tilespmem:s31+$0x10];
	_ =	sdelay $0x4  }
0x324: {  	v1 =	vadd.f32 $9.999999770e-03, v1;
	_ =	sdelay $0x1  }
0x325: {  	vm13 =	vgt.f32 v1, $0.0e+00  }
0x326: {  	v1 =	vnsel vm13, $0x0, v0  }
0x327: {  	[tilespmem:s16+$0x10] =	vst v1  }
0x328: {  	v1 =	vld [tilespmem:s31+$0x20];
	_ =	sdelay $0x4  }
0x329: {  	v1 =	vadd.f32 $9.999999770e-03, v1;
	_ =	sdelay $0x1  }
0x32a: {  	vm14 =	vgt.f32 v1, $0.0e+00  }
0x32b: {  	v1 =	vnsel vm14, $0x0, v0  }
0x32c: {  	[tilespmem:s16+$0x20] =	vst v1  }
0x32d: {  	v1 =	vld [tilespmem:s31+$0x30];
	_ =	sdelay $0x4  }
0x32e: {  	v1 =	vadd.f32 $9.999999770e-03, v1;
	_ =	sdelay $0x1  }
0x32f: {  	vm15 =	vgt.f32 v1, $0.0e+00  }
0x330: {  	v1 =	vnsel vm15, $0x0, v0  }
0x331: {  	s20 =	simm.s32 $0x0;
	s25 =	simm.s32 $0x60C0;
	[tilespmem:s16+$0x30] =	vst v1  }
.LBB2_7:
0x332: {  	v1 =	vld [tilespmem:s25+$0xFFFFFFC0];
	s20 =	sadd.s32 $0x8, s20  }
0x333: {  	p0 =	slt.u32 s20, $0xF8;
	_ =	sdelay $0x3  }
0x334: {  	v1 =	vadd.f32 $9.999999770e-03, v1;
	_ =	sdelay $0x1  }
0x335: {  	vm0 =	vgt.f32 v1, $0.0e+00  }
0x336: {  	s16 =	sadd.s32 $0x80, s16;
	v1 =	vnsel vm0, $0x0, v0  }
0x337: {  	[tilespmem:s16+$0xFFFFFFC0] =	vst v1  }
0x338: {  	v1 =	vld [tilespmem:s25+$0xFFFFFFD0];
	_ =	sdelay $0x4  }
0x339: {  	v1 =	vadd.f32 $9.999999770e-03, v1;
	_ =	sdelay $0x1  }
0x33a: {  	vm0 =	vgt.f32 v1, $0.0e+00  }
0x33b: {  	v1 =	vnsel vm0, $0x0, v0  }
0x33c: {  	[tilespmem:s16+$0xFFFFFFD0] =	vst v1  }
0x33d: {  	v1 =	vld [tilespmem:s25+$0xFFFFFFE0];
	_ =	sdelay $0x4  }
0x33e: {  	v1 =	vadd.f32 $9.999999770e-03, v1;
	_ =	sdelay $0x1  }
0x33f: {  	vm0 =	vgt.f32 v1, $0.0e+00  }
0x340: {  	v1 =	vnsel vm0, $0x0, v0  }
0x341: {  	[tilespmem:s16+$0xFFFFFFE0] =	vst v1  }
0x342: {  	v1 =	vld [tilespmem:s25+$0xFFFFFFF0];
	_ =	sdelay $0x4  }
0x343: {  	v1 =	vadd.f32 $9.999999770e-03, v1;
	_ =	sdelay $0x1  }
0x344: {  	vm0 =	vgt.f32 v1, $0.0e+00  }
0x345: {  	v1 =	vnsel vm0, $0x0, v0  }
0x346: {  	[tilespmem:s16+$0xFFFFFFF0] =	vst v1  }
0x347: {  	v1 =	vld [tilespmem:s25+$0x0];
	_ =	sdelay $0x4  }
0x348: {  	v1 =	vadd.f32 $9.999999770e-03, v1;
	_ =	sdelay $0x1  }
0x349: {  	vm0 =	vgt.f32 v1, $0.0e+00  }
0x34a: {  	v1 =	vnsel vm0, $0x0, v0  }
0x34b: {  	[tilespmem:s16+$0x0] =	vst v1  }
0x34c: {  	v1 =	vld [tilespmem:s25+$0x10];
	_ =	sdelay $0x4  }
0x34d: {  	v1 =	vadd.f32 $9.999999770e-03, v1;
	_ =	sdelay $0x1  }
0x34e: {  	vm0 =	vgt.f32 v1, $0.0e+00  }
0x34f: {  	v1 =	vnsel vm0, $0x0, v0  }
0x350: {  	[tilespmem:s16+$0x10] =	vst v1  }
0x351: {  	v1 =	vld [tilespmem:s25+$0x20];
	_ =	sdelay $0x4  }
0x352: {  	v1 =	vadd.f32 $9.999999770e-03, v1;
	_ =	sdelay $0x1  }
0x353: {  	vm0 =	vgt.f32 v1, $0.0e+00  }
0x354: {  	v1 =	vnsel vm0, $0x0, v0  }
0x355: {  	[tilespmem:s16+$0x20] =	vst v1  }
0x356: {  	v1 =	vld [tilespmem:s25+$0x30];
	_ =	sdelay $0x4  }
.Ltmp2:
0x357: {  	v1 =	vadd.f32 $9.999999770e-03, v1;
	(pc) =	sbr.rel @p0 .LBB2_7-.Ltmp2, $4  }
0x358: {  	_ = 	snop  }
0x359: {  	vm0 =	vgt.f32 v1, $0.0e+00  }
0x35a: {  	v1 =	vnsel vm0, $0x0, v0  }
0x35b: {  	s25 =	sadd.s32 $0x80, s25;
	[tilespmem:s16+$0x30] =	vst v1  }
0x35c: {  	s7 =	sshll.u32 s5, $0xF  }
0x35d: {  	s20 =	rddreg [dreg:$0x3];
	s16 =	sor.u32 s8, s7  }
0x35e: {  	s25 =	simm.s32 $0x8000;
	s7 =	sadd.s32 s20, s16;
	s20 =	simm.s32 $0x0  }
0x35f: {  	[hbm4b:s7+s20] =	stream.linear.scatter [tilespmem:s25], [sflag:$0x5], $0x1000, $0x38;
	[tilespmem:$0xA080] =	vst v63  }
0x360: {  	_ =	swait.ge [sflag:s29], $0x400  }
0x361: {  	[sflag:s29] =	ssyncset.done $0x0  }
0x362: {  	[sflag:s29] =	ssyncadd.s32 $0xFFFFFC00  }
0x363: {  	_ =	swait.ge [sflag:s29], $0x400  }
0x364: {  	[sflag:s29] =	ssyncset.done $0x0  }
0x365: {  	[sflag:s29] =	ssyncadd.s32 $0xFFFFFC00  }
0x366: {  	_ =	swait.ge [sflag:s29], $0x400  }
0x367: {  	[sflag:s29] =	ssyncset.done $0x0  }
0x368: {  	[sflag:s29] =	ssyncadd.s32 $0xFFFFFC00  }
0x369: {  	_ =	swait.ge [sflag:s29], $0x400  }
0x36a: {  	[sflag:s29] =	ssyncset.done $0x0  }
0x36b: {  	[sflag:s29] =	ssyncadd.s32 $0xFFFFFC00  }
0x36c: {  	_ =	swait.ge [sflag:s29], $0x400  }
0x36d: {  	[sflag:s29] =	ssyncset.done $0x0  }
0x36e: {  	[sflag:s29] =	ssyncadd.s32 $0xFFFFFC00  }
0x36f: {  	_ =	swait.ge [sflag:s29], $0x400  }
0x370: {  	[sflag:s29] =	ssyncset.done $0x0  }
0x371: {  	[sflag:s29] =	ssyncadd.s32 $0xFFFFFC00  }
0x372: {  	_ =	swait.ge [sflag:s29], $0x400  }
0x373: {  	[sflag:s29] =	ssyncset.done $0x0  }
0x374: {  	[sflag:s29] =	ssyncadd.s32 $0xFFFFFC00  }
0x375: {  	_ =	swait.ge [sflag:s29], $0x400  }
0x376: {  	s25 =	sand.u32 $0x1C00, s20;
	s20 =	sand.u32 $0x300, s20;
	[sflag:s29] =	ssyncset.done $0x0  }
0x377: {  	s26 =	sor.u32 s20, s25;
	[sflag:s29] =	ssyncadd.s32 $0xFFFFFC00  }
0x378: {  	v1 =	vld [tilespmem:s26+$0x0];
	_ =	sdelay $0x1  }
0x379: {  	v2 =	vld [tilespmem:s26+$0x80];
	_ =	sdelay $0x2  }
0x37a: {  	v1 =	vmul.f32 $4.096000000e+03, v1;
	_ =	sdelay $0x1  }
0x37b: {  	v2 =	vmul.f32 $4.096000000e+03, v2;
	v1 =	vtrunc.f32 v1  }
0x37c: {  	v1 =	vcvt.f32.s32 v1  }
0x37d: {  	v2 =	vtrunc.f32 v2  }
0x37e: {  	v2 =	vcvt.f32.s32 v2;
	v3 =	vshrl.u32 v1, $0x7  }
0x37f: {  	v3 =	vmul.u32 $0x380, v3  }
0x380: {  	v4 =	vshrl.u32 v2, $0x3  }
0x381: {  	v2 =	vshll.u32 v2, $0x7;
	v4 =	vmul.u32 $0x7C00, v4;
	v1 =	vadd.s32 v1, v3  }
0x382: {  	v1 =	vadd.s32 v2, v1  }
0x383: {  	s20 =	simm.s32 $0x4040;
	v1 =	vadd.s32 v4, v1  }
0x384: {  	[tilespmem:s20+$0xFFFFFFC0] =	vst v1  }
0x385: {  	v1 =	vld [tilespmem:s26+$0x10];
	_ =	sdelay $0x1  }
0x386: {  	v2 =	vld [tilespmem:s26+$0x90];
	_ =	sdelay $0x2  }
0x387: {  	v1 =	vmul.f32 $4.096000000e+03, v1;
	_ =	sdelay $0x1  }
0x388: {  	v2 =	vmul.f32 $4.096000000e+03, v2;
	v1 =	vtrunc.f32 v1  }
0x389: {  	v1 =	vcvt.f32.s32 v1  }
0x38a: {  	v2 =	vtrunc.f32 v2  }
0x38b: {  	v2 =	vcvt.f32.s32 v2;
	v3 =	vshrl.u32 v1, $0x7  }
0x38c: {  	v3 =	vmul.u32 $0x380, v3  }
0x38d: {  	v57 =	vshrl.u32 v2, $0x3  }
0x38e: {  	v2 =	vshll.u32 v2, $0x7;
	v4 =	vmul.u32 $0x7C00, v57;
	v1 =	vadd.s32 v1, v3  }
0x38f: {  	v1 =	vadd.s32 v2, v1  }
0x390: {  	v1 =	vadd.s32 v4, v1  }
0x391: {  	[tilespmem:s20+$0xFFFFFFD0] =	vst v1  }
0x392: {  	v1 =	vld [tilespmem:s26+$0x20];
	_ =	sdelay $0x1  }
0x393: {  	v2 =	vld [tilespmem:s26+$0xA0];
	_ =	sdelay $0x2  }
0x394: {  	v1 =	vmul.f32 $4.096000000e+03, v1;
	_ =	sdelay $0x1  }
0x395: {  	v2 =	vmul.f32 $4.096000000e+03, v2;
	v1 =	vtrunc.f32 v1  }
0x396: {  	v1 =	vcvt.f32.s32 v1  }
0x397: {  	v2 =	vtrunc.f32 v2  }
0x398: {  	v2 =	vcvt.f32.s32 v2;
	v3 =	vshrl.u32 v1, $0x7  }
0x399: {  	v3 =	vmul.u32 $0x380, v3  }
0x39a: {  	v58 =	vshrl.u32 v2, $0x3  }
0x39b: {  	v2 =	vshll.u32 v2, $0x7;
	v4 =	vmul.u32 $0x7C00, v58;
	v1 =	vadd.s32 v1, v3  }
0x39c: {  	v1 =	vadd.s32 v2, v1  }
0x39d: {  	v1 =	vadd.s32 v4, v1  }
0x39e: {  	[tilespmem:s20+$0xFFFFFFE0] =	vst v1  }
0x39f: {  	v1 =	vld [tilespmem:s26+$0x30];
	_ =	sdelay $0x1  }
0x3a0: {  	v2 =	vld [tilespmem:s26+$0xB0];
	_ =	sdelay $0x2  }
0x3a1: {  	v1 =	vmul.f32 $4.096000000e+03, v1;
	_ =	sdelay $0x1  }
0x3a2: {  	v2 =	vmul.f32 $4.096000000e+03, v2;
	v1 =	vtrunc.f32 v1  }
0x3a3: {  	v1 =	vcvt.f32.s32 v1  }
0x3a4: {  	v2 =	vtrunc.f32 v2  }
0x3a5: {  	v2 =	vcvt.f32.s32 v2;
	v3 =	vshrl.u32 v1, $0x7  }
0x3a6: {  	v3 =	vmul.u32 $0x380, v3  }
0x3a7: {  	v59 =	vshrl.u32 v2, $0x3  }
0x3a8: {  	v2 =	vshll.u32 v2, $0x7;
	v4 =	vmul.u32 $0x7C00, v59;
	v1 =	vadd.s32 v1, v3  }
0x3a9: {  	v1 =	vadd.s32 v2, v1  }
0x3aa: {  	v1 =	vadd.s32 v4, v1  }
0x3ab: {  	[tilespmem:s20+$0xFFFFFFF0] =	vst v1  }
0x3ac: {  	v1 =	vld [tilespmem:s26+$0x40];
	_ =	sdelay $0x1  }
0x3ad: {  	v2 =	vld [tilespmem:s26+$0xC0];
	_ =	sdelay $0x2  }
0x3ae: {  	v1 =	vmul.f32 $4.096000000e+03, v1;
	_ =	sdelay $0x1  }
0x3af: {  	v2 =	vmul.f32 $4.096000000e+03, v2;
	v1 =	vtrunc.f32 v1  }
0x3b0: {  	v1 =	vcvt.f32.s32 v1  }
0x3b1: {  	v2 =	vtrunc.f32 v2  }
0x3b2: {  	v2 =	vcvt.f32.s32 v2;
	v3 =	vshrl.u32 v1, $0x7  }
0x3b3: {  	v3 =	vmul.u32 $0x380, v3  }
0x3b4: {  	v60 =	vshrl.u32 v2, $0x3  }
0x3b5: {  	v2 =	vshll.u32 v2, $0x7;
	v4 =	vmul.u32 $0x7C00, v60;
	v1 =	vadd.s32 v1, v3  }
0x3b6: {  	v1 =	vadd.s32 v2, v1  }
0x3b7: {  	v1 =	vadd.s32 v4, v1  }
0x3b8: {  	[tilespmem:s20+$0x0] =	vst v1  }
0x3b9: {  	v1 =	vld [tilespmem:s26+$0x50];
	_ =	sdelay $0x1  }
0x3ba: {  	v2 =	vld [tilespmem:s26+$0xD0];
	_ =	sdelay $0x2  }
0x3bb: {  	v1 =	vmul.f32 $4.096000000e+03, v1;
	_ =	sdelay $0x1  }
0x3bc: {  	v2 =	vmul.f32 $4.096000000e+03, v2;
	v1 =	vtrunc.f32 v1  }
0x3bd: {  	v1 =	vcvt.f32.s32 v1  }
0x3be: {  	v2 =	vtrunc.f32 v2  }
0x3bf: {  	v2 =	vcvt.f32.s32 v2;
	v3 =	vshrl.u32 v1, $0x7  }
0x3c0: {  	v3 =	vmul.u32 $0x380, v3  }
0x3c1: {  	v61 =	vshrl.u32 v2, $0x3  }
0x3c2: {  	v2 =	vshll.u32 v2, $0x7;
	v4 =	vmul.u32 $0x7C00, v61;
	v1 =	vadd.s32 v1, v3  }
0x3c3: {  	v1 =	vadd.s32 v2, v1  }
0x3c4: {  	v1 =	vadd.s32 v4, v1  }
0x3c5: {  	[tilespmem:s20+$0x10] =	vst v1  }
0x3c6: {  	v1 =	vld [tilespmem:s26+$0x60];
	_ =	sdelay $0x1  }
0x3c7: {  	v2 =	vld [tilespmem:s26+$0xE0];
	_ =	sdelay $0x2  }
0x3c8: {  	v1 =	vmul.f32 $4.096000000e+03, v1;
	_ =	sdelay $0x1  }
0x3c9: {  	v2 =	vmul.f32 $4.096000000e+03, v2;
	v1 =	vtrunc.f32 v1  }
0x3ca: {  	v1 =	vcvt.f32.s32 v1  }
0x3cb: {  	v2 =	vtrunc.f32 v2  }
0x3cc: {  	v2 =	vcvt.f32.s32 v2;
	v3 =	vshrl.u32 v1, $0x7  }
0x3cd: {  	v3 =	vmul.u32 $0x380, v3  }
0x3ce: {  	v62 =	vshrl.u32 v2, $0x3  }
0x3cf: {  	v2 =	vshll.u32 v2, $0x7;
	v4 =	vmul.u32 $0x7C00, v62;
	v1 =	vadd.s32 v1, v3  }
0x3d0: {  	v1 =	vadd.s32 v2, v1  }
0x3d1: {  	v1 =	vadd.s32 v4, v1  }
0x3d2: {  	[tilespmem:s20+$0x20] =	vst v1  }
0x3d3: {  	v1 =	vld [tilespmem:s26+$0x70];
	_ =	sdelay $0x1  }
0x3d4: {  	v2 =	vld [tilespmem:s26+$0xF0];
	_ =	sdelay $0x2  }
0x3d5: {  	v1 =	vmul.f32 $4.096000000e+03, v1;
	_ =	sdelay $0x1  }
0x3d6: {  	v2 =	vmul.f32 $4.096000000e+03, v2;
	v1 =	vtrunc.f32 v1  }
0x3d7: {  	v1 =	vcvt.f32.s32 v1  }
0x3d8: {  	v2 =	vtrunc.f32 v2  }
0x3d9: {  	v2 =	vcvt.f32.s32 v2;
	v3 =	vshrl.u32 v1, $0x7  }
0x3da: {  	v3 =	vmul.u32 $0x380, v3  }
0x3db: {  	v63 =	vshrl.u32 v2, $0x3  }
0x3dc: {  	s28 =	simm.s32 $0x20;
	s30 =	simm.s32 $0x4040;
	s26 =	simm.s32 $0x400;
	v2 =	vshll.u32 v2, $0x7;
	v3 =	vadd.s32 v1, v3;
	v1 =	vmul.u32 $0x7C00, v63  }
0x3dd: {  	s7 =	sand.u32 $0x300, s28;
	s25 =	simm.s32 $0x8;
	s31 =	sand.u32 $0x1C00, s26;
	v2 =	vadd.s32 v2, v3  }
.LBB2_9:
0x3de: {  	s25 =	sadd.s32 $0x8, s25;
	s31 =	sor.u32 s7, s31;
	v1 =	vadd.s32 v1, v2;
	s20 =	sadd.s32 $0x80, s20  }
0x3df: {  	p0 =	slt.u32 s25, $0xF8;
	[tilespmem:s30+$0x30] =	vst v1;
	s30 =	smov.u32 s20  }
0x3e0: {  	v1 =	vld [tilespmem:s31+$0x0]  }
0x3e1: {  	v2 =	vld [tilespmem:s31+$0x80];
	_ =	sdelay $0x3  }
0x3e2: {  	v1 =	vmul.f32 $4.096000000e+03, v1  }
0x3e3: {  	v2 =	vmul.f32 $4.096000000e+03, v2  }
0x3e4: {  	v1 =	vtrunc.f32 v1  }
0x3e5: {  	v1 =	vcvt.f32.s32 v1;
	v2 =	vtrunc.f32 v2  }
0x3e6: {  	v2 =	vcvt.f32.s32 v2  }
0x3e7: {  	v3 =	vshrl.u32 v1, $0x7  }
0x3e8: {  	v4 =	vshrl.u32 v2, $0x3;
	v3 =	vmul.u32 $0x380, v3  }
0x3e9: {  	v2 =	vshll.u32 v2, $0x7;
	v4 =	vmul.u32 $0x7C00, v4  }
0x3ea: {  	v1 =	vadd.s32 v1, v3  }
0x3eb: {  	v1 =	vadd.s32 v2, v1  }
0x3ec: {  	v1 =	vadd.s32 v4, v1  }
0x3ed: {  	[tilespmem:s20+$0xFFFFFFC0] =	vst v1  }
0x3ee: {  	v1 =	vld [tilespmem:s31+$0x10]  }
0x3ef: {  	v2 =	vld [tilespmem:s31+$0x90];
	_ =	sdelay $0x3  }
0x3f0: {  	v1 =	vmul.f32 $4.096000000e+03, v1  }
0x3f1: {  	v2 =	vmul.f32 $4.096000000e+03, v2  }
0x3f2: {  	v1 =	vtrunc.f32 v1  }
0x3f3: {  	v1 =	vcvt.f32.s32 v1;
	v2 =	vtrunc.f32 v2  }
0x3f4: {  	v2 =	vcvt.f32.s32 v2  }
0x3f5: {  	v3 =	vshrl.u32 v1, $0x7  }
0x3f6: {  	v4 =	vshrl.u32 v2, $0x3;
	v3 =	vmul.u32 $0x380, v3  }
0x3f7: {  	v2 =	vshll.u32 v2, $0x7;
	v4 =	vmul.u32 $0x7C00, v4  }
0x3f8: {  	v1 =	vadd.s32 v1, v3  }
0x3f9: {  	v1 =	vadd.s32 v2, v1  }
0x3fa: {  	v1 =	vadd.s32 v4, v1  }
0x3fb: {  	[tilespmem:s20+$0xFFFFFFD0] =	vst v1  }
0x3fc: {  	v1 =	vld [tilespmem:s31+$0x20]  }
0x3fd: {  	v2 =	vld [tilespmem:s31+$0xA0];
	_ =	sdelay $0x3  }
0x3fe: {  	v1 =	vmul.f32 $4.096000000e+03, v1  }
0x3ff: {  	v2 =	vmul.f32 $4.096000000e+03, v2  }
0x400: {  	v1 =	vtrunc.f32 v1  }
0x401: {  	v1 =	vcvt.f32.s32 v1;
	v2 =	vtrunc.f32 v2  }
0x402: {  	v2 =	vcvt.f32.s32 v2  }
0x403: {  	v3 =	vshrl.u32 v1, $0x7  }
0x404: {  	v4 =	vshrl.u32 v2, $0x3;
	v3 =	vmul.u32 $0x380, v3  }
0x405: {  	v2 =	vshll.u32 v2, $0x7;
	v4 =	vmul.u32 $0x7C00, v4  }
0x406: {  	v1 =	vadd.s32 v1, v3  }
0x407: {  	v1 =	vadd.s32 v2, v1  }
0x408: {  	v1 =	vadd.s32 v4, v1  }
0x409: {  	[tilespmem:s20+$0xFFFFFFE0] =	vst v1  }
0x40a: {  	v1 =	vld [tilespmem:s31+$0x30]  }
0x40b: {  	v2 =	vld [tilespmem:s31+$0xB0];
	_ =	sdelay $0x3  }
0x40c: {  	v1 =	vmul.f32 $4.096000000e+03, v1  }
0x40d: {  	v2 =	vmul.f32 $4.096000000e+03, v2  }
0x40e: {  	v1 =	vtrunc.f32 v1  }
0x40f: {  	v1 =	vcvt.f32.s32 v1;
	v2 =	vtrunc.f32 v2  }
0x410: {  	v2 =	vcvt.f32.s32 v2  }
0x411: {  	v3 =	vshrl.u32 v1, $0x7  }
0x412: {  	v4 =	vshrl.u32 v2, $0x3;
	v3 =	vmul.u32 $0x380, v3  }
0x413: {  	v2 =	vshll.u32 v2, $0x7;
	v4 =	vmul.u32 $0x7C00, v4  }
0x414: {  	v1 =	vadd.s32 v1, v3  }
0x415: {  	v1 =	vadd.s32 v2, v1  }
0x416: {  	v1 =	vadd.s32 v4, v1  }
0x417: {  	[tilespmem:s20+$0xFFFFFFF0] =	vst v1  }
0x418: {  	v1 =	vld [tilespmem:s31+$0x40]  }
0x419: {  	v2 =	vld [tilespmem:s31+$0xC0];
	_ =	sdelay $0x3  }
0x41a: {  	v1 =	vmul.f32 $4.096000000e+03, v1  }
0x41b: {  	v2 =	vmul.f32 $4.096000000e+03, v2  }
0x41c: {  	v1 =	vtrunc.f32 v1  }
0x41d: {  	v1 =	vcvt.f32.s32 v1;
	v2 =	vtrunc.f32 v2  }
0x41e: {  	v2 =	vcvt.f32.s32 v2  }
0x41f: {  	v3 =	vshrl.u32 v1, $0x7  }
0x420: {  	v4 =	vshrl.u32 v2, $0x3;
	v3 =	vmul.u32 $0x380, v3  }
0x421: {  	v2 =	vshll.u32 v2, $0x7;
	v4 =	vmul.u32 $0x7C00, v4  }
0x422: {  	v1 =	vadd.s32 v1, v3  }
0x423: {  	v1 =	vadd.s32 v2, v1  }
0x424: {  	v1 =	vadd.s32 v4, v1  }
0x425: {  	[tilespmem:s20+$0x0] =	vst v1  }
0x426: {  	v1 =	vld [tilespmem:s31+$0x50]  }
0x427: {  	v2 =	vld [tilespmem:s31+$0xD0];
	_ =	sdelay $0x3  }
0x428: {  	v1 =	vmul.f32 $4.096000000e+03, v1  }
0x429: {  	v2 =	vmul.f32 $4.096000000e+03, v2  }
0x42a: {  	v1 =	vtrunc.f32 v1  }
0x42b: {  	v1 =	vcvt.f32.s32 v1;
	v2 =	vtrunc.f32 v2  }
0x42c: {  	v2 =	vcvt.f32.s32 v2  }
0x42d: {  	v3 =	vshrl.u32 v1, $0x7  }
0x42e: {  	v4 =	vshrl.u32 v2, $0x3;
	v3 =	vmul.u32 $0x380, v3  }
0x42f: {  	v2 =	vshll.u32 v2, $0x7;
	v4 =	vmul.u32 $0x7C00, v4  }
0x430: {  	v1 =	vadd.s32 v1, v3  }
0x431: {  	v1 =	vadd.s32 v2, v1  }
0x432: {  	v1 =	vadd.s32 v4, v1  }
0x433: {  	[tilespmem:s20+$0x10] =	vst v1  }
0x434: {  	v1 =	vld [tilespmem:s31+$0x60]  }
0x435: {  	v2 =	vld [tilespmem:s31+$0xE0];
	_ =	sdelay $0x3  }
0x436: {  	v1 =	vmul.f32 $4.096000000e+03, v1  }
0x437: {  	v2 =	vmul.f32 $4.096000000e+03, v2  }
0x438: {  	v1 =	vtrunc.f32 v1  }
0x439: {  	v1 =	vcvt.f32.s32 v1;
	v2 =	vtrunc.f32 v2  }
0x43a: {  	v2 =	vcvt.f32.s32 v2  }
0x43b: {  	v3 =	vshrl.u32 v1, $0x7  }
0x43c: {  	v4 =	vshrl.u32 v2, $0x3;
	v3 =	vmul.u32 $0x380, v3  }
0x43d: {  	v2 =	vshll.u32 v2, $0x7;
	v4 =	vmul.u32 $0x7C00, v4  }
0x43e: {  	v1 =	vadd.s32 v1, v3  }
0x43f: {  	v1 =	vadd.s32 v2, v1  }
0x440: {  	v1 =	vadd.s32 v4, v1  }
0x441: {  	[tilespmem:s20+$0x20] =	vst v1  }
0x442: {  	v1 =	vld [tilespmem:s31+$0x70]  }
0x443: {  	v2 =	vld [tilespmem:s31+$0xF0];
	_ =	sdelay $0x3  }
0x444: {  	v1 =	vmul.f32 $4.096000000e+03, v1  }
0x445: {  	v2 =	vmul.f32 $4.096000000e+03, v2  }
0x446: {  	v1 =	vtrunc.f32 v1  }
0x447: {  	v3 =	vcvt.f32.s32 v1;
	v1 =	vtrunc.f32 v2  }
0x448: {  	v1 =	vcvt.f32.s32 v1  }
.Ltmp3:
0x449: {  	v2 =	vshrl.u32 v3, $0x7;
	(pc) =	sbr.rel @p0 .LBB2_9-.Ltmp3, $4  }
0x44a: {  	v4 =	vshrl.u32 v1, $0x3;
	v2 =	vmul.u32 $0x380, v2  }
0x44b: {  	v5 =	vshll.u32 v1, $0x7;
	v1 =	vmul.u32 $0x7C00, v4  }
0x44c: {  	s26 =	sadd.s32 $0x400, s26;
	s28 =	sadd.s32 $0x20, s28;
	v2 =	vadd.s32 v3, v2  }
0x44d: {  	s7 =	sand.u32 $0x300, s28;
	s31 =	sand.u32 $0x1C00, s26;
	v2 =	vadd.s32 v5, v2  }
0x44e: {  	v1 =	vadd.s32 v1, v2  }
0x44f: {  	s25 =	sor.u32 s7, s31;
	[tilespmem:s30+$0x30] =	vst v1  }
0x450: {  	v1 =	vld [tilespmem:s25+$0x0];
	_ =	sdelay $0x1  }
0x451: {  	v2 =	vld [tilespmem:s25+$0x80];
	_ =	sdelay $0x2  }
0x452: {  	v1 =	vmul.f32 $4.096000000e+03, v1;
	_ =	sdelay $0x1  }
0x453: {  	v2 =	vmul.f32 $4.096000000e+03, v2;
	v1 =	vtrunc.f32 v1  }
0x454: {  	v1 =	vcvt.f32.s32 v1  }
0x455: {  	v2 =	vtrunc.f32 v2  }
0x456: {  	v2 =	vcvt.f32.s32 v2;
	v3 =	vshrl.u32 v1, $0x7  }
0x457: {  	v3 =	vmul.u32 $0x380, v3  }
0x458: {  	v4 =	vshrl.u32 v2, $0x3  }
0x459: {  	v2 =	vshll.u32 v2, $0x7;
	v4 =	vmul.u32 $0x7C00, v4;
	v1 =	vadd.s32 v1, v3  }
0x45a: {  	v1 =	vadd.s32 v2, v1  }
0x45b: {  	s20 =	sadd.s32 $0x80, s20;
	v1 =	vadd.s32 v4, v1  }
0x45c: {  	[tilespmem:s20+$0xFFFFFFC0] =	vst v1  }
0x45d: {  	v1 =	vld [tilespmem:s25+$0x10];
	_ =	sdelay $0x1  }
0x45e: {  	v2 =	vld [tilespmem:s25+$0x90];
	_ =	sdelay $0x2  }
0x45f: {  	v1 =	vmul.f32 $4.096000000e+03, v1;
	_ =	sdelay $0x1  }
0x460: {  	v2 =	vmul.f32 $4.096000000e+03, v2;
	v1 =	vtrunc.f32 v1  }
0x461: {  	v1 =	vcvt.f32.s32 v1  }
0x462: {  	v2 =	vtrunc.f32 v2  }
0x463: {  	v2 =	vcvt.f32.s32 v2;
	v3 =	vshrl.u32 v1, $0x7  }
0x464: {  	v3 =	vmul.u32 $0x380, v3  }
0x465: {  	v57 =	vshrl.u32 v2, $0x3  }
0x466: {  	v2 =	vshll.u32 v2, $0x7;
	v4 =	vmul.u32 $0x7C00, v57;
	v1 =	vadd.s32 v1, v3  }
0x467: {  	v1 =	vadd.s32 v2, v1  }
0x468: {  	v1 =	vadd.s32 v4, v1  }
0x469: {  	[tilespmem:s20+$0xFFFFFFD0] =	vst v1  }
0x46a: {  	v1 =	vld [tilespmem:s25+$0x20];
	_ =	sdelay $0x1  }
0x46b: {  	v2 =	vld [tilespmem:s25+$0xA0];
	_ =	sdelay $0x2  }
0x46c: {  	v1 =	vmul.f32 $4.096000000e+03, v1;
	_ =	sdelay $0x1  }
0x46d: {  	v2 =	vmul.f32 $4.096000000e+03, v2;
	v1 =	vtrunc.f32 v1  }
0x46e: {  	v1 =	vcvt.f32.s32 v1  }
0x46f: {  	v2 =	vtrunc.f32 v2  }
0x470: {  	v2 =	vcvt.f32.s32 v2;
	v3 =	vshrl.u32 v1, $0x7  }
0x471: {  	v3 =	vmul.u32 $0x380, v3  }
0x472: {  	v58 =	vshrl.u32 v2, $0x3  }
0x473: {  	v2 =	vshll.u32 v2, $0x7;
	v4 =	vmul.u32 $0x7C00, v58;
	v1 =	vadd.s32 v1, v3  }
0x474: {  	v1 =	vadd.s32 v2, v1  }
0x475: {  	v1 =	vadd.s32 v4, v1  }
0x476: {  	[tilespmem:s20+$0xFFFFFFE0] =	vst v1  }
0x477: {  	v1 =	vld [tilespmem:s25+$0x30];
	_ =	sdelay $0x1  }
0x478: {  	v2 =	vld [tilespmem:s25+$0xB0];
	_ =	sdelay $0x2  }
0x479: {  	v1 =	vmul.f32 $4.096000000e+03, v1;
	_ =	sdelay $0x1  }
0x47a: {  	v2 =	vmul.f32 $4.096000000e+03, v2;
	v1 =	vtrunc.f32 v1  }
0x47b: {  	v1 =	vcvt.f32.s32 v1  }
0x47c: {  	v2 =	vtrunc.f32 v2  }
0x47d: {  	v2 =	vcvt.f32.s32 v2;
	v3 =	vshrl.u32 v1, $0x7  }
0x47e: {  	v3 =	vmul.u32 $0x380, v3  }
0x47f: {  	v59 =	vshrl.u32 v2, $0x3  }
0x480: {  	v2 =	vshll.u32 v2, $0x7;
	v4 =	vmul.u32 $0x7C00, v59;
	v1 =	vadd.s32 v1, v3  }
0x481: {  	v1 =	vadd.s32 v2, v1  }
0x482: {  	v1 =	vadd.s32 v4, v1  }
0x483: {  	[tilespmem:s20+$0xFFFFFFF0] =	vst v1  }
0x484: {  	v1 =	vld [tilespmem:s25+$0x40];
	_ =	sdelay $0x1  }
0x485: {  	v2 =	vld [tilespmem:s25+$0xC0];
	_ =	sdelay $0x2  }
0x486: {  	v1 =	vmul.f32 $4.096000000e+03, v1;
	_ =	sdelay $0x1  }
0x487: {  	v2 =	vmul.f32 $4.096000000e+03, v2;
	v1 =	vtrunc.f32 v1  }
0x488: {  	v1 =	vcvt.f32.s32 v1  }
0x489: {  	v2 =	vtrunc.f32 v2  }
0x48a: {  	v2 =	vcvt.f32.s32 v2;
	v3 =	vshrl.u32 v1, $0x7  }
0x48b: {  	v3 =	vmul.u32 $0x380, v3  }
0x48c: {  	v60 =	vshrl.u32 v2, $0x3  }
0x48d: {  	v2 =	vshll.u32 v2, $0x7;
	v4 =	vmul.u32 $0x7C00, v60;
	v1 =	vadd.s32 v1, v3  }
0x48e: {  	v1 =	vadd.s32 v2, v1  }
0x48f: {  	v1 =	vadd.s32 v4, v1  }
0x490: {  	[tilespmem:s20+$0x0] =	vst v1  }
0x491: {  	v1 =	vld [tilespmem:s25+$0x50];
	_ =	sdelay $0x1  }
0x492: {  	v2 =	vld [tilespmem:s25+$0xD0];
	_ =	sdelay $0x2  }
0x493: {  	v1 =	vmul.f32 $4.096000000e+03, v1;
	_ =	sdelay $0x1  }
0x494: {  	v2 =	vmul.f32 $4.096000000e+03, v2;
	v1 =	vtrunc.f32 v1  }
0x495: {  	v1 =	vcvt.f32.s32 v1  }
0x496: {  	v2 =	vtrunc.f32 v2  }
0x497: {  	v2 =	vcvt.f32.s32 v2;
	v3 =	vshrl.u32 v1, $0x7  }
0x498: {  	v3 =	vmul.u32 $0x380, v3  }
0x499: {  	v61 =	vshrl.u32 v2, $0x3  }
0x49a: {  	v2 =	vshll.u32 v2, $0x7;
	v4 =	vmul.u32 $0x7C00, v61;
	v1 =	vadd.s32 v1, v3  }
0x49b: {  	v1 =	vadd.s32 v2, v1  }
0x49c: {  	v1 =	vadd.s32 v4, v1  }
0x49d: {  	[tilespmem:s20+$0x10] =	vst v1  }
0x49e: {  	v1 =	vld [tilespmem:s25+$0x60];
	_ =	sdelay $0x1  }
0x49f: {  	v2 =	vld [tilespmem:s25+$0xE0];
	_ =	sdelay $0x2  }
0x4a0: {  	v1 =	vmul.f32 $4.096000000e+03, v1;
	_ =	sdelay $0x1  }
0x4a1: {  	v2 =	vmul.f32 $4.096000000e+03, v2;
	v1 =	vtrunc.f32 v1  }
0x4a2: {  	v1 =	vcvt.f32.s32 v1  }
0x4a3: {  	v2 =	vtrunc.f32 v2  }
0x4a4: {  	v2 =	vcvt.f32.s32 v2;
	v3 =	vshrl.u32 v1, $0x7  }
0x4a5: {  	v3 =	vmul.u32 $0x380, v3  }
0x4a6: {  	v62 =	vshrl.u32 v2, $0x3  }
0x4a7: {  	v2 =	vshll.u32 v2, $0x7;
	v4 =	vmul.u32 $0x7C00, v62;
	v1 =	vadd.s32 v1, v3  }
0x4a8: {  	v1 =	vadd.s32 v2, v1  }
0x4a9: {  	v1 =	vadd.s32 v4, v1  }
0x4aa: {  	[tilespmem:s20+$0x20] =	vst v1  }
0x4ab: {  	v1 =	vld [tilespmem:s25+$0x70];
	_ =	sdelay $0x1  }
0x4ac: {  	v2 =	vld [tilespmem:s25+$0xF0];
	_ =	sdelay $0x2  }
0x4ad: {  	v1 =	vmul.f32 $4.096000000e+03, v1;
	_ =	sdelay $0x1  }
0x4ae: {  	v2 =	vmul.f32 $4.096000000e+03, v2;
	v1 =	vtrunc.f32 v1  }
0x4af: {  	v1 =	vcvt.f32.s32 v1  }
0x4b0: {  	v2 =	vtrunc.f32 v2  }
0x4b1: {  	v2 =	vcvt.f32.s32 v2;
	v3 =	vshrl.u32 v1, $0x7  }
0x4b2: {  	v3 =	vmul.u32 $0x380, v3  }
0x4b3: {  	v63 =	vshrl.u32 v2, $0x3  }
0x4b4: {  	v2 =	vshll.u32 v2, $0x7;
	v4 =	vmul.u32 $0x7C00, v63;
	v1 =	vadd.s32 v1, v3  }
0x4b5: {  	v1 =	vadd.s32 v2, v1  }
0x4b6: {  	p0 =	seq.s32 s5, $0xB;
	v1 =	vadd.s32 v4, v1  }
0x4b7: {  	s28 =	simm.s32 $0x4000;
	s30 =	simm.s32 $0x6000;
	s7 =	sadd.s32 @!p0 s24, s19;
	[tilespmem:s20+$0x30] =	vst v1  }
0x4b8: {  	[tilespmem:s30], [sflag:$0x3] =	stream.indirect.gather [hbm4b:s2+s22], $0x1, s28, s22, $0xb8;
	[tilespmem:$0xA080] =	vst v63  }
0x4b9: {  	s19 =	sadd.s32 @!p0 s1, s7;
	s25 =	simm.s32 @!p0 $0x2000;
	s20 =	simm.s32 @!p0 $0x0  }
0x4ba: {  	[tilespmem:s25], [sflag:$0x2] =	stream.linear.gather @!p0 [hbm4b:s19+s20], $0x400, $0x38;
	[tilespmem:$0xA080] =	vst v63  }
0x4bb: {  	s19 =	sadd.s32 @!p0 s7, s9;
	s25 =	simm.s32 @!p0 $0x2400  }
0x4bc: {  	[tilespmem:s25], [sflag:$0x2] =	stream.linear.gather @!p0 [hbm4b:s19+s20], $0x400, $0x38;
	[tilespmem:$0xA080] =	vst v63  }
0x4bd: {  	s19 =	sadd.s32 @!p0 s7, s11;
	s25 =	simm.s32 @!p0 $0x2800  }
0x4be: {  	[tilespmem:s25], [sflag:$0x2] =	stream.linear.gather @!p0 [hbm4b:s19+s20], $0x400, $0x38;
	[tilespmem:$0xA080] =	vst v63  }
0x4bf: {  	s19 =	sadd.s32 @!p0 s7, s12;
	s25 =	simm.s32 @!p0 $0x2C00  }
0x4c0: {  	[tilespmem:s25], [sflag:$0x2] =	stream.linear.gather @!p0 [hbm4b:s19+s20], $0x400, $0x38;
	[tilespmem:$0xA080] =	vst v63  }
0x4c1: {  	s19 =	sadd.s32 @!p0 s7, s15;
	s25 =	simm.s32 @!p0 $0x3000  }
0x4c2: {  	[tilespmem:s25], [sflag:$0x2] =	stream.linear.gather @!p0 [hbm4b:s19+s20], $0x400, $0x38;
	[tilespmem:$0xA080] =	vst v63  }
0x4c3: {  	s19 =	sadd.s32 @!p0 s7, s17;
	s25 =	simm.s32 @!p0 $0x3400  }
0x4c4: {  	[tilespmem:s25], [sflag:$0x2] =	stream.linear.gather @!p0 [hbm4b:s19+s20], $0x400, $0x38;
	[tilespmem:$0xA080] =	vst v63  }
0x4c5: {  	s19 =	sadd.s32 @!p0 s7, s18;
	s25 =	simm.s32 @!p0 $0x3800  }
0x4c6: {  	[tilespmem:s25], [sflag:$0x2] =	stream.linear.gather @!p0 [hbm4b:s19+s20], $0x400, $0x38;
	[tilespmem:$0xA080] =	vst v63  }
0x4c7: {  	p1 =	seq.s32 @!p0 s5, $0x0;
	s7 =	sadd.s32 @!p0 s7, s21;
	s19 =	simm.s32 @!p0 $0x3C00  }
0x4c8: {  	[tilespmem:s19], [sflag:$0x2] =	stream.linear.gather @!p0 [hbm4b:s7+s20], $0x400, $0x38;
	[tilespmem:$0xA080] =	vst v63  }
0x4c9: {  	p0 =	por p0, !p1  }
0x4ca: {  	_ =	swait.ge @p0 [sflag:s3], $0x1000  }
0x4cb: {  	[sflag:s3] =	ssyncset.done @p0 $0x0  }
0x4cc: {  	[sflag:s3] =	ssyncadd.s32 @p0 $0xFFFFF000  }
0x4cd: {  	_ =	swait.ge [sflag:s14], $0x1000  }
0x4ce: {  	[sflag:s14] =	ssyncset.done $0x0  }
0x4cf: {  	s31 =	simm.s32 $0x7040;
	[sflag:s14] =	ssyncadd.s32 $0xFFFFF000  }
0x4d0: {  	v1 =	vld [tilespmem:s31+$0xFFFFFFC0];
	_ =	sdelay $0x4  }
0x4d1: {  	v1 =	vadd.f32 $9.999999770e-03, v1;
	_ =	sdelay $0x1  }
0x4d2: {  	vm0 =	vgt.f32 v1, $0.0e+00  }
0x4d3: {  	s19 =	simm.s32 $0x9040;
	v1 =	vnsel vm0, $0x0, v0  }
0x4d4: {  	[tilespmem:s19+$0xFFFFFFC0] =	vst v1  }
0x4d5: {  	v1 =	vld [tilespmem:s31+$0xFFFFFFD0];
	_ =	sdelay $0x4  }
0x4d6: {  	v1 =	vadd.f32 $9.999999770e-03, v1;
	_ =	sdelay $0x1  }
0x4d7: {  	vm9 =	vgt.f32 v1, $0.0e+00  }
0x4d8: {  	v1 =	vnsel vm9, $0x0, v0  }
0x4d9: {  	[tilespmem:s19+$0xFFFFFFD0] =	vst v1  }
0x4da: {  	v1 =	vld [tilespmem:s31+$0xFFFFFFE0];
	_ =	sdelay $0x4  }
0x4db: {  	v1 =	vadd.f32 $9.999999770e-03, v1;
	_ =	sdelay $0x1  }
0x4dc: {  	vm10 =	vgt.f32 v1, $0.0e+00  }
0x4dd: {  	v1 =	vnsel vm10, $0x0, v0  }
0x4de: {  	[tilespmem:s19+$0xFFFFFFE0] =	vst v1  }
0x4df: {  	v1 =	vld [tilespmem:s31+$0xFFFFFFF0];
	_ =	sdelay $0x4  }
0x4e0: {  	v1 =	vadd.f32 $9.999999770e-03, v1;
	_ =	sdelay $0x1  }
0x4e1: {  	vm11 =	vgt.f32 v1, $0.0e+00  }
0x4e2: {  	v1 =	vnsel vm11, $0x0, v0  }
0x4e3: {  	[tilespmem:s19+$0xFFFFFFF0] =	vst v1  }
0x4e4: {  	v1 =	vld [tilespmem:s31+$0x0];
	_ =	sdelay $0x4  }
0x4e5: {  	v1 =	vadd.f32 $9.999999770e-03, v1;
	_ =	sdelay $0x1  }
0x4e6: {  	vm12 =	vgt.f32 v1, $0.0e+00  }
0x4e7: {  	v1 =	vnsel vm12, $0x0, v0  }
0x4e8: {  	[tilespmem:s19+$0x0] =	vst v1  }
0x4e9: {  	v1 =	vld [tilespmem:s31+$0x10];
	_ =	sdelay $0x4  }
0x4ea: {  	v1 =	vadd.f32 $9.999999770e-03, v1;
	_ =	sdelay $0x1  }
0x4eb: {  	vm13 =	vgt.f32 v1, $0.0e+00  }
0x4ec: {  	v1 =	vnsel vm13, $0x0, v0  }
0x4ed: {  	[tilespmem:s19+$0x10] =	vst v1  }
0x4ee: {  	v1 =	vld [tilespmem:s31+$0x20];
	_ =	sdelay $0x4  }
0x4ef: {  	v1 =	vadd.f32 $9.999999770e-03, v1;
	_ =	sdelay $0x1  }
0x4f0: {  	vm14 =	vgt.f32 v1, $0.0e+00  }
0x4f1: {  	v1 =	vnsel vm14, $0x0, v0  }
0x4f2: {  	[tilespmem:s19+$0x20] =	vst v1  }
0x4f3: {  	v1 =	vld [tilespmem:s31+$0x30];
	_ =	sdelay $0x4  }
0x4f4: {  	v1 =	vadd.f32 $9.999999770e-03, v1;
	_ =	sdelay $0x1  }
0x4f5: {  	vm15 =	vgt.f32 v1, $0.0e+00  }
0x4f6: {  	v1 =	vnsel vm15, $0x0, v0  }
0x4f7: {  	s25 =	simm.s32 $0x70C0;
	s20 =	simm.s32 $0x0;
	[tilespmem:s19+$0x30] =	vst v1  }
.LBB2_11:
0x4f8: {  	v1 =	vld [tilespmem:s25+$0xFFFFFFC0];
	s20 =	sadd.s32 $0x8, s20  }
0x4f9: {  	p0 =	slt.u32 s20, $0xF8;
	_ =	sdelay $0x3  }
0x4fa: {  	v1 =	vadd.f32 $9.999999770e-03, v1;
	_ =	sdelay $0x1  }
0x4fb: {  	vm0 =	vgt.f32 v1, $0.0e+00  }
0x4fc: {  	s19 =	sadd.s32 $0x80, s19;
	v1 =	vnsel vm0, $0x0, v0  }
0x4fd: {  	[tilespmem:s19+$0xFFFFFFC0] =	vst v1  }
0x4fe: {  	v1 =	vld [tilespmem:s25+$0xFFFFFFD0];
	_ =	sdelay $0x4  }
0x4ff: {  	v1 =	vadd.f32 $9.999999770e-03, v1;
	_ =	sdelay $0x1  }
0x500: {  	vm0 =	vgt.f32 v1, $0.0e+00  }
0x501: {  	v1 =	vnsel vm0, $0x0, v0  }
0x502: {  	[tilespmem:s19+$0xFFFFFFD0] =	vst v1  }
0x503: {  	v1 =	vld [tilespmem:s25+$0xFFFFFFE0];
	_ =	sdelay $0x4  }
0x504: {  	v1 =	vadd.f32 $9.999999770e-03, v1;
	_ =	sdelay $0x1  }
0x505: {  	vm0 =	vgt.f32 v1, $0.0e+00  }
0x506: {  	v1 =	vnsel vm0, $0x0, v0  }
0x507: {  	[tilespmem:s19+$0xFFFFFFE0] =	vst v1  }
0x508: {  	v1 =	vld [tilespmem:s25+$0xFFFFFFF0];
	_ =	sdelay $0x4  }
0x509: {  	v1 =	vadd.f32 $9.999999770e-03, v1;
	_ =	sdelay $0x1  }
0x50a: {  	vm0 =	vgt.f32 v1, $0.0e+00  }
0x50b: {  	v1 =	vnsel vm0, $0x0, v0  }
0x50c: {  	[tilespmem:s19+$0xFFFFFFF0] =	vst v1  }
0x50d: {  	v1 =	vld [tilespmem:s25+$0x0];
	_ =	sdelay $0x4  }
0x50e: {  	v1 =	vadd.f32 $9.999999770e-03, v1;
	_ =	sdelay $0x1  }
0x50f: {  	vm0 =	vgt.f32 v1, $0.0e+00  }
0x510: {  	v1 =	vnsel vm0, $0x0, v0  }
0x511: {  	[tilespmem:s19+$0x0] =	vst v1  }
0x512: {  	v1 =	vld [tilespmem:s25+$0x10];
	_ =	sdelay $0x4  }
0x513: {  	v1 =	vadd.f32 $9.999999770e-03, v1;
	_ =	sdelay $0x1  }
0x514: {  	vm0 =	vgt.f32 v1, $0.0e+00  }
0x515: {  	v1 =	vnsel vm0, $0x0, v0  }
0x516: {  	[tilespmem:s19+$0x10] =	vst v1  }
0x517: {  	v1 =	vld [tilespmem:s25+$0x20];
	_ =	sdelay $0x4  }
0x518: {  	v1 =	vadd.f32 $9.999999770e-03, v1;
	_ =	sdelay $0x1  }
0x519: {  	vm0 =	vgt.f32 v1, $0.0e+00  }
0x51a: {  	v1 =	vnsel vm0, $0x0, v0  }
0x51b: {  	[tilespmem:s19+$0x20] =	vst v1  }
0x51c: {  	v1 =	vld [tilespmem:s25+$0x30];
	_ =	sdelay $0x4  }
.Ltmp4:
0x51d: {  	v1 =	vadd.f32 $9.999999770e-03, v1;
	(pc) =	sbr.rel @p0 .LBB2_11-.Ltmp4, $4  }
0x51e: {  	_ = 	snop  }
0x51f: {  	vm0 =	vgt.f32 v1, $0.0e+00  }
0x520: {  	v1 =	vnsel vm0, $0x0, v0  }
0x521: {  	s25 =	sadd.s32 $0x80, s25;
	[tilespmem:s19+$0x30] =	vst v1  }
0x522: {  	s5 =	sadd.s32 $0x1, s5  }
0x523: {  	p0 =	sne.s32 s5, $0xC  }
.Ltmp5:
0x524: {  	_ = 	snop;
	(pc) =	sbr.rel @p0 .LBB2_4-.Ltmp5, $3  }
0x525: {  	_ =	sdelay $0x1  }
0x526: {  	s7 =	sadd.s32 s16, s13;
	s31 =	simm.s32 $0x9000  }
0x527: {  	[hbm4b:s7+s6] =	stream.linear.scatter [tilespmem:s31], [sflag:$0x6], $0x1000, $0x38;
	[tilespmem:$0xA080] =	vst v63  }
0x528: {  	s7 =	simm.s32 $0x5  }
0x529: {  	_ =	swait.ge [sflag:s7], $0x1000  }
0x52a: {  	[sflag:s7] =	ssyncset.done $0x0  }
0x52b: {  	[sflag:s7] =	ssyncadd.s32 $0xFFFFF000  }
0x52c: {  	_ =	swait.ge [sflag:s10], $0x1000  }
0x52d: {  	[sflag:s10] =	ssyncset.done $0x0  }
0x52e: {  	s5 =	simm.s32 $0x6040;
	[sflag:s10] =	ssyncadd.s32 $0xFFFFF000  }
0x52f: {  	v1 =	vld [tilespmem:s5+$0xFFFFFFC0];
	_ =	sdelay $0x4  }
0x530: {  	v1 =	vadd.f32 $9.999999770e-03, v1;
	_ =	sdelay $0x1  }
0x531: {  	vm0 =	vgt.f32 v1, $0.0e+00  }
0x532: {  	s4 =	simm.s32 $0x8040;
	v1 =	vnsel vm0, $0x0, v0  }
0x533: {  	[tilespmem:s4+$0xFFFFFFC0] =	vst v1  }
0x534: {  	v1 =	vld [tilespmem:s5+$0xFFFFFFD0];
	_ =	sdelay $0x4  }
0x535: {  	v1 =	vadd.f32 $9.999999770e-03, v1;
	_ =	sdelay $0x1  }
0x536: {  	vm9 =	vgt.f32 v1, $0.0e+00  }
0x537: {  	v1 =	vnsel vm9, $0x0, v0  }
0x538: {  	[tilespmem:s4+$0xFFFFFFD0] =	vst v1  }
0x539: {  	v1 =	vld [tilespmem:s5+$0xFFFFFFE0];
	_ =	sdelay $0x4  }
0x53a: {  	v1 =	vadd.f32 $9.999999770e-03, v1;
	_ =	sdelay $0x1  }
0x53b: {  	vm10 =	vgt.f32 v1, $0.0e+00  }
0x53c: {  	v1 =	vnsel vm10, $0x0, v0  }
0x53d: {  	[tilespmem:s4+$0xFFFFFFE0] =	vst v1  }
0x53e: {  	v1 =	vld [tilespmem:s5+$0xFFFFFFF0];
	_ =	sdelay $0x4  }
0x53f: {  	v1 =	vadd.f32 $9.999999770e-03, v1;
	_ =	sdelay $0x1  }
0x540: {  	vm11 =	vgt.f32 v1, $0.0e+00  }
0x541: {  	v1 =	vnsel vm11, $0x0, v0  }
0x542: {  	[tilespmem:s4+$0xFFFFFFF0] =	vst v1  }
0x543: {  	v1 =	vld [tilespmem:s5+$0x0];
	_ =	sdelay $0x4  }
0x544: {  	v1 =	vadd.f32 $9.999999770e-03, v1;
	_ =	sdelay $0x1  }
0x545: {  	vm12 =	vgt.f32 v1, $0.0e+00  }
0x546: {  	v1 =	vnsel vm12, $0x0, v0  }
0x547: {  	[tilespmem:s4+$0x0] =	vst v1  }
0x548: {  	v1 =	vld [tilespmem:s5+$0x10];
	_ =	sdelay $0x4  }
0x549: {  	v1 =	vadd.f32 $9.999999770e-03, v1;
	_ =	sdelay $0x1  }
0x54a: {  	vm13 =	vgt.f32 v1, $0.0e+00  }
0x54b: {  	v1 =	vnsel vm13, $0x0, v0  }
0x54c: {  	[tilespmem:s4+$0x10] =	vst v1  }
0x54d: {  	v1 =	vld [tilespmem:s5+$0x20];
	_ =	sdelay $0x4  }
0x54e: {  	v1 =	vadd.f32 $9.999999770e-03, v1;
	_ =	sdelay $0x1  }
0x54f: {  	vm14 =	vgt.f32 v1, $0.0e+00  }
0x550: {  	v1 =	vnsel vm14, $0x0, v0  }
0x551: {  	[tilespmem:s4+$0x20] =	vst v1  }
0x552: {  	v1 =	vld [tilespmem:s5+$0x30];
	_ =	sdelay $0x4  }
0x553: {  	v1 =	vadd.f32 $9.999999770e-03, v1;
	_ =	sdelay $0x1  }
0x554: {  	vm15 =	vgt.f32 v1, $0.0e+00  }
0x555: {  	v1 =	vnsel vm15, $0x0, v0  }
0x556: {  	s16 =	simm.s32 $0x60C0;
	s5 =	simm.s32 $0x0;
	[tilespmem:s4+$0x30] =	vst v1  }
.LBB2_14:
0x557: {  	v1 =	vld [tilespmem:s16+$0xFFFFFFC0];
	s5 =	sadd.s32 $0x8, s5  }
0x558: {  	p0 =	slt.u32 s5, $0xF8;
	_ =	sdelay $0x3  }
0x559: {  	v1 =	vadd.f32 $9.999999770e-03, v1;
	_ =	sdelay $0x1  }
0x55a: {  	vm0 =	vgt.f32 v1, $0.0e+00  }
0x55b: {  	s4 =	sadd.s32 $0x80, s4;
	v1 =	vnsel vm0, $0x0, v0  }
0x55c: {  	[tilespmem:s4+$0xFFFFFFC0] =	vst v1  }
0x55d: {  	v1 =	vld [tilespmem:s16+$0xFFFFFFD0];
	_ =	sdelay $0x4  }
0x55e: {  	v1 =	vadd.f32 $9.999999770e-03, v1;
	_ =	sdelay $0x1  }
0x55f: {  	vm0 =	vgt.f32 v1, $0.0e+00  }
0x560: {  	v1 =	vnsel vm0, $0x0, v0  }
0x561: {  	[tilespmem:s4+$0xFFFFFFD0] =	vst v1  }
0x562: {  	v1 =	vld [tilespmem:s16+$0xFFFFFFE0];
	_ =	sdelay $0x4  }
0x563: {  	v1 =	vadd.f32 $9.999999770e-03, v1;
	_ =	sdelay $0x1  }
0x564: {  	vm0 =	vgt.f32 v1, $0.0e+00  }
0x565: {  	v1 =	vnsel vm0, $0x0, v0  }
0x566: {  	[tilespmem:s4+$0xFFFFFFE0] =	vst v1  }
0x567: {  	v1 =	vld [tilespmem:s16+$0xFFFFFFF0];
	_ =	sdelay $0x4  }
0x568: {  	v1 =	vadd.f32 $9.999999770e-03, v1;
	_ =	sdelay $0x1  }
0x569: {  	vm0 =	vgt.f32 v1, $0.0e+00  }
0x56a: {  	v1 =	vnsel vm0, $0x0, v0  }
0x56b: {  	[tilespmem:s4+$0xFFFFFFF0] =	vst v1  }
0x56c: {  	v1 =	vld [tilespmem:s16+$0x0];
	_ =	sdelay $0x4  }
0x56d: {  	v1 =	vadd.f32 $9.999999770e-03, v1;
	_ =	sdelay $0x1  }
0x56e: {  	vm0 =	vgt.f32 v1, $0.0e+00  }
0x56f: {  	v1 =	vnsel vm0, $0x0, v0  }
0x570: {  	[tilespmem:s4+$0x0] =	vst v1  }
0x571: {  	v1 =	vld [tilespmem:s16+$0x10];
	_ =	sdelay $0x4  }
0x572: {  	v1 =	vadd.f32 $9.999999770e-03, v1;
	_ =	sdelay $0x1  }
0x573: {  	vm0 =	vgt.f32 v1, $0.0e+00  }
0x574: {  	v1 =	vnsel vm0, $0x0, v0  }
0x575: {  	[tilespmem:s4+$0x10] =	vst v1  }
0x576: {  	v1 =	vld [tilespmem:s16+$0x20];
	_ =	sdelay $0x4  }
0x577: {  	v1 =	vadd.f32 $9.999999770e-03, v1;
	_ =	sdelay $0x1  }
0x578: {  	vm0 =	vgt.f32 v1, $0.0e+00  }
0x579: {  	v1 =	vnsel vm0, $0x0, v0  }
0x57a: {  	[tilespmem:s4+$0x20] =	vst v1  }
0x57b: {  	v1 =	vld [tilespmem:s16+$0x30];
	_ =	sdelay $0x4  }
.Ltmp6:
0x57c: {  	v1 =	vadd.f32 $9.999999770e-03, v1;
	(pc) =	sbr.rel @p0 .LBB2_14-.Ltmp6, $4  }
0x57d: {  	_ = 	snop  }
0x57e: {  	vm0 =	vgt.f32 v1, $0.0e+00  }
0x57f: {  	v1 =	vnsel vm0, $0x0, v0  }
0x580: {  	s16 =	sadd.s32 $0x80, s16;
	[tilespmem:s4+$0x30] =	vst v1  }
0x581: {  	s4 =	rddreg [dreg:$0xd];
	s5 =	simm.s32 $0x8000  }
0x582: {  	[hbm4b:s4+s6] =	stream.linear.scatter [tilespmem:s5], [sflag:$0x5], $0x1000, $0x38;
	[tilespmem:$0xA080] =	vst v63  }
0x583: {  	_ =	swait.ge [sflag:s3], $0x1000  }
0x584: {  	[sflag:s3] =	ssyncset.done $0x0  }
0x585: {  	[sflag:s3] =	ssyncadd.s32 $0xFFFFF000  }
0x586: {  	_ =	swait.ge [sflag:s7], $0x1000  }
0x587: {  	s30 =	rddreg [dreg:$0x17]  }
0x588: {  	s31 =	rddreg [dreg:$0xe];
	s5 =	sadd.s32 $0x1, s30  }
0x589: {  	p0 =	sne.s32 s5, s31  }
.Ltmp7:
0x58a: {  	_ = 	snop;
	(pc) =	sbr.rel @p0 .LBB2_1-.Ltmp7, $3  }
0x58b: {  	_ =	sdelay $0x1  }
0x58c: {  	[sflag:s7] =	ssyncset.done $0x0  }
0x58d: {  	[sflag:s7] =	ssyncadd.s32 $0xFFFFF000  }
0x58e: {  	_ =	sfence.sel $0x180000  }
0x58f: {  	[bflag:$0x0] =	sbarrier.arrive $0xFFFF  }
0x590: {  	_ =	strace $0x90000047  }
0x591: {  	s0 =	stileid.u32;
	[bflag:$0x2] =	sbarrier.arrive $0xFFFF  }
0x592: {  	p0 =	sne.s32 s0, $0x0;
	s0 =	rddreg [dreg:$0x4]  }
0x593: {  	s0 =	sadd.s32 @!p0 $0x100000, s0  }
0x594: {  	[sflag:s0] =	ssyncadd.tile.s32 @!p0 $0x1;
	_ =	shalt  }
.Lfunc_end2:
_tile_overlayer_lowered:
.L_overlay_start_2:
0x595: {  	(tag) =	ssettag $0x2  }
0x596: {  	s0 =	rddreg [dreg:$0x0];
	s2 =	stileid.u32  }
0x597: {  	s1 =	rddreg [dreg:$0x1];
	p0 =	sne.s32 s2, $0x0  }
0x598: {  	s3 =	rddreg [dreg:$0x2];
	[bflag:$0x3] =	sbarrier.arrive $0xFFFF;
	s2 =	simm.s32 @!p0 $0x1C07  }
0x599: {  	[timem:s3], [sflag:s2] =	dma.local @!p0 [hbm:s0], s1  }
0x59a: {  	s0 =	simm.s32 @!p0 $0x7  }
0x59b: {  	_ =	swait.ge @!p0 [sflag:s0], s1  }
0x59c: {  	s1 =	ssub.s32 @!p0 $0x0, s1;
	[sflag:s0] =	ssyncset.done @!p0 $0x0  }
0x59d: {  	[sflag:s0] =	ssyncadd.s32 @!p0 s1  }
0x59e: {  	[bflag:$0x3] =	sbarrier.arrive $0xFFFF  }
0x59f: {  	_ =	shalt  }

</sc_bundles>
